<compile_context>
chip_gen: v7x
topology: tpu7x:2x2x1
jax: 0.10.2.dev20260603
libtpu: 0.0.44.dev20260713+nightly
codegen_flags: <defaults>
</compile_context>

<pallas_src>
import jax
import jax.numpy as jnp
from jax import lax
from jax.experimental import pallas as pl
from jax.experimental.pallas import tpu as pltpu, tpu_sc as plsc

N = 128
B = 8192
K = 9
W = 5
C = W * W
L = 16
NC, NS = 2, 16
NW = NC * NS
QPW = B // NW
NG = QPW // L


def _nsqrt(z, iters):
    i = plsc.bitcast(z, jnp.int32)
    i = 0x5F3759DF - (i >> 1)
    y = plsc.bitcast(i, jnp.float32)
    z5 = 0.5 * z
    for _ in range(iters):
        y = y * (1.5 - z5 * y * y)
    return z * y


def _body(x0_hbm, x1_hbm, w_hbm, lin_hbm, out_hbm,
          x0_v, x1_v, w_v, lin_v, h0_v, h1_v, out_v, wsem):
    wid = lax.axis_index("s") * NC + lax.axis_index("c")
    base = wid * QPW
    wcopy = pltpu.async_copy(w_hbm, w_v, wsem)
    pltpu.sync_copy(x0_hbm.at[pl.ds(base, QPW)], x0_v)
    pltpu.sync_copy(x1_hbm.at[pl.ds(base, QPW)], x1_v)
    pltpu.sync_copy(lin_hbm, lin_v)
    pltpu.sync_copy(x0_hbm.at[pl.ds(0, L)], h0_v.at[pl.ds(0, L)])
    pltpu.sync_copy(x1_hbm.at[pl.ds(0, L)], h1_v.at[pl.ds(0, L)])

    lanes = lax.iota(jnp.int32, L)
    v0 = h0_v[pl.ds(0, L)]
    v1 = h1_v[pl.ds(0, L)]
    neg = jnp.float32(-3.4e38)
    p00 = jnp.max(jnp.where(lanes == 0, v0, neg), axis=0)
    p01 = jnp.max(jnp.where(lanes == 1, v0, neg), axis=0)
    p10 = jnp.max(jnp.where(lanes == 0, v1, neg), axis=0)
    p11 = jnp.max(jnp.where(lanes == 1, v1, neg), axis=0)
    d0 = p00 - p01
    d1 = p10 - p11
    h2 = d0 * d0 + d1 * d1
    invh2 = 1.0 / jnp.full((L,), h2, jnp.float32)
    fastp = h2 > jnp.float32(64.0 * (2.0 / 127.0) ** 2)
    wcopy.wait()

    def group_body(g):
        qs = pl.ds(g * L, L)
        qx0 = x0_v[qs]
        qx1 = x1_v[qs]
        t0 = (qx0 + 1.0) * ((N - 1) / 2.0)
        t1 = (qx1 + 1.0) * ((N - 1) / 2.0)
        si = jnp.clip((t0 + 0.5).astype(jnp.int32) - 2, 0, N - W)
        sj = jnp.clip((t1 + 0.5).astype(jnp.int32) - 2, 0, N - W)
        A = []
        Bc = []
        for d in range(W):
            rl = plsc.load_gather(lin_v, [si + d])
            cl = plsc.load_gather(lin_v, [sj + d])
            ar = qx0 - rl
            ac = qx1 - cl
            A.append(ar * ar)
            Bc.append(ac * ac)
        D = [A[di] + Bc[dj] for di in range(W) for dj in range(W)]
        rank = [jnp.full((L,), C - 1 - c, jnp.int32) for c in range(C)]
        for c in range(C):
            for cp in range(c + 1, C):
                le = (D[c] <= D[cp]).astype(jnp.int32)
                rank[cp] = rank[cp] + le
                rank[c] = rank[c] - le
        sibase = si * N
        wvs = [plsc.load_gather(w_v, [(sibase + di * N) + (sj + dj)])
               for di in range(W) for dj in range(W)]
        sels = [rank[c] < K for c in range(C)]

        def _accum(full):
            terms = []
            for c in range(C):
                z = D[c] * invh2
                a = _nsqrt(z, 2 if full else 1)
                f1 = (1.5 * a - 2.5) * z + 1.0
                if full:
                    f2 = (2.5 - 0.5 * a) * z + (2.0 - 4.0 * a)
                    conv = jnp.where(z < 1.0, f1,
                                     jnp.where((z > 1.0) & (z < 4.0), f2, 0.0))
                else:
                    conv = f1
                terms.append(jnp.where(sels[c], wvs[c] * conv, 0.0))
            while len(terms) > 1:
                terms = [terms[i] + terms[i + 1] if i + 1 < len(terms)
                         else terms[i] for i in range(0, len(terms), 2)]
            return terms[0]

        acc = lax.cond(fastp, lambda: _accum(False), lambda: _accum(True))
        out_v[qs] = acc

    plsc.parallel_loop(0, NG, 1)(group_body)
    pltpu.sync_copy(out_v, out_hbm.at[pl.ds(base, QPW)])


@jax.jit
def kernel(x, weights, control_points):
    x0 = x[:, 0]
    x1 = x[:, 1]
    wf = weights[:, 0]
    lin = control_points[:N, 1]
    mesh = plsc.VectorSubcoreMesh(core_axis_name="c", subcore_axis_name="s")
    fn = pl.kernel(
        _body,
        out_type=jax.ShapeDtypeStruct((B,), jnp.float32),
        mesh=mesh,
        compiler_params=pltpu.CompilerParams(needs_layout_passes=False),
        scratch_types=[
            pltpu.VMEM((QPW,), jnp.float32),
            pltpu.VMEM((QPW,), jnp.float32),
            pltpu.VMEM((N * N,), jnp.float32),
            pltpu.VMEM((N,), jnp.float32),
            pltpu.VMEM((N,), jnp.float32),
            pltpu.VMEM((N,), jnp.float32),
            pltpu.VMEM((QPW,), jnp.float32),
            pltpu.SemaphoreType.DMA,
        ],
    )
    out = fn(x0, x1, wf, lin)
    return (out[:, None], x)

# --- scband reference (transcript-rebuilt; emitter-appended) ---
"""Pipeline reference for scband-spline-network-35691178230289 (READ-ONLY COPY).

The authoritative reference and input builder live on the scoring server;
editing this copy changes nothing except your own understanding.
"""

import jax, jax.numpy as jnp
import numpy as np

N = 128
B = 8192
K = 9


def get_mgrid(sidelen):
    lin = jnp.linspace(-1.0, 1.0, sidelen)
    mgrid = jnp.stack(jnp.meshgrid(lin, lin, indexing='ij'), axis=-1)
    return mgrid.reshape(-1, 2)


def cubic_conv(s):
    a = jnp.abs(s)
    f1 = 1.5 * a ** 3 - 2.5 * a ** 2 + 1.0
    f2 = -0.5 * a ** 3 + 2.5 * a ** 2 - 4.0 * a + 2.0
    cond1 = a < 1.0
    cond2 = (a > 1.0) & (a < 2.0)
    return jnp.where(cond1, f1, jnp.where(cond2, f2, jnp.zeros_like(a)))


def setup_inputs(seed: int = 0) -> dict:
    key = jax.random.key(seed)
    k1, k2 = jax.random.split(key)
    x = jax.random.uniform(k1, (B, 2), dtype=jnp.float32, minval=-1.0, maxval=1.0)
    # learned parameter: weights [N*N, 1] (torch init is zeros; use small randn for a non-degenerate test)
    weights = jax.random.normal(k2, (N * N, 1), dtype=jnp.float32) * 0.02
    control_points = get_mgrid(N).astype(jnp.float32)
    return {"x": x, "weights": weights, "control_points": control_points}


def reference(x, weights, control_points):
    # brute-force KNN: D_ij = ||x_i - c_j||^2, argKmin over keys
    D = jnp.sum((x[:, None, :] - control_points[None, :, :]) ** 2, axis=-1)  # [B, N*N]
    _, idx = jax.lax.top_k(-D, K)  # [B, K]
    neighbors = control_points[idx]  # [B, K, 2]
    h = jnp.linalg.norm(x[0] - x[1])
    # pairwise_norm: ||x_i - neighbor_{i,k}|| over coordinate dim
    diff = x[:, :, None] - jnp.transpose(neighbors, (0, 2, 1))  # [B, 2, K]
    pairwise_norm = jnp.linalg.norm(diff, axis=1)  # [B, K]
    conv_out = cubic_conv(pairwise_norm / h)  # [B, K]
    output = jnp.sum(weights[idx] * conv_out[..., None], axis=1)  # [B, 1]
    return (output, x)

if __name__ == "__main__":
    import jax
    _d = setup_inputs()
    print(jax.jit(kernel)(*tuple(_d.values())))

</pallas_src>

<mosaic_0001>
#map = affine_map<(d0, d1) -> (0)>
module attributes {stable_mosaic.version = 14 : i64} {
  func.func @_body(%arg0: i32, %arg1: i32, %arg2: memref<8192xf32, #tpu.memory_space<hbm>>, %arg3: memref<8192xf32, #tpu.memory_space<hbm>>, %arg4: memref<16384xf32, #tpu.memory_space<hbm>>, %arg5: memref<128xf32, #tpu.memory_space<hbm>>, %arg6: memref<8192xf32, #tpu.memory_space<hbm>>, %arg7: memref<256xf32, #tpu.memory_space<vmem>>, %arg8: memref<256xf32, #tpu.memory_space<vmem>>, %arg9: memref<16384xf32, #tpu.memory_space<vmem>>, %arg10: memref<128xf32, #tpu.memory_space<vmem>>, %arg11: memref<128xf32, #tpu.memory_space<vmem>>, %arg12: memref<128xf32, #tpu.memory_space<vmem>>, %arg13: memref<256xf32, #tpu.memory_space<vmem>>, %arg14: memref<!tpu.dma_semaphore, #tpu.memory_space<semaphore_mem>>) attributes {dimension_semantics = [#tpu.dimension_semantics<core_parallel>, #tpu.dimension_semantics<subcore_parallel>], iteration_bounds = array<i64: 2, 16>, scalar_prefetch = 0 : i64, scratch_operands = 8 : i64, tpu.core_type = #tpu.core_type<sc_vector_subcore>, window_params = [{transform_indices = #map}, {transform_indices = #map}, {transform_indices = #map}, {transform_indices = #map}, {transform_indices = #map}]} {
    %mul3A = arith.constant 2 : i32
    %mul3A_0 = arith.muli %arg1, %mul3A : i32
    %add3A = arith.addi %mul3A_0, %arg0 : i32
    %mul3A_1 = arith.constant 256 : i32
    %mul3A_2 = arith.muli %add3A, %mul3A_1 : i32
    tpu.enqueue_dma source(%arg4 : memref<16384xf32, #tpu.memory_space<hbm>>) target(%arg9 : memref<16384xf32, #tpu.memory_space<vmem>>) target_semaphore(%arg14 : memref<!tpu.dma_semaphore, #tpu.memory_space<semaphore_mem>>)
    "tpu.region"() ({
      %run_scoped3A = tpu.sem_alloc : memref<!tpu.dma_semaphore, #tpu.memory_space<semaphore_mem>>
      %dma_start3A = tpu.memref_slice %arg2[%mul3A_2] : memref<8192xf32, #tpu.memory_space<hbm>> -> memref<256xf32, #tpu.memory_space<hbm>>
      %dma_start3A_51 = tpu.memref_slice %arg2[%mul3A_2] : memref<8192xf32, #tpu.memory_space<hbm>> -> memref<256xf32, #tpu.memory_space<hbm>>
      tpu.enqueue_dma source(%dma_start3A_51 : memref<256xf32, #tpu.memory_space<hbm>>) target(%arg7 : memref<256xf32, #tpu.memory_space<vmem>>) target_semaphore(%run_scoped3A : memref<!tpu.dma_semaphore, #tpu.memory_space<semaphore_mem>>)
      %dma_wait3A = tpu.memref_slice %arg2[%mul3A_2] : memref<8192xf32, #tpu.memory_space<hbm>> -> memref<256xf32, #tpu.memory_space<hbm>>
      %dma_wait3A_52 = tpu.memref_slice %arg2[%mul3A_2] : memref<8192xf32, #tpu.memory_space<hbm>> -> memref<256xf32, #tpu.memory_space<hbm>>
      tpu.wait_dma2 semaphore(%run_scoped3A : memref<!tpu.dma_semaphore, #tpu.memory_space<semaphore_mem>>) src(%dma_wait3A_52 : memref<256xf32, #tpu.memory_space<hbm>>) dst(%arg7 : memref<256xf32, #tpu.memory_space<vmem>>)
      tpu.yield
    }) : () -> ()
    "tpu.region"() ({
      %run_scoped3A = tpu.sem_alloc : memref<!tpu.dma_semaphore, #tpu.memory_space<semaphore_mem>>
      %dma_start3A = tpu.memref_slice %arg3[%mul3A_2] : memref<8192xf32, #tpu.memory_space<hbm>> -> memref<256xf32, #tpu.memory_space<hbm>>
      %dma_start3A_51 = tpu.memref_slice %arg3[%mul3A_2] : memref<8192xf32, #tpu.memory_space<hbm>> -> memref<256xf32, #tpu.memory_space<hbm>>
      tpu.enqueue_dma source(%dma_start3A_51 : memref<256xf32, #tpu.memory_space<hbm>>) target(%arg8 : memref<256xf32, #tpu.memory_space<vmem>>) target_semaphore(%run_scoped3A : memref<!tpu.dma_semaphore, #tpu.memory_space<semaphore_mem>>)
      %dma_wait3A = tpu.memref_slice %arg3[%mul3A_2] : memref<8192xf32, #tpu.memory_space<hbm>> -> memref<256xf32, #tpu.memory_space<hbm>>
      %dma_wait3A_52 = tpu.memref_slice %arg3[%mul3A_2] : memref<8192xf32, #tpu.memory_space<hbm>> -> memref<256xf32, #tpu.memory_space<hbm>>
      tpu.wait_dma2 semaphore(%run_scoped3A : memref<!tpu.dma_semaphore, #tpu.memory_space<semaphore_mem>>) src(%dma_wait3A_52 : memref<256xf32, #tpu.memory_space<hbm>>) dst(%arg8 : memref<256xf32, #tpu.memory_space<vmem>>)
      tpu.yield
    }) : () -> ()
    "tpu.region"() ({
      %run_scoped3A = tpu.sem_alloc : memref<!tpu.dma_semaphore, #tpu.memory_space<semaphore_mem>>
      tpu.enqueue_dma source(%arg5 : memref<128xf32, #tpu.memory_space<hbm>>) target(%arg10 : memref<128xf32, #tpu.memory_space<vmem>>) target_semaphore(%run_scoped3A : memref<!tpu.dma_semaphore, #tpu.memory_space<semaphore_mem>>)
      tpu.wait_dma2 semaphore(%run_scoped3A : memref<!tpu.dma_semaphore, #tpu.memory_space<semaphore_mem>>) src(%arg5 : memref<128xf32, #tpu.memory_space<hbm>>) dst(%arg10 : memref<128xf32, #tpu.memory_space<vmem>>)
      tpu.yield
    }) : () -> ()
    "tpu.region"() ({
      %run_scoped3A = tpu.sem_alloc : memref<!tpu.dma_semaphore, #tpu.memory_space<semaphore_mem>>
      %dma_start3A = arith.constant 0 : i32
      %dma_start3A_51 = tpu.memref_slice %arg11[%dma_start3A] : memref<128xf32, #tpu.memory_space<vmem>> -> memref<16xf32, #tpu.memory_space<vmem>>
      %dma_start3A_52 = arith.constant 0 : i32
      %dma_start3A_53 = tpu.memref_slice %arg2[%dma_start3A_52] : memref<8192xf32, #tpu.memory_space<hbm>> -> memref<16xf32, #tpu.memory_space<hbm>>
      %dma_start3A_54 = arith.constant 0 : i32
      %dma_start3A_55 = tpu.memref_slice %arg11[%dma_start3A_54] : memref<128xf32, #tpu.memory_space<vmem>> -> memref<16xf32, #tpu.memory_space<vmem>>
      %dma_start3A_56 = arith.constant 0 : i32
      %dma_start3A_57 = tpu.memref_slice %arg2[%dma_start3A_56] : memref<8192xf32, #tpu.memory_space<hbm>> -> memref<16xf32, #tpu.memory_space<hbm>>
      tpu.enqueue_dma source(%dma_start3A_57 : memref<16xf32, #tpu.memory_space<hbm>>) target(%dma_start3A_55 : memref<16xf32, #tpu.memory_space<vmem>>) target_semaphore(%run_scoped3A : memref<!tpu.dma_semaphore, #tpu.memory_space<semaphore_mem>>)
      %dma_wait3A = arith.constant 0 : i32
      %dma_wait3A_58 = tpu.memref_slice %arg11[%dma_wait3A] : memref<128xf32, #tpu.memory_space<vmem>> -> memref<16xf32, #tpu.memory_space<vmem>>
      %dma_wait3A_59 = arith.constant 0 : i32
      %dma_wait3A_60 = tpu.memref_slice %arg2[%dma_wait3A_59] : memref<8192xf32, #tpu.memory_space<hbm>> -> memref<16xf32, #tpu.memory_space<hbm>>
      %dma_wait3A_61 = arith.constant 0 : i32
      %dma_wait3A_62 = tpu.memref_slice %arg11[%dma_wait3A_61] : memref<128xf32, #tpu.memory_space<vmem>> -> memref<16xf32, #tpu.memory_space<vmem>>
      %dma_wait3A_63 = arith.constant 0 : i32
      %dma_wait3A_64 = tpu.memref_slice %arg2[%dma_wait3A_63] : memref<8192xf32, #tpu.memory_space<hbm>> -> memref<16xf32, #tpu.memory_space<hbm>>
      tpu.wait_dma2 semaphore(%run_scoped3A : memref<!tpu.dma_semaphore, #tpu.memory_space<semaphore_mem>>) src(%dma_wait3A_64 : memref<16xf32, #tpu.memory_space<hbm>>) dst(%dma_wait3A_62 : memref<16xf32, #tpu.memory_space<vmem>>)
      tpu.yield
    }) : () -> ()
    "tpu.region"() ({
      %run_scoped3A = tpu.sem_alloc : memref<!tpu.dma_semaphore, #tpu.memory_space<semaphore_mem>>
      %dma_start3A = arith.constant 0 : i32
      %dma_start3A_51 = tpu.memref_slice %arg12[%dma_start3A] : memref<128xf32, #tpu.memory_space<vmem>> -> memref<16xf32, #tpu.memory_space<vmem>>
      %dma_start3A_52 = arith.constant 0 : i32
      %dma_start3A_53 = tpu.memref_slice %arg3[%dma_start3A_52] : memref<8192xf32, #tpu.memory_space<hbm>> -> memref<16xf32, #tpu.memory_space<hbm>>
      %dma_start3A_54 = arith.constant 0 : i32
      %dma_start3A_55 = tpu.memref_slice %arg12[%dma_start3A_54] : memref<128xf32, #tpu.memory_space<vmem>> -> memref<16xf32, #tpu.memory_space<vmem>>
      %dma_start3A_56 = arith.constant 0 : i32
      %dma_start3A_57 = tpu.memref_slice %arg3[%dma_start3A_56] : memref<8192xf32, #tpu.memory_space<hbm>> -> memref<16xf32, #tpu.memory_space<hbm>>
      tpu.enqueue_dma source(%dma_start3A_57 : memref<16xf32, #tpu.memory_space<hbm>>) target(%dma_start3A_55 : memref<16xf32, #tpu.memory_space<vmem>>) target_semaphore(%run_scoped3A : memref<!tpu.dma_semaphore, #tpu.memory_space<semaphore_mem>>)
      %dma_wait3A = arith.constant 0 : i32
      %dma_wait3A_58 = tpu.memref_slice %arg12[%dma_wait3A] : memref<128xf32, #tpu.memory_space<vmem>> -> memref<16xf32, #tpu.memory_space<vmem>>
      %dma_wait3A_59 = arith.constant 0 : i32
      %dma_wait3A_60 = tpu.memref_slice %arg3[%dma_wait3A_59] : memref<8192xf32, #tpu.memory_space<hbm>> -> memref<16xf32, #tpu.memory_space<hbm>>
      %dma_wait3A_61 = arith.constant 0 : i32
      %dma_wait3A_62 = tpu.memref_slice %arg12[%dma_wait3A_61] : memref<128xf32, #tpu.memory_space<vmem>> -> memref<16xf32, #tpu.memory_space<vmem>>
      %dma_wait3A_63 = arith.constant 0 : i32
      %dma_wait3A_64 = tpu.memref_slice %arg3[%dma_wait3A_63] : memref<8192xf32, #tpu.memory_space<hbm>> -> memref<16xf32, #tpu.memory_space<hbm>>
      tpu.wait_dma2 semaphore(%run_scoped3A : memref<!tpu.dma_semaphore, #tpu.memory_space<semaphore_mem>>) src(%dma_wait3A_64 : memref<16xf32, #tpu.memory_space<hbm>>) dst(%dma_wait3A_62 : memref<16xf32, #tpu.memory_space<vmem>>)
      tpu.yield
    }) : () -> ()
    %iota3A = tpu.iota {dimensions = array<i32: 0>} : vector<16xi32>
    %get3A = arith.constant 0 : index
    %get3A_3 = tpu.vector_load %arg11[%get3A] {strides = array<i32>} : memref<128xf32, #tpu.memory_space<vmem>>, vector<16xf32>,
    %get3A_4 = arith.constant 0 : index
    %get3A_5 = tpu.vector_load %arg12[%get3A_4] {strides = array<i32>} : memref<128xf32, #tpu.memory_space<vmem>>, vector<16xf32>,
    %eq3A = arith.constant 0 : i32
    %eq3A_6 = vector.broadcast %eq3A : i32 to vector<16xi32>
    %eq3A_7 = arith.cmpi eq, %iota3A, %eq3A_6 : vector<16xi32>
    %jit3A = arith.constant -3.400000e+38 : f32
    %broadcast_in_dim3A = vector.broadcast %jit3A : f32 to vector<16xf32>
    %select_n3A = arith.select %eq3A_7, %get3A_3, %broadcast_in_dim3A : vector<16xi1>, vector<16xf32>
    %reduce_max3A = arith.constant true
    %reduce_max3A_8 = vector.broadcast %reduce_max3A : i1 to vector<16xi1>
    %reduce_max3A_9 = tpu.scan <max>, %select_n3A masked %reduce_max3A_8 : vector<16xf32>, vector<16xi1> -> vector<16xf32>
    %reduce_max3A_10 = vector.extract %reduce_max3A_9[15] : f32 from vector<16xf32>
    %eq3A_11 = arith.constant 1 : i32
    %eq3A_12 = vector.broadcast %eq3A_11 : i32 to vector<16xi32>
    %eq3A_13 = arith.cmpi eq, %iota3A, %eq3A_12 : vector<16xi32>
    %jit3A_14 = arith.constant -3.400000e+38 : f32
    %broadcast_in_dim3A_15 = vector.broadcast %jit3A_14 : f32 to vector<16xf32>
    %select_n3A_16 = arith.select %eq3A_13, %get3A_3, %broadcast_in_dim3A_15 : vector<16xi1>, vector<16xf32>
    %reduce_max3A_17 = arith.constant true
    %reduce_max3A_18 = vector.broadcast %reduce_max3A_17 : i1 to vector<16xi1>
    %reduce_max3A_19 = tpu.scan <max>, %select_n3A_16 masked %reduce_max3A_18 : vector<16xf32>, vector<16xi1> -> vector<16xf32>
    %reduce_max3A_20 = vector.extract %reduce_max3A_19[15] : f32 from vector<16xf32>
    %eq3A_21 = arith.constant 0 : i32
    %eq3A_22 = vector.broadcast %eq3A_21 : i32 to vector<16xi32>
    %eq3A_23 = arith.cmpi eq, %iota3A, %eq3A_22 : vector<16xi32>
    %jit3A_24 = arith.constant -3.400000e+38 : f32
    %broadcast_in_dim3A_25 = vector.broadcast %jit3A_24 : f32 to vector<16xf32>
    %select_n3A_26 = arith.select %eq3A_23, %get3A_5, %broadcast_in_dim3A_25 : vector<16xi1>, vector<16xf32>
    %reduce_max3A_27 = arith.constant true
    %reduce_max3A_28 = vector.broadcast %reduce_max3A_27 : i1 to vector<16xi1>
    %reduce_max3A_29 = tpu.scan <max>, %select_n3A_26 masked %reduce_max3A_28 : vector<16xf32>, vector<16xi1> -> vector<16xf32>
    %reduce_max3A_30 = vector.extract %reduce_max3A_29[15] : f32 from vector<16xf32>
    %eq3A_31 = arith.constant 1 : i32
    %eq3A_32 = vector.broadcast %eq3A_31 : i32 to vector<16xi32>
    %eq3A_33 = arith.cmpi eq, %iota3A, %eq3A_32 : vector<16xi32>
    %jit3A_34 = arith.constant -3.400000e+38 : f32
    %broadcast_in_dim3A_35 = vector.broadcast %jit3A_34 : f32 to vector<16xf32>
    %select_n3A_36 = arith.select %eq3A_33, %get3A_5, %broadcast_in_dim3A_35 : vector<16xi1>, vector<16xf32>
    %reduce_max3A_37 = arith.constant true
    %reduce_max3A_38 = vector.broadcast %reduce_max3A_37 : i1 to vector<16xi1>
    %reduce_max3A_39 = tpu.scan <max>, %select_n3A_36 masked %reduce_max3A_38 : vector<16xf32>, vector<16xi1> -> vector<16xf32>
    %reduce_max3A_40 = vector.extract %reduce_max3A_39[15] : f32 from vector<16xf32>
    %sub3A = arith.subf %reduce_max3A_10, %reduce_max3A_20 : f32
    %sub3A_41 = arith.subf %reduce_max3A_30, %reduce_max3A_40 : f32
    %mul3A_42 = arith.mulf %sub3A, %sub3A : f32
    %mul3A_43 = arith.mulf %sub3A_41, %sub3A_41 : f32
    %add3A_44 = arith.addf %mul3A_42, %mul3A_43 : f32
    %broadcast_in_dim3A_45 = vector.broadcast %add3A_44 : f32 to vector<16xf32>
    %div3A = arith.constant 1.000000e+00 : f32
    %div3A_46 = vector.broadcast %div3A : f32 to vector<16xf32>
    %div3A_47 = arith.divf %div3A_46, %broadcast_in_dim3A_45 : vector<16xf32>
    %gt3A = arith.constant 0.0158720315 : f32
    %gt3A_48 = arith.cmpf ogt, %add3A_44, %gt3A : f32
    tpu.wait_dma2 semaphore(%arg14 : memref<!tpu.dma_semaphore, #tpu.memory_space<semaphore_mem>>) src(%arg4 : memref<16384xf32, #tpu.memory_space<hbm>>) dst(%arg9 : memref<16384xf32, #tpu.memory_space<vmem>>)
    %parallel_loop3A = arith.constant 0 : i32
    %parallel_loop3A_49 = arith.constant 16 : i32
    %parallel_loop3A_50 = arith.constant 1 : i32
    scf.for %parallel_loop3A_51 = %parallel_loop3A to %parallel_loop3A_49 step %parallel_loop3A_50  : i32 {
      %parallel_loop3A_52 = arith.constant 16 : i32
      %parallel_loop3A_53 = arith.muli %parallel_loop3A_51, %parallel_loop3A_52 : i32
      %parallel_loop3A_54 = arith.index_cast %parallel_loop3A_53 : i32 to index
      %parallel_loop3A_55 = tpu.vector_load %arg7[%parallel_loop3A_54] {strides = array<i32>} : memref<256xf32, #tpu.memory_space<vmem>>, vector<16xf32>,
      %parallel_loop3A_56 = arith.index_cast %parallel_loop3A_53 : i32 to index
      %parallel_loop3A_57 = tpu.vector_load %arg8[%parallel_loop3A_56] {strides = array<i32>} : memref<256xf32, #tpu.memory_space<vmem>>, vector<16xf32>,
      %parallel_loop3A_58 = arith.constant 1.000000e+00 : f32
      %parallel_loop3A_59 = vector.broadcast %parallel_loop3A_58 : f32 to vector<16xf32>
      %parallel_loop3A_60 = arith.addf %parallel_loop3A_55, %parallel_loop3A_59 : vector<16xf32>
      %parallel_loop3A_61 = arith.constant 6.350000e+01 : f32
      %parallel_loop3A_62 = vector.broadcast %parallel_loop3A_61 : f32 to vector<16xf32>
      %parallel_loop3A_63 = arith.mulf %parallel_loop3A_60, %parallel_loop3A_62 : vector<16xf32>
      %parallel_loop3A_64 = arith.constant 1.000000e+00 : f32
      %parallel_loop3A_65 = vector.broadcast %parallel_loop3A_64 : f32 to vector<16xf32>
      %parallel_loop3A_66 = arith.addf %parallel_loop3A_57, %parallel_loop3A_65 : vector<16xf32>
      %parallel_loop3A_67 = arith.constant 6.350000e+01 : f32
      %parallel_loop3A_68 = vector.broadcast %parallel_loop3A_67 : f32 to vector<16xf32>
      %parallel_loop3A_69 = arith.mulf %parallel_loop3A_66, %parallel_loop3A_68 : vector<16xf32>
      %parallel_loop3A_70 = arith.constant 5.000000e-01 : f32
      %parallel_loop3A_71 = vector.broadcast %parallel_loop3A_70 : f32 to vector<16xf32>
      %parallel_loop3A_72 = arith.addf %parallel_loop3A_63, %parallel_loop3A_71 : vector<16xf32>
      %parallel_loop3A_73 = arith.fptosi %parallel_loop3A_72 : vector<16xf32> to vector<16xi32>
      %parallel_loop3A_74 = arith.constant 2 : i32
      %parallel_loop3A_75 = vector.broadcast %parallel_loop3A_74 : i32 to vector<16xi32>
      %parallel_loop3A_76 = arith.subi %parallel_loop3A_73, %parallel_loop3A_75 : vector<16xi32>
      %parallel_loop3A_77 = arith.constant 0 : i32
      %parallel_loop3A_78 = arith.constant 123 : i32
      %parallel_loop3A_79 = vector.broadcast %parallel_loop3A_77 : i32 to vector<16xi32>
      %parallel_loop3A_80 = arith.maxsi %parallel_loop3A_79, %parallel_loop3A_76 : vector<16xi32>
      %parallel_loop3A_81 = vector.broadcast %parallel_loop3A_78 : i32 to vector<16xi32>
      %parallel_loop3A_82 = arith.minsi %parallel_loop3A_81, %parallel_loop3A_80 : vector<16xi32>
      %parallel_loop3A_83 = arith.constant 5.000000e-01 : f32
      %parallel_loop3A_84 = vector.broadcast %parallel_loop3A_83 : f32 to vector<16xf32>
      %parallel_loop3A_85 = arith.addf %parallel_loop3A_69, %parallel_loop3A_84 : vector<16xf32>
      %parallel_loop3A_86 = arith.fptosi %parallel_loop3A_85 : vector<16xf32> to vector<16xi32>
      %parallel_loop3A_87 = arith.constant 2 : i32
      %parallel_loop3A_88 = vector.broadcast %parallel_loop3A_87 : i32 to vector<16xi32>
      %parallel_loop3A_89 = arith.subi %parallel_loop3A_86, %parallel_loop3A_88 : vector<16xi32>
      %parallel_loop3A_90 = arith.constant 0 : i32
      %parallel_loop3A_91 = arith.constant 123 : i32
      %parallel_loop3A_92 = vector.broadcast %parallel_loop3A_90 : i32 to vector<16xi32>
      %parallel_loop3A_93 = arith.maxsi %parallel_loop3A_92, %parallel_loop3A_89 : vector<16xi32>
      %parallel_loop3A_94 = vector.broadcast %parallel_loop3A_91 : i32 to vector<16xi32>
      %parallel_loop3A_95 = arith.minsi %parallel_loop3A_94, %parallel_loop3A_93 : vector<16xi32>
      %parallel_loop3A_96 = arith.constant 0 : i32
      %parallel_loop3A_97 = vector.broadcast %parallel_loop3A_96 : i32 to vector<16xi32>
      %parallel_loop3A_98 = arith.addi %parallel_loop3A_82, %parallel_loop3A_97 : vector<16xi32>
      %parallel_loop3A_99 = tpu.vector_load_idx %arg10[%parallel_loop3A_98] : memref<128xf32, #tpu.memory_space<vmem>>[vector<16xi32>], vector<16xf32>,
      %parallel_loop3A_100 = arith.constant 0 : i32
      %parallel_loop3A_101 = vector.broadcast %parallel_loop3A_100 : i32 to vector<16xi32>
      %parallel_loop3A_102 = arith.addi %parallel_loop3A_95, %parallel_loop3A_101 : vector<16xi32>
      %parallel_loop3A_103 = tpu.vector_load_idx %arg10[%parallel_loop3A_102] : memref<128xf32, #tpu.memory_space<vmem>>[vector<16xi32>], vector<16xf32>,
      %parallel_loop3A_104 = arith.subf %parallel_loop3A_55, %parallel_loop3A_99 : vector<16xf32>
      %parallel_loop3A_105 = arith.subf %parallel_loop3A_57, %parallel_loop3A_103 : vector<16xf32>
      %parallel_loop3A_106 = arith.mulf %parallel_loop3A_104, %parallel_loop3A_104 : vector<16xf32>
      %parallel_loop3A_107 = arith.mulf %parallel_loop3A_105, %parallel_loop3A_105 : vector<16xf32>
      %parallel_loop3A_108 = arith.constant 1 : i32
      %parallel_loop3A_109 = vector.broadcast %parallel_loop3A_108 : i32 to vector<16xi32>
      %parallel_loop3A_110 = arith.addi %parallel_loop3A_82, %parallel_loop3A_109 : vector<16xi32>
      %parallel_loop3A_111 = tpu.vector_load_idx %arg10[%parallel_loop3A_110] : memref<128xf32, #tpu.memory_space<vmem>>[vector<16xi32>], vector<16xf32>,
      %parallel_loop3A_112 = arith.constant 1 : i32
      %parallel_loop3A_113 = vector.broadcast %parallel_loop3A_112 : i32 to vector<16xi32>
      %parallel_loop3A_114 = arith.addi %parallel_loop3A_95, %parallel_loop3A_113 : vector<16xi32>
      %parallel_loop3A_115 = tpu.vector_load_idx %arg10[%parallel_loop3A_114] : memref<128xf32, #tpu.memory_space<vmem>>[vector<16xi32>], vector<16xf32>,
      %parallel_loop3A_116 = arith.subf %parallel_loop3A_55, %parallel_loop3A_111 : vector<16xf32>
      %parallel_loop3A_117 = arith.subf %parallel_loop3A_57, %parallel_loop3A_115 : vector<16xf32>
      %parallel_loop3A_118 = arith.mulf %parallel_loop3A_116, %parallel_loop3A_116 : vector<16xf32>
      %parallel_loop3A_119 = arith.mulf %parallel_loop3A_117, %parallel_loop3A_117 : vector<16xf32>
      %parallel_loop3A_120 = arith.constant 2 : i32
      %parallel_loop3A_121 = vector.broadcast %parallel_loop3A_120 : i32 to vector<16xi32>
      %parallel_loop3A_122 = arith.addi %parallel_loop3A_82, %parallel_loop3A_121 : vector<16xi32>
      %parallel_loop3A_123 = tpu.vector_load_idx %arg10[%parallel_loop3A_122] : memref<128xf32, #tpu.memory_space<vmem>>[vector<16xi32>], vector<16xf32>,
      %parallel_loop3A_124 = arith.constant 2 : i32
      %parallel_loop3A_125 = vector.broadcast %parallel_loop3A_124 : i32 to vector<16xi32>
      %parallel_loop3A_126 = arith.addi %parallel_loop3A_95, %parallel_loop3A_125 : vector<16xi32>
      %parallel_loop3A_127 = tpu.vector_load_idx %arg10[%parallel_loop3A_126] : memref<128xf32, #tpu.memory_space<vmem>>[vector<16xi32>], vector<16xf32>,
      %parallel_loop3A_128 = arith.subf %parallel_loop3A_55, %parallel_loop3A_123 : vector<16xf32>
      %parallel_loop3A_129 = arith.subf %parallel_loop3A_57, %parallel_loop3A_127 : vector<16xf32>
      %parallel_loop3A_130 = arith.mulf %parallel_loop3A_128, %parallel_loop3A_128 : vector<16xf32>
      %parallel_loop3A_131 = arith.mulf %parallel_loop3A_129, %parallel_loop3A_129 : vector<16xf32>
      %parallel_loop3A_132 = arith.constant 3 : i32
      %parallel_loop3A_133 = vector.broadcast %parallel_loop3A_132 : i32 to vector<16xi32>
      %parallel_loop3A_134 = arith.addi %parallel_loop3A_82, %parallel_loop3A_133 : vector<16xi32>
      %parallel_loop3A_135 = tpu.vector_load_idx %arg10[%parallel_loop3A_134] : memref<128xf32, #tpu.memory_space<vmem>>[vector<16xi32>], vector<16xf32>,
      %parallel_loop3A_136 = arith.constant 3 : i32
      %parallel_loop3A_137 = vector.broadcast %parallel_loop3A_136 : i32 to vector<16xi32>
      %parallel_loop3A_138 = arith.addi %parallel_loop3A_95, %parallel_loop3A_137 : vector<16xi32>
      %parallel_loop3A_139 = tpu.vector_load_idx %arg10[%parallel_loop3A_138] : memref<128xf32, #tpu.memory_space<vmem>>[vector<16xi32>], vector<16xf32>,
      %parallel_loop3A_140 = arith.subf %parallel_loop3A_55, %parallel_loop3A_135 : vector<16xf32>
      %parallel_loop3A_141 = arith.subf %parallel_loop3A_57, %parallel_loop3A_139 : vector<16xf32>
      %parallel_loop3A_142 = arith.mulf %parallel_loop3A_140, %parallel_loop3A_140 : vector<16xf32>
      %parallel_loop3A_143 = arith.mulf %parallel_loop3A_141, %parallel_loop3A_141 : vector<16xf32>
      %parallel_loop3A_144 = arith.constant 4 : i32
      %parallel_loop3A_145 = vector.broadcast %parallel_loop3A_144 : i32 to vector<16xi32>
      %parallel_loop3A_146 = arith.addi %parallel_loop3A_82, %parallel_loop3A_145 : vector<16xi32>
      %parallel_loop3A_147 = tpu.vector_load_idx %arg10[%parallel_loop3A_146] : memref<128xf32, #tpu.memory_space<vmem>>[vector<16xi32>], vector<16xf32>,
      %parallel_loop3A_148 = arith.constant 4 : i32
      %parallel_loop3A_149 = vector.broadcast %parallel_loop3A_148 : i32 to vector<16xi32>
      %parallel_loop3A_150 = arith.addi %parallel_loop3A_95, %parallel_loop3A_149 : vector<16xi32>
      %parallel_loop3A_151 = tpu.vector_load_idx %arg10[%parallel_loop3A_150] : memref<128xf32, #tpu.memory_space<vmem>>[vector<16xi32>], vector<16xf32>,
      %parallel_loop3A_152 = arith.subf %parallel_loop3A_55, %parallel_loop3A_147 : vector<16xf32>
      %parallel_loop3A_153 = arith.subf %parallel_loop3A_57, %parallel_loop3A_151 : vector<16xf32>
      %parallel_loop3A_154 = arith.mulf %parallel_loop3A_152, %parallel_loop3A_152 : vector<16xf32>
      %parallel_loop3A_155 = arith.mulf %parallel_loop3A_153, %parallel_loop3A_153 : vector<16xf32>
      %parallel_loop3A_156 = arith.addf %parallel_loop3A_106, %parallel_loop3A_107 : vector<16xf32>
      %parallel_loop3A_157 = arith.addf %parallel_loop3A_106, %parallel_loop3A_119 : vector<16xf32>
      %parallel_loop3A_158 = arith.addf %parallel_loop3A_106, %parallel_loop3A_131 : vector<16xf32>
      %parallel_loop3A_159 = arith.addf %parallel_loop3A_106, %parallel_loop3A_143 : vector<16xf32>
      %parallel_loop3A_160 = arith.addf %parallel_loop3A_106, %parallel_loop3A_155 : vector<16xf32>
      %parallel_loop3A_161 = arith.addf %parallel_loop3A_118, %parallel_loop3A_107 : vector<16xf32>
      %parallel_loop3A_162 = arith.addf %parallel_loop3A_118, %parallel_loop3A_119 : vector<16xf32>
      %parallel_loop3A_163 = arith.addf %parallel_loop3A_118, %parallel_loop3A_131 : vector<16xf32>
      %parallel_loop3A_164 = arith.addf %parallel_loop3A_118, %parallel_loop3A_143 : vector<16xf32>
      %parallel_loop3A_165 = arith.addf %parallel_loop3A_118, %parallel_loop3A_155 : vector<16xf32>
      %parallel_loop3A_166 = arith.addf %parallel_loop3A_130, %parallel_loop3A_107 : vector<16xf32>
      %parallel_loop3A_167 = arith.addf %parallel_loop3A_130, %parallel_loop3A_119 : vector<16xf32>
      %parallel_loop3A_168 = arith.addf %parallel_loop3A_130, %parallel_loop3A_131 : vector<16xf32>
      %parallel_loop3A_169 = arith.addf %parallel_loop3A_130, %parallel_loop3A_143 : vector<16xf32>
      %parallel_loop3A_170 = arith.addf %parallel_loop3A_130, %parallel_loop3A_155 : vector<16xf32>
      %parallel_loop3A_171 = arith.addf %parallel_loop3A_142, %parallel_loop3A_107 : vector<16xf32>
      %parallel_loop3A_172 = arith.addf %parallel_loop3A_142, %parallel_loop3A_119 : vector<16xf32>
      %parallel_loop3A_173 = arith.addf %parallel_loop3A_142, %parallel_loop3A_131 : vector<16xf32>
      %parallel_loop3A_174 = arith.addf %parallel_loop3A_142, %parallel_loop3A_143 : vector<16xf32>
      %parallel_loop3A_175 = arith.addf %parallel_loop3A_142, %parallel_loop3A_155 : vector<16xf32>
      %parallel_loop3A_176 = arith.addf %parallel_loop3A_154, %parallel_loop3A_107 : vector<16xf32>
      %parallel_loop3A_177 = arith.addf %parallel_loop3A_154, %parallel_loop3A_119 : vector<16xf32>
      %parallel_loop3A_178 = arith.addf %parallel_loop3A_154, %parallel_loop3A_131 : vector<16xf32>
      %parallel_loop3A_179 = arith.addf %parallel_loop3A_154, %parallel_loop3A_143 : vector<16xf32>
      %parallel_loop3A_180 = arith.addf %parallel_loop3A_154, %parallel_loop3A_155 : vector<16xf32>
      %parallel_loop3A_181 = arith.constant 24 : i32
      %parallel_loop3A_182 = vector.broadcast %parallel_loop3A_181 : i32 to vector<16xi32>
      %parallel_loop3A_183 = arith.constant 23 : i32
      %parallel_loop3A_184 = vector.broadcast %parallel_loop3A_183 : i32 to vector<16xi32>
      %parallel_loop3A_185 = arith.constant 22 : i32
      %parallel_loop3A_186 = vector.broadcast %parallel_loop3A_185 : i32 to vector<16xi32>
      %parallel_loop3A_187 = arith.constant 21 : i32
      %parallel_loop3A_188 = vector.broadcast %parallel_loop3A_187 : i32 to vector<16xi32>
      %parallel_loop3A_189 = arith.constant 20 : i32
      %parallel_loop3A_190 = vector.broadcast %parallel_loop3A_189 : i32 to vector<16xi32>
      %parallel_loop3A_191 = arith.constant 19 : i32
      %parallel_loop3A_192 = vector.broadcast %parallel_loop3A_191 : i32 to vector<16xi32>
      %parallel_loop3A_193 = arith.constant 18 : i32
      %parallel_loop3A_194 = vector.broadcast %parallel_loop3A_193 : i32 to vector<16xi32>
      %parallel_loop3A_195 = arith.constant 17 : i32
      %parallel_loop3A_196 = vector.broadcast %parallel_loop3A_195 : i32 to vector<16xi32>
      %parallel_loop3A_197 = arith.constant 16 : i32
      %parallel_loop3A_198 = vector.broadcast %parallel_loop3A_197 : i32 to vector<16xi32>
      %parallel_loop3A_199 = arith.constant 15 : i32
      %parallel_loop3A_200 = vector.broadcast %parallel_loop3A_199 : i32 to vector<16xi32>
      %parallel_loop3A_201 = arith.constant 14 : i32
      %parallel_loop3A_202 = vector.broadcast %parallel_loop3A_201 : i32 to vector<16xi32>
      %parallel_loop3A_203 = arith.constant 13 : i32
      %parallel_loop3A_204 = vector.broadcast %parallel_loop3A_203 : i32 to vector<16xi32>
      %parallel_loop3A_205 = arith.constant 12 : i32
      %parallel_loop3A_206 = vector.broadcast %parallel_loop3A_205 : i32 to vector<16xi32>
      %parallel_loop3A_207 = arith.constant 11 : i32
      %parallel_loop3A_208 = vector.broadcast %parallel_loop3A_207 : i32 to vector<16xi32>
      %parallel_loop3A_209 = arith.constant 10 : i32
      %parallel_loop3A_210 = vector.broadcast %parallel_loop3A_209 : i32 to vector<16xi32>
      %parallel_loop3A_211 = arith.constant 9 : i32
      %parallel_loop3A_212 = vector.broadcast %parallel_loop3A_211 : i32 to vector<16xi32>
      %parallel_loop3A_213 = arith.constant 8 : i32
      %parallel_loop3A_214 = vector.broadcast %parallel_loop3A_213 : i32 to vector<16xi32>
      %parallel_loop3A_215 = arith.constant 7 : i32
      %parallel_loop3A_216 = vector.broadcast %parallel_loop3A_215 : i32 to vector<16xi32>
      %parallel_loop3A_217 = arith.constant 6 : i32
      %parallel_loop3A_218 = vector.broadcast %parallel_loop3A_217 : i32 to vector<16xi32>
      %parallel_loop3A_219 = arith.constant 5 : i32
      %parallel_loop3A_220 = vector.broadcast %parallel_loop3A_219 : i32 to vector<16xi32>
      %parallel_loop3A_221 = arith.constant 4 : i32
      %parallel_loop3A_222 = vector.broadcast %parallel_loop3A_221 : i32 to vector<16xi32>
      %parallel_loop3A_223 = arith.constant 3 : i32
      %parallel_loop3A_224 = vector.broadcast %parallel_loop3A_223 : i32 to vector<16xi32>
      %parallel_loop3A_225 = arith.constant 2 : i32
      %parallel_loop3A_226 = vector.broadcast %parallel_loop3A_225 : i32 to vector<16xi32>
      %parallel_loop3A_227 = arith.constant 1 : i32
      %parallel_loop3A_228 = vector.broadcast %parallel_loop3A_227 : i32 to vector<16xi32>
      %parallel_loop3A_229 = arith.constant 0 : i32
      %parallel_loop3A_230 = vector.broadcast %parallel_loop3A_229 : i32 to vector<16xi32>
      %parallel_loop3A_231 = arith.cmpf ole, %parallel_loop3A_156, %parallel_loop3A_157 : vector<16xf32>
      %parallel_loop3A_232 = arith.extui %parallel_loop3A_231 : vector<16xi1> to vector<16xi32>
      %parallel_loop3A_233 = arith.addi %parallel_loop3A_184, %parallel_loop3A_232 : vector<16xi32>
      %parallel_loop3A_234 = arith.subi %parallel_loop3A_182, %parallel_loop3A_232 : vector<16xi32>
      %parallel_loop3A_235 = arith.cmpf ole, %parallel_loop3A_156, %parallel_loop3A_158 : vector<16xf32>
      %parallel_loop3A_236 = arith.extui %parallel_loop3A_235 : vector<16xi1> to vector<16xi32>
      %parallel_loop3A_237 = arith.addi %parallel_loop3A_186, %parallel_loop3A_236 : vector<16xi32>
      %parallel_loop3A_238 = arith.subi %parallel_loop3A_234, %parallel_loop3A_236 : vector<16xi32>
      %parallel_loop3A_239 = arith.cmpf ole, %parallel_loop3A_156, %parallel_loop3A_159 : vector<16xf32>
      %parallel_loop3A_240 = arith.extui %parallel_loop3A_239 : vector<16xi1> to vector<16xi32>
      %parallel_loop3A_241 = arith.addi %parallel_loop3A_188, %parallel_loop3A_240 : vector<16xi32>
      %parallel_loop3A_242 = arith.subi %parallel_loop3A_238, %parallel_loop3A_240 : vector<16xi32>
      %parallel_loop3A_243 = arith.cmpf ole, %parallel_loop3A_156, %parallel_loop3A_160 : vector<16xf32>
      %parallel_loop3A_244 = arith.extui %parallel_loop3A_243 : vector<16xi1> to vector<16xi32>
      %parallel_loop3A_245 = arith.addi %parallel_loop3A_190, %parallel_loop3A_244 : vector<16xi32>
      %parallel_loop3A_246 = arith.subi %parallel_loop3A_242, %parallel_loop3A_244 : vector<16xi32>
      %parallel_loop3A_247 = arith.cmpf ole, %parallel_loop3A_156, %parallel_loop3A_161 : vector<16xf32>
      %parallel_loop3A_248 = arith.extui %parallel_loop3A_247 : vector<16xi1> to vector<16xi32>
      %parallel_loop3A_249 = arith.addi %parallel_loop3A_192, %parallel_loop3A_248 : vector<16xi32>
      %parallel_loop3A_250 = arith.subi %parallel_loop3A_246, %parallel_loop3A_248 : vector<16xi32>
      %parallel_loop3A_251 = arith.cmpf ole, %parallel_loop3A_156, %parallel_loop3A_162 : vector<16xf32>
      %parallel_loop3A_252 = arith.extui %parallel_loop3A_251 : vector<16xi1> to vector<16xi32>
      %parallel_loop3A_253 = arith.addi %parallel_loop3A_194, %parallel_loop3A_252 : vector<16xi32>
      %parallel_loop3A_254 = arith.subi %parallel_loop3A_250, %parallel_loop3A_252 : vector<16xi32>
      %parallel_loop3A_255 = arith.cmpf ole, %parallel_loop3A_156, %parallel_loop3A_163 : vector<16xf32>
      %parallel_loop3A_256 = arith.extui %parallel_loop3A_255 : vector<16xi1> to vector<16xi32>
      %parallel_loop3A_257 = arith.addi %parallel_loop3A_196, %parallel_loop3A_256 : vector<16xi32>
      %parallel_loop3A_258 = arith.subi %parallel_loop3A_254, %parallel_loop3A_256 : vector<16xi32>
      %parallel_loop3A_259 = arith.cmpf ole, %parallel_loop3A_156, %parallel_loop3A_164 : vector<16xf32>
      %parallel_loop3A_260 = arith.extui %parallel_loop3A_259 : vector<16xi1> to vector<16xi32>
      %parallel_loop3A_261 = arith.addi %parallel_loop3A_198, %parallel_loop3A_260 : vector<16xi32>
      %parallel_loop3A_262 = arith.subi %parallel_loop3A_258, %parallel_loop3A_260 : vector<16xi32>
      %parallel_loop3A_263 = arith.cmpf ole, %parallel_loop3A_156, %parallel_loop3A_165 : vector<16xf32>
      %parallel_loop3A_264 = arith.extui %parallel_loop3A_263 : vector<16xi1> to vector<16xi32>
      %parallel_loop3A_265 = arith.addi %parallel_loop3A_200, %parallel_loop3A_264 : vector<16xi32>
      %parallel_loop3A_266 = arith.subi %parallel_loop3A_262, %parallel_loop3A_264 : vector<16xi32>
      %parallel_loop3A_267 = arith.cmpf ole, %parallel_loop3A_156, %parallel_loop3A_166 : vector<16xf32>
      %parallel_loop3A_268 = arith.extui %parallel_loop3A_267 : vector<16xi1> to vector<16xi32>
      %parallel_loop3A_269 = arith.addi %parallel_loop3A_202, %parallel_loop3A_268 : vector<16xi32>
      %parallel_loop3A_270 = arith.subi %parallel_loop3A_266, %parallel_loop3A_268 : vector<16xi32>
      %parallel_loop3A_271 = arith.cmpf ole, %parallel_loop3A_156, %parallel_loop3A_167 : vector<16xf32>
      %parallel_loop3A_272 = arith.extui %parallel_loop3A_271 : vector<16xi1> to vector<16xi32>
      %parallel_loop3A_273 = arith.addi %parallel_loop3A_204, %parallel_loop3A_272 : vector<16xi32>
      %parallel_loop3A_274 = arith.subi %parallel_loop3A_270, %parallel_loop3A_272 : vector<16xi32>
      %parallel_loop3A_275 = arith.cmpf ole, %parallel_loop3A_156, %parallel_loop3A_168 : vector<16xf32>
      %parallel_loop3A_276 = arith.extui %parallel_loop3A_275 : vector<16xi1> to vector<16xi32>
      %parallel_loop3A_277 = arith.addi %parallel_loop3A_206, %parallel_loop3A_276 : vector<16xi32>
      %parallel_loop3A_278 = arith.subi %parallel_loop3A_274, %parallel_loop3A_276 : vector<16xi32>
      %parallel_loop3A_279 = arith.cmpf ole, %parallel_loop3A_156, %parallel_loop3A_169 : vector<16xf32>
      %parallel_loop3A_280 = arith.extui %parallel_loop3A_279 : vector<16xi1> to vector<16xi32>
      %parallel_loop3A_281 = arith.addi %parallel_loop3A_208, %parallel_loop3A_280 : vector<16xi32>
      %parallel_loop3A_282 = arith.subi %parallel_loop3A_278, %parallel_loop3A_280 : vector<16xi32>
      %parallel_loop3A_283 = arith.cmpf ole, %parallel_loop3A_156, %parallel_loop3A_170 : vector<16xf32>
      %parallel_loop3A_284 = arith.extui %parallel_loop3A_283 : vector<16xi1> to vector<16xi32>
      %parallel_loop3A_285 = arith.addi %parallel_loop3A_210, %parallel_loop3A_284 : vector<16xi32>
      %parallel_loop3A_286 = arith.subi %parallel_loop3A_282, %parallel_loop3A_284 : vector<16xi32>
      %parallel_loop3A_287 = arith.cmpf ole, %parallel_loop3A_156, %parallel_loop3A_171 : vector<16xf32>
      %parallel_loop3A_288 = arith.extui %parallel_loop3A_287 : vector<16xi1> to vector<16xi32>
      %parallel_loop3A_289 = arith.addi %parallel_loop3A_212, %parallel_loop3A_288 : vector<16xi32>
      %parallel_loop3A_290 = arith.subi %parallel_loop3A_286, %parallel_loop3A_288 : vector<16xi32>
      %parallel_loop3A_291 = arith.cmpf ole, %parallel_loop3A_156, %parallel_loop3A_172 : vector<16xf32>
      %parallel_loop3A_292 = arith.extui %parallel_loop3A_291 : vector<16xi1> to vector<16xi32>
      %parallel_loop3A_293 = arith.addi %parallel_loop3A_214, %parallel_loop3A_292 : vector<16xi32>
      %parallel_loop3A_294 = arith.subi %parallel_loop3A_290, %parallel_loop3A_292 : vector<16xi32>
      %parallel_loop3A_295 = arith.cmpf ole, %parallel_loop3A_156, %parallel_loop3A_173 : vector<16xf32>
      %parallel_loop3A_296 = arith.extui %parallel_loop3A_295 : vector<16xi1> to vector<16xi32>
      %parallel_loop3A_297 = arith.addi %parallel_loop3A_216, %parallel_loop3A_296 : vector<16xi32>
      %parallel_loop3A_298 = arith.subi %parallel_loop3A_294, %parallel_loop3A_296 : vector<16xi32>
      %parallel_loop3A_299 = arith.cmpf ole, %parallel_loop3A_156, %parallel_loop3A_174 : vector<16xf32>
      %parallel_loop3A_300 = arith.extui %parallel_loop3A_299 : vector<16xi1> to vector<16xi32>
      %parallel_loop3A_301 = arith.addi %parallel_loop3A_218, %parallel_loop3A_300 : vector<16xi32>
      %parallel_loop3A_302 = arith.subi %parallel_loop3A_298, %parallel_loop3A_300 : vector<16xi32>
      %parallel_loop3A_303 = arith.cmpf ole, %parallel_loop3A_156, %parallel_loop3A_175 : vector<16xf32>
      %parallel_loop3A_304 = arith.extui %parallel_loop3A_303 : vector<16xi1> to vector<16xi32>
      %parallel_loop3A_305 = arith.addi %parallel_loop3A_220, %parallel_loop3A_304 : vector<16xi32>
      %parallel_loop3A_306 = arith.subi %parallel_loop3A_302, %parallel_loop3A_304 : vector<16xi32>
      %parallel_loop3A_307 = arith.cmpf ole, %parallel_loop3A_156, %parallel_loop3A_176 : vector<16xf32>
      %parallel_loop3A_308 = arith.extui %parallel_loop3A_307 : vector<16xi1> to vector<16xi32>
      %parallel_loop3A_309 = arith.addi %parallel_loop3A_222, %parallel_loop3A_308 : vector<16xi32>
      %parallel_loop3A_310 = arith.subi %parallel_loop3A_306, %parallel_loop3A_308 : vector<16xi32>
      %parallel_loop3A_311 = arith.cmpf ole, %parallel_loop3A_156, %parallel_loop3A_177 : vector<16xf32>
      %parallel_loop3A_312 = arith.extui %parallel_loop3A_311 : vector<16xi1> to vector<16xi32>
      %parallel_loop3A_313 = arith.addi %parallel_loop3A_224, %parallel_loop3A_312 : vector<16xi32>
      %parallel_loop3A_314 = arith.subi %parallel_loop3A_310, %parallel_loop3A_312 : vector<16xi32>
      %parallel_loop3A_315 = arith.cmpf ole, %parallel_loop3A_156, %parallel_loop3A_178 : vector<16xf32>
      %parallel_loop3A_316 = arith.extui %parallel_loop3A_315 : vector<16xi1> to vector<16xi32>
      %parallel_loop3A_317 = arith.addi %parallel_loop3A_226, %parallel_loop3A_316 : vector<16xi32>
      %parallel_loop3A_318 = arith.subi %parallel_loop3A_314, %parallel_loop3A_316 : vector<16xi32>
      %parallel_loop3A_319 = arith.cmpf ole, %parallel_loop3A_156, %parallel_loop3A_179 : vector<16xf32>
      %parallel_loop3A_320 = arith.extui %parallel_loop3A_319 : vector<16xi1> to vector<16xi32>
      %parallel_loop3A_321 = arith.addi %parallel_loop3A_228, %parallel_loop3A_320 : vector<16xi32>
      %parallel_loop3A_322 = arith.subi %parallel_loop3A_318, %parallel_loop3A_320 : vector<16xi32>
      %parallel_loop3A_323 = arith.cmpf ole, %parallel_loop3A_156, %parallel_loop3A_180 : vector<16xf32>
      %parallel_loop3A_324 = arith.extui %parallel_loop3A_323 : vector<16xi1> to vector<16xi32>
      %parallel_loop3A_325 = arith.addi %parallel_loop3A_230, %parallel_loop3A_324 : vector<16xi32>
      %parallel_loop3A_326 = arith.subi %parallel_loop3A_322, %parallel_loop3A_324 : vector<16xi32>
      %parallel_loop3A_327 = arith.cmpf ole, %parallel_loop3A_157, %parallel_loop3A_158 : vector<16xf32>
      %parallel_loop3A_328 = arith.extui %parallel_loop3A_327 : vector<16xi1> to vector<16xi32>
      %parallel_loop3A_329 = arith.addi %parallel_loop3A_237, %parallel_loop3A_328 : vector<16xi32>
      %parallel_loop3A_330 = arith.subi %parallel_loop3A_233, %parallel_loop3A_328 : vector<16xi32>
      %parallel_loop3A_331 = arith.cmpf ole, %parallel_loop3A_157, %parallel_loop3A_159 : vector<16xf32>
      %parallel_loop3A_332 = arith.extui %parallel_loop3A_331 : vector<16xi1> to vector<16xi32>
      %parallel_loop3A_333 = arith.addi %parallel_loop3A_241, %parallel_loop3A_332 : vector<16xi32>
      %parallel_loop3A_334 = arith.subi %parallel_loop3A_330, %parallel_loop3A_332 : vector<16xi32>
      %parallel_loop3A_335 = arith.cmpf ole, %parallel_loop3A_157, %parallel_loop3A_160 : vector<16xf32>
      %parallel_loop3A_336 = arith.extui %parallel_loop3A_335 : vector<16xi1> to vector<16xi32>
      %parallel_loop3A_337 = arith.addi %parallel_loop3A_245, %parallel_loop3A_336 : vector<16xi32>
      %parallel_loop3A_338 = arith.subi %parallel_loop3A_334, %parallel_loop3A_336 : vector<16xi32>
      %parallel_loop3A_339 = arith.cmpf ole, %parallel_loop3A_157, %parallel_loop3A_161 : vector<16xf32>
      %parallel_loop3A_340 = arith.extui %parallel_loop3A_339 : vector<16xi1> to vector<16xi32>
      %parallel_loop3A_341 = arith.addi %parallel_loop3A_249, %parallel_loop3A_340 : vector<16xi32>
      %parallel_loop3A_342 = arith.subi %parallel_loop3A_338, %parallel_loop3A_340 : vector<16xi32>
      %parallel_loop3A_343 = arith.cmpf ole, %parallel_loop3A_157, %parallel_loop3A_162 : vector<16xf32>
      %parallel_loop3A_344 = arith.extui %parallel_loop3A_343 : vector<16xi1> to vector<16xi32>
      %parallel_loop3A_345 = arith.addi %parallel_loop3A_253, %parallel_loop3A_344 : vector<16xi32>
      %parallel_loop3A_346 = arith.subi %parallel_loop3A_342, %parallel_loop3A_344 : vector<16xi32>
      %parallel_loop3A_347 = arith.cmpf ole, %parallel_loop3A_157, %parallel_loop3A_163 : vector<16xf32>
      %parallel_loop3A_348 = arith.extui %parallel_loop3A_347 : vector<16xi1> to vector<16xi32>
      %parallel_loop3A_349 = arith.addi %parallel_loop3A_257, %parallel_loop3A_348 : vector<16xi32>
      %parallel_loop3A_350 = arith.subi %parallel_loop3A_346, %parallel_loop3A_348 : vector<16xi32>
      %parallel_loop3A_351 = arith.cmpf ole, %parallel_loop3A_157, %parallel_loop3A_164 : vector<16xf32>
      %parallel_loop3A_352 = arith.extui %parallel_loop3A_351 : vector<16xi1> to vector<16xi32>
      %parallel_loop3A_353 = arith.addi %parallel_loop3A_261, %parallel_loop3A_352 : vector<16xi32>
      %parallel_loop3A_354 = arith.subi %parallel_loop3A_350, %parallel_loop3A_352 : vector<16xi32>
      %parallel_loop3A_355 = arith.cmpf ole, %parallel_loop3A_157, %parallel_loop3A_165 : vector<16xf32>
      %parallel_loop3A_356 = arith.extui %parallel_loop3A_355 : vector<16xi1> to vector<16xi32>
      %parallel_loop3A_357 = arith.addi %parallel_loop3A_265, %parallel_loop3A_356 : vector<16xi32>
      %parallel_loop3A_358 = arith.subi %parallel_loop3A_354, %parallel_loop3A_356 : vector<16xi32>
      %parallel_loop3A_359 = arith.cmpf ole, %parallel_loop3A_157, %parallel_loop3A_166 : vector<16xf32>
      %parallel_loop3A_360 = arith.extui %parallel_loop3A_359 : vector<16xi1> to vector<16xi32>
      %parallel_loop3A_361 = arith.addi %parallel_loop3A_269, %parallel_loop3A_360 : vector<16xi32>
      %parallel_loop3A_362 = arith.subi %parallel_loop3A_358, %parallel_loop3A_360 : vector<16xi32>
      %parallel_loop3A_363 = arith.cmpf ole, %parallel_loop3A_157, %parallel_loop3A_167 : vector<16xf32>
      %parallel_loop3A_364 = arith.extui %parallel_loop3A_363 : vector<16xi1> to vector<16xi32>
      %parallel_loop3A_365 = arith.addi %parallel_loop3A_273, %parallel_loop3A_364 : vector<16xi32>
      %parallel_loop3A_366 = arith.subi %parallel_loop3A_362, %parallel_loop3A_364 : vector<16xi32>
      %parallel_loop3A_367 = arith.cmpf ole, %parallel_loop3A_157, %parallel_loop3A_168 : vector<16xf32>
      %parallel_loop3A_368 = arith.extui %parallel_loop3A_367 : vector<16xi1> to vector<16xi32>
      %parallel_loop3A_369 = arith.addi %parallel_loop3A_277, %parallel_loop3A_368 : vector<16xi32>
      %parallel_loop3A_370 = arith.subi %parallel_loop3A_366, %parallel_loop3A_368 : vector<16xi32>
      %parallel_loop3A_371 = arith.cmpf ole, %parallel_loop3A_157, %parallel_loop3A_169 : vector<16xf32>
      %parallel_loop3A_372 = arith.extui %parallel_loop3A_371 : vector<16xi1> to vector<16xi32>
      %parallel_loop3A_373 = arith.addi %parallel_loop3A_281, %parallel_loop3A_372 : vector<16xi32>
      %parallel_loop3A_374 = arith.subi %parallel_loop3A_370, %parallel_loop3A_372 : vector<16xi32>
      %parallel_loop3A_375 = arith.cmpf ole, %parallel_loop3A_157, %parallel_loop3A_170 : vector<16xf32>
      %parallel_loop3A_376 = arith.extui %parallel_loop3A_375 : vector<16xi1> to vector<16xi32>
      %parallel_loop3A_377 = arith.addi %parallel_loop3A_285, %parallel_loop3A_376 : vector<16xi32>
      %parallel_loop3A_378 = arith.subi %parallel_loop3A_374, %parallel_loop3A_376 : vector<16xi32>
      %parallel_loop3A_379 = arith.cmpf ole, %parallel_loop3A_157, %parallel_loop3A_171 : vector<16xf32>
      %parallel_loop3A_380 = arith.extui %parallel_loop3A_379 : vector<16xi1> to vector<16xi32>
      %parallel_loop3A_381 = arith.addi %parallel_loop3A_289, %parallel_loop3A_380 : vector<16xi32>
      %parallel_loop3A_382 = arith.subi %parallel_loop3A_378, %parallel_loop3A_380 : vector<16xi32>
      %parallel_loop3A_383 = arith.cmpf ole, %parallel_loop3A_157, %parallel_loop3A_172 : vector<16xf32>
      %parallel_loop3A_384 = arith.extui %parallel_loop3A_383 : vector<16xi1> to vector<16xi32>
      %parallel_loop3A_385 = arith.addi %parallel_loop3A_293, %parallel_loop3A_384 : vector<16xi32>
      %parallel_loop3A_386 = arith.subi %parallel_loop3A_382, %parallel_loop3A_384 : vector<16xi32>
      %parallel_loop3A_387 = arith.cmpf ole, %parallel_loop3A_157, %parallel_loop3A_173 : vector<16xf32>
      %parallel_loop3A_388 = arith.extui %parallel_loop3A_387 : vector<16xi1> to vector<16xi32>
      %parallel_loop3A_389 = arith.addi %parallel_loop3A_297, %parallel_loop3A_388 : vector<16xi32>
      %parallel_loop3A_390 = arith.subi %parallel_loop3A_386, %parallel_loop3A_388 : vector<16xi32>
      %parallel_loop3A_391 = arith.cmpf ole, %parallel_loop3A_157, %parallel_loop3A_174 : vector<16xf32>
      %parallel_loop3A_392 = arith.extui %parallel_loop3A_391 : vector<16xi1> to vector<16xi32>
      %parallel_loop3A_393 = arith.addi %parallel_loop3A_301, %parallel_loop3A_392 : vector<16xi32>
      %parallel_loop3A_394 = arith.subi %parallel_loop3A_390, %parallel_loop3A_392 : vector<16xi32>
      %parallel_loop3A_395 = arith.cmpf ole, %parallel_loop3A_157, %parallel_loop3A_175 : vector<16xf32>
      %parallel_loop3A_396 = arith.extui %parallel_loop3A_395 : vector<16xi1> to vector<16xi32>
      %parallel_loop3A_397 = arith.addi %parallel_loop3A_305, %parallel_loop3A_396 : vector<16xi32>
      %parallel_loop3A_398 = arith.subi %parallel_loop3A_394, %parallel_loop3A_396 : vector<16xi32>
      %parallel_loop3A_399 = arith.cmpf ole, %parallel_loop3A_157, %parallel_loop3A_176 : vector<16xf32>
      %parallel_loop3A_400 = arith.extui %parallel_loop3A_399 : vector<16xi1> to vector<16xi32>
      %parallel_loop3A_401 = arith.addi %parallel_loop3A_309, %parallel_loop3A_400 : vector<16xi32>
      %parallel_loop3A_402 = arith.subi %parallel_loop3A_398, %parallel_loop3A_400 : vector<16xi32>
      %parallel_loop3A_403 = arith.cmpf ole, %parallel_loop3A_157, %parallel_loop3A_177 : vector<16xf32>
      %parallel_loop3A_404 = arith.extui %parallel_loop3A_403 : vector<16xi1> to vector<16xi32>
      %parallel_loop3A_405 = arith.addi %parallel_loop3A_313, %parallel_loop3A_404 : vector<16xi32>
      %parallel_loop3A_406 = arith.subi %parallel_loop3A_402, %parallel_loop3A_404 : vector<16xi32>
      %parallel_loop3A_407 = arith.cmpf ole, %parallel_loop3A_157, %parallel_loop3A_178 : vector<16xf32>
      %parallel_loop3A_408 = arith.extui %parallel_loop3A_407 : vector<16xi1> to vector<16xi32>
      %parallel_loop3A_409 = arith.addi %parallel_loop3A_317, %parallel_loop3A_408 : vector<16xi32>
      %parallel_loop3A_410 = arith.subi %parallel_loop3A_406, %parallel_loop3A_408 : vector<16xi32>
      %parallel_loop3A_411 = arith.cmpf ole, %parallel_loop3A_157, %parallel_loop3A_179 : vector<16xf32>
      %parallel_loop3A_412 = arith.extui %parallel_loop3A_411 : vector<16xi1> to vector<16xi32>
      %parallel_loop3A_413 = arith.addi %parallel_loop3A_321, %parallel_loop3A_412 : vector<16xi32>
      %parallel_loop3A_414 = arith.subi %parallel_loop3A_410, %parallel_loop3A_412 : vector<16xi32>
      %parallel_loop3A_415 = arith.cmpf ole, %parallel_loop3A_157, %parallel_loop3A_180 : vector<16xf32>
      %parallel_loop3A_416 = arith.extui %parallel_loop3A_415 : vector<16xi1> to vector<16xi32>
      %parallel_loop3A_417 = arith.addi %parallel_loop3A_325, %parallel_loop3A_416 : vector<16xi32>
      %parallel_loop3A_418 = arith.subi %parallel_loop3A_414, %parallel_loop3A_416 : vector<16xi32>
      %parallel_loop3A_419 = arith.cmpf ole, %parallel_loop3A_158, %parallel_loop3A_159 : vector<16xf32>
      %parallel_loop3A_420 = arith.extui %parallel_loop3A_419 : vector<16xi1> to vector<16xi32>
      %parallel_loop3A_421 = arith.addi %parallel_loop3A_333, %parallel_loop3A_420 : vector<16xi32>
      %parallel_loop3A_422 = arith.subi %parallel_loop3A_329, %parallel_loop3A_420 : vector<16xi32>
      %parallel_loop3A_423 = arith.cmpf ole, %parallel_loop3A_158, %parallel_loop3A_160 : vector<16xf32>
      %parallel_loop3A_424 = arith.extui %parallel_loop3A_423 : vector<16xi1> to vector<16xi32>
      %parallel_loop3A_425 = arith.addi %parallel_loop3A_337, %parallel_loop3A_424 : vector<16xi32>
      %parallel_loop3A_426 = arith.subi %parallel_loop3A_422, %parallel_loop3A_424 : vector<16xi32>
      %parallel_loop3A_427 = arith.cmpf ole, %parallel_loop3A_158, %parallel_loop3A_161 : vector<16xf32>
      %parallel_loop3A_428 = arith.extui %parallel_loop3A_427 : vector<16xi1> to vector<16xi32>
      %parallel_loop3A_429 = arith.addi %parallel_loop3A_341, %parallel_loop3A_428 : vector<16xi32>
      %parallel_loop3A_430 = arith.subi %parallel_loop3A_426, %parallel_loop3A_428 : vector<16xi32>
      %parallel_loop3A_431 = arith.cmpf ole, %parallel_loop3A_158, %parallel_loop3A_162 : vector<16xf32>
      %parallel_loop3A_432 = arith.extui %parallel_loop3A_431 : vector<16xi1> to vector<16xi32>
      %parallel_loop3A_433 = arith.addi %parallel_loop3A_345, %parallel_loop3A_432 : vector<16xi32>
      %parallel_loop3A_434 = arith.subi %parallel_loop3A_430, %parallel_loop3A_432 : vector<16xi32>
      %parallel_loop3A_435 = arith.cmpf ole, %parallel_loop3A_158, %parallel_loop3A_163 : vector<16xf32>
      %parallel_loop3A_436 = arith.extui %parallel_loop3A_435 : vector<16xi1> to vector<16xi32>
      %parallel_loop3A_437 = arith.addi %parallel_loop3A_349, %parallel_loop3A_436 : vector<16xi32>
      %parallel_loop3A_438 = arith.subi %parallel_loop3A_434, %parallel_loop3A_436 : vector<16xi32>
      %parallel_loop3A_439 = arith.cmpf ole, %parallel_loop3A_158, %parallel_loop3A_164 : vector<16xf32>
      %parallel_loop3A_440 = arith.extui %parallel_loop3A_439 : vector<16xi1> to vector<16xi32>
      %parallel_loop3A_441 = arith.addi %parallel_loop3A_353, %parallel_loop3A_440 : vector<16xi32>
      %parallel_loop3A_442 = arith.subi %parallel_loop3A_438, %parallel_loop3A_440 : vector<16xi32>
      %parallel_loop3A_443 = arith.cmpf ole, %parallel_loop3A_158, %parallel_loop3A_165 : vector<16xf32>
      %parallel_loop3A_444 = arith.extui %parallel_loop3A_443 : vector<16xi1> to vector<16xi32>
      %parallel_loop3A_445 = arith.addi %parallel_loop3A_357, %parallel_loop3A_444 : vector<16xi32>
      %parallel_loop3A_446 = arith.subi %parallel_loop3A_442, %parallel_loop3A_444 : vector<16xi32>
      %parallel_loop3A_447 = arith.cmpf ole, %parallel_loop3A_158, %parallel_loop3A_166 : vector<16xf32>
      %parallel_loop3A_448 = arith.extui %parallel_loop3A_447 : vector<16xi1> to vector<16xi32>
      %parallel_loop3A_449 = arith.addi %parallel_loop3A_361, %parallel_loop3A_448 : vector<16xi32>
      %parallel_loop3A_450 = arith.subi %parallel_loop3A_446, %parallel_loop3A_448 : vector<16xi32>
      %parallel_loop3A_451 = arith.cmpf ole, %parallel_loop3A_158, %parallel_loop3A_167 : vector<16xf32>
      %parallel_loop3A_452 = arith.extui %parallel_loop3A_451 : vector<16xi1> to vector<16xi32>
      %parallel_loop3A_453 = arith.addi %parallel_loop3A_365, %parallel_loop3A_452 : vector<16xi32>
      %parallel_loop3A_454 = arith.subi %parallel_loop3A_450, %parallel_loop3A_452 : vector<16xi32>
      %parallel_loop3A_455 = arith.cmpf ole, %parallel_loop3A_158, %parallel_loop3A_168 : vector<16xf32>
      %parallel_loop3A_456 = arith.extui %parallel_loop3A_455 : vector<16xi1> to vector<16xi32>
      %parallel_loop3A_457 = arith.addi %parallel_loop3A_369, %parallel_loop3A_456 : vector<16xi32>
      %parallel_loop3A_458 = arith.subi %parallel_loop3A_454, %parallel_loop3A_456 : vector<16xi32>
      %parallel_loop3A_459 = arith.cmpf ole, %parallel_loop3A_158, %parallel_loop3A_169 : vector<16xf32>
      %parallel_loop3A_460 = arith.extui %parallel_loop3A_459 : vector<16xi1> to vector<16xi32>
      %parallel_loop3A_461 = arith.addi %parallel_loop3A_373, %parallel_loop3A_460 : vector<16xi32>
      %parallel_loop3A_462 = arith.subi %parallel_loop3A_458, %parallel_loop3A_460 : vector<16xi32>
      %parallel_loop3A_463 = arith.cmpf ole, %parallel_loop3A_158, %parallel_loop3A_170 : vector<16xf32>
      %parallel_loop3A_464 = arith.extui %parallel_loop3A_463 : vector<16xi1> to vector<16xi32>
      %parallel_loop3A_465 = arith.addi %parallel_loop3A_377, %parallel_loop3A_464 : vector<16xi32>
      %parallel_loop3A_466 = arith.subi %parallel_loop3A_462, %parallel_loop3A_464 : vector<16xi32>
      %parallel_loop3A_467 = arith.cmpf ole, %parallel_loop3A_158, %parallel_loop3A_171 : vector<16xf32>
      %parallel_loop3A_468 = arith.extui %parallel_loop3A_467 : vector<16xi1> to vector<16xi32>
      %parallel_loop3A_469 = arith.addi %parallel_loop3A_381, %parallel_loop3A_468 : vector<16xi32>
      %parallel_loop3A_470 = arith.subi %parallel_loop3A_466, %parallel_loop3A_468 : vector<16xi32>
      %parallel_loop3A_471 = arith.cmpf ole, %parallel_loop3A_158, %parallel_loop3A_172 : vector<16xf32>
      %parallel_loop3A_472 = arith.extui %parallel_loop3A_471 : vector<16xi1> to vector<16xi32>
      %parallel_loop3A_473 = arith.addi %parallel_loop3A_385, %parallel_loop3A_472 : vector<16xi32>
      %parallel_loop3A_474 = arith.subi %parallel_loop3A_470, %parallel_loop3A_472 : vector<16xi32>
      %parallel_loop3A_475 = arith.cmpf ole, %parallel_loop3A_158, %parallel_loop3A_173 : vector<16xf32>
      %parallel_loop3A_476 = arith.extui %parallel_loop3A_475 : vector<16xi1> to vector<16xi32>
      %parallel_loop3A_477 = arith.addi %parallel_loop3A_389, %parallel_loop3A_476 : vector<16xi32>
      %parallel_loop3A_478 = arith.subi %parallel_loop3A_474, %parallel_loop3A_476 : vector<16xi32>
      %parallel_loop3A_479 = arith.cmpf ole, %parallel_loop3A_158, %parallel_loop3A_174 : vector<16xf32>
      %parallel_loop3A_480 = arith.extui %parallel_loop3A_479 : vector<16xi1> to vector<16xi32>
      %parallel_loop3A_481 = arith.addi %parallel_loop3A_393, %parallel_loop3A_480 : vector<16xi32>
      %parallel_loop3A_482 = arith.subi %parallel_loop3A_478, %parallel_loop3A_480 : vector<16xi32>
      %parallel_loop3A_483 = arith.cmpf ole, %parallel_loop3A_158, %parallel_loop3A_175 : vector<16xf32>
      %parallel_loop3A_484 = arith.extui %parallel_loop3A_483 : vector<16xi1> to vector<16xi32>
      %parallel_loop3A_485 = arith.addi %parallel_loop3A_397, %parallel_loop3A_484 : vector<16xi32>
      %parallel_loop3A_486 = arith.subi %parallel_loop3A_482, %parallel_loop3A_484 : vector<16xi32>
      %parallel_loop3A_487 = arith.cmpf ole, %parallel_loop3A_158, %parallel_loop3A_176 : vector<16xf32>
      %parallel_loop3A_488 = arith.extui %parallel_loop3A_487 : vector<16xi1> to vector<16xi32>
      %parallel_loop3A_489 = arith.addi %parallel_loop3A_401, %parallel_loop3A_488 : vector<16xi32>
      %parallel_loop3A_490 = arith.subi %parallel_loop3A_486, %parallel_loop3A_488 : vector<16xi32>
      %parallel_loop3A_491 = arith.cmpf ole, %parallel_loop3A_158, %parallel_loop3A_177 : vector<16xf32>
      %parallel_loop3A_492 = arith.extui %parallel_loop3A_491 : vector<16xi1> to vector<16xi32>
      %parallel_loop3A_493 = arith.addi %parallel_loop3A_405, %parallel_loop3A_492 : vector<16xi32>
      %parallel_loop3A_494 = arith.subi %parallel_loop3A_490, %parallel_loop3A_492 : vector<16xi32>
      %parallel_loop3A_495 = arith.cmpf ole, %parallel_loop3A_158, %parallel_loop3A_178 : vector<16xf32>
      %parallel_loop3A_496 = arith.extui %parallel_loop3A_495 : vector<16xi1> to vector<16xi32>
      %parallel_loop3A_497 = arith.addi %parallel_loop3A_409, %parallel_loop3A_496 : vector<16xi32>
      %parallel_loop3A_498 = arith.subi %parallel_loop3A_494, %parallel_loop3A_496 : vector<16xi32>
      %parallel_loop3A_499 = arith.cmpf ole, %parallel_loop3A_158, %parallel_loop3A_179 : vector<16xf32>
      %parallel_loop3A_500 = arith.extui %parallel_loop3A_499 : vector<16xi1> to vector<16xi32>
      %parallel_loop3A_501 = arith.addi %parallel_loop3A_413, %parallel_loop3A_500 : vector<16xi32>
      %parallel_loop3A_502 = arith.subi %parallel_loop3A_498, %parallel_loop3A_500 : vector<16xi32>
      %parallel_loop3A_503 = arith.cmpf ole, %parallel_loop3A_158, %parallel_loop3A_180 : vector<16xf32>
      %parallel_loop3A_504 = arith.extui %parallel_loop3A_503 : vector<16xi1> to vector<16xi32>
      %parallel_loop3A_505 = arith.addi %parallel_loop3A_417, %parallel_loop3A_504 : vector<16xi32>
      %parallel_loop3A_506 = arith.subi %parallel_loop3A_502, %parallel_loop3A_504 : vector<16xi32>
      %parallel_loop3A_507 = arith.cmpf ole, %parallel_loop3A_159, %parallel_loop3A_160 : vector<16xf32>
      %parallel_loop3A_508 = arith.extui %parallel_loop3A_507 : vector<16xi1> to vector<16xi32>
      %parallel_loop3A_509 = arith.addi %parallel_loop3A_425, %parallel_loop3A_508 : vector<16xi32>
      %parallel_loop3A_510 = arith.subi %parallel_loop3A_421, %parallel_loop3A_508 : vector<16xi32>
      %parallel_loop3A_511 = arith.cmpf ole, %parallel_loop3A_159, %parallel_loop3A_161 : vector<16xf32>
      %parallel_loop3A_512 = arith.extui %parallel_loop3A_511 : vector<16xi1> to vector<16xi32>
      %parallel_loop3A_513 = arith.addi %parallel_loop3A_429, %parallel_loop3A_512 : vector<16xi32>
      %parallel_loop3A_514 = arith.subi %parallel_loop3A_510, %parallel_loop3A_512 : vector<16xi32>
      %parallel_loop3A_515 = arith.cmpf ole, %parallel_loop3A_159, %parallel_loop3A_162 : vector<16xf32>
      %parallel_loop3A_516 = arith.extui %parallel_loop3A_515 : vector<16xi1> to vector<16xi32>
      %parallel_loop3A_517 = arith.addi %parallel_loop3A_433, %parallel_loop3A_516 : vector<16xi32>
      %parallel_loop3A_518 = arith.subi %parallel_loop3A_514, %parallel_loop3A_516 : vector<16xi32>
      %parallel_loop3A_519 = arith.cmpf ole, %parallel_loop3A_159, %parallel_loop3A_163 : vector<16xf32>
      %parallel_loop3A_520 = arith.extui %parallel_loop3A_519 : vector<16xi1> to vector<16xi32>
      %parallel_loop3A_521 = arith.addi %parallel_loop3A_437, %parallel_loop3A_520 : vector<16xi32>
      %parallel_loop3A_522 = arith.subi %parallel_loop3A_518, %parallel_loop3A_520 : vector<16xi32>
      %parallel_loop3A_523 = arith.cmpf ole, %parallel_loop3A_159, %parallel_loop3A_164 : vector<16xf32>
      %parallel_loop3A_524 = arith.extui %parallel_loop3A_523 : vector<16xi1> to vector<16xi32>
      %parallel_loop3A_525 = arith.addi %parallel_loop3A_441, %parallel_loop3A_524 : vector<16xi32>
      %parallel_loop3A_526 = arith.subi %parallel_loop3A_522, %parallel_loop3A_524 : vector<16xi32>
      %parallel_loop3A_527 = arith.cmpf ole, %parallel_loop3A_159, %parallel_loop3A_165 : vector<16xf32>
      %parallel_loop3A_528 = arith.extui %parallel_loop3A_527 : vector<16xi1> to vector<16xi32>
      %parallel_loop3A_529 = arith.addi %parallel_loop3A_445, %parallel_loop3A_528 : vector<16xi32>
      %parallel_loop3A_530 = arith.subi %parallel_loop3A_526, %parallel_loop3A_528 : vector<16xi32>
      %parallel_loop3A_531 = arith.cmpf ole, %parallel_loop3A_159, %parallel_loop3A_166 : vector<16xf32>
      %parallel_loop3A_532 = arith.extui %parallel_loop3A_531 : vector<16xi1> to vector<16xi32>
      %parallel_loop3A_533 = arith.addi %parallel_loop3A_449, %parallel_loop3A_532 : vector<16xi32>
      %parallel_loop3A_534 = arith.subi %parallel_loop3A_530, %parallel_loop3A_532 : vector<16xi32>
      %parallel_loop3A_535 = arith.cmpf ole, %parallel_loop3A_159, %parallel_loop3A_167 : vector<16xf32>
      %parallel_loop3A_536 = arith.extui %parallel_loop3A_535 : vector<16xi1> to vector<16xi32>
      %parallel_loop3A_537 = arith.addi %parallel_loop3A_453, %parallel_loop3A_536 : vector<16xi32>
      %parallel_loop3A_538 = arith.subi %parallel_loop3A_534, %parallel_loop3A_536 : vector<16xi32>
      %parallel_loop3A_539 = arith.cmpf ole, %parallel_loop3A_159, %parallel_loop3A_168 : vector<16xf32>
      %parallel_loop3A_540 = arith.extui %parallel_loop3A_539 : vector<16xi1> to vector<16xi32>
      %parallel_loop3A_541 = arith.addi %parallel_loop3A_457, %parallel_loop3A_540 : vector<16xi32>
      %parallel_loop3A_542 = arith.subi %parallel_loop3A_538, %parallel_loop3A_540 : vector<16xi32>
      %parallel_loop3A_543 = arith.cmpf ole, %parallel_loop3A_159, %parallel_loop3A_169 : vector<16xf32>
      %parallel_loop3A_544 = arith.extui %parallel_loop3A_543 : vector<16xi1> to vector<16xi32>
      %parallel_loop3A_545 = arith.addi %parallel_loop3A_461, %parallel_loop3A_544 : vector<16xi32>
      %parallel_loop3A_546 = arith.subi %parallel_loop3A_542, %parallel_loop3A_544 : vector<16xi32>
      %parallel_loop3A_547 = arith.cmpf ole, %parallel_loop3A_159, %parallel_loop3A_170 : vector<16xf32>
      %parallel_loop3A_548 = arith.extui %parallel_loop3A_547 : vector<16xi1> to vector<16xi32>
      %parallel_loop3A_549 = arith.addi %parallel_loop3A_465, %parallel_loop3A_548 : vector<16xi32>
      %parallel_loop3A_550 = arith.subi %parallel_loop3A_546, %parallel_loop3A_548 : vector<16xi32>
      %parallel_loop3A_551 = arith.cmpf ole, %parallel_loop3A_159, %parallel_loop3A_171 : vector<16xf32>
      %parallel_loop3A_552 = arith.extui %parallel_loop3A_551 : vector<16xi1> to vector<16xi32>
      %parallel_loop3A_553 = arith.addi %parallel_loop3A_469, %parallel_loop3A_552 : vector<16xi32>
      %parallel_loop3A_554 = arith.subi %parallel_loop3A_550, %parallel_loop3A_552 : vector<16xi32>
      %parallel_loop3A_555 = arith.cmpf ole, %parallel_loop3A_159, %parallel_loop3A_172 : vector<16xf32>
      %parallel_loop3A_556 = arith.extui %parallel_loop3A_555 : vector<16xi1> to vector<16xi32>
      %parallel_loop3A_557 = arith.addi %parallel_loop3A_473, %parallel_loop3A_556 : vector<16xi32>
      %parallel_loop3A_558 = arith.subi %parallel_loop3A_554, %parallel_loop3A_556 : vector<16xi32>
      %parallel_loop3A_559 = arith.cmpf ole, %parallel_loop3A_159, %parallel_loop3A_173 : vector<16xf32>
      %parallel_loop3A_560 = arith.extui %parallel_loop3A_559 : vector<16xi1> to vector<16xi32>
      %parallel_loop3A_561 = arith.addi %parallel_loop3A_477, %parallel_loop3A_560 : vector<16xi32>
      %parallel_loop3A_562 = arith.subi %parallel_loop3A_558, %parallel_loop3A_560 : vector<16xi32>
      %parallel_loop3A_563 = arith.cmpf ole, %parallel_loop3A_159, %parallel_loop3A_174 : vector<16xf32>
      %parallel_loop3A_564 = arith.extui %parallel_loop3A_563 : vector<16xi1> to vector<16xi32>
      %parallel_loop3A_565 = arith.addi %parallel_loop3A_481, %parallel_loop3A_564 : vector<16xi32>
      %parallel_loop3A_566 = arith.subi %parallel_loop3A_562, %parallel_loop3A_564 : vector<16xi32>
      %parallel_loop3A_567 = arith.cmpf ole, %parallel_loop3A_159, %parallel_loop3A_175 : vector<16xf32>
      %parallel_loop3A_568 = arith.extui %parallel_loop3A_567 : vector<16xi1> to vector<16xi32>
      %parallel_loop3A_569 = arith.addi %parallel_loop3A_485, %parallel_loop3A_568 : vector<16xi32>
      %parallel_loop3A_570 = arith.subi %parallel_loop3A_566, %parallel_loop3A_568 : vector<16xi32>
      %parallel_loop3A_571 = arith.cmpf ole, %parallel_loop3A_159, %parallel_loop3A_176 : vector<16xf32>
      %parallel_loop3A_572 = arith.extui %parallel_loop3A_571 : vector<16xi1> to vector<16xi32>
      %parallel_loop3A_573 = arith.addi %parallel_loop3A_489, %parallel_loop3A_572 : vector<16xi32>
      %parallel_loop3A_574 = arith.subi %parallel_loop3A_570, %parallel_loop3A_572 : vector<16xi32>
      %parallel_loop3A_575 = arith.cmpf ole, %parallel_loop3A_159, %parallel_loop3A_177 : vector<16xf32>
      %parallel_loop3A_576 = arith.extui %parallel_loop3A_575 : vector<16xi1> to vector<16xi32>
      %parallel_loop3A_577 = arith.addi %parallel_loop3A_493, %parallel_loop3A_576 : vector<16xi32>
      %parallel_loop3A_578 = arith.subi %parallel_loop3A_574, %parallel_loop3A_576 : vector<16xi32>
      %parallel_loop3A_579 = arith.cmpf ole, %parallel_loop3A_159, %parallel_loop3A_178 : vector<16xf32>
      %parallel_loop3A_580 = arith.extui %parallel_loop3A_579 : vector<16xi1> to vector<16xi32>
      %parallel_loop3A_581 = arith.addi %parallel_loop3A_497, %parallel_loop3A_580 : vector<16xi32>
      %parallel_loop3A_582 = arith.subi %parallel_loop3A_578, %parallel_loop3A_580 : vector<16xi32>
      %parallel_loop3A_583 = arith.cmpf ole, %parallel_loop3A_159, %parallel_loop3A_179 : vector<16xf32>
      %parallel_loop3A_584 = arith.extui %parallel_loop3A_583 : vector<16xi1> to vector<16xi32>
      %parallel_loop3A_585 = arith.addi %parallel_loop3A_501, %parallel_loop3A_584 : vector<16xi32>
      %parallel_loop3A_586 = arith.subi %parallel_loop3A_582, %parallel_loop3A_584 : vector<16xi32>
      %parallel_loop3A_587 = arith.cmpf ole, %parallel_loop3A_159, %parallel_loop3A_180 : vector<16xf32>
      %parallel_loop3A_588 = arith.extui %parallel_loop3A_587 : vector<16xi1> to vector<16xi32>
      %parallel_loop3A_589 = arith.addi %parallel_loop3A_505, %parallel_loop3A_588 : vector<16xi32>
      %parallel_loop3A_590 = arith.subi %parallel_loop3A_586, %parallel_loop3A_588 : vector<16xi32>
      %parallel_loop3A_591 = arith.cmpf ole, %parallel_loop3A_160, %parallel_loop3A_161 : vector<16xf32>
      %parallel_loop3A_592 = arith.extui %parallel_loop3A_591 : vector<16xi1> to vector<16xi32>
      %parallel_loop3A_593 = arith.addi %parallel_loop3A_513, %parallel_loop3A_592 : vector<16xi32>
      %parallel_loop3A_594 = arith.subi %parallel_loop3A_509, %parallel_loop3A_592 : vector<16xi32>
      %parallel_loop3A_595 = arith.cmpf ole, %parallel_loop3A_160, %parallel_loop3A_162 : vector<16xf32>
      %parallel_loop3A_596 = arith.extui %parallel_loop3A_595 : vector<16xi1> to vector<16xi32>
      %parallel_loop3A_597 = arith.addi %parallel_loop3A_517, %parallel_loop3A_596 : vector<16xi32>
      %parallel_loop3A_598 = arith.subi %parallel_loop3A_594, %parallel_loop3A_596 : vector<16xi32>
      %parallel_loop3A_599 = arith.cmpf ole, %parallel_loop3A_160, %parallel_loop3A_163 : vector<16xf32>
      %parallel_loop3A_600 = arith.extui %parallel_loop3A_599 : vector<16xi1> to vector<16xi32>
      %parallel_loop3A_601 = arith.addi %parallel_loop3A_521, %parallel_loop3A_600 : vector<16xi32>
      %parallel_loop3A_602 = arith.subi %parallel_loop3A_598, %parallel_loop3A_600 : vector<16xi32>
      %parallel_loop3A_603 = arith.cmpf ole, %parallel_loop3A_160, %parallel_loop3A_164 : vector<16xf32>
      %parallel_loop3A_604 = arith.extui %parallel_loop3A_603 : vector<16xi1> to vector<16xi32>
      %parallel_loop3A_605 = arith.addi %parallel_loop3A_525, %parallel_loop3A_604 : vector<16xi32>
      %parallel_loop3A_606 = arith.subi %parallel_loop3A_602, %parallel_loop3A_604 : vector<16xi32>
      %parallel_loop3A_607 = arith.cmpf ole, %parallel_loop3A_160, %parallel_loop3A_165 : vector<16xf32>
      %parallel_loop3A_608 = arith.extui %parallel_loop3A_607 : vector<16xi1> to vector<16xi32>
      %parallel_loop3A_609 = arith.addi %parallel_loop3A_529, %parallel_loop3A_608 : vector<16xi32>
      %parallel_loop3A_610 = arith.subi %parallel_loop3A_606, %parallel_loop3A_608 : vector<16xi32>
      %parallel_loop3A_611 = arith.cmpf ole, %parallel_loop3A_160, %parallel_loop3A_166 : vector<16xf32>
      %parallel_loop3A_612 = arith.extui %parallel_loop3A_611 : vector<16xi1> to vector<16xi32>
      %parallel_loop3A_613 = arith.addi %parallel_loop3A_533, %parallel_loop3A_612 : vector<16xi32>
      %parallel_loop3A_614 = arith.subi %parallel_loop3A_610, %parallel_loop3A_612 : vector<16xi32>
      %parallel_loop3A_615 = arith.cmpf ole, %parallel_loop3A_160, %parallel_loop3A_167 : vector<16xf32>
      %parallel_loop3A_616 = arith.extui %parallel_loop3A_615 : vector<16xi1> to vector<16xi32>
      %parallel_loop3A_617 = arith.addi %parallel_loop3A_537, %parallel_loop3A_616 : vector<16xi32>
      %parallel_loop3A_618 = arith.subi %parallel_loop3A_614, %parallel_loop3A_616 : vector<16xi32>
      %parallel_loop3A_619 = arith.cmpf ole, %parallel_loop3A_160, %parallel_loop3A_168 : vector<16xf32>
      %parallel_loop3A_620 = arith.extui %parallel_loop3A_619 : vector<16xi1> to vector<16xi32>
      %parallel_loop3A_621 = arith.addi %parallel_loop3A_541, %parallel_loop3A_620 : vector<16xi32>
      %parallel_loop3A_622 = arith.subi %parallel_loop3A_618, %parallel_loop3A_620 : vector<16xi32>
      %parallel_loop3A_623 = arith.cmpf ole, %parallel_loop3A_160, %parallel_loop3A_169 : vector<16xf32>
      %parallel_loop3A_624 = arith.extui %parallel_loop3A_623 : vector<16xi1> to vector<16xi32>
      %parallel_loop3A_625 = arith.addi %parallel_loop3A_545, %parallel_loop3A_624 : vector<16xi32>
      %parallel_loop3A_626 = arith.subi %parallel_loop3A_622, %parallel_loop3A_624 : vector<16xi32>
      %parallel_loop3A_627 = arith.cmpf ole, %parallel_loop3A_160, %parallel_loop3A_170 : vector<16xf32>
      %parallel_loop3A_628 = arith.extui %parallel_loop3A_627 : vector<16xi1> to vector<16xi32>
      %parallel_loop3A_629 = arith.addi %parallel_loop3A_549, %parallel_loop3A_628 : vector<16xi32>
      %parallel_loop3A_630 = arith.subi %parallel_loop3A_626, %parallel_loop3A_628 : vector<16xi32>
      %parallel_loop3A_631 = arith.cmpf ole, %parallel_loop3A_160, %parallel_loop3A_171 : vector<16xf32>
      %parallel_loop3A_632 = arith.extui %parallel_loop3A_631 : vector<16xi1> to vector<16xi32>
      %parallel_loop3A_633 = arith.addi %parallel_loop3A_553, %parallel_loop3A_632 : vector<16xi32>
      %parallel_loop3A_634 = arith.subi %parallel_loop3A_630, %parallel_loop3A_632 : vector<16xi32>
      %parallel_loop3A_635 = arith.cmpf ole, %parallel_loop3A_160, %parallel_loop3A_172 : vector<16xf32>
      %parallel_loop3A_636 = arith.extui %parallel_loop3A_635 : vector<16xi1> to vector<16xi32>
      %parallel_loop3A_637 = arith.addi %parallel_loop3A_557, %parallel_loop3A_636 : vector<16xi32>
      %parallel_loop3A_638 = arith.subi %parallel_loop3A_634, %parallel_loop3A_636 : vector<16xi32>
      %parallel_loop3A_639 = arith.cmpf ole, %parallel_loop3A_160, %parallel_loop3A_173 : vector<16xf32>
      %parallel_loop3A_640 = arith.extui %parallel_loop3A_639 : vector<16xi1> to vector<16xi32>
      %parallel_loop3A_641 = arith.addi %parallel_loop3A_561, %parallel_loop3A_640 : vector<16xi32>
      %parallel_loop3A_642 = arith.subi %parallel_loop3A_638, %parallel_loop3A_640 : vector<16xi32>
      %parallel_loop3A_643 = arith.cmpf ole, %parallel_loop3A_160, %parallel_loop3A_174 : vector<16xf32>
      %parallel_loop3A_644 = arith.extui %parallel_loop3A_643 : vector<16xi1> to vector<16xi32>
      %parallel_loop3A_645 = arith.addi %parallel_loop3A_565, %parallel_loop3A_644 : vector<16xi32>
      %parallel_loop3A_646 = arith.subi %parallel_loop3A_642, %parallel_loop3A_644 : vector<16xi32>
      %parallel_loop3A_647 = arith.cmpf ole, %parallel_loop3A_160, %parallel_loop3A_175 : vector<16xf32>
      %parallel_loop3A_648 = arith.extui %parallel_loop3A_647 : vector<16xi1> to vector<16xi32>
      %parallel_loop3A_649 = arith.addi %parallel_loop3A_569, %parallel_loop3A_648 : vector<16xi32>
      %parallel_loop3A_650 = arith.subi %parallel_loop3A_646, %parallel_loop3A_648 : vector<16xi32>
      %parallel_loop3A_651 = arith.cmpf ole, %parallel_loop3A_160, %parallel_loop3A_176 : vector<16xf32>
      %parallel_loop3A_652 = arith.extui %parallel_loop3A_651 : vector<16xi1> to vector<16xi32>
      %parallel_loop3A_653 = arith.addi %parallel_loop3A_573, %parallel_loop3A_652 : vector<16xi32>
      %parallel_loop3A_654 = arith.subi %parallel_loop3A_650, %parallel_loop3A_652 : vector<16xi32>
      %parallel_loop3A_655 = arith.cmpf ole, %parallel_loop3A_160, %parallel_loop3A_177 : vector<16xf32>
      %parallel_loop3A_656 = arith.extui %parallel_loop3A_655 : vector<16xi1> to vector<16xi32>
      %parallel_loop3A_657 = arith.addi %parallel_loop3A_577, %parallel_loop3A_656 : vector<16xi32>
      %parallel_loop3A_658 = arith.subi %parallel_loop3A_654, %parallel_loop3A_656 : vector<16xi32>
      %parallel_loop3A_659 = arith.cmpf ole, %parallel_loop3A_160, %parallel_loop3A_178 : vector<16xf32>
      %parallel_loop3A_660 = arith.extui %parallel_loop3A_659 : vector<16xi1> to vector<16xi32>
      %parallel_loop3A_661 = arith.addi %parallel_loop3A_581, %parallel_loop3A_660 : vector<16xi32>
      %parallel_loop3A_662 = arith.subi %parallel_loop3A_658, %parallel_loop3A_660 : vector<16xi32>
      %parallel_loop3A_663 = arith.cmpf ole, %parallel_loop3A_160, %parallel_loop3A_179 : vector<16xf32>
      %parallel_loop3A_664 = arith.extui %parallel_loop3A_663 : vector<16xi1> to vector<16xi32>
      %parallel_loop3A_665 = arith.addi %parallel_loop3A_585, %parallel_loop3A_664 : vector<16xi32>
      %parallel_loop3A_666 = arith.subi %parallel_loop3A_662, %parallel_loop3A_664 : vector<16xi32>
      %parallel_loop3A_667 = arith.cmpf ole, %parallel_loop3A_160, %parallel_loop3A_180 : vector<16xf32>
      %parallel_loop3A_668 = arith.extui %parallel_loop3A_667 : vector<16xi1> to vector<16xi32>
      %parallel_loop3A_669 = arith.addi %parallel_loop3A_589, %parallel_loop3A_668 : vector<16xi32>
      %parallel_loop3A_670 = arith.subi %parallel_loop3A_666, %parallel_loop3A_668 : vector<16xi32>
      %parallel_loop3A_671 = arith.cmpf ole, %parallel_loop3A_161, %parallel_loop3A_162 : vector<16xf32>
      %parallel_loop3A_672 = arith.extui %parallel_loop3A_671 : vector<16xi1> to vector<16xi32>
      %parallel_loop3A_673 = arith.addi %parallel_loop3A_597, %parallel_loop3A_672 : vector<16xi32>
      %parallel_loop3A_674 = arith.subi %parallel_loop3A_593, %parallel_loop3A_672 : vector<16xi32>
      %parallel_loop3A_675 = arith.cmpf ole, %parallel_loop3A_161, %parallel_loop3A_163 : vector<16xf32>
      %parallel_loop3A_676 = arith.extui %parallel_loop3A_675 : vector<16xi1> to vector<16xi32>
      %parallel_loop3A_677 = arith.addi %parallel_loop3A_601, %parallel_loop3A_676 : vector<16xi32>
      %parallel_loop3A_678 = arith.subi %parallel_loop3A_674, %parallel_loop3A_676 : vector<16xi32>
      %parallel_loop3A_679 = arith.cmpf ole, %parallel_loop3A_161, %parallel_loop3A_164 : vector<16xf32>
      %parallel_loop3A_680 = arith.extui %parallel_loop3A_679 : vector<16xi1> to vector<16xi32>
      %parallel_loop3A_681 = arith.addi %parallel_loop3A_605, %parallel_loop3A_680 : vector<16xi32>
      %parallel_loop3A_682 = arith.subi %parallel_loop3A_678, %parallel_loop3A_680 : vector<16xi32>
      %parallel_loop3A_683 = arith.cmpf ole, %parallel_loop3A_161, %parallel_loop3A_165 : vector<16xf32>
      %parallel_loop3A_684 = arith.extui %parallel_loop3A_683 : vector<16xi1> to vector<16xi32>
      %parallel_loop3A_685 = arith.addi %parallel_loop3A_609, %parallel_loop3A_684 : vector<16xi32>
      %parallel_loop3A_686 = arith.subi %parallel_loop3A_682, %parallel_loop3A_684 : vector<16xi32>
      %parallel_loop3A_687 = arith.cmpf ole, %parallel_loop3A_161, %parallel_loop3A_166 : vector<16xf32>
      %parallel_loop3A_688 = arith.extui %parallel_loop3A_687 : vector<16xi1> to vector<16xi32>
      %parallel_loop3A_689 = arith.addi %parallel_loop3A_613, %parallel_loop3A_688 : vector<16xi32>
      %parallel_loop3A_690 = arith.subi %parallel_loop3A_686, %parallel_loop3A_688 : vector<16xi32>
      %parallel_loop3A_691 = arith.cmpf ole, %parallel_loop3A_161, %parallel_loop3A_167 : vector<16xf32>
      %parallel_loop3A_692 = arith.extui %parallel_loop3A_691 : vector<16xi1> to vector<16xi32>
      %parallel_loop3A_693 = arith.addi %parallel_loop3A_617, %parallel_loop3A_692 : vector<16xi32>
      %parallel_loop3A_694 = arith.subi %parallel_loop3A_690, %parallel_loop3A_692 : vector<16xi32>
      %parallel_loop3A_695 = arith.cmpf ole, %parallel_loop3A_161, %parallel_loop3A_168 : vector<16xf32>
      %parallel_loop3A_696 = arith.extui %parallel_loop3A_695 : vector<16xi1> to vector<16xi32>
      %parallel_loop3A_697 = arith.addi %parallel_loop3A_621, %parallel_loop3A_696 : vector<16xi32>
      %parallel_loop3A_698 = arith.subi %parallel_loop3A_694, %parallel_loop3A_696 : vector<16xi32>
      %parallel_loop3A_699 = arith.cmpf ole, %parallel_loop3A_161, %parallel_loop3A_169 : vector<16xf32>
      %parallel_loop3A_700 = arith.extui %parallel_loop3A_699 : vector<16xi1> to vector<16xi32>
      %parallel_loop3A_701 = arith.addi %parallel_loop3A_625, %parallel_loop3A_700 : vector<16xi32>
      %parallel_loop3A_702 = arith.subi %parallel_loop3A_698, %parallel_loop3A_700 : vector<16xi32>
      %parallel_loop3A_703 = arith.cmpf ole, %parallel_loop3A_161, %parallel_loop3A_170 : vector<16xf32>
      %parallel_loop3A_704 = arith.extui %parallel_loop3A_703 : vector<16xi1> to vector<16xi32>
      %parallel_loop3A_705 = arith.addi %parallel_loop3A_629, %parallel_loop3A_704 : vector<16xi32>
      %parallel_loop3A_706 = arith.subi %parallel_loop3A_702, %parallel_loop3A_704 : vector<16xi32>
      %parallel_loop3A_707 = arith.cmpf ole, %parallel_loop3A_161, %parallel_loop3A_171 : vector<16xf32>
      %parallel_loop3A_708 = arith.extui %parallel_loop3A_707 : vector<16xi1> to vector<16xi32>
      %parallel_loop3A_709 = arith.addi %parallel_loop3A_633, %parallel_loop3A_708 : vector<16xi32>
      %parallel_loop3A_710 = arith.subi %parallel_loop3A_706, %parallel_loop3A_708 : vector<16xi32>
      %parallel_loop3A_711 = arith.cmpf ole, %parallel_loop3A_161, %parallel_loop3A_172 : vector<16xf32>
      %parallel_loop3A_712 = arith.extui %parallel_loop3A_711 : vector<16xi1> to vector<16xi32>
      %parallel_loop3A_713 = arith.addi %parallel_loop3A_637, %parallel_loop3A_712 : vector<16xi32>
      %parallel_loop3A_714 = arith.subi %parallel_loop3A_710, %parallel_loop3A_712 : vector<16xi32>
      %parallel_loop3A_715 = arith.cmpf ole, %parallel_loop3A_161, %parallel_loop3A_173 : vector<16xf32>
      %parallel_loop3A_716 = arith.extui %parallel_loop3A_715 : vector<16xi1> to vector<16xi32>
      %parallel_loop3A_717 = arith.addi %parallel_loop3A_641, %parallel_loop3A_716 : vector<16xi32>
      %parallel_loop3A_718 = arith.subi %parallel_loop3A_714, %parallel_loop3A_716 : vector<16xi32>
      %parallel_loop3A_719 = arith.cmpf ole, %parallel_loop3A_161, %parallel_loop3A_174 : vector<16xf32>
      %parallel_loop3A_720 = arith.extui %parallel_loop3A_719 : vector<16xi1> to vector<16xi32>
      %parallel_loop3A_721 = arith.addi %parallel_loop3A_645, %parallel_loop3A_720 : vector<16xi32>
      %parallel_loop3A_722 = arith.subi %parallel_loop3A_718, %parallel_loop3A_720 : vector<16xi32>
      %parallel_loop3A_723 = arith.cmpf ole, %parallel_loop3A_161, %parallel_loop3A_175 : vector<16xf32>
      %parallel_loop3A_724 = arith.extui %parallel_loop3A_723 : vector<16xi1> to vector<16xi32>
      %parallel_loop3A_725 = arith.addi %parallel_loop3A_649, %parallel_loop3A_724 : vector<16xi32>
      %parallel_loop3A_726 = arith.subi %parallel_loop3A_722, %parallel_loop3A_724 : vector<16xi32>
      %parallel_loop3A_727 = arith.cmpf ole, %parallel_loop3A_161, %parallel_loop3A_176 : vector<16xf32>
      %parallel_loop3A_728 = arith.extui %parallel_loop3A_727 : vector<16xi1> to vector<16xi32>
      %parallel_loop3A_729 = arith.addi %parallel_loop3A_653, %parallel_loop3A_728 : vector<16xi32>
      %parallel_loop3A_730 = arith.subi %parallel_loop3A_726, %parallel_loop3A_728 : vector<16xi32>
      %parallel_loop3A_731 = arith.cmpf ole, %parallel_loop3A_161, %parallel_loop3A_177 : vector<16xf32>
      %parallel_loop3A_732 = arith.extui %parallel_loop3A_731 : vector<16xi1> to vector<16xi32>
      %parallel_loop3A_733 = arith.addi %parallel_loop3A_657, %parallel_loop3A_732 : vector<16xi32>
      %parallel_loop3A_734 = arith.subi %parallel_loop3A_730, %parallel_loop3A_732 : vector<16xi32>
      %parallel_loop3A_735 = arith.cmpf ole, %parallel_loop3A_161, %parallel_loop3A_178 : vector<16xf32>
      %parallel_loop3A_736 = arith.extui %parallel_loop3A_735 : vector<16xi1> to vector<16xi32>
      %parallel_loop3A_737 = arith.addi %parallel_loop3A_661, %parallel_loop3A_736 : vector<16xi32>
      %parallel_loop3A_738 = arith.subi %parallel_loop3A_734, %parallel_loop3A_736 : vector<16xi32>
      %parallel_loop3A_739 = arith.cmpf ole, %parallel_loop3A_161, %parallel_loop3A_179 : vector<16xf32>
      %parallel_loop3A_740 = arith.extui %parallel_loop3A_739 : vector<16xi1> to vector<16xi32>
      %parallel_loop3A_741 = arith.addi %parallel_loop3A_665, %parallel_loop3A_740 : vector<16xi32>
      %parallel_loop3A_742 = arith.subi %parallel_loop3A_738, %parallel_loop3A_740 : vector<16xi32>
      %parallel_loop3A_743 = arith.cmpf ole, %parallel_loop3A_161, %parallel_loop3A_180 : vector<16xf32>
      %parallel_loop3A_744 = arith.extui %parallel_loop3A_743 : vector<16xi1> to vector<16xi32>
      %parallel_loop3A_745 = arith.addi %parallel_loop3A_669, %parallel_loop3A_744 : vector<16xi32>
      %parallel_loop3A_746 = arith.subi %parallel_loop3A_742, %parallel_loop3A_744 : vector<16xi32>
      %parallel_loop3A_747 = arith.cmpf ole, %parallel_loop3A_162, %parallel_loop3A_163 : vector<16xf32>
      %parallel_loop3A_748 = arith.extui %parallel_loop3A_747 : vector<16xi1> to vector<16xi32>
      %parallel_loop3A_749 = arith.addi %parallel_loop3A_677, %parallel_loop3A_748 : vector<16xi32>
      %parallel_loop3A_750 = arith.subi %parallel_loop3A_673, %parallel_loop3A_748 : vector<16xi32>
      %parallel_loop3A_751 = arith.cmpf ole, %parallel_loop3A_162, %parallel_loop3A_164 : vector<16xf32>
      %parallel_loop3A_752 = arith.extui %parallel_loop3A_751 : vector<16xi1> to vector<16xi32>
      %parallel_loop3A_753 = arith.addi %parallel_loop3A_681, %parallel_loop3A_752 : vector<16xi32>
      %parallel_loop3A_754 = arith.subi %parallel_loop3A_750, %parallel_loop3A_752 : vector<16xi32>
      %parallel_loop3A_755 = arith.cmpf ole, %parallel_loop3A_162, %parallel_loop3A_165 : vector<16xf32>
      %parallel_loop3A_756 = arith.extui %parallel_loop3A_755 : vector<16xi1> to vector<16xi32>
      %parallel_loop3A_757 = arith.addi %parallel_loop3A_685, %parallel_loop3A_756 : vector<16xi32>
      %parallel_loop3A_758 = arith.subi %parallel_loop3A_754, %parallel_loop3A_756 : vector<16xi32>
      %parallel_loop3A_759 = arith.cmpf ole, %parallel_loop3A_162, %parallel_loop3A_166 : vector<16xf32>
      %parallel_loop3A_760 = arith.extui %parallel_loop3A_759 : vector<16xi1> to vector<16xi32>
      %parallel_loop3A_761 = arith.addi %parallel_loop3A_689, %parallel_loop3A_760 : vector<16xi32>
      %parallel_loop3A_762 = arith.subi %parallel_loop3A_758, %parallel_loop3A_760 : vector<16xi32>
      %parallel_loop3A_763 = arith.cmpf ole, %parallel_loop3A_162, %parallel_loop3A_167 : vector<16xf32>
      %parallel_loop3A_764 = arith.extui %parallel_loop3A_763 : vector<16xi1> to vector<16xi32>
      %parallel_loop3A_765 = arith.addi %parallel_loop3A_693, %parallel_loop3A_764 : vector<16xi32>
      %parallel_loop3A_766 = arith.subi %parallel_loop3A_762, %parallel_loop3A_764 : vector<16xi32>
      %parallel_loop3A_767 = arith.cmpf ole, %parallel_loop3A_162, %parallel_loop3A_168 : vector<16xf32>
      %parallel_loop3A_768 = arith.extui %parallel_loop3A_767 : vector<16xi1> to vector<16xi32>
      %parallel_loop3A_769 = arith.addi %parallel_loop3A_697, %parallel_loop3A_768 : vector<16xi32>
      %parallel_loop3A_770 = arith.subi %parallel_loop3A_766, %parallel_loop3A_768 : vector<16xi32>
      %parallel_loop3A_771 = arith.cmpf ole, %parallel_loop3A_162, %parallel_loop3A_169 : vector<16xf32>
      %parallel_loop3A_772 = arith.extui %parallel_loop3A_771 : vector<16xi1> to vector<16xi32>
      %parallel_loop3A_773 = arith.addi %parallel_loop3A_701, %parallel_loop3A_772 : vector<16xi32>
      %parallel_loop3A_774 = arith.subi %parallel_loop3A_770, %parallel_loop3A_772 : vector<16xi32>
      %parallel_loop3A_775 = arith.cmpf ole, %parallel_loop3A_162, %parallel_loop3A_170 : vector<16xf32>
      %parallel_loop3A_776 = arith.extui %parallel_loop3A_775 : vector<16xi1> to vector<16xi32>
      %parallel_loop3A_777 = arith.addi %parallel_loop3A_705, %parallel_loop3A_776 : vector<16xi32>
      %parallel_loop3A_778 = arith.subi %parallel_loop3A_774, %parallel_loop3A_776 : vector<16xi32>
      %parallel_loop3A_779 = arith.cmpf ole, %parallel_loop3A_162, %parallel_loop3A_171 : vector<16xf32>
      %parallel_loop3A_780 = arith.extui %parallel_loop3A_779 : vector<16xi1> to vector<16xi32>
      %parallel_loop3A_781 = arith.addi %parallel_loop3A_709, %parallel_loop3A_780 : vector<16xi32>
      %parallel_loop3A_782 = arith.subi %parallel_loop3A_778, %parallel_loop3A_780 : vector<16xi32>
      %parallel_loop3A_783 = arith.cmpf ole, %parallel_loop3A_162, %parallel_loop3A_172 : vector<16xf32>
      %parallel_loop3A_784 = arith.extui %parallel_loop3A_783 : vector<16xi1> to vector<16xi32>
      %parallel_loop3A_785 = arith.addi %parallel_loop3A_713, %parallel_loop3A_784 : vector<16xi32>
      %parallel_loop3A_786 = arith.subi %parallel_loop3A_782, %parallel_loop3A_784 : vector<16xi32>
      %parallel_loop3A_787 = arith.cmpf ole, %parallel_loop3A_162, %parallel_loop3A_173 : vector<16xf32>
      %parallel_loop3A_788 = arith.extui %parallel_loop3A_787 : vector<16xi1> to vector<16xi32>
      %parallel_loop3A_789 = arith.addi %parallel_loop3A_717, %parallel_loop3A_788 : vector<16xi32>
      %parallel_loop3A_790 = arith.subi %parallel_loop3A_786, %parallel_loop3A_788 : vector<16xi32>
      %parallel_loop3A_791 = arith.cmpf ole, %parallel_loop3A_162, %parallel_loop3A_174 : vector<16xf32>
      %parallel_loop3A_792 = arith.extui %parallel_loop3A_791 : vector<16xi1> to vector<16xi32>
      %parallel_loop3A_793 = arith.addi %parallel_loop3A_721, %parallel_loop3A_792 : vector<16xi32>
      %parallel_loop3A_794 = arith.subi %parallel_loop3A_790, %parallel_loop3A_792 : vector<16xi32>
      %parallel_loop3A_795 = arith.cmpf ole, %parallel_loop3A_162, %parallel_loop3A_175 : vector<16xf32>
      %parallel_loop3A_796 = arith.extui %parallel_loop3A_795 : vector<16xi1> to vector<16xi32>
      %parallel_loop3A_797 = arith.addi %parallel_loop3A_725, %parallel_loop3A_796 : vector<16xi32>
      %parallel_loop3A_798 = arith.subi %parallel_loop3A_794, %parallel_loop3A_796 : vector<16xi32>
      %parallel_loop3A_799 = arith.cmpf ole, %parallel_loop3A_162, %parallel_loop3A_176 : vector<16xf32>
      %parallel_loop3A_800 = arith.extui %parallel_loop3A_799 : vector<16xi1> to vector<16xi32>
      %parallel_loop3A_801 = arith.addi %parallel_loop3A_729, %parallel_loop3A_800 : vector<16xi32>
      %parallel_loop3A_802 = arith.subi %parallel_loop3A_798, %parallel_loop3A_800 : vector<16xi32>
      %parallel_loop3A_803 = arith.cmpf ole, %parallel_loop3A_162, %parallel_loop3A_177 : vector<16xf32>
      %parallel_loop3A_804 = arith.extui %parallel_loop3A_803 : vector<16xi1> to vector<16xi32>
      %parallel_loop3A_805 = arith.addi %parallel_loop3A_733, %parallel_loop3A_804 : vector<16xi32>
      %parallel_loop3A_806 = arith.subi %parallel_loop3A_802, %parallel_loop3A_804 : vector<16xi32>
      %parallel_loop3A_807 = arith.cmpf ole, %parallel_loop3A_162, %parallel_loop3A_178 : vector<16xf32>
      %parallel_loop3A_808 = arith.extui %parallel_loop3A_807 : vector<16xi1> to vector<16xi32>
      %parallel_loop3A_809 = arith.addi %parallel_loop3A_737, %parallel_loop3A_808 : vector<16xi32>
      %parallel_loop3A_810 = arith.subi %parallel_loop3A_806, %parallel_loop3A_808 : vector<16xi32>
      %parallel_loop3A_811 = arith.cmpf ole, %parallel_loop3A_162, %parallel_loop3A_179 : vector<16xf32>
      %parallel_loop3A_812 = arith.extui %parallel_loop3A_811 : vector<16xi1> to vector<16xi32>
      %parallel_loop3A_813 = arith.addi %parallel_loop3A_741, %parallel_loop3A_812 : vector<16xi32>
      %parallel_loop3A_814 = arith.subi %parallel_loop3A_810, %parallel_loop3A_812 : vector<16xi32>
      %parallel_loop3A_815 = arith.cmpf ole, %parallel_loop3A_162, %parallel_loop3A_180 : vector<16xf32>
      %parallel_loop3A_816 = arith.extui %parallel_loop3A_815 : vector<16xi1> to vector<16xi32>
      %parallel_loop3A_817 = arith.addi %parallel_loop3A_745, %parallel_loop3A_816 : vector<16xi32>
      %parallel_loop3A_818 = arith.subi %parallel_loop3A_814, %parallel_loop3A_816 : vector<16xi32>
      %parallel_loop3A_819 = arith.cmpf ole, %parallel_loop3A_163, %parallel_loop3A_164 : vector<16xf32>
      %parallel_loop3A_820 = arith.extui %parallel_loop3A_819 : vector<16xi1> to vector<16xi32>
      %parallel_loop3A_821 = arith.addi %parallel_loop3A_753, %parallel_loop3A_820 : vector<16xi32>
      %parallel_loop3A_822 = arith.subi %parallel_loop3A_749, %parallel_loop3A_820 : vector<16xi32>
      %parallel_loop3A_823 = arith.cmpf ole, %parallel_loop3A_163, %parallel_loop3A_165 : vector<16xf32>
      %parallel_loop3A_824 = arith.extui %parallel_loop3A_823 : vector<16xi1> to vector<16xi32>
      %parallel_loop3A_825 = arith.addi %parallel_loop3A_757, %parallel_loop3A_824 : vector<16xi32>
      %parallel_loop3A_826 = arith.subi %parallel_loop3A_822, %parallel_loop3A_824 : vector<16xi32>
      %parallel_loop3A_827 = arith.cmpf ole, %parallel_loop3A_163, %parallel_loop3A_166 : vector<16xf32>
      %parallel_loop3A_828 = arith.extui %parallel_loop3A_827 : vector<16xi1> to vector<16xi32>
      %parallel_loop3A_829 = arith.addi %parallel_loop3A_761, %parallel_loop3A_828 : vector<16xi32>
      %parallel_loop3A_830 = arith.subi %parallel_loop3A_826, %parallel_loop3A_828 : vector<16xi32>
      %parallel_loop3A_831 = arith.cmpf ole, %parallel_loop3A_163, %parallel_loop3A_167 : vector<16xf32>
      %parallel_loop3A_832 = arith.extui %parallel_loop3A_831 : vector<16xi1> to vector<16xi32>
      %parallel_loop3A_833 = arith.addi %parallel_loop3A_765, %parallel_loop3A_832 : vector<16xi32>
      %parallel_loop3A_834 = arith.subi %parallel_loop3A_830, %parallel_loop3A_832 : vector<16xi32>
      %parallel_loop3A_835 = arith.cmpf ole, %parallel_loop3A_163, %parallel_loop3A_168 : vector<16xf32>
      %parallel_loop3A_836 = arith.extui %parallel_loop3A_835 : vector<16xi1> to vector<16xi32>
      %parallel_loop3A_837 = arith.addi %parallel_loop3A_769, %parallel_loop3A_836 : vector<16xi32>
      %parallel_loop3A_838 = arith.subi %parallel_loop3A_834, %parallel_loop3A_836 : vector<16xi32>
      %parallel_loop3A_839 = arith.cmpf ole, %parallel_loop3A_163, %parallel_loop3A_169 : vector<16xf32>
      %parallel_loop3A_840 = arith.extui %parallel_loop3A_839 : vector<16xi1> to vector<16xi32>
      %parallel_loop3A_841 = arith.addi %parallel_loop3A_773, %parallel_loop3A_840 : vector<16xi32>
      %parallel_loop3A_842 = arith.subi %parallel_loop3A_838, %parallel_loop3A_840 : vector<16xi32>
      %parallel_loop3A_843 = arith.cmpf ole, %parallel_loop3A_163, %parallel_loop3A_170 : vector<16xf32>
      %parallel_loop3A_844 = arith.extui %parallel_loop3A_843 : vector<16xi1> to vector<16xi32>
      %parallel_loop3A_845 = arith.addi %parallel_loop3A_777, %parallel_loop3A_844 : vector<16xi32>
      %parallel_loop3A_846 = arith.subi %parallel_loop3A_842, %parallel_loop3A_844 : vector<16xi32>
      %parallel_loop3A_847 = arith.cmpf ole, %parallel_loop3A_163, %parallel_loop3A_171 : vector<16xf32>
      %parallel_loop3A_848 = arith.extui %parallel_loop3A_847 : vector<16xi1> to vector<16xi32>
      %parallel_loop3A_849 = arith.addi %parallel_loop3A_781, %parallel_loop3A_848 : vector<16xi32>
      %parallel_loop3A_850 = arith.subi %parallel_loop3A_846, %parallel_loop3A_848 : vector<16xi32>
      %parallel_loop3A_851 = arith.cmpf ole, %parallel_loop3A_163, %parallel_loop3A_172 : vector<16xf32>
      %parallel_loop3A_852 = arith.extui %parallel_loop3A_851 : vector<16xi1> to vector<16xi32>
      %parallel_loop3A_853 = arith.addi %parallel_loop3A_785, %parallel_loop3A_852 : vector<16xi32>
      %parallel_loop3A_854 = arith.subi %parallel_loop3A_850, %parallel_loop3A_852 : vector<16xi32>
      %parallel_loop3A_855 = arith.cmpf ole, %parallel_loop3A_163, %parallel_loop3A_173 : vector<16xf32>
      %parallel_loop3A_856 = arith.extui %parallel_loop3A_855 : vector<16xi1> to vector<16xi32>
      %parallel_loop3A_857 = arith.addi %parallel_loop3A_789, %parallel_loop3A_856 : vector<16xi32>
      %parallel_loop3A_858 = arith.subi %parallel_loop3A_854, %parallel_loop3A_856 : vector<16xi32>
      %parallel_loop3A_859 = arith.cmpf ole, %parallel_loop3A_163, %parallel_loop3A_174 : vector<16xf32>
      %parallel_loop3A_860 = arith.extui %parallel_loop3A_859 : vector<16xi1> to vector<16xi32>
      %parallel_loop3A_861 = arith.addi %parallel_loop3A_793, %parallel_loop3A_860 : vector<16xi32>
      %parallel_loop3A_862 = arith.subi %parallel_loop3A_858, %parallel_loop3A_860 : vector<16xi32>
      %parallel_loop3A_863 = arith.cmpf ole, %parallel_loop3A_163, %parallel_loop3A_175 : vector<16xf32>
      %parallel_loop3A_864 = arith.extui %parallel_loop3A_863 : vector<16xi1> to vector<16xi32>
      %parallel_loop3A_865 = arith.addi %parallel_loop3A_797, %parallel_loop3A_864 : vector<16xi32>
      %parallel_loop3A_866 = arith.subi %parallel_loop3A_862, %parallel_loop3A_864 : vector<16xi32>
      %parallel_loop3A_867 = arith.cmpf ole, %parallel_loop3A_163, %parallel_loop3A_176 : vector<16xf32>
      %parallel_loop3A_868 = arith.extui %parallel_loop3A_867 : vector<16xi1> to vector<16xi32>
      %parallel_loop3A_869 = arith.addi %parallel_loop3A_801, %parallel_loop3A_868 : vector<16xi32>
      %parallel_loop3A_870 = arith.subi %parallel_loop3A_866, %parallel_loop3A_868 : vector<16xi32>
      %parallel_loop3A_871 = arith.cmpf ole, %parallel_loop3A_163, %parallel_loop3A_177 : vector<16xf32>
      %parallel_loop3A_872 = arith.extui %parallel_loop3A_871 : vector<16xi1> to vector<16xi32>
      %parallel_loop3A_873 = arith.addi %parallel_loop3A_805, %parallel_loop3A_872 : vector<16xi32>
      %parallel_loop3A_874 = arith.subi %parallel_loop3A_870, %parallel_loop3A_872 : vector<16xi32>
      %parallel_loop3A_875 = arith.cmpf ole, %parallel_loop3A_163, %parallel_loop3A_178 : vector<16xf32>
      %parallel_loop3A_876 = arith.extui %parallel_loop3A_875 : vector<16xi1> to vector<16xi32>
      %parallel_loop3A_877 = arith.addi %parallel_loop3A_809, %parallel_loop3A_876 : vector<16xi32>
      %parallel_loop3A_878 = arith.subi %parallel_loop3A_874, %parallel_loop3A_876 : vector<16xi32>
      %parallel_loop3A_879 = arith.cmpf ole, %parallel_loop3A_163, %parallel_loop3A_179 : vector<16xf32>
      %parallel_loop3A_880 = arith.extui %parallel_loop3A_879 : vector<16xi1> to vector<16xi32>
      %parallel_loop3A_881 = arith.addi %parallel_loop3A_813, %parallel_loop3A_880 : vector<16xi32>
      %parallel_loop3A_882 = arith.subi %parallel_loop3A_878, %parallel_loop3A_880 : vector<16xi32>
      %parallel_loop3A_883 = arith.cmpf ole, %parallel_loop3A_163, %parallel_loop3A_180 : vector<16xf32>
      %parallel_loop3A_884 = arith.extui %parallel_loop3A_883 : vector<16xi1> to vector<16xi32>
      %parallel_loop3A_885 = arith.addi %parallel_loop3A_817, %parallel_loop3A_884 : vector<16xi32>
      %parallel_loop3A_886 = arith.subi %parallel_loop3A_882, %parallel_loop3A_884 : vector<16xi32>
      %parallel_loop3A_887 = arith.cmpf ole, %parallel_loop3A_164, %parallel_loop3A_165 : vector<16xf32>
      %parallel_loop3A_888 = arith.extui %parallel_loop3A_887 : vector<16xi1> to vector<16xi32>
      %parallel_loop3A_889 = arith.addi %parallel_loop3A_825, %parallel_loop3A_888 : vector<16xi32>
      %parallel_loop3A_890 = arith.subi %parallel_loop3A_821, %parallel_loop3A_888 : vector<16xi32>
      %parallel_loop3A_891 = arith.cmpf ole, %parallel_loop3A_164, %parallel_loop3A_166 : vector<16xf32>
      %parallel_loop3A_892 = arith.extui %parallel_loop3A_891 : vector<16xi1> to vector<16xi32>
      %parallel_loop3A_893 = arith.addi %parallel_loop3A_829, %parallel_loop3A_892 : vector<16xi32>
      %parallel_loop3A_894 = arith.subi %parallel_loop3A_890, %parallel_loop3A_892 : vector<16xi32>
      %parallel_loop3A_895 = arith.cmpf ole, %parallel_loop3A_164, %parallel_loop3A_167 : vector<16xf32>
      %parallel_loop3A_896 = arith.extui %parallel_loop3A_895 : vector<16xi1> to vector<16xi32>
      %parallel_loop3A_897 = arith.addi %parallel_loop3A_833, %parallel_loop3A_896 : vector<16xi32>
      %parallel_loop3A_898 = arith.subi %parallel_loop3A_894, %parallel_loop3A_896 : vector<16xi32>
      %parallel_loop3A_899 = arith.cmpf ole, %parallel_loop3A_164, %parallel_loop3A_168 : vector<16xf32>
      %parallel_loop3A_900 = arith.extui %parallel_loop3A_899 : vector<16xi1> to vector<16xi32>
      %parallel_loop3A_901 = arith.addi %parallel_loop3A_837, %parallel_loop3A_900 : vector<16xi32>
      %parallel_loop3A_902 = arith.subi %parallel_loop3A_898, %parallel_loop3A_900 : vector<16xi32>
      %parallel_loop3A_903 = arith.cmpf ole, %parallel_loop3A_164, %parallel_loop3A_169 : vector<16xf32>
      %parallel_loop3A_904 = arith.extui %parallel_loop3A_903 : vector<16xi1> to vector<16xi32>
      %parallel_loop3A_905 = arith.addi %parallel_loop3A_841, %parallel_loop3A_904 : vector<16xi32>
      %parallel_loop3A_906 = arith.subi %parallel_loop3A_902, %parallel_loop3A_904 : vector<16xi32>
      %parallel_loop3A_907 = arith.cmpf ole, %parallel_loop3A_164, %parallel_loop3A_170 : vector<16xf32>
      %parallel_loop3A_908 = arith.extui %parallel_loop3A_907 : vector<16xi1> to vector<16xi32>
      %parallel_loop3A_909 = arith.addi %parallel_loop3A_845, %parallel_loop3A_908 : vector<16xi32>
      %parallel_loop3A_910 = arith.subi %parallel_loop3A_906, %parallel_loop3A_908 : vector<16xi32>
      %parallel_loop3A_911 = arith.cmpf ole, %parallel_loop3A_164, %parallel_loop3A_171 : vector<16xf32>
      %parallel_loop3A_912 = arith.extui %parallel_loop3A_911 : vector<16xi1> to vector<16xi32>
      %parallel_loop3A_913 = arith.addi %parallel_loop3A_849, %parallel_loop3A_912 : vector<16xi32>
      %parallel_loop3A_914 = arith.subi %parallel_loop3A_910, %parallel_loop3A_912 : vector<16xi32>
      %parallel_loop3A_915 = arith.cmpf ole, %parallel_loop3A_164, %parallel_loop3A_172 : vector<16xf32>
      %parallel_loop3A_916 = arith.extui %parallel_loop3A_915 : vector<16xi1> to vector<16xi32>
      %parallel_loop3A_917 = arith.addi %parallel_loop3A_853, %parallel_loop3A_916 : vector<16xi32>
      %parallel_loop3A_918 = arith.subi %parallel_loop3A_914, %parallel_loop3A_916 : vector<16xi32>
      %parallel_loop3A_919 = arith.cmpf ole, %parallel_loop3A_164, %parallel_loop3A_173 : vector<16xf32>
      %parallel_loop3A_920 = arith.extui %parallel_loop3A_919 : vector<16xi1> to vector<16xi32>
      %parallel_loop3A_921 = arith.addi %parallel_loop3A_857, %parallel_loop3A_920 : vector<16xi32>
      %parallel_loop3A_922 = arith.subi %parallel_loop3A_918, %parallel_loop3A_920 : vector<16xi32>
      %parallel_loop3A_923 = arith.cmpf ole, %parallel_loop3A_164, %parallel_loop3A_174 : vector<16xf32>
      %parallel_loop3A_924 = arith.extui %parallel_loop3A_923 : vector<16xi1> to vector<16xi32>
      %parallel_loop3A_925 = arith.addi %parallel_loop3A_861, %parallel_loop3A_924 : vector<16xi32>
      %parallel_loop3A_926 = arith.subi %parallel_loop3A_922, %parallel_loop3A_924 : vector<16xi32>
      %parallel_loop3A_927 = arith.cmpf ole, %parallel_loop3A_164, %parallel_loop3A_175 : vector<16xf32>
      %parallel_loop3A_928 = arith.extui %parallel_loop3A_927 : vector<16xi1> to vector<16xi32>
      %parallel_loop3A_929 = arith.addi %parallel_loop3A_865, %parallel_loop3A_928 : vector<16xi32>
      %parallel_loop3A_930 = arith.subi %parallel_loop3A_926, %parallel_loop3A_928 : vector<16xi32>
      %parallel_loop3A_931 = arith.cmpf ole, %parallel_loop3A_164, %parallel_loop3A_176 : vector<16xf32>
      %parallel_loop3A_932 = arith.extui %parallel_loop3A_931 : vector<16xi1> to vector<16xi32>
      %parallel_loop3A_933 = arith.addi %parallel_loop3A_869, %parallel_loop3A_932 : vector<16xi32>
      %parallel_loop3A_934 = arith.subi %parallel_loop3A_930, %parallel_loop3A_932 : vector<16xi32>
      %parallel_loop3A_935 = arith.cmpf ole, %parallel_loop3A_164, %parallel_loop3A_177 : vector<16xf32>
      %parallel_loop3A_936 = arith.extui %parallel_loop3A_935 : vector<16xi1> to vector<16xi32>
      %parallel_loop3A_937 = arith.addi %parallel_loop3A_873, %parallel_loop3A_936 : vector<16xi32>
      %parallel_loop3A_938 = arith.subi %parallel_loop3A_934, %parallel_loop3A_936 : vector<16xi32>
      %parallel_loop3A_939 = arith.cmpf ole, %parallel_loop3A_164, %parallel_loop3A_178 : vector<16xf32>
      %parallel_loop3A_940 = arith.extui %parallel_loop3A_939 : vector<16xi1> to vector<16xi32>
      %parallel_loop3A_941 = arith.addi %parallel_loop3A_877, %parallel_loop3A_940 : vector<16xi32>
      %parallel_loop3A_942 = arith.subi %parallel_loop3A_938, %parallel_loop3A_940 : vector<16xi32>
      %parallel_loop3A_943 = arith.cmpf ole, %parallel_loop3A_164, %parallel_loop3A_179 : vector<16xf32>
      %parallel_loop3A_944 = arith.extui %parallel_loop3A_943 : vector<16xi1> to vector<16xi32>
      %parallel_loop3A_945 = arith.addi %parallel_loop3A_881, %parallel_loop3A_944 : vector<16xi32>
      %parallel_loop3A_946 = arith.subi %parallel_loop3A_942, %parallel_loop3A_944 : vector<16xi32>
      %parallel_loop3A_947 = arith.cmpf ole, %parallel_loop3A_164, %parallel_loop3A_180 : vector<16xf32>
      %parallel_loop3A_948 = arith.extui %parallel_loop3A_947 : vector<16xi1> to vector<16xi32>
      %parallel_loop3A_949 = arith.addi %parallel_loop3A_885, %parallel_loop3A_948 : vector<16xi32>
      %parallel_loop3A_950 = arith.subi %parallel_loop3A_946, %parallel_loop3A_948 : vector<16xi32>
      %parallel_loop3A_951 = arith.cmpf ole, %parallel_loop3A_165, %parallel_loop3A_166 : vector<16xf32>
      %parallel_loop3A_952 = arith.extui %parallel_loop3A_951 : vector<16xi1> to vector<16xi32>
      %parallel_loop3A_953 = arith.addi %parallel_loop3A_893, %parallel_loop3A_952 : vector<16xi32>
      %parallel_loop3A_954 = arith.subi %parallel_loop3A_889, %parallel_loop3A_952 : vector<16xi32>
      %parallel_loop3A_955 = arith.cmpf ole, %parallel_loop3A_165, %parallel_loop3A_167 : vector<16xf32>
      %parallel_loop3A_956 = arith.extui %parallel_loop3A_955 : vector<16xi1> to vector<16xi32>
      %parallel_loop3A_957 = arith.addi %parallel_loop3A_897, %parallel_loop3A_956 : vector<16xi32>
      %parallel_loop3A_958 = arith.subi %parallel_loop3A_954, %parallel_loop3A_956 : vector<16xi32>
      %parallel_loop3A_959 = arith.cmpf ole, %parallel_loop3A_165, %parallel_loop3A_168 : vector<16xf32>
      %parallel_loop3A_960 = arith.extui %parallel_loop3A_959 : vector<16xi1> to vector<16xi32>
      %parallel_loop3A_961 = arith.addi %parallel_loop3A_901, %parallel_loop3A_960 : vector<16xi32>
      %parallel_loop3A_962 = arith.subi %parallel_loop3A_958, %parallel_loop3A_960 : vector<16xi32>
      %parallel_loop3A_963 = arith.cmpf ole, %parallel_loop3A_165, %parallel_loop3A_169 : vector<16xf32>
      %parallel_loop3A_964 = arith.extui %parallel_loop3A_963 : vector<16xi1> to vector<16xi32>
      %parallel_loop3A_965 = arith.addi %parallel_loop3A_905, %parallel_loop3A_964 : vector<16xi32>
      %parallel_loop3A_966 = arith.subi %parallel_loop3A_962, %parallel_loop3A_964 : vector<16xi32>
      %parallel_loop3A_967 = arith.cmpf ole, %parallel_loop3A_165, %parallel_loop3A_170 : vector<16xf32>
      %parallel_loop3A_968 = arith.extui %parallel_loop3A_967 : vector<16xi1> to vector<16xi32>
      %parallel_loop3A_969 = arith.addi %parallel_loop3A_909, %parallel_loop3A_968 : vector<16xi32>
      %parallel_loop3A_970 = arith.subi %parallel_loop3A_966, %parallel_loop3A_968 : vector<16xi32>
      %parallel_loop3A_971 = arith.cmpf ole, %parallel_loop3A_165, %parallel_loop3A_171 : vector<16xf32>
      %parallel_loop3A_972 = arith.extui %parallel_loop3A_971 : vector<16xi1> to vector<16xi32>
      %parallel_loop3A_973 = arith.addi %parallel_loop3A_913, %parallel_loop3A_972 : vector<16xi32>
      %parallel_loop3A_974 = arith.subi %parallel_loop3A_970, %parallel_loop3A_972 : vector<16xi32>
      %parallel_loop3A_975 = arith.cmpf ole, %parallel_loop3A_165, %parallel_loop3A_172 : vector<16xf32>
      %parallel_loop3A_976 = arith.extui %parallel_loop3A_975 : vector<16xi1> to vector<16xi32>
      %parallel_loop3A_977 = arith.addi %parallel_loop3A_917, %parallel_loop3A_976 : vector<16xi32>
      %parallel_loop3A_978 = arith.subi %parallel_loop3A_974, %parallel_loop3A_976 : vector<16xi32>
      %parallel_loop3A_979 = arith.cmpf ole, %parallel_loop3A_165, %parallel_loop3A_173 : vector<16xf32>
      %parallel_loop3A_980 = arith.extui %parallel_loop3A_979 : vector<16xi1> to vector<16xi32>
      %parallel_loop3A_981 = arith.addi %parallel_loop3A_921, %parallel_loop3A_980 : vector<16xi32>
      %parallel_loop3A_982 = arith.subi %parallel_loop3A_978, %parallel_loop3A_980 : vector<16xi32>
      %parallel_loop3A_983 = arith.cmpf ole, %parallel_loop3A_165, %parallel_loop3A_174 : vector<16xf32>
      %parallel_loop3A_984 = arith.extui %parallel_loop3A_983 : vector<16xi1> to vector<16xi32>
      %parallel_loop3A_985 = arith.addi %parallel_loop3A_925, %parallel_loop3A_984 : vector<16xi32>
      %parallel_loop3A_986 = arith.subi %parallel_loop3A_982, %parallel_loop3A_984 : vector<16xi32>
      %parallel_loop3A_987 = arith.cmpf ole, %parallel_loop3A_165, %parallel_loop3A_175 : vector<16xf32>
      %parallel_loop3A_988 = arith.extui %parallel_loop3A_987 : vector<16xi1> to vector<16xi32>
      %parallel_loop3A_989 = arith.addi %parallel_loop3A_929, %parallel_loop3A_988 : vector<16xi32>
      %parallel_loop3A_990 = arith.subi %parallel_loop3A_986, %parallel_loop3A_988 : vector<16xi32>
      %parallel_loop3A_991 = arith.cmpf ole, %parallel_loop3A_165, %parallel_loop3A_176 : vector<16xf32>
      %parallel_loop3A_992 = arith.extui %parallel_loop3A_991 : vector<16xi1> to vector<16xi32>
      %parallel_loop3A_993 = arith.addi %parallel_loop3A_933, %parallel_loop3A_992 : vector<16xi32>
      %parallel_loop3A_994 = arith.subi %parallel_loop3A_990, %parallel_loop3A_992 : vector<16xi32>
      %parallel_loop3A_995 = arith.cmpf ole, %parallel_loop3A_165, %parallel_loop3A_177 : vector<16xf32>
      %parallel_loop3A_996 = arith.extui %parallel_loop3A_995 : vector<16xi1> to vector<16xi32>
      %parallel_loop3A_997 = arith.addi %parallel_loop3A_937, %parallel_loop3A_996 : vector<16xi32>
      %parallel_loop3A_998 = arith.subi %parallel_loop3A_994, %parallel_loop3A_996 : vector<16xi32>
      %parallel_loop3A_999 = arith.cmpf ole, %parallel_loop3A_165, %parallel_loop3A_178 : vector<16xf32>
      %parallel_loop3A_1000 = arith.extui %parallel_loop3A_999 : vector<16xi1> to vector<16xi32>
      %parallel_loop3A_1001 = arith.addi %parallel_loop3A_941, %parallel_loop3A_1000 : vector<16xi32>
      %parallel_loop3A_1002 = arith.subi %parallel_loop3A_998, %parallel_loop3A_1000 : vector<16xi32>
      %parallel_loop3A_1003 = arith.cmpf ole, %parallel_loop3A_165, %parallel_loop3A_179 : vector<16xf32>
      %parallel_loop3A_1004 = arith.extui %parallel_loop3A_1003 : vector<16xi1> to vector<16xi32>
      %parallel_loop3A_1005 = arith.addi %parallel_loop3A_945, %parallel_loop3A_1004 : vector<16xi32>
      %parallel_loop3A_1006 = arith.subi %parallel_loop3A_1002, %parallel_loop3A_1004 : vector<16xi32>
      %parallel_loop3A_1007 = arith.cmpf ole, %parallel_loop3A_165, %parallel_loop3A_180 : vector<16xf32>
      %parallel_loop3A_1008 = arith.extui %parallel_loop3A_1007 : vector<16xi1> to vector<16xi32>
      %parallel_loop3A_1009 = arith.addi %parallel_loop3A_949, %parallel_loop3A_1008 : vector<16xi32>
      %parallel_loop3A_1010 = arith.subi %parallel_loop3A_1006, %parallel_loop3A_1008 : vector<16xi32>
      %parallel_loop3A_1011 = arith.cmpf ole, %parallel_loop3A_166, %parallel_loop3A_167 : vector<16xf32>
      %parallel_loop3A_1012 = arith.extui %parallel_loop3A_1011 : vector<16xi1> to vector<16xi32>
      %parallel_loop3A_1013 = arith.addi %parallel_loop3A_957, %parallel_loop3A_1012 : vector<16xi32>
      %parallel_loop3A_1014 = arith.subi %parallel_loop3A_953, %parallel_loop3A_1012 : vector<16xi32>
      %parallel_loop3A_1015 = arith.cmpf ole, %parallel_loop3A_166, %parallel_loop3A_168 : vector<16xf32>
      %parallel_loop3A_1016 = arith.extui %parallel_loop3A_1015 : vector<16xi1> to vector<16xi32>
      %parallel_loop3A_1017 = arith.addi %parallel_loop3A_961, %parallel_loop3A_1016 : vector<16xi32>
      %parallel_loop3A_1018 = arith.subi %parallel_loop3A_1014, %parallel_loop3A_1016 : vector<16xi32>
      %parallel_loop3A_1019 = arith.cmpf ole, %parallel_loop3A_166, %parallel_loop3A_169 : vector<16xf32>
      %parallel_loop3A_1020 = arith.extui %parallel_loop3A_1019 : vector<16xi1> to vector<16xi32>
      %parallel_loop3A_1021 = arith.addi %parallel_loop3A_965, %parallel_loop3A_1020 : vector<16xi32>
      %parallel_loop3A_1022 = arith.subi %parallel_loop3A_1018, %parallel_loop3A_1020 : vector<16xi32>
      %parallel_loop3A_1023 = arith.cmpf ole, %parallel_loop3A_166, %parallel_loop3A_170 : vector<16xf32>
      %parallel_loop3A_1024 = arith.extui %parallel_loop3A_1023 : vector<16xi1> to vector<16xi32>
      %parallel_loop3A_1025 = arith.addi %parallel_loop3A_969, %parallel_loop3A_1024 : vector<16xi32>
      %parallel_loop3A_1026 = arith.subi %parallel_loop3A_1022, %parallel_loop3A_1024 : vector<16xi32>
      %parallel_loop3A_1027 = arith.cmpf ole, %parallel_loop3A_166, %parallel_loop3A_171 : vector<16xf32>
      %parallel_loop3A_1028 = arith.extui %parallel_loop3A_1027 : vector<16xi1> to vector<16xi32>
      %parallel_loop3A_1029 = arith.addi %parallel_loop3A_973, %parallel_loop3A_1028 : vector<16xi32>
      %parallel_loop3A_1030 = arith.subi %parallel_loop3A_1026, %parallel_loop3A_1028 : vector<16xi32>
      %parallel_loop3A_1031 = arith.cmpf ole, %parallel_loop3A_166, %parallel_loop3A_172 : vector<16xf32>
      %parallel_loop3A_1032 = arith.extui %parallel_loop3A_1031 : vector<16xi1> to vector<16xi32>
      %parallel_loop3A_1033 = arith.addi %parallel_loop3A_977, %parallel_loop3A_1032 : vector<16xi32>
      %parallel_loop3A_1034 = arith.subi %parallel_loop3A_1030, %parallel_loop3A_1032 : vector<16xi32>
      %parallel_loop3A_1035 = arith.cmpf ole, %parallel_loop3A_166, %parallel_loop3A_173 : vector<16xf32>
      %parallel_loop3A_1036 = arith.extui %parallel_loop3A_1035 : vector<16xi1> to vector<16xi32>
      %parallel_loop3A_1037 = arith.addi %parallel_loop3A_981, %parallel_loop3A_1036 : vector<16xi32>
      %parallel_loop3A_1038 = arith.subi %parallel_loop3A_1034, %parallel_loop3A_1036 : vector<16xi32>
      %parallel_loop3A_1039 = arith.cmpf ole, %parallel_loop3A_166, %parallel_loop3A_174 : vector<16xf32>
      %parallel_loop3A_1040 = arith.extui %parallel_loop3A_1039 : vector<16xi1> to vector<16xi32>
      %parallel_loop3A_1041 = arith.addi %parallel_loop3A_985, %parallel_loop3A_1040 : vector<16xi32>
      %parallel_loop3A_1042 = arith.subi %parallel_loop3A_1038, %parallel_loop3A_1040 : vector<16xi32>
      %parallel_loop3A_1043 = arith.cmpf ole, %parallel_loop3A_166, %parallel_loop3A_175 : vector<16xf32>
      %parallel_loop3A_1044 = arith.extui %parallel_loop3A_1043 : vector<16xi1> to vector<16xi32>
      %parallel_loop3A_1045 = arith.addi %parallel_loop3A_989, %parallel_loop3A_1044 : vector<16xi32>
      %parallel_loop3A_1046 = arith.subi %parallel_loop3A_1042, %parallel_loop3A_1044 : vector<16xi32>
      %parallel_loop3A_1047 = arith.cmpf ole, %parallel_loop3A_166, %parallel_loop3A_176 : vector<16xf32>
      %parallel_loop3A_1048 = arith.extui %parallel_loop3A_1047 : vector<16xi1> to vector<16xi32>
      %parallel_loop3A_1049 = arith.addi %parallel_loop3A_993, %parallel_loop3A_1048 : vector<16xi32>
      %parallel_loop3A_1050 = arith.subi %parallel_loop3A_1046, %parallel_loop3A_1048 : vector<16xi32>
      %parallel_loop3A_1051 = arith.cmpf ole, %parallel_loop3A_166, %parallel_loop3A_177 : vector<16xf32>
      %parallel_loop3A_1052 = arith.extui %parallel_loop3A_1051 : vector<16xi1> to vector<16xi32>
      %parallel_loop3A_1053 = arith.addi %parallel_loop3A_997, %parallel_loop3A_1052 : vector<16xi32>
      %parallel_loop3A_1054 = arith.subi %parallel_loop3A_1050, %parallel_loop3A_1052 : vector<16xi32>
      %parallel_loop3A_1055 = arith.cmpf ole, %parallel_loop3A_166, %parallel_loop3A_178 : vector<16xf32>
      %parallel_loop3A_1056 = arith.extui %parallel_loop3A_1055 : vector<16xi1> to vector<16xi32>
      %parallel_loop3A_1057 = arith.addi %parallel_loop3A_1001, %parallel_loop3A_1056 : vector<16xi32>
      %parallel_loop3A_1058 = arith.subi %parallel_loop3A_1054, %parallel_loop3A_1056 : vector<16xi32>
      %parallel_loop3A_1059 = arith.cmpf ole, %parallel_loop3A_166, %parallel_loop3A_179 : vector<16xf32>
      %parallel_loop3A_1060 = arith.extui %parallel_loop3A_1059 : vector<16xi1> to vector<16xi32>
      %parallel_loop3A_1061 = arith.addi %parallel_loop3A_1005, %parallel_loop3A_1060 : vector<16xi32>
      %parallel_loop3A_1062 = arith.subi %parallel_loop3A_1058, %parallel_loop3A_1060 : vector<16xi32>
      %parallel_loop3A_1063 = arith.cmpf ole, %parallel_loop3A_166, %parallel_loop3A_180 : vector<16xf32>
      %parallel_loop3A_1064 = arith.extui %parallel_loop3A_1063 : vector<16xi1> to vector<16xi32>
      %parallel_loop3A_1065 = arith.addi %parallel_loop3A_1009, %parallel_loop3A_1064 : vector<16xi32>
      %parallel_loop3A_1066 = arith.subi %parallel_loop3A_1062, %parallel_loop3A_1064 : vector<16xi32>
      %parallel_loop3A_1067 = arith.cmpf ole, %parallel_loop3A_167, %parallel_loop3A_168 : vector<16xf32>
      %parallel_loop3A_1068 = arith.extui %parallel_loop3A_1067 : vector<16xi1> to vector<16xi32>
      %parallel_loop3A_1069 = arith.addi %parallel_loop3A_1017, %parallel_loop3A_1068 : vector<16xi32>
      %parallel_loop3A_1070 = arith.subi %parallel_loop3A_1013, %parallel_loop3A_1068 : vector<16xi32>
      %parallel_loop3A_1071 = arith.cmpf ole, %parallel_loop3A_167, %parallel_loop3A_169 : vector<16xf32>
      %parallel_loop3A_1072 = arith.extui %parallel_loop3A_1071 : vector<16xi1> to vector<16xi32>
      %parallel_loop3A_1073 = arith.addi %parallel_loop3A_1021, %parallel_loop3A_1072 : vector<16xi32>
      %parallel_loop3A_1074 = arith.subi %parallel_loop3A_1070, %parallel_loop3A_1072 : vector<16xi32>
      %parallel_loop3A_1075 = arith.cmpf ole, %parallel_loop3A_167, %parallel_loop3A_170 : vector<16xf32>
      %parallel_loop3A_1076 = arith.extui %parallel_loop3A_1075 : vector<16xi1> to vector<16xi32>
      %parallel_loop3A_1077 = arith.addi %parallel_loop3A_1025, %parallel_loop3A_1076 : vector<16xi32>
      %parallel_loop3A_1078 = arith.subi %parallel_loop3A_1074, %parallel_loop3A_1076 : vector<16xi32>
      %parallel_loop3A_1079 = arith.cmpf ole, %parallel_loop3A_167, %parallel_loop3A_171 : vector<16xf32>
      %parallel_loop3A_1080 = arith.extui %parallel_loop3A_1079 : vector<16xi1> to vector<16xi32>
      %parallel_loop3A_1081 = arith.addi %parallel_loop3A_1029, %parallel_loop3A_1080 : vector<16xi32>
      %parallel_loop3A_1082 = arith.subi %parallel_loop3A_1078, %parallel_loop3A_1080 : vector<16xi32>
      %parallel_loop3A_1083 = arith.cmpf ole, %parallel_loop3A_167, %parallel_loop3A_172 : vector<16xf32>
      %parallel_loop3A_1084 = arith.extui %parallel_loop3A_1083 : vector<16xi1> to vector<16xi32>
      %parallel_loop3A_1085 = arith.addi %parallel_loop3A_1033, %parallel_loop3A_1084 : vector<16xi32>
      %parallel_loop3A_1086 = arith.subi %parallel_loop3A_1082, %parallel_loop3A_1084 : vector<16xi32>
      %parallel_loop3A_1087 = arith.cmpf ole, %parallel_loop3A_167, %parallel_loop3A_173 : vector<16xf32>
      %parallel_loop3A_1088 = arith.extui %parallel_loop3A_1087 : vector<16xi1> to vector<16xi32>
      %parallel_loop3A_1089 = arith.addi %parallel_loop3A_1037, %parallel_loop3A_1088 : vector<16xi32>
      %parallel_loop3A_1090 = arith.subi %parallel_loop3A_1086, %parallel_loop3A_1088 : vector<16xi32>
      %parallel_loop3A_1091 = arith.cmpf ole, %parallel_loop3A_167, %parallel_loop3A_174 : vector<16xf32>
      %parallel_loop3A_1092 = arith.extui %parallel_loop3A_1091 : vector<16xi1> to vector<16xi32>
      %parallel_loop3A_1093 = arith.addi %parallel_loop3A_1041, %parallel_loop3A_1092 : vector<16xi32>
      %parallel_loop3A_1094 = arith.subi %parallel_loop3A_1090, %parallel_loop3A_1092 : vector<16xi32>
      %parallel_loop3A_1095 = arith.cmpf ole, %parallel_loop3A_167, %parallel_loop3A_175 : vector<16xf32>
      %parallel_loop3A_1096 = arith.extui %parallel_loop3A_1095 : vector<16xi1> to vector<16xi32>
      %parallel_loop3A_1097 = arith.addi %parallel_loop3A_1045, %parallel_loop3A_1096 : vector<16xi32>
      %parallel_loop3A_1098 = arith.subi %parallel_loop3A_1094, %parallel_loop3A_1096 : vector<16xi32>
      %parallel_loop3A_1099 = arith.cmpf ole, %parallel_loop3A_167, %parallel_loop3A_176 : vector<16xf32>
      %parallel_loop3A_1100 = arith.extui %parallel_loop3A_1099 : vector<16xi1> to vector<16xi32>
      %parallel_loop3A_1101 = arith.addi %parallel_loop3A_1049, %parallel_loop3A_1100 : vector<16xi32>
      %parallel_loop3A_1102 = arith.subi %parallel_loop3A_1098, %parallel_loop3A_1100 : vector<16xi32>
      %parallel_loop3A_1103 = arith.cmpf ole, %parallel_loop3A_167, %parallel_loop3A_177 : vector<16xf32>
      %parallel_loop3A_1104 = arith.extui %parallel_loop3A_1103 : vector<16xi1> to vector<16xi32>
      %parallel_loop3A_1105 = arith.addi %parallel_loop3A_1053, %parallel_loop3A_1104 : vector<16xi32>
      %parallel_loop3A_1106 = arith.subi %parallel_loop3A_1102, %parallel_loop3A_1104 : vector<16xi32>
      %parallel_loop3A_1107 = arith.cmpf ole, %parallel_loop3A_167, %parallel_loop3A_178 : vector<16xf32>
      %parallel_loop3A_1108 = arith.extui %parallel_loop3A_1107 : vector<16xi1> to vector<16xi32>
      %parallel_loop3A_1109 = arith.addi %parallel_loop3A_1057, %parallel_loop3A_1108 : vector<16xi32>
      %parallel_loop3A_1110 = arith.subi %parallel_loop3A_1106, %parallel_loop3A_1108 : vector<16xi32>
      %parallel_loop3A_1111 = arith.cmpf ole, %parallel_loop3A_167, %parallel_loop3A_179 : vector<16xf32>
      %parallel_loop3A_1112 = arith.extui %parallel_loop3A_1111 : vector<16xi1> to vector<16xi32>
      %parallel_loop3A_1113 = arith.addi %parallel_loop3A_1061, %parallel_loop3A_1112 : vector<16xi32>
      %parallel_loop3A_1114 = arith.subi %parallel_loop3A_1110, %parallel_loop3A_1112 : vector<16xi32>
      %parallel_loop3A_1115 = arith.cmpf ole, %parallel_loop3A_167, %parallel_loop3A_180 : vector<16xf32>
      %parallel_loop3A_1116 = arith.extui %parallel_loop3A_1115 : vector<16xi1> to vector<16xi32>
      %parallel_loop3A_1117 = arith.addi %parallel_loop3A_1065, %parallel_loop3A_1116 : vector<16xi32>
      %parallel_loop3A_1118 = arith.subi %parallel_loop3A_1114, %parallel_loop3A_1116 : vector<16xi32>
      %parallel_loop3A_1119 = arith.cmpf ole, %parallel_loop3A_168, %parallel_loop3A_169 : vector<16xf32>
      %parallel_loop3A_1120 = arith.extui %parallel_loop3A_1119 : vector<16xi1> to vector<16xi32>
      %parallel_loop3A_1121 = arith.addi %parallel_loop3A_1073, %parallel_loop3A_1120 : vector<16xi32>
      %parallel_loop3A_1122 = arith.subi %parallel_loop3A_1069, %parallel_loop3A_1120 : vector<16xi32>
      %parallel_loop3A_1123 = arith.cmpf ole, %parallel_loop3A_168, %parallel_loop3A_170 : vector<16xf32>
      %parallel_loop3A_1124 = arith.extui %parallel_loop3A_1123 : vector<16xi1> to vector<16xi32>
      %parallel_loop3A_1125 = arith.addi %parallel_loop3A_1077, %parallel_loop3A_1124 : vector<16xi32>
      %parallel_loop3A_1126 = arith.subi %parallel_loop3A_1122, %parallel_loop3A_1124 : vector<16xi32>
      %parallel_loop3A_1127 = arith.cmpf ole, %parallel_loop3A_168, %parallel_loop3A_171 : vector<16xf32>
      %parallel_loop3A_1128 = arith.extui %parallel_loop3A_1127 : vector<16xi1> to vector<16xi32>
      %parallel_loop3A_1129 = arith.addi %parallel_loop3A_1081, %parallel_loop3A_1128 : vector<16xi32>
      %parallel_loop3A_1130 = arith.subi %parallel_loop3A_1126, %parallel_loop3A_1128 : vector<16xi32>
      %parallel_loop3A_1131 = arith.cmpf ole, %parallel_loop3A_168, %parallel_loop3A_172 : vector<16xf32>
      %parallel_loop3A_1132 = arith.extui %parallel_loop3A_1131 : vector<16xi1> to vector<16xi32>
      %parallel_loop3A_1133 = arith.addi %parallel_loop3A_1085, %parallel_loop3A_1132 : vector<16xi32>
      %parallel_loop3A_1134 = arith.subi %parallel_loop3A_1130, %parallel_loop3A_1132 : vector<16xi32>
      %parallel_loop3A_1135 = arith.cmpf ole, %parallel_loop3A_168, %parallel_loop3A_173 : vector<16xf32>
      %parallel_loop3A_1136 = arith.extui %parallel_loop3A_1135 : vector<16xi1> to vector<16xi32>
      %parallel_loop3A_1137 = arith.addi %parallel_loop3A_1089, %parallel_loop3A_1136 : vector<16xi32>
      %parallel_loop3A_1138 = arith.subi %parallel_loop3A_1134, %parallel_loop3A_1136 : vector<16xi32>
      %parallel_loop3A_1139 = arith.cmpf ole, %parallel_loop3A_168, %parallel_loop3A_174 : vector<16xf32>
      %parallel_loop3A_1140 = arith.extui %parallel_loop3A_1139 : vector<16xi1> to vector<16xi32>
      %parallel_loop3A_1141 = arith.addi %parallel_loop3A_1093, %parallel_loop3A_1140 : vector<16xi32>
      %parallel_loop3A_1142 = arith.subi %parallel_loop3A_1138, %parallel_loop3A_1140 : vector<16xi32>
      %parallel_loop3A_1143 = arith.cmpf ole, %parallel_loop3A_168, %parallel_loop3A_175 : vector<16xf32>
      %parallel_loop3A_1144 = arith.extui %parallel_loop3A_1143 : vector<16xi1> to vector<16xi32>
      %parallel_loop3A_1145 = arith.addi %parallel_loop3A_1097, %parallel_loop3A_1144 : vector<16xi32>
      %parallel_loop3A_1146 = arith.subi %parallel_loop3A_1142, %parallel_loop3A_1144 : vector<16xi32>
      %parallel_loop3A_1147 = arith.cmpf ole, %parallel_loop3A_168, %parallel_loop3A_176 : vector<16xf32>
      %parallel_loop3A_1148 = arith.extui %parallel_loop3A_1147 : vector<16xi1> to vector<16xi32>
      %parallel_loop3A_1149 = arith.addi %parallel_loop3A_1101, %parallel_loop3A_1148 : vector<16xi32>
      %parallel_loop3A_1150 = arith.subi %parallel_loop3A_1146, %parallel_loop3A_1148 : vector<16xi32>
      %parallel_loop3A_1151 = arith.cmpf ole, %parallel_loop3A_168, %parallel_loop3A_177 : vector<16xf32>
      %parallel_loop3A_1152 = arith.extui %parallel_loop3A_1151 : vector<16xi1> to vector<16xi32>
      %parallel_loop3A_1153 = arith.addi %parallel_loop3A_1105, %parallel_loop3A_1152 : vector<16xi32>
      %parallel_loop3A_1154 = arith.subi %parallel_loop3A_1150, %parallel_loop3A_1152 : vector<16xi32>
      %parallel_loop3A_1155 = arith.cmpf ole, %parallel_loop3A_168, %parallel_loop3A_178 : vector<16xf32>
      %parallel_loop3A_1156 = arith.extui %parallel_loop3A_1155 : vector<16xi1> to vector<16xi32>
      %parallel_loop3A_1157 = arith.addi %parallel_loop3A_1109, %parallel_loop3A_1156 : vector<16xi32>
      %parallel_loop3A_1158 = arith.subi %parallel_loop3A_1154, %parallel_loop3A_1156 : vector<16xi32>
      %parallel_loop3A_1159 = arith.cmpf ole, %parallel_loop3A_168, %parallel_loop3A_179 : vector<16xf32>
      %parallel_loop3A_1160 = arith.extui %parallel_loop3A_1159 : vector<16xi1> to vector<16xi32>
      %parallel_loop3A_1161 = arith.addi %parallel_loop3A_1113, %parallel_loop3A_1160 : vector<16xi32>
      %parallel_loop3A_1162 = arith.subi %parallel_loop3A_1158, %parallel_loop3A_1160 : vector<16xi32>
      %parallel_loop3A_1163 = arith.cmpf ole, %parallel_loop3A_168, %parallel_loop3A_180 : vector<16xf32>
      %parallel_loop3A_1164 = arith.extui %parallel_loop3A_1163 : vector<16xi1> to vector<16xi32>
      %parallel_loop3A_1165 = arith.addi %parallel_loop3A_1117, %parallel_loop3A_1164 : vector<16xi32>
      %parallel_loop3A_1166 = arith.subi %parallel_loop3A_1162, %parallel_loop3A_1164 : vector<16xi32>
      %parallel_loop3A_1167 = arith.cmpf ole, %parallel_loop3A_169, %parallel_loop3A_170 : vector<16xf32>
      %parallel_loop3A_1168 = arith.extui %parallel_loop3A_1167 : vector<16xi1> to vector<16xi32>
      %parallel_loop3A_1169 = arith.addi %parallel_loop3A_1125, %parallel_loop3A_1168 : vector<16xi32>
      %parallel_loop3A_1170 = arith.subi %parallel_loop3A_1121, %parallel_loop3A_1168 : vector<16xi32>
      %parallel_loop3A_1171 = arith.cmpf ole, %parallel_loop3A_169, %parallel_loop3A_171 : vector<16xf32>
      %parallel_loop3A_1172 = arith.extui %parallel_loop3A_1171 : vector<16xi1> to vector<16xi32>
      %parallel_loop3A_1173 = arith.addi %parallel_loop3A_1129, %parallel_loop3A_1172 : vector<16xi32>
      %parallel_loop3A_1174 = arith.subi %parallel_loop3A_1170, %parallel_loop3A_1172 : vector<16xi32>
      %parallel_loop3A_1175 = arith.cmpf ole, %parallel_loop3A_169, %parallel_loop3A_172 : vector<16xf32>
      %parallel_loop3A_1176 = arith.extui %parallel_loop3A_1175 : vector<16xi1> to vector<16xi32>
      %parallel_loop3A_1177 = arith.addi %parallel_loop3A_1133, %parallel_loop3A_1176 : vector<16xi32>
      %parallel_loop3A_1178 = arith.subi %parallel_loop3A_1174, %parallel_loop3A_1176 : vector<16xi32>
      %parallel_loop3A_1179 = arith.cmpf ole, %parallel_loop3A_169, %parallel_loop3A_173 : vector<16xf32>
      %parallel_loop3A_1180 = arith.extui %parallel_loop3A_1179 : vector<16xi1> to vector<16xi32>
      %parallel_loop3A_1181 = arith.addi %parallel_loop3A_1137, %parallel_loop3A_1180 : vector<16xi32>
      %parallel_loop3A_1182 = arith.subi %parallel_loop3A_1178, %parallel_loop3A_1180 : vector<16xi32>
      %parallel_loop3A_1183 = arith.cmpf ole, %parallel_loop3A_169, %parallel_loop3A_174 : vector<16xf32>
      %parallel_loop3A_1184 = arith.extui %parallel_loop3A_1183 : vector<16xi1> to vector<16xi32>
      %parallel_loop3A_1185 = arith.addi %parallel_loop3A_1141, %parallel_loop3A_1184 : vector<16xi32>
      %parallel_loop3A_1186 = arith.subi %parallel_loop3A_1182, %parallel_loop3A_1184 : vector<16xi32>
      %parallel_loop3A_1187 = arith.cmpf ole, %parallel_loop3A_169, %parallel_loop3A_175 : vector<16xf32>
      %parallel_loop3A_1188 = arith.extui %parallel_loop3A_1187 : vector<16xi1> to vector<16xi32>
      %parallel_loop3A_1189 = arith.addi %parallel_loop3A_1145, %parallel_loop3A_1188 : vector<16xi32>
      %parallel_loop3A_1190 = arith.subi %parallel_loop3A_1186, %parallel_loop3A_1188 : vector<16xi32>
      %parallel_loop3A_1191 = arith.cmpf ole, %parallel_loop3A_169, %parallel_loop3A_176 : vector<16xf32>
      %parallel_loop3A_1192 = arith.extui %parallel_loop3A_1191 : vector<16xi1> to vector<16xi32>
      %parallel_loop3A_1193 = arith.addi %parallel_loop3A_1149, %parallel_loop3A_1192 : vector<16xi32>
      %parallel_loop3A_1194 = arith.subi %parallel_loop3A_1190, %parallel_loop3A_1192 : vector<16xi32>
      %parallel_loop3A_1195 = arith.cmpf ole, %parallel_loop3A_169, %parallel_loop3A_177 : vector<16xf32>
      %parallel_loop3A_1196 = arith.extui %parallel_loop3A_1195 : vector<16xi1> to vector<16xi32>
      %parallel_loop3A_1197 = arith.addi %parallel_loop3A_1153, %parallel_loop3A_1196 : vector<16xi32>
      %parallel_loop3A_1198 = arith.subi %parallel_loop3A_1194, %parallel_loop3A_1196 : vector<16xi32>
      %parallel_loop3A_1199 = arith.cmpf ole, %parallel_loop3A_169, %parallel_loop3A_178 : vector<16xf32>
      %parallel_loop3A_1200 = arith.extui %parallel_loop3A_1199 : vector<16xi1> to vector<16xi32>
      %parallel_loop3A_1201 = arith.addi %parallel_loop3A_1157, %parallel_loop3A_1200 : vector<16xi32>
      %parallel_loop3A_1202 = arith.subi %parallel_loop3A_1198, %parallel_loop3A_1200 : vector<16xi32>
      %parallel_loop3A_1203 = arith.cmpf ole, %parallel_loop3A_169, %parallel_loop3A_179 : vector<16xf32>
      %parallel_loop3A_1204 = arith.extui %parallel_loop3A_1203 : vector<16xi1> to vector<16xi32>
      %parallel_loop3A_1205 = arith.addi %parallel_loop3A_1161, %parallel_loop3A_1204 : vector<16xi32>
      %parallel_loop3A_1206 = arith.subi %parallel_loop3A_1202, %parallel_loop3A_1204 : vector<16xi32>
      %parallel_loop3A_1207 = arith.cmpf ole, %parallel_loop3A_169, %parallel_loop3A_180 : vector<16xf32>
      %parallel_loop3A_1208 = arith.extui %parallel_loop3A_1207 : vector<16xi1> to vector<16xi32>
      %parallel_loop3A_1209 = arith.addi %parallel_loop3A_1165, %parallel_loop3A_1208 : vector<16xi32>
      %parallel_loop3A_1210 = arith.subi %parallel_loop3A_1206, %parallel_loop3A_1208 : vector<16xi32>
      %parallel_loop3A_1211 = arith.cmpf ole, %parallel_loop3A_170, %parallel_loop3A_171 : vector<16xf32>
      %parallel_loop3A_1212 = arith.extui %parallel_loop3A_1211 : vector<16xi1> to vector<16xi32>
      %parallel_loop3A_1213 = arith.addi %parallel_loop3A_1173, %parallel_loop3A_1212 : vector<16xi32>
      %parallel_loop3A_1214 = arith.subi %parallel_loop3A_1169, %parallel_loop3A_1212 : vector<16xi32>
      %parallel_loop3A_1215 = arith.cmpf ole, %parallel_loop3A_170, %parallel_loop3A_172 : vector<16xf32>
      %parallel_loop3A_1216 = arith.extui %parallel_loop3A_1215 : vector<16xi1> to vector<16xi32>
      %parallel_loop3A_1217 = arith.addi %parallel_loop3A_1177, %parallel_loop3A_1216 : vector<16xi32>
      %parallel_loop3A_1218 = arith.subi %parallel_loop3A_1214, %parallel_loop3A_1216 : vector<16xi32>
      %parallel_loop3A_1219 = arith.cmpf ole, %parallel_loop3A_170, %parallel_loop3A_173 : vector<16xf32>
      %parallel_loop3A_1220 = arith.extui %parallel_loop3A_1219 : vector<16xi1> to vector<16xi32>
      %parallel_loop3A_1221 = arith.addi %parallel_loop3A_1181, %parallel_loop3A_1220 : vector<16xi32>
      %parallel_loop3A_1222 = arith.subi %parallel_loop3A_1218, %parallel_loop3A_1220 : vector<16xi32>
      %parallel_loop3A_1223 = arith.cmpf ole, %parallel_loop3A_170, %parallel_loop3A_174 : vector<16xf32>
      %parallel_loop3A_1224 = arith.extui %parallel_loop3A_1223 : vector<16xi1> to vector<16xi32>
      %parallel_loop3A_1225 = arith.addi %parallel_loop3A_1185, %parallel_loop3A_1224 : vector<16xi32>
      %parallel_loop3A_1226 = arith.subi %parallel_loop3A_1222, %parallel_loop3A_1224 : vector<16xi32>
      %parallel_loop3A_1227 = arith.cmpf ole, %parallel_loop3A_170, %parallel_loop3A_175 : vector<16xf32>
      %parallel_loop3A_1228 = arith.extui %parallel_loop3A_1227 : vector<16xi1> to vector<16xi32>
      %parallel_loop3A_1229 = arith.addi %parallel_loop3A_1189, %parallel_loop3A_1228 : vector<16xi32>
      %parallel_loop3A_1230 = arith.subi %parallel_loop3A_1226, %parallel_loop3A_1228 : vector<16xi32>
      %parallel_loop3A_1231 = arith.cmpf ole, %parallel_loop3A_170, %parallel_loop3A_176 : vector<16xf32>
      %parallel_loop3A_1232 = arith.extui %parallel_loop3A_1231 : vector<16xi1> to vector<16xi32>
      %parallel_loop3A_1233 = arith.addi %parallel_loop3A_1193, %parallel_loop3A_1232 : vector<16xi32>
      %parallel_loop3A_1234 = arith.subi %parallel_loop3A_1230, %parallel_loop3A_1232 : vector<16xi32>
      %parallel_loop3A_1235 = arith.cmpf ole, %parallel_loop3A_170, %parallel_loop3A_177 : vector<16xf32>
      %parallel_loop3A_1236 = arith.extui %parallel_loop3A_1235 : vector<16xi1> to vector<16xi32>
      %parallel_loop3A_1237 = arith.addi %parallel_loop3A_1197, %parallel_loop3A_1236 : vector<16xi32>
      %parallel_loop3A_1238 = arith.subi %parallel_loop3A_1234, %parallel_loop3A_1236 : vector<16xi32>
      %parallel_loop3A_1239 = arith.cmpf ole, %parallel_loop3A_170, %parallel_loop3A_178 : vector<16xf32>
      %parallel_loop3A_1240 = arith.extui %parallel_loop3A_1239 : vector<16xi1> to vector<16xi32>
      %parallel_loop3A_1241 = arith.addi %parallel_loop3A_1201, %parallel_loop3A_1240 : vector<16xi32>
      %parallel_loop3A_1242 = arith.subi %parallel_loop3A_1238, %parallel_loop3A_1240 : vector<16xi32>
      %parallel_loop3A_1243 = arith.cmpf ole, %parallel_loop3A_170, %parallel_loop3A_179 : vector<16xf32>
      %parallel_loop3A_1244 = arith.extui %parallel_loop3A_1243 : vector<16xi1> to vector<16xi32>
      %parallel_loop3A_1245 = arith.addi %parallel_loop3A_1205, %parallel_loop3A_1244 : vector<16xi32>
      %parallel_loop3A_1246 = arith.subi %parallel_loop3A_1242, %parallel_loop3A_1244 : vector<16xi32>
      %parallel_loop3A_1247 = arith.cmpf ole, %parallel_loop3A_170, %parallel_loop3A_180 : vector<16xf32>
      %parallel_loop3A_1248 = arith.extui %parallel_loop3A_1247 : vector<16xi1> to vector<16xi32>
      %parallel_loop3A_1249 = arith.addi %parallel_loop3A_1209, %parallel_loop3A_1248 : vector<16xi32>
      %parallel_loop3A_1250 = arith.subi %parallel_loop3A_1246, %parallel_loop3A_1248 : vector<16xi32>
      %parallel_loop3A_1251 = arith.cmpf ole, %parallel_loop3A_171, %parallel_loop3A_172 : vector<16xf32>
      %parallel_loop3A_1252 = arith.extui %parallel_loop3A_1251 : vector<16xi1> to vector<16xi32>
      %parallel_loop3A_1253 = arith.addi %parallel_loop3A_1217, %parallel_loop3A_1252 : vector<16xi32>
      %parallel_loop3A_1254 = arith.subi %parallel_loop3A_1213, %parallel_loop3A_1252 : vector<16xi32>
      %parallel_loop3A_1255 = arith.cmpf ole, %parallel_loop3A_171, %parallel_loop3A_173 : vector<16xf32>
      %parallel_loop3A_1256 = arith.extui %parallel_loop3A_1255 : vector<16xi1> to vector<16xi32>
      %parallel_loop3A_1257 = arith.addi %parallel_loop3A_1221, %parallel_loop3A_1256 : vector<16xi32>
      %parallel_loop3A_1258 = arith.subi %parallel_loop3A_1254, %parallel_loop3A_1256 : vector<16xi32>
      %parallel_loop3A_1259 = arith.cmpf ole, %parallel_loop3A_171, %parallel_loop3A_174 : vector<16xf32>
      %parallel_loop3A_1260 = arith.extui %parallel_loop3A_1259 : vector<16xi1> to vector<16xi32>
      %parallel_loop3A_1261 = arith.addi %parallel_loop3A_1225, %parallel_loop3A_1260 : vector<16xi32>
      %parallel_loop3A_1262 = arith.subi %parallel_loop3A_1258, %parallel_loop3A_1260 : vector<16xi32>
      %parallel_loop3A_1263 = arith.cmpf ole, %parallel_loop3A_171, %parallel_loop3A_175 : vector<16xf32>
      %parallel_loop3A_1264 = arith.extui %parallel_loop3A_1263 : vector<16xi1> to vector<16xi32>
      %parallel_loop3A_1265 = arith.addi %parallel_loop3A_1229, %parallel_loop3A_1264 : vector<16xi32>
      %parallel_loop3A_1266 = arith.subi %parallel_loop3A_1262, %parallel_loop3A_1264 : vector<16xi32>
      %parallel_loop3A_1267 = arith.cmpf ole, %parallel_loop3A_171, %parallel_loop3A_176 : vector<16xf32>
      %parallel_loop3A_1268 = arith.extui %parallel_loop3A_1267 : vector<16xi1> to vector<16xi32>
      %parallel_loop3A_1269 = arith.addi %parallel_loop3A_1233, %parallel_loop3A_1268 : vector<16xi32>
      %parallel_loop3A_1270 = arith.subi %parallel_loop3A_1266, %parallel_loop3A_1268 : vector<16xi32>
      %parallel_loop3A_1271 = arith.cmpf ole, %parallel_loop3A_171, %parallel_loop3A_177 : vector<16xf32>
      %parallel_loop3A_1272 = arith.extui %parallel_loop3A_1271 : vector<16xi1> to vector<16xi32>
      %parallel_loop3A_1273 = arith.addi %parallel_loop3A_1237, %parallel_loop3A_1272 : vector<16xi32>
      %parallel_loop3A_1274 = arith.subi %parallel_loop3A_1270, %parallel_loop3A_1272 : vector<16xi32>
      %parallel_loop3A_1275 = arith.cmpf ole, %parallel_loop3A_171, %parallel_loop3A_178 : vector<16xf32>
      %parallel_loop3A_1276 = arith.extui %parallel_loop3A_1275 : vector<16xi1> to vector<16xi32>
      %parallel_loop3A_1277 = arith.addi %parallel_loop3A_1241, %parallel_loop3A_1276 : vector<16xi32>
      %parallel_loop3A_1278 = arith.subi %parallel_loop3A_1274, %parallel_loop3A_1276 : vector<16xi32>
      %parallel_loop3A_1279 = arith.cmpf ole, %parallel_loop3A_171, %parallel_loop3A_179 : vector<16xf32>
      %parallel_loop3A_1280 = arith.extui %parallel_loop3A_1279 : vector<16xi1> to vector<16xi32>
      %parallel_loop3A_1281 = arith.addi %parallel_loop3A_1245, %parallel_loop3A_1280 : vector<16xi32>
      %parallel_loop3A_1282 = arith.subi %parallel_loop3A_1278, %parallel_loop3A_1280 : vector<16xi32>
      %parallel_loop3A_1283 = arith.cmpf ole, %parallel_loop3A_171, %parallel_loop3A_180 : vector<16xf32>
      %parallel_loop3A_1284 = arith.extui %parallel_loop3A_1283 : vector<16xi1> to vector<16xi32>
      %parallel_loop3A_1285 = arith.addi %parallel_loop3A_1249, %parallel_loop3A_1284 : vector<16xi32>
      %parallel_loop3A_1286 = arith.subi %parallel_loop3A_1282, %parallel_loop3A_1284 : vector<16xi32>
      %parallel_loop3A_1287 = arith.cmpf ole, %parallel_loop3A_172, %parallel_loop3A_173 : vector<16xf32>
      %parallel_loop3A_1288 = arith.extui %parallel_loop3A_1287 : vector<16xi1> to vector<16xi32>
      %parallel_loop3A_1289 = arith.addi %parallel_loop3A_1257, %parallel_loop3A_1288 : vector<16xi32>
      %parallel_loop3A_1290 = arith.subi %parallel_loop3A_1253, %parallel_loop3A_1288 : vector<16xi32>
      %parallel_loop3A_1291 = arith.cmpf ole, %parallel_loop3A_172, %parallel_loop3A_174 : vector<16xf32>
      %parallel_loop3A_1292 = arith.extui %parallel_loop3A_1291 : vector<16xi1> to vector<16xi32>
      %parallel_loop3A_1293 = arith.addi %parallel_loop3A_1261, %parallel_loop3A_1292 : vector<16xi32>
      %parallel_loop3A_1294 = arith.subi %parallel_loop3A_1290, %parallel_loop3A_1292 : vector<16xi32>
      %parallel_loop3A_1295 = arith.cmpf ole, %parallel_loop3A_172, %parallel_loop3A_175 : vector<16xf32>
      %parallel_loop3A_1296 = arith.extui %parallel_loop3A_1295 : vector<16xi1> to vector<16xi32>
      %parallel_loop3A_1297 = arith.addi %parallel_loop3A_1265, %parallel_loop3A_1296 : vector<16xi32>
      %parallel_loop3A_1298 = arith.subi %parallel_loop3A_1294, %parallel_loop3A_1296 : vector<16xi32>
      %parallel_loop3A_1299 = arith.cmpf ole, %parallel_loop3A_172, %parallel_loop3A_176 : vector<16xf32>
      %parallel_loop3A_1300 = arith.extui %parallel_loop3A_1299 : vector<16xi1> to vector<16xi32>
      %parallel_loop3A_1301 = arith.addi %parallel_loop3A_1269, %parallel_loop3A_1300 : vector<16xi32>
      %parallel_loop3A_1302 = arith.subi %parallel_loop3A_1298, %parallel_loop3A_1300 : vector<16xi32>
      %parallel_loop3A_1303 = arith.cmpf ole, %parallel_loop3A_172, %parallel_loop3A_177 : vector<16xf32>
      %parallel_loop3A_1304 = arith.extui %parallel_loop3A_1303 : vector<16xi1> to vector<16xi32>
      %parallel_loop3A_1305 = arith.addi %parallel_loop3A_1273, %parallel_loop3A_1304 : vector<16xi32>
      %parallel_loop3A_1306 = arith.subi %parallel_loop3A_1302, %parallel_loop3A_1304 : vector<16xi32>
      %parallel_loop3A_1307 = arith.cmpf ole, %parallel_loop3A_172, %parallel_loop3A_178 : vector<16xf32>
      %parallel_loop3A_1308 = arith.extui %parallel_loop3A_1307 : vector<16xi1> to vector<16xi32>
      %parallel_loop3A_1309 = arith.addi %parallel_loop3A_1277, %parallel_loop3A_1308 : vector<16xi32>
      %parallel_loop3A_1310 = arith.subi %parallel_loop3A_1306, %parallel_loop3A_1308 : vector<16xi32>
      %parallel_loop3A_1311 = arith.cmpf ole, %parallel_loop3A_172, %parallel_loop3A_179 : vector<16xf32>
      %parallel_loop3A_1312 = arith.extui %parallel_loop3A_1311 : vector<16xi1> to vector<16xi32>
      %parallel_loop3A_1313 = arith.addi %parallel_loop3A_1281, %parallel_loop3A_1312 : vector<16xi32>
      %parallel_loop3A_1314 = arith.subi %parallel_loop3A_1310, %parallel_loop3A_1312 : vector<16xi32>
      %parallel_loop3A_1315 = arith.cmpf ole, %parallel_loop3A_172, %parallel_loop3A_180 : vector<16xf32>
      %parallel_loop3A_1316 = arith.extui %parallel_loop3A_1315 : vector<16xi1> to vector<16xi32>
      %parallel_loop3A_1317 = arith.addi %parallel_loop3A_1285, %parallel_loop3A_1316 : vector<16xi32>
      %parallel_loop3A_1318 = arith.subi %parallel_loop3A_1314, %parallel_loop3A_1316 : vector<16xi32>
      %parallel_loop3A_1319 = arith.cmpf ole, %parallel_loop3A_173, %parallel_loop3A_174 : vector<16xf32>
      %parallel_loop3A_1320 = arith.extui %parallel_loop3A_1319 : vector<16xi1> to vector<16xi32>
      %parallel_loop3A_1321 = arith.addi %parallel_loop3A_1293, %parallel_loop3A_1320 : vector<16xi32>
      %parallel_loop3A_1322 = arith.subi %parallel_loop3A_1289, %parallel_loop3A_1320 : vector<16xi32>
      %parallel_loop3A_1323 = arith.cmpf ole, %parallel_loop3A_173, %parallel_loop3A_175 : vector<16xf32>
      %parallel_loop3A_1324 = arith.extui %parallel_loop3A_1323 : vector<16xi1> to vector<16xi32>
      %parallel_loop3A_1325 = arith.addi %parallel_loop3A_1297, %parallel_loop3A_1324 : vector<16xi32>
      %parallel_loop3A_1326 = arith.subi %parallel_loop3A_1322, %parallel_loop3A_1324 : vector<16xi32>
      %parallel_loop3A_1327 = arith.cmpf ole, %parallel_loop3A_173, %parallel_loop3A_176 : vector<16xf32>
      %parallel_loop3A_1328 = arith.extui %parallel_loop3A_1327 : vector<16xi1> to vector<16xi32>
      %parallel_loop3A_1329 = arith.addi %parallel_loop3A_1301, %parallel_loop3A_1328 : vector<16xi32>
      %parallel_loop3A_1330 = arith.subi %parallel_loop3A_1326, %parallel_loop3A_1328 : vector<16xi32>
      %parallel_loop3A_1331 = arith.cmpf ole, %parallel_loop3A_173, %parallel_loop3A_177 : vector<16xf32>
      %parallel_loop3A_1332 = arith.extui %parallel_loop3A_1331 : vector<16xi1> to vector<16xi32>
      %parallel_loop3A_1333 = arith.addi %parallel_loop3A_1305, %parallel_loop3A_1332 : vector<16xi32>
      %parallel_loop3A_1334 = arith.subi %parallel_loop3A_1330, %parallel_loop3A_1332 : vector<16xi32>
      %parallel_loop3A_1335 = arith.cmpf ole, %parallel_loop3A_173, %parallel_loop3A_178 : vector<16xf32>
      %parallel_loop3A_1336 = arith.extui %parallel_loop3A_1335 : vector<16xi1> to vector<16xi32>
      %parallel_loop3A_1337 = arith.addi %parallel_loop3A_1309, %parallel_loop3A_1336 : vector<16xi32>
      %parallel_loop3A_1338 = arith.subi %parallel_loop3A_1334, %parallel_loop3A_1336 : vector<16xi32>
      %parallel_loop3A_1339 = arith.cmpf ole, %parallel_loop3A_173, %parallel_loop3A_179 : vector<16xf32>
      %parallel_loop3A_1340 = arith.extui %parallel_loop3A_1339 : vector<16xi1> to vector<16xi32>
      %parallel_loop3A_1341 = arith.addi %parallel_loop3A_1313, %parallel_loop3A_1340 : vector<16xi32>
      %parallel_loop3A_1342 = arith.subi %parallel_loop3A_1338, %parallel_loop3A_1340 : vector<16xi32>
      %parallel_loop3A_1343 = arith.cmpf ole, %parallel_loop3A_173, %parallel_loop3A_180 : vector<16xf32>
      %parallel_loop3A_1344 = arith.extui %parallel_loop3A_1343 : vector<16xi1> to vector<16xi32>
      %parallel_loop3A_1345 = arith.addi %parallel_loop3A_1317, %parallel_loop3A_1344 : vector<16xi32>
      %parallel_loop3A_1346 = arith.subi %parallel_loop3A_1342, %parallel_loop3A_1344 : vector<16xi32>
      %parallel_loop3A_1347 = arith.cmpf ole, %parallel_loop3A_174, %parallel_loop3A_175 : vector<16xf32>
      %parallel_loop3A_1348 = arith.extui %parallel_loop3A_1347 : vector<16xi1> to vector<16xi32>
      %parallel_loop3A_1349 = arith.addi %parallel_loop3A_1325, %parallel_loop3A_1348 : vector<16xi32>
      %parallel_loop3A_1350 = arith.subi %parallel_loop3A_1321, %parallel_loop3A_1348 : vector<16xi32>
      %parallel_loop3A_1351 = arith.cmpf ole, %parallel_loop3A_174, %parallel_loop3A_176 : vector<16xf32>
      %parallel_loop3A_1352 = arith.extui %parallel_loop3A_1351 : vector<16xi1> to vector<16xi32>
      %parallel_loop3A_1353 = arith.addi %parallel_loop3A_1329, %parallel_loop3A_1352 : vector<16xi32>
      %parallel_loop3A_1354 = arith.subi %parallel_loop3A_1350, %parallel_loop3A_1352 : vector<16xi32>
      %parallel_loop3A_1355 = arith.cmpf ole, %parallel_loop3A_174, %parallel_loop3A_177 : vector<16xf32>
      %parallel_loop3A_1356 = arith.extui %parallel_loop3A_1355 : vector<16xi1> to vector<16xi32>
      %parallel_loop3A_1357 = arith.addi %parallel_loop3A_1333, %parallel_loop3A_1356 : vector<16xi32>
      %parallel_loop3A_1358 = arith.subi %parallel_loop3A_1354, %parallel_loop3A_1356 : vector<16xi32>
      %parallel_loop3A_1359 = arith.cmpf ole, %parallel_loop3A_174, %parallel_loop3A_178 : vector<16xf32>
      %parallel_loop3A_1360 = arith.extui %parallel_loop3A_1359 : vector<16xi1> to vector<16xi32>
      %parallel_loop3A_1361 = arith.addi %parallel_loop3A_1337, %parallel_loop3A_1360 : vector<16xi32>
      %parallel_loop3A_1362 = arith.subi %parallel_loop3A_1358, %parallel_loop3A_1360 : vector<16xi32>
      %parallel_loop3A_1363 = arith.cmpf ole, %parallel_loop3A_174, %parallel_loop3A_179 : vector<16xf32>
      %parallel_loop3A_1364 = arith.extui %parallel_loop3A_1363 : vector<16xi1> to vector<16xi32>
      %parallel_loop3A_1365 = arith.addi %parallel_loop3A_1341, %parallel_loop3A_1364 : vector<16xi32>
      %parallel_loop3A_1366 = arith.subi %parallel_loop3A_1362, %parallel_loop3A_1364 : vector<16xi32>
      %parallel_loop3A_1367 = arith.cmpf ole, %parallel_loop3A_174, %parallel_loop3A_180 : vector<16xf32>
      %parallel_loop3A_1368 = arith.extui %parallel_loop3A_1367 : vector<16xi1> to vector<16xi32>
      %parallel_loop3A_1369 = arith.addi %parallel_loop3A_1345, %parallel_loop3A_1368 : vector<16xi32>
      %parallel_loop3A_1370 = arith.subi %parallel_loop3A_1366, %parallel_loop3A_1368 : vector<16xi32>
      %parallel_loop3A_1371 = arith.cmpf ole, %parallel_loop3A_175, %parallel_loop3A_176 : vector<16xf32>
      %parallel_loop3A_1372 = arith.extui %parallel_loop3A_1371 : vector<16xi1> to vector<16xi32>
      %parallel_loop3A_1373 = arith.addi %parallel_loop3A_1353, %parallel_loop3A_1372 : vector<16xi32>
      %parallel_loop3A_1374 = arith.subi %parallel_loop3A_1349, %parallel_loop3A_1372 : vector<16xi32>
      %parallel_loop3A_1375 = arith.cmpf ole, %parallel_loop3A_175, %parallel_loop3A_177 : vector<16xf32>
      %parallel_loop3A_1376 = arith.extui %parallel_loop3A_1375 : vector<16xi1> to vector<16xi32>
      %parallel_loop3A_1377 = arith.addi %parallel_loop3A_1357, %parallel_loop3A_1376 : vector<16xi32>
      %parallel_loop3A_1378 = arith.subi %parallel_loop3A_1374, %parallel_loop3A_1376 : vector<16xi32>
      %parallel_loop3A_1379 = arith.cmpf ole, %parallel_loop3A_175, %parallel_loop3A_178 : vector<16xf32>
      %parallel_loop3A_1380 = arith.extui %parallel_loop3A_1379 : vector<16xi1> to vector<16xi32>
      %parallel_loop3A_1381 = arith.addi %parallel_loop3A_1361, %parallel_loop3A_1380 : vector<16xi32>
      %parallel_loop3A_1382 = arith.subi %parallel_loop3A_1378, %parallel_loop3A_1380 : vector<16xi32>
      %parallel_loop3A_1383 = arith.cmpf ole, %parallel_loop3A_175, %parallel_loop3A_179 : vector<16xf32>
      %parallel_loop3A_1384 = arith.extui %parallel_loop3A_1383 : vector<16xi1> to vector<16xi32>
      %parallel_loop3A_1385 = arith.addi %parallel_loop3A_1365, %parallel_loop3A_1384 : vector<16xi32>
      %parallel_loop3A_1386 = arith.subi %parallel_loop3A_1382, %parallel_loop3A_1384 : vector<16xi32>
      %parallel_loop3A_1387 = arith.cmpf ole, %parallel_loop3A_175, %parallel_loop3A_180 : vector<16xf32>
      %parallel_loop3A_1388 = arith.extui %parallel_loop3A_1387 : vector<16xi1> to vector<16xi32>
      %parallel_loop3A_1389 = arith.addi %parallel_loop3A_1369, %parallel_loop3A_1388 : vector<16xi32>
      %parallel_loop3A_1390 = arith.subi %parallel_loop3A_1386, %parallel_loop3A_1388 : vector<16xi32>
      %parallel_loop3A_1391 = arith.cmpf ole, %parallel_loop3A_176, %parallel_loop3A_177 : vector<16xf32>
      %parallel_loop3A_1392 = arith.extui %parallel_loop3A_1391 : vector<16xi1> to vector<16xi32>
      %parallel_loop3A_1393 = arith.addi %parallel_loop3A_1377, %parallel_loop3A_1392 : vector<16xi32>
      %parallel_loop3A_1394 = arith.subi %parallel_loop3A_1373, %parallel_loop3A_1392 : vector<16xi32>
      %parallel_loop3A_1395 = arith.cmpf ole, %parallel_loop3A_176, %parallel_loop3A_178 : vector<16xf32>
      %parallel_loop3A_1396 = arith.extui %parallel_loop3A_1395 : vector<16xi1> to vector<16xi32>
      %parallel_loop3A_1397 = arith.addi %parallel_loop3A_1381, %parallel_loop3A_1396 : vector<16xi32>
      %parallel_loop3A_1398 = arith.subi %parallel_loop3A_1394, %parallel_loop3A_1396 : vector<16xi32>
      %parallel_loop3A_1399 = arith.cmpf ole, %parallel_loop3A_176, %parallel_loop3A_179 : vector<16xf32>
      %parallel_loop3A_1400 = arith.extui %parallel_loop3A_1399 : vector<16xi1> to vector<16xi32>
      %parallel_loop3A_1401 = arith.addi %parallel_loop3A_1385, %parallel_loop3A_1400 : vector<16xi32>
      %parallel_loop3A_1402 = arith.subi %parallel_loop3A_1398, %parallel_loop3A_1400 : vector<16xi32>
      %parallel_loop3A_1403 = arith.cmpf ole, %parallel_loop3A_176, %parallel_loop3A_180 : vector<16xf32>
      %parallel_loop3A_1404 = arith.extui %parallel_loop3A_1403 : vector<16xi1> to vector<16xi32>
      %parallel_loop3A_1405 = arith.addi %parallel_loop3A_1389, %parallel_loop3A_1404 : vector<16xi32>
      %parallel_loop3A_1406 = arith.subi %parallel_loop3A_1402, %parallel_loop3A_1404 : vector<16xi32>
      %parallel_loop3A_1407 = arith.cmpf ole, %parallel_loop3A_177, %parallel_loop3A_178 : vector<16xf32>
      %parallel_loop3A_1408 = arith.extui %parallel_loop3A_1407 : vector<16xi1> to vector<16xi32>
      %parallel_loop3A_1409 = arith.addi %parallel_loop3A_1397, %parallel_loop3A_1408 : vector<16xi32>
      %parallel_loop3A_1410 = arith.subi %parallel_loop3A_1393, %parallel_loop3A_1408 : vector<16xi32>
      %parallel_loop3A_1411 = arith.cmpf ole, %parallel_loop3A_177, %parallel_loop3A_179 : vector<16xf32>
      %parallel_loop3A_1412 = arith.extui %parallel_loop3A_1411 : vector<16xi1> to vector<16xi32>
      %parallel_loop3A_1413 = arith.addi %parallel_loop3A_1401, %parallel_loop3A_1412 : vector<16xi32>
      %parallel_loop3A_1414 = arith.subi %parallel_loop3A_1410, %parallel_loop3A_1412 : vector<16xi32>
      %parallel_loop3A_1415 = arith.cmpf ole, %parallel_loop3A_177, %parallel_loop3A_180 : vector<16xf32>
      %parallel_loop3A_1416 = arith.extui %parallel_loop3A_1415 : vector<16xi1> to vector<16xi32>
      %parallel_loop3A_1417 = arith.addi %parallel_loop3A_1405, %parallel_loop3A_1416 : vector<16xi32>
      %parallel_loop3A_1418 = arith.subi %parallel_loop3A_1414, %parallel_loop3A_1416 : vector<16xi32>
      %parallel_loop3A_1419 = arith.cmpf ole, %parallel_loop3A_178, %parallel_loop3A_179 : vector<16xf32>
      %parallel_loop3A_1420 = arith.extui %parallel_loop3A_1419 : vector<16xi1> to vector<16xi32>
      %parallel_loop3A_1421 = arith.addi %parallel_loop3A_1413, %parallel_loop3A_1420 : vector<16xi32>
      %parallel_loop3A_1422 = arith.subi %parallel_loop3A_1409, %parallel_loop3A_1420 : vector<16xi32>
      %parallel_loop3A_1423 = arith.cmpf ole, %parallel_loop3A_178, %parallel_loop3A_180 : vector<16xf32>
      %parallel_loop3A_1424 = arith.extui %parallel_loop3A_1423 : vector<16xi1> to vector<16xi32>
      %parallel_loop3A_1425 = arith.addi %parallel_loop3A_1417, %parallel_loop3A_1424 : vector<16xi32>
      %parallel_loop3A_1426 = arith.subi %parallel_loop3A_1422, %parallel_loop3A_1424 : vector<16xi32>
      %parallel_loop3A_1427 = arith.cmpf ole, %parallel_loop3A_179, %parallel_loop3A_180 : vector<16xf32>
      %parallel_loop3A_1428 = arith.extui %parallel_loop3A_1427 : vector<16xi1> to vector<16xi32>
      %parallel_loop3A_1429 = arith.addi %parallel_loop3A_1425, %parallel_loop3A_1428 : vector<16xi32>
      %parallel_loop3A_1430 = arith.subi %parallel_loop3A_1421, %parallel_loop3A_1428 : vector<16xi32>
      %parallel_loop3A_1431 = arith.constant 128 : i32
      %parallel_loop3A_1432 = vector.broadcast %parallel_loop3A_1431 : i32 to vector<16xi32>
      %parallel_loop3A_1433 = arith.muli %parallel_loop3A_82, %parallel_loop3A_1432 : vector<16xi32>
      %parallel_loop3A_1434 = arith.constant 0 : i32
      %parallel_loop3A_1435 = vector.broadcast %parallel_loop3A_1434 : i32 to vector<16xi32>
      %parallel_loop3A_1436 = arith.addi %parallel_loop3A_1433, %parallel_loop3A_1435 : vector<16xi32>
      %parallel_loop3A_1437 = arith.constant 0 : i32
      %parallel_loop3A_1438 = vector.broadcast %parallel_loop3A_1437 : i32 to vector<16xi32>
      %parallel_loop3A_1439 = arith.addi %parallel_loop3A_95, %parallel_loop3A_1438 : vector<16xi32>
      %parallel_loop3A_1440 = arith.addi %parallel_loop3A_1436, %parallel_loop3A_1439 : vector<16xi32>
      %parallel_loop3A_1441 = tpu.vector_load_idx %arg9[%parallel_loop3A_1440] : memref<16384xf32, #tpu.memory_space<vmem>>[vector<16xi32>], vector<16xf32>,
      %parallel_loop3A_1442 = arith.constant 0 : i32
      %parallel_loop3A_1443 = vector.broadcast %parallel_loop3A_1442 : i32 to vector<16xi32>
      %parallel_loop3A_1444 = arith.addi %parallel_loop3A_1433, %parallel_loop3A_1443 : vector<16xi32>
      %parallel_loop3A_1445 = arith.constant 1 : i32
      %parallel_loop3A_1446 = vector.broadcast %parallel_loop3A_1445 : i32 to vector<16xi32>
      %parallel_loop3A_1447 = arith.addi %parallel_loop3A_95, %parallel_loop3A_1446 : vector<16xi32>
      %parallel_loop3A_1448 = arith.addi %parallel_loop3A_1444, %parallel_loop3A_1447 : vector<16xi32>
      %parallel_loop3A_1449 = tpu.vector_load_idx %arg9[%parallel_loop3A_1448] : memref<16384xf32, #tpu.memory_space<vmem>>[vector<16xi32>], vector<16xf32>,
      %parallel_loop3A_1450 = arith.constant 0 : i32
      %parallel_loop3A_1451 = vector.broadcast %parallel_loop3A_1450 : i32 to vector<16xi32>
      %parallel_loop3A_1452 = arith.addi %parallel_loop3A_1433, %parallel_loop3A_1451 : vector<16xi32>
      %parallel_loop3A_1453 = arith.constant 2 : i32
      %parallel_loop3A_1454 = vector.broadcast %parallel_loop3A_1453 : i32 to vector<16xi32>
      %parallel_loop3A_1455 = arith.addi %parallel_loop3A_95, %parallel_loop3A_1454 : vector<16xi32>
      %parallel_loop3A_1456 = arith.addi %parallel_loop3A_1452, %parallel_loop3A_1455 : vector<16xi32>
      %parallel_loop3A_1457 = tpu.vector_load_idx %arg9[%parallel_loop3A_1456] : memref<16384xf32, #tpu.memory_space<vmem>>[vector<16xi32>], vector<16xf32>,
      %parallel_loop3A_1458 = arith.constant 0 : i32
      %parallel_loop3A_1459 = vector.broadcast %parallel_loop3A_1458 : i32 to vector<16xi32>
      %parallel_loop3A_1460 = arith.addi %parallel_loop3A_1433, %parallel_loop3A_1459 : vector<16xi32>
      %parallel_loop3A_1461 = arith.constant 3 : i32
      %parallel_loop3A_1462 = vector.broadcast %parallel_loop3A_1461 : i32 to vector<16xi32>
      %parallel_loop3A_1463 = arith.addi %parallel_loop3A_95, %parallel_loop3A_1462 : vector<16xi32>
      %parallel_loop3A_1464 = arith.addi %parallel_loop3A_1460, %parallel_loop3A_1463 : vector<16xi32>
      %parallel_loop3A_1465 = tpu.vector_load_idx %arg9[%parallel_loop3A_1464] : memref<16384xf32, #tpu.memory_space<vmem>>[vector<16xi32>], vector<16xf32>,
      %parallel_loop3A_1466 = arith.constant 0 : i32
      %parallel_loop3A_1467 = vector.broadcast %parallel_loop3A_1466 : i32 to vector<16xi32>
      %parallel_loop3A_1468 = arith.addi %parallel_loop3A_1433, %parallel_loop3A_1467 : vector<16xi32>
      %parallel_loop3A_1469 = arith.constant 4 : i32
      %parallel_loop3A_1470 = vector.broadcast %parallel_loop3A_1469 : i32 to vector<16xi32>
      %parallel_loop3A_1471 = arith.addi %parallel_loop3A_95, %parallel_loop3A_1470 : vector<16xi32>
      %parallel_loop3A_1472 = arith.addi %parallel_loop3A_1468, %parallel_loop3A_1471 : vector<16xi32>
      %parallel_loop3A_1473 = tpu.vector_load_idx %arg9[%parallel_loop3A_1472] : memref<16384xf32, #tpu.memory_space<vmem>>[vector<16xi32>], vector<16xf32>,
      %parallel_loop3A_1474 = arith.constant 128 : i32
      %parallel_loop3A_1475 = vector.broadcast %parallel_loop3A_1474 : i32 to vector<16xi32>
      %parallel_loop3A_1476 = arith.addi %parallel_loop3A_1433, %parallel_loop3A_1475 : vector<16xi32>
      %parallel_loop3A_1477 = arith.constant 0 : i32
      %parallel_loop3A_1478 = vector.broadcast %parallel_loop3A_1477 : i32 to vector<16xi32>
      %parallel_loop3A_1479 = arith.addi %parallel_loop3A_95, %parallel_loop3A_1478 : vector<16xi32>
      %parallel_loop3A_1480 = arith.addi %parallel_loop3A_1476, %parallel_loop3A_1479 : vector<16xi32>
      %parallel_loop3A_1481 = tpu.vector_load_idx %arg9[%parallel_loop3A_1480] : memref<16384xf32, #tpu.memory_space<vmem>>[vector<16xi32>], vector<16xf32>,
      %parallel_loop3A_1482 = arith.constant 128 : i32
      %parallel_loop3A_1483 = vector.broadcast %parallel_loop3A_1482 : i32 to vector<16xi32>
      %parallel_loop3A_1484 = arith.addi %parallel_loop3A_1433, %parallel_loop3A_1483 : vector<16xi32>
      %parallel_loop3A_1485 = arith.constant 1 : i32
      %parallel_loop3A_1486 = vector.broadcast %parallel_loop3A_1485 : i32 to vector<16xi32>
      %parallel_loop3A_1487 = arith.addi %parallel_loop3A_95, %parallel_loop3A_1486 : vector<16xi32>
      %parallel_loop3A_1488 = arith.addi %parallel_loop3A_1484, %parallel_loop3A_1487 : vector<16xi32>
      %parallel_loop3A_1489 = tpu.vector_load_idx %arg9[%parallel_loop3A_1488] : memref<16384xf32, #tpu.memory_space<vmem>>[vector<16xi32>], vector<16xf32>,
      %parallel_loop3A_1490 = arith.constant 128 : i32
      %parallel_loop3A_1491 = vector.broadcast %parallel_loop3A_1490 : i32 to vector<16xi32>
      %parallel_loop3A_1492 = arith.addi %parallel_loop3A_1433, %parallel_loop3A_1491 : vector<16xi32>
      %parallel_loop3A_1493 = arith.constant 2 : i32
      %parallel_loop3A_1494 = vector.broadcast %parallel_loop3A_1493 : i32 to vector<16xi32>
      %parallel_loop3A_1495 = arith.addi %parallel_loop3A_95, %parallel_loop3A_1494 : vector<16xi32>
      %parallel_loop3A_1496 = arith.addi %parallel_loop3A_1492, %parallel_loop3A_1495 : vector<16xi32>
      %parallel_loop3A_1497 = tpu.vector_load_idx %arg9[%parallel_loop3A_1496] : memref<16384xf32, #tpu.memory_space<vmem>>[vector<16xi32>], vector<16xf32>,
      %parallel_loop3A_1498 = arith.constant 128 : i32
      %parallel_loop3A_1499 = vector.broadcast %parallel_loop3A_1498 : i32 to vector<16xi32>
      %parallel_loop3A_1500 = arith.addi %parallel_loop3A_1433, %parallel_loop3A_1499 : vector<16xi32>
      %parallel_loop3A_1501 = arith.constant 3 : i32
      %parallel_loop3A_1502 = vector.broadcast %parallel_loop3A_1501 : i32 to vector<16xi32>
      %parallel_loop3A_1503 = arith.addi %parallel_loop3A_95, %parallel_loop3A_1502 : vector<16xi32>
      %parallel_loop3A_1504 = arith.addi %parallel_loop3A_1500, %parallel_loop3A_1503 : vector<16xi32>
      %parallel_loop3A_1505 = tpu.vector_load_idx %arg9[%parallel_loop3A_1504] : memref<16384xf32, #tpu.memory_space<vmem>>[vector<16xi32>], vector<16xf32>,
      %parallel_loop3A_1506 = arith.constant 128 : i32
      %parallel_loop3A_1507 = vector.broadcast %parallel_loop3A_1506 : i32 to vector<16xi32>
      %parallel_loop3A_1508 = arith.addi %parallel_loop3A_1433, %parallel_loop3A_1507 : vector<16xi32>
      %parallel_loop3A_1509 = arith.constant 4 : i32
      %parallel_loop3A_1510 = vector.broadcast %parallel_loop3A_1509 : i32 to vector<16xi32>
      %parallel_loop3A_1511 = arith.addi %parallel_loop3A_95, %parallel_loop3A_1510 : vector<16xi32>
      %parallel_loop3A_1512 = arith.addi %parallel_loop3A_1508, %parallel_loop3A_1511 : vector<16xi32>
      %parallel_loop3A_1513 = tpu.vector_load_idx %arg9[%parallel_loop3A_1512] : memref<16384xf32, #tpu.memory_space<vmem>>[vector<16xi32>], vector<16xf32>,
      %parallel_loop3A_1514 = arith.constant 256 : i32
      %parallel_loop3A_1515 = vector.broadcast %parallel_loop3A_1514 : i32 to vector<16xi32>
      %parallel_loop3A_1516 = arith.addi %parallel_loop3A_1433, %parallel_loop3A_1515 : vector<16xi32>
      %parallel_loop3A_1517 = arith.constant 0 : i32
      %parallel_loop3A_1518 = vector.broadcast %parallel_loop3A_1517 : i32 to vector<16xi32>
      %parallel_loop3A_1519 = arith.addi %parallel_loop3A_95, %parallel_loop3A_1518 : vector<16xi32>
      %parallel_loop3A_1520 = arith.addi %parallel_loop3A_1516, %parallel_loop3A_1519 : vector<16xi32>
      %parallel_loop3A_1521 = tpu.vector_load_idx %arg9[%parallel_loop3A_1520] : memref<16384xf32, #tpu.memory_space<vmem>>[vector<16xi32>], vector<16xf32>,
      %parallel_loop3A_1522 = arith.constant 256 : i32
      %parallel_loop3A_1523 = vector.broadcast %parallel_loop3A_1522 : i32 to vector<16xi32>
      %parallel_loop3A_1524 = arith.addi %parallel_loop3A_1433, %parallel_loop3A_1523 : vector<16xi32>
      %parallel_loop3A_1525 = arith.constant 1 : i32
      %parallel_loop3A_1526 = vector.broadcast %parallel_loop3A_1525 : i32 to vector<16xi32>
      %parallel_loop3A_1527 = arith.addi %parallel_loop3A_95, %parallel_loop3A_1526 : vector<16xi32>
      %parallel_loop3A_1528 = arith.addi %parallel_loop3A_1524, %parallel_loop3A_1527 : vector<16xi32>
      %parallel_loop3A_1529 = tpu.vector_load_idx %arg9[%parallel_loop3A_1528] : memref<16384xf32, #tpu.memory_space<vmem>>[vector<16xi32>], vector<16xf32>,
      %parallel_loop3A_1530 = arith.constant 256 : i32
      %parallel_loop3A_1531 = vector.broadcast %parallel_loop3A_1530 : i32 to vector<16xi32>
      %parallel_loop3A_1532 = arith.addi %parallel_loop3A_1433, %parallel_loop3A_1531 : vector<16xi32>
      %parallel_loop3A_1533 = arith.constant 2 : i32
      %parallel_loop3A_1534 = vector.broadcast %parallel_loop3A_1533 : i32 to vector<16xi32>
      %parallel_loop3A_1535 = arith.addi %parallel_loop3A_95, %parallel_loop3A_1534 : vector<16xi32>
      %parallel_loop3A_1536 = arith.addi %parallel_loop3A_1532, %parallel_loop3A_1535 : vector<16xi32>
      %parallel_loop3A_1537 = tpu.vector_load_idx %arg9[%parallel_loop3A_1536] : memref<16384xf32, #tpu.memory_space<vmem>>[vector<16xi32>], vector<16xf32>,
      %parallel_loop3A_1538 = arith.constant 256 : i32
      %parallel_loop3A_1539 = vector.broadcast %parallel_loop3A_1538 : i32 to vector<16xi32>
      %parallel_loop3A_1540 = arith.addi %parallel_loop3A_1433, %parallel_loop3A_1539 : vector<16xi32>
      %parallel_loop3A_1541 = arith.constant 3 : i32
      %parallel_loop3A_1542 = vector.broadcast %parallel_loop3A_1541 : i32 to vector<16xi32>
      %parallel_loop3A_1543 = arith.addi %parallel_loop3A_95, %parallel_loop3A_1542 : vector<16xi32>
      %parallel_loop3A_1544 = arith.addi %parallel_loop3A_1540, %parallel_loop3A_1543 : vector<16xi32>
      %parallel_loop3A_1545 = tpu.vector_load_idx %arg9[%parallel_loop3A_1544] : memref<16384xf32, #tpu.memory_space<vmem>>[vector<16xi32>], vector<16xf32>,
      %parallel_loop3A_1546 = arith.constant 256 : i32
      %parallel_loop3A_1547 = vector.broadcast %parallel_loop3A_1546 : i32 to vector<16xi32>
      %parallel_loop3A_1548 = arith.addi %parallel_loop3A_1433, %parallel_loop3A_1547 : vector<16xi32>
      %parallel_loop3A_1549 = arith.constant 4 : i32
      %parallel_loop3A_1550 = vector.broadcast %parallel_loop3A_1549 : i32 to vector<16xi32>
      %parallel_loop3A_1551 = arith.addi %parallel_loop3A_95, %parallel_loop3A_1550 : vector<16xi32>
      %parallel_loop3A_1552 = arith.addi %parallel_loop3A_1548, %parallel_loop3A_1551 : vector<16xi32>
      %parallel_loop3A_1553 = tpu.vector_load_idx %arg9[%parallel_loop3A_1552] : memref<16384xf32, #tpu.memory_space<vmem>>[vector<16xi32>], vector<16xf32>,
      %parallel_loop3A_1554 = arith.constant 384 : i32
      %parallel_loop3A_1555 = vector.broadcast %parallel_loop3A_1554 : i32 to vector<16xi32>
      %parallel_loop3A_1556 = arith.addi %parallel_loop3A_1433, %parallel_loop3A_1555 : vector<16xi32>
      %parallel_loop3A_1557 = arith.constant 0 : i32
      %parallel_loop3A_1558 = vector.broadcast %parallel_loop3A_1557 : i32 to vector<16xi32>
      %parallel_loop3A_1559 = arith.addi %parallel_loop3A_95, %parallel_loop3A_1558 : vector<16xi32>
      %parallel_loop3A_1560 = arith.addi %parallel_loop3A_1556, %parallel_loop3A_1559 : vector<16xi32>
      %parallel_loop3A_1561 = tpu.vector_load_idx %arg9[%parallel_loop3A_1560] : memref<16384xf32, #tpu.memory_space<vmem>>[vector<16xi32>], vector<16xf32>,
      %parallel_loop3A_1562 = arith.constant 384 : i32
      %parallel_loop3A_1563 = vector.broadcast %parallel_loop3A_1562 : i32 to vector<16xi32>
      %parallel_loop3A_1564 = arith.addi %parallel_loop3A_1433, %parallel_loop3A_1563 : vector<16xi32>
      %parallel_loop3A_1565 = arith.constant 1 : i32
      %parallel_loop3A_1566 = vector.broadcast %parallel_loop3A_1565 : i32 to vector<16xi32>
      %parallel_loop3A_1567 = arith.addi %parallel_loop3A_95, %parallel_loop3A_1566 : vector<16xi32>
      %parallel_loop3A_1568 = arith.addi %parallel_loop3A_1564, %parallel_loop3A_1567 : vector<16xi32>
      %parallel_loop3A_1569 = tpu.vector_load_idx %arg9[%parallel_loop3A_1568] : memref<16384xf32, #tpu.memory_space<vmem>>[vector<16xi32>], vector<16xf32>,
      %parallel_loop3A_1570 = arith.constant 384 : i32
      %parallel_loop3A_1571 = vector.broadcast %parallel_loop3A_1570 : i32 to vector<16xi32>
      %parallel_loop3A_1572 = arith.addi %parallel_loop3A_1433, %parallel_loop3A_1571 : vector<16xi32>
      %parallel_loop3A_1573 = arith.constant 2 : i32
      %parallel_loop3A_1574 = vector.broadcast %parallel_loop3A_1573 : i32 to vector<16xi32>
      %parallel_loop3A_1575 = arith.addi %parallel_loop3A_95, %parallel_loop3A_1574 : vector<16xi32>
      %parallel_loop3A_1576 = arith.addi %parallel_loop3A_1572, %parallel_loop3A_1575 : vector<16xi32>
      %parallel_loop3A_1577 = tpu.vector_load_idx %arg9[%parallel_loop3A_1576] : memref<16384xf32, #tpu.memory_space<vmem>>[vector<16xi32>], vector<16xf32>,
      %parallel_loop3A_1578 = arith.constant 384 : i32
      %parallel_loop3A_1579 = vector.broadcast %parallel_loop3A_1578 : i32 to vector<16xi32>
      %parallel_loop3A_1580 = arith.addi %parallel_loop3A_1433, %parallel_loop3A_1579 : vector<16xi32>
      %parallel_loop3A_1581 = arith.constant 3 : i32
      %parallel_loop3A_1582 = vector.broadcast %parallel_loop3A_1581 : i32 to vector<16xi32>
      %parallel_loop3A_1583 = arith.addi %parallel_loop3A_95, %parallel_loop3A_1582 : vector<16xi32>
      %parallel_loop3A_1584 = arith.addi %parallel_loop3A_1580, %parallel_loop3A_1583 : vector<16xi32>
      %parallel_loop3A_1585 = tpu.vector_load_idx %arg9[%parallel_loop3A_1584] : memref<16384xf32, #tpu.memory_space<vmem>>[vector<16xi32>], vector<16xf32>,
      %parallel_loop3A_1586 = arith.constant 384 : i32
      %parallel_loop3A_1587 = vector.broadcast %parallel_loop3A_1586 : i32 to vector<16xi32>
      %parallel_loop3A_1588 = arith.addi %parallel_loop3A_1433, %parallel_loop3A_1587 : vector<16xi32>
      %parallel_loop3A_1589 = arith.constant 4 : i32
      %parallel_loop3A_1590 = vector.broadcast %parallel_loop3A_1589 : i32 to vector<16xi32>
      %parallel_loop3A_1591 = arith.addi %parallel_loop3A_95, %parallel_loop3A_1590 : vector<16xi32>
      %parallel_loop3A_1592 = arith.addi %parallel_loop3A_1588, %parallel_loop3A_1591 : vector<16xi32>
      %parallel_loop3A_1593 = tpu.vector_load_idx %arg9[%parallel_loop3A_1592] : memref<16384xf32, #tpu.memory_space<vmem>>[vector<16xi32>], vector<16xf32>,
      %parallel_loop3A_1594 = arith.constant 512 : i32
      %parallel_loop3A_1595 = vector.broadcast %parallel_loop3A_1594 : i32 to vector<16xi32>
      %parallel_loop3A_1596 = arith.addi %parallel_loop3A_1433, %parallel_loop3A_1595 : vector<16xi32>
      %parallel_loop3A_1597 = arith.constant 0 : i32
      %parallel_loop3A_1598 = vector.broadcast %parallel_loop3A_1597 : i32 to vector<16xi32>
      %parallel_loop3A_1599 = arith.addi %parallel_loop3A_95, %parallel_loop3A_1598 : vector<16xi32>
      %parallel_loop3A_1600 = arith.addi %parallel_loop3A_1596, %parallel_loop3A_1599 : vector<16xi32>
      %parallel_loop3A_1601 = tpu.vector_load_idx %arg9[%parallel_loop3A_1600] : memref<16384xf32, #tpu.memory_space<vmem>>[vector<16xi32>], vector<16xf32>,
      %parallel_loop3A_1602 = arith.constant 512 : i32
      %parallel_loop3A_1603 = vector.broadcast %parallel_loop3A_1602 : i32 to vector<16xi32>
      %parallel_loop3A_1604 = arith.addi %parallel_loop3A_1433, %parallel_loop3A_1603 : vector<16xi32>
      %parallel_loop3A_1605 = arith.constant 1 : i32
      %parallel_loop3A_1606 = vector.broadcast %parallel_loop3A_1605 : i32 to vector<16xi32>
      %parallel_loop3A_1607 = arith.addi %parallel_loop3A_95, %parallel_loop3A_1606 : vector<16xi32>
      %parallel_loop3A_1608 = arith.addi %parallel_loop3A_1604, %parallel_loop3A_1607 : vector<16xi32>
      %parallel_loop3A_1609 = tpu.vector_load_idx %arg9[%parallel_loop3A_1608] : memref<16384xf32, #tpu.memory_space<vmem>>[vector<16xi32>], vector<16xf32>,
      %parallel_loop3A_1610 = arith.constant 512 : i32
      %parallel_loop3A_1611 = vector.broadcast %parallel_loop3A_1610 : i32 to vector<16xi32>
      %parallel_loop3A_1612 = arith.addi %parallel_loop3A_1433, %parallel_loop3A_1611 : vector<16xi32>
      %parallel_loop3A_1613 = arith.constant 2 : i32
      %parallel_loop3A_1614 = vector.broadcast %parallel_loop3A_1613 : i32 to vector<16xi32>
      %parallel_loop3A_1615 = arith.addi %parallel_loop3A_95, %parallel_loop3A_1614 : vector<16xi32>
      %parallel_loop3A_1616 = arith.addi %parallel_loop3A_1612, %parallel_loop3A_1615 : vector<16xi32>
      %parallel_loop3A_1617 = tpu.vector_load_idx %arg9[%parallel_loop3A_1616] : memref<16384xf32, #tpu.memory_space<vmem>>[vector<16xi32>], vector<16xf32>,
      %parallel_loop3A_1618 = arith.constant 512 : i32
      %parallel_loop3A_1619 = vector.broadcast %parallel_loop3A_1618 : i32 to vector<16xi32>
      %parallel_loop3A_1620 = arith.addi %parallel_loop3A_1433, %parallel_loop3A_1619 : vector<16xi32>
      %parallel_loop3A_1621 = arith.constant 3 : i32
      %parallel_loop3A_1622 = vector.broadcast %parallel_loop3A_1621 : i32 to vector<16xi32>
      %parallel_loop3A_1623 = arith.addi %parallel_loop3A_95, %parallel_loop3A_1622 : vector<16xi32>
      %parallel_loop3A_1624 = arith.addi %parallel_loop3A_1620, %parallel_loop3A_1623 : vector<16xi32>
      %parallel_loop3A_1625 = tpu.vector_load_idx %arg9[%parallel_loop3A_1624] : memref<16384xf32, #tpu.memory_space<vmem>>[vector<16xi32>], vector<16xf32>,
      %parallel_loop3A_1626 = arith.constant 512 : i32
      %parallel_loop3A_1627 = vector.broadcast %parallel_loop3A_1626 : i32 to vector<16xi32>
      %parallel_loop3A_1628 = arith.addi %parallel_loop3A_1433, %parallel_loop3A_1627 : vector<16xi32>
      %parallel_loop3A_1629 = arith.constant 4 : i32
      %parallel_loop3A_1630 = vector.broadcast %parallel_loop3A_1629 : i32 to vector<16xi32>
      %parallel_loop3A_1631 = arith.addi %parallel_loop3A_95, %parallel_loop3A_1630 : vector<16xi32>
      %parallel_loop3A_1632 = arith.addi %parallel_loop3A_1628, %parallel_loop3A_1631 : vector<16xi32>
      %parallel_loop3A_1633 = tpu.vector_load_idx %arg9[%parallel_loop3A_1632] : memref<16384xf32, #tpu.memory_space<vmem>>[vector<16xi32>], vector<16xf32>,
      %parallel_loop3A_1634 = arith.constant 9 : i32
      %parallel_loop3A_1635 = vector.broadcast %parallel_loop3A_1634 : i32 to vector<16xi32>
      %parallel_loop3A_1636 = arith.cmpi slt, %parallel_loop3A_326, %parallel_loop3A_1635 : vector<16xi32>
      %parallel_loop3A_1637 = arith.constant 9 : i32
      %parallel_loop3A_1638 = vector.broadcast %parallel_loop3A_1637 : i32 to vector<16xi32>
      %parallel_loop3A_1639 = arith.cmpi slt, %parallel_loop3A_418, %parallel_loop3A_1638 : vector<16xi32>
      %parallel_loop3A_1640 = arith.constant 9 : i32
      %parallel_loop3A_1641 = vector.broadcast %parallel_loop3A_1640 : i32 to vector<16xi32>
      %parallel_loop3A_1642 = arith.cmpi slt, %parallel_loop3A_506, %parallel_loop3A_1641 : vector<16xi32>
      %parallel_loop3A_1643 = arith.constant 9 : i32
      %parallel_loop3A_1644 = vector.broadcast %parallel_loop3A_1643 : i32 to vector<16xi32>
      %parallel_loop3A_1645 = arith.cmpi slt, %parallel_loop3A_590, %parallel_loop3A_1644 : vector<16xi32>
      %parallel_loop3A_1646 = arith.constant 9 : i32
      %parallel_loop3A_1647 = vector.broadcast %parallel_loop3A_1646 : i32 to vector<16xi32>
      %parallel_loop3A_1648 = arith.cmpi slt, %parallel_loop3A_670, %parallel_loop3A_1647 : vector<16xi32>
      %parallel_loop3A_1649 = arith.constant 9 : i32
      %parallel_loop3A_1650 = vector.broadcast %parallel_loop3A_1649 : i32 to vector<16xi32>
      %parallel_loop3A_1651 = arith.cmpi slt, %parallel_loop3A_746, %parallel_loop3A_1650 : vector<16xi32>
      %parallel_loop3A_1652 = arith.constant 9 : i32
      %parallel_loop3A_1653 = vector.broadcast %parallel_loop3A_1652 : i32 to vector<16xi32>
      %parallel_loop3A_1654 = arith.cmpi slt, %parallel_loop3A_818, %parallel_loop3A_1653 : vector<16xi32>
      %parallel_loop3A_1655 = arith.constant 9 : i32
      %parallel_loop3A_1656 = vector.broadcast %parallel_loop3A_1655 : i32 to vector<16xi32>
      %parallel_loop3A_1657 = arith.cmpi slt, %parallel_loop3A_886, %parallel_loop3A_1656 : vector<16xi32>
      %parallel_loop3A_1658 = arith.constant 9 : i32
      %parallel_loop3A_1659 = vector.broadcast %parallel_loop3A_1658 : i32 to vector<16xi32>
      %parallel_loop3A_1660 = arith.cmpi slt, %parallel_loop3A_950, %parallel_loop3A_1659 : vector<16xi32>
      %parallel_loop3A_1661 = arith.constant 9 : i32
      %parallel_loop3A_1662 = vector.broadcast %parallel_loop3A_1661 : i32 to vector<16xi32>
      %parallel_loop3A_1663 = arith.cmpi slt, %parallel_loop3A_1010, %parallel_loop3A_1662 : vector<16xi32>
      %parallel_loop3A_1664 = arith.constant 9 : i32
      %parallel_loop3A_1665 = vector.broadcast %parallel_loop3A_1664 : i32 to vector<16xi32>
      %parallel_loop3A_1666 = arith.cmpi slt, %parallel_loop3A_1066, %parallel_loop3A_1665 : vector<16xi32>
      %parallel_loop3A_1667 = arith.constant 9 : i32
      %parallel_loop3A_1668 = vector.broadcast %parallel_loop3A_1667 : i32 to vector<16xi32>
      %parallel_loop3A_1669 = arith.cmpi slt, %parallel_loop3A_1118, %parallel_loop3A_1668 : vector<16xi32>
      %parallel_loop3A_1670 = arith.constant 9 : i32
      %parallel_loop3A_1671 = vector.broadcast %parallel_loop3A_1670 : i32 to vector<16xi32>
      %parallel_loop3A_1672 = arith.cmpi slt, %parallel_loop3A_1166, %parallel_loop3A_1671 : vector<16xi32>
      %parallel_loop3A_1673 = arith.constant 9 : i32
      %parallel_loop3A_1674 = vector.broadcast %parallel_loop3A_1673 : i32 to vector<16xi32>
      %parallel_loop3A_1675 = arith.cmpi slt, %parallel_loop3A_1210, %parallel_loop3A_1674 : vector<16xi32>
      %parallel_loop3A_1676 = arith.constant 9 : i32
      %parallel_loop3A_1677 = vector.broadcast %parallel_loop3A_1676 : i32 to vector<16xi32>
      %parallel_loop3A_1678 = arith.cmpi slt, %parallel_loop3A_1250, %parallel_loop3A_1677 : vector<16xi32>
      %parallel_loop3A_1679 = arith.constant 9 : i32
      %parallel_loop3A_1680 = vector.broadcast %parallel_loop3A_1679 : i32 to vector<16xi32>
      %parallel_loop3A_1681 = arith.cmpi slt, %parallel_loop3A_1286, %parallel_loop3A_1680 : vector<16xi32>
      %parallel_loop3A_1682 = arith.constant 9 : i32
      %parallel_loop3A_1683 = vector.broadcast %parallel_loop3A_1682 : i32 to vector<16xi32>
      %parallel_loop3A_1684 = arith.cmpi slt, %parallel_loop3A_1318, %parallel_loop3A_1683 : vector<16xi32>
      %parallel_loop3A_1685 = arith.constant 9 : i32
      %parallel_loop3A_1686 = vector.broadcast %parallel_loop3A_1685 : i32 to vector<16xi32>
      %parallel_loop3A_1687 = arith.cmpi slt, %parallel_loop3A_1346, %parallel_loop3A_1686 : vector<16xi32>
      %parallel_loop3A_1688 = arith.constant 9 : i32
      %parallel_loop3A_1689 = vector.broadcast %parallel_loop3A_1688 : i32 to vector<16xi32>
      %parallel_loop3A_1690 = arith.cmpi slt, %parallel_loop3A_1370, %parallel_loop3A_1689 : vector<16xi32>
      %parallel_loop3A_1691 = arith.constant 9 : i32
      %parallel_loop3A_1692 = vector.broadcast %parallel_loop3A_1691 : i32 to vector<16xi32>
      %parallel_loop3A_1693 = arith.cmpi slt, %parallel_loop3A_1390, %parallel_loop3A_1692 : vector<16xi32>
      %parallel_loop3A_1694 = arith.constant 9 : i32
      %parallel_loop3A_1695 = vector.broadcast %parallel_loop3A_1694 : i32 to vector<16xi32>
      %parallel_loop3A_1696 = arith.cmpi slt, %parallel_loop3A_1406, %parallel_loop3A_1695 : vector<16xi32>
      %parallel_loop3A_1697 = arith.constant 9 : i32
      %parallel_loop3A_1698 = vector.broadcast %parallel_loop3A_1697 : i32 to vector<16xi32>
      %parallel_loop3A_1699 = arith.cmpi slt, %parallel_loop3A_1418, %parallel_loop3A_1698 : vector<16xi32>
      %parallel_loop3A_1700 = arith.constant 9 : i32
      %parallel_loop3A_1701 = vector.broadcast %parallel_loop3A_1700 : i32 to vector<16xi32>
      %parallel_loop3A_1702 = arith.cmpi slt, %parallel_loop3A_1426, %parallel_loop3A_1701 : vector<16xi32>
      %parallel_loop3A_1703 = arith.constant 9 : i32
      %parallel_loop3A_1704 = vector.broadcast %parallel_loop3A_1703 : i32 to vector<16xi32>
      %parallel_loop3A_1705 = arith.cmpi slt, %parallel_loop3A_1430, %parallel_loop3A_1704 : vector<16xi32>
      %parallel_loop3A_1706 = arith.constant 9 : i32
      %parallel_loop3A_1707 = vector.broadcast %parallel_loop3A_1706 : i32 to vector<16xi32>
      %parallel_loop3A_1708 = arith.cmpi slt, %parallel_loop3A_1429, %parallel_loop3A_1707 : vector<16xi32>
      %parallel_loop3A_1709 = arith.extui %gt3A_48 : i1 to i32
      %parallel_loop3A_1710 = arith.constant 0 : i32
      %parallel_loop3A_1711 = arith.cmpi ne, %parallel_loop3A_1709, %parallel_loop3A_1710 : i32
      %parallel_loop3A_1712 = scf.if %parallel_loop3A_1711 -> (vector<16xf32>) {
        %parallel_loop3A_1715 = arith.mulf %parallel_loop3A_156, %div3A_47 : vector<16xf32>
        %parallel_loop3A_1716 = vector.bitcast %parallel_loop3A_1715 : vector<16xf32> to vector<16xi32>
        %parallel_loop3A_1717 = arith.constant 1 : i32
        %parallel_loop3A_1718 = vector.broadcast %parallel_loop3A_1717 : i32 to vector<16xi32>
        %parallel_loop3A_1719 = arith.shrsi %parallel_loop3A_1716, %parallel_loop3A_1718 : vector<16xi32>
        %parallel_loop3A_1720 = arith.constant 1597463007 : i32
        %parallel_loop3A_1721 = vector.broadcast %parallel_loop3A_1720 : i32 to vector<16xi32>
        %parallel_loop3A_1722 = arith.subi %parallel_loop3A_1721, %parallel_loop3A_1719 : vector<16xi32>
        %parallel_loop3A_1723 = vector.bitcast %parallel_loop3A_1722 : vector<16xi32> to vector<16xf32>
        %parallel_loop3A_1724 = arith.constant 5.000000e-01 : f32
        %parallel_loop3A_1725 = vector.broadcast %parallel_loop3A_1724 : f32 to vector<16xf32>
        %parallel_loop3A_1726 = arith.mulf %parallel_loop3A_1725, %parallel_loop3A_1715 : vector<16xf32>
        %parallel_loop3A_1727 = arith.mulf %parallel_loop3A_1726, %parallel_loop3A_1723 : vector<16xf32>
        %parallel_loop3A_1728 = arith.mulf %parallel_loop3A_1727, %parallel_loop3A_1723 : vector<16xf32>
        %parallel_loop3A_1729 = arith.constant 1.500000e+00 : f32
        %parallel_loop3A_1730 = vector.broadcast %parallel_loop3A_1729 : f32 to vector<16xf32>
        %parallel_loop3A_1731 = arith.subf %parallel_loop3A_1730, %parallel_loop3A_1728 : vector<16xf32>
        %parallel_loop3A_1732 = arith.mulf %parallel_loop3A_1723, %parallel_loop3A_1731 : vector<16xf32>
        %parallel_loop3A_1733 = arith.mulf %parallel_loop3A_1715, %parallel_loop3A_1732 : vector<16xf32>
        %parallel_loop3A_1734 = arith.constant 1.500000e+00 : f32
        %parallel_loop3A_1735 = vector.broadcast %parallel_loop3A_1734 : f32 to vector<16xf32>
        %parallel_loop3A_1736 = arith.mulf %parallel_loop3A_1735, %parallel_loop3A_1733 : vector<16xf32>
        %parallel_loop3A_1737 = arith.constant 2.500000e+00 : f32
        %parallel_loop3A_1738 = vector.broadcast %parallel_loop3A_1737 : f32 to vector<16xf32>
        %parallel_loop3A_1739 = arith.subf %parallel_loop3A_1736, %parallel_loop3A_1738 : vector<16xf32>
        %parallel_loop3A_1740 = arith.mulf %parallel_loop3A_1739, %parallel_loop3A_1715 : vector<16xf32>
        %parallel_loop3A_1741 = arith.constant 1.000000e+00 : f32
        %parallel_loop3A_1742 = vector.broadcast %parallel_loop3A_1741 : f32 to vector<16xf32>
        %parallel_loop3A_1743 = arith.addf %parallel_loop3A_1740, %parallel_loop3A_1742 : vector<16xf32>
        %parallel_loop3A_1744 = arith.mulf %parallel_loop3A_1441, %parallel_loop3A_1743 : vector<16xf32>
        %parallel_loop3A_1745 = arith.constant 0.000000e+00 : f32
        %parallel_loop3A_1746 = vector.broadcast %parallel_loop3A_1745 : f32 to vector<16xf32>
        %parallel_loop3A_1747 = arith.select %parallel_loop3A_1636, %parallel_loop3A_1744, %parallel_loop3A_1746 : vector<16xi1>, vector<16xf32>
        %parallel_loop3A_1748 = arith.mulf %parallel_loop3A_157, %div3A_47 : vector<16xf32>
        %parallel_loop3A_1749 = vector.bitcast %parallel_loop3A_1748 : vector<16xf32> to vector<16xi32>
        %parallel_loop3A_1750 = arith.constant 1 : i32
        %parallel_loop3A_1751 = vector.broadcast %parallel_loop3A_1750 : i32 to vector<16xi32>
        %parallel_loop3A_1752 = arith.shrsi %parallel_loop3A_1749, %parallel_loop3A_1751 : vector<16xi32>
        %parallel_loop3A_1753 = arith.constant 1597463007 : i32
        %parallel_loop3A_1754 = vector.broadcast %parallel_loop3A_1753 : i32 to vector<16xi32>
        %parallel_loop3A_1755 = arith.subi %parallel_loop3A_1754, %parallel_loop3A_1752 : vector<16xi32>
        %parallel_loop3A_1756 = vector.bitcast %parallel_loop3A_1755 : vector<16xi32> to vector<16xf32>
        %parallel_loop3A_1757 = arith.constant 5.000000e-01 : f32
        %parallel_loop3A_1758 = vector.broadcast %parallel_loop3A_1757 : f32 to vector<16xf32>
        %parallel_loop3A_1759 = arith.mulf %parallel_loop3A_1758, %parallel_loop3A_1748 : vector<16xf32>
        %parallel_loop3A_1760 = arith.mulf %parallel_loop3A_1759, %parallel_loop3A_1756 : vector<16xf32>
        %parallel_loop3A_1761 = arith.mulf %parallel_loop3A_1760, %parallel_loop3A_1756 : vector<16xf32>
        %parallel_loop3A_1762 = arith.constant 1.500000e+00 : f32
        %parallel_loop3A_1763 = vector.broadcast %parallel_loop3A_1762 : f32 to vector<16xf32>
        %parallel_loop3A_1764 = arith.subf %parallel_loop3A_1763, %parallel_loop3A_1761 : vector<16xf32>
        %parallel_loop3A_1765 = arith.mulf %parallel_loop3A_1756, %parallel_loop3A_1764 : vector<16xf32>
        %parallel_loop3A_1766 = arith.mulf %parallel_loop3A_1748, %parallel_loop3A_1765 : vector<16xf32>
        %parallel_loop3A_1767 = arith.constant 1.500000e+00 : f32
        %parallel_loop3A_1768 = vector.broadcast %parallel_loop3A_1767 : f32 to vector<16xf32>
        %parallel_loop3A_1769 = arith.mulf %parallel_loop3A_1768, %parallel_loop3A_1766 : vector<16xf32>
        %parallel_loop3A_1770 = arith.constant 2.500000e+00 : f32
        %parallel_loop3A_1771 = vector.broadcast %parallel_loop3A_1770 : f32 to vector<16xf32>
        %parallel_loop3A_1772 = arith.subf %parallel_loop3A_1769, %parallel_loop3A_1771 : vector<16xf32>
        %parallel_loop3A_1773 = arith.mulf %parallel_loop3A_1772, %parallel_loop3A_1748 : vector<16xf32>
        %parallel_loop3A_1774 = arith.constant 1.000000e+00 : f32
        %parallel_loop3A_1775 = vector.broadcast %parallel_loop3A_1774 : f32 to vector<16xf32>
        %parallel_loop3A_1776 = arith.addf %parallel_loop3A_1773, %parallel_loop3A_1775 : vector<16xf32>
        %parallel_loop3A_1777 = arith.mulf %parallel_loop3A_1449, %parallel_loop3A_1776 : vector<16xf32>
        %parallel_loop3A_1778 = arith.constant 0.000000e+00 : f32
        %parallel_loop3A_1779 = vector.broadcast %parallel_loop3A_1778 : f32 to vector<16xf32>
        %parallel_loop3A_1780 = arith.select %parallel_loop3A_1639, %parallel_loop3A_1777, %parallel_loop3A_1779 : vector<16xi1>, vector<16xf32>
        %parallel_loop3A_1781 = arith.mulf %parallel_loop3A_158, %div3A_47 : vector<16xf32>
        %parallel_loop3A_1782 = vector.bitcast %parallel_loop3A_1781 : vector<16xf32> to vector<16xi32>
        %parallel_loop3A_1783 = arith.constant 1 : i32
        %parallel_loop3A_1784 = vector.broadcast %parallel_loop3A_1783 : i32 to vector<16xi32>
        %parallel_loop3A_1785 = arith.shrsi %parallel_loop3A_1782, %parallel_loop3A_1784 : vector<16xi32>
        %parallel_loop3A_1786 = arith.constant 1597463007 : i32
        %parallel_loop3A_1787 = vector.broadcast %parallel_loop3A_1786 : i32 to vector<16xi32>
        %parallel_loop3A_1788 = arith.subi %parallel_loop3A_1787, %parallel_loop3A_1785 : vector<16xi32>
        %parallel_loop3A_1789 = vector.bitcast %parallel_loop3A_1788 : vector<16xi32> to vector<16xf32>
        %parallel_loop3A_1790 = arith.constant 5.000000e-01 : f32
        %parallel_loop3A_1791 = vector.broadcast %parallel_loop3A_1790 : f32 to vector<16xf32>
        %parallel_loop3A_1792 = arith.mulf %parallel_loop3A_1791, %parallel_loop3A_1781 : vector<16xf32>
        %parallel_loop3A_1793 = arith.mulf %parallel_loop3A_1792, %parallel_loop3A_1789 : vector<16xf32>
        %parallel_loop3A_1794 = arith.mulf %parallel_loop3A_1793, %parallel_loop3A_1789 : vector<16xf32>
        %parallel_loop3A_1795 = arith.constant 1.500000e+00 : f32
        %parallel_loop3A_1796 = vector.broadcast %parallel_loop3A_1795 : f32 to vector<16xf32>
        %parallel_loop3A_1797 = arith.subf %parallel_loop3A_1796, %parallel_loop3A_1794 : vector<16xf32>
        %parallel_loop3A_1798 = arith.mulf %parallel_loop3A_1789, %parallel_loop3A_1797 : vector<16xf32>
        %parallel_loop3A_1799 = arith.mulf %parallel_loop3A_1781, %parallel_loop3A_1798 : vector<16xf32>
        %parallel_loop3A_1800 = arith.constant 1.500000e+00 : f32
        %parallel_loop3A_1801 = vector.broadcast %parallel_loop3A_1800 : f32 to vector<16xf32>
        %parallel_loop3A_1802 = arith.mulf %parallel_loop3A_1801, %parallel_loop3A_1799 : vector<16xf32>
        %parallel_loop3A_1803 = arith.constant 2.500000e+00 : f32
        %parallel_loop3A_1804 = vector.broadcast %parallel_loop3A_1803 : f32 to vector<16xf32>
        %parallel_loop3A_1805 = arith.subf %parallel_loop3A_1802, %parallel_loop3A_1804 : vector<16xf32>
        %parallel_loop3A_1806 = arith.mulf %parallel_loop3A_1805, %parallel_loop3A_1781 : vector<16xf32>
        %parallel_loop3A_1807 = arith.constant 1.000000e+00 : f32
        %parallel_loop3A_1808 = vector.broadcast %parallel_loop3A_1807 : f32 to vector<16xf32>
        %parallel_loop3A_1809 = arith.addf %parallel_loop3A_1806, %parallel_loop3A_1808 : vector<16xf32>
        %parallel_loop3A_1810 = arith.mulf %parallel_loop3A_1457, %parallel_loop3A_1809 : vector<16xf32>
        %parallel_loop3A_1811 = arith.constant 0.000000e+00 : f32
        %parallel_loop3A_1812 = vector.broadcast %parallel_loop3A_1811 : f32 to vector<16xf32>
        %parallel_loop3A_1813 = arith.select %parallel_loop3A_1642, %parallel_loop3A_1810, %parallel_loop3A_1812 : vector<16xi1>, vector<16xf32>
        %parallel_loop3A_1814 = arith.mulf %parallel_loop3A_159, %div3A_47 : vector<16xf32>
        %parallel_loop3A_1815 = vector.bitcast %parallel_loop3A_1814 : vector<16xf32> to vector<16xi32>
        %parallel_loop3A_1816 = arith.constant 1 : i32
        %parallel_loop3A_1817 = vector.broadcast %parallel_loop3A_1816 : i32 to vector<16xi32>
        %parallel_loop3A_1818 = arith.shrsi %parallel_loop3A_1815, %parallel_loop3A_1817 : vector<16xi32>
        %parallel_loop3A_1819 = arith.constant 1597463007 : i32
        %parallel_loop3A_1820 = vector.broadcast %parallel_loop3A_1819 : i32 to vector<16xi32>
        %parallel_loop3A_1821 = arith.subi %parallel_loop3A_1820, %parallel_loop3A_1818 : vector<16xi32>
        %parallel_loop3A_1822 = vector.bitcast %parallel_loop3A_1821 : vector<16xi32> to vector<16xf32>
        %parallel_loop3A_1823 = arith.constant 5.000000e-01 : f32
        %parallel_loop3A_1824 = vector.broadcast %parallel_loop3A_1823 : f32 to vector<16xf32>
        %parallel_loop3A_1825 = arith.mulf %parallel_loop3A_1824, %parallel_loop3A_1814 : vector<16xf32>
        %parallel_loop3A_1826 = arith.mulf %parallel_loop3A_1825, %parallel_loop3A_1822 : vector<16xf32>
        %parallel_loop3A_1827 = arith.mulf %parallel_loop3A_1826, %parallel_loop3A_1822 : vector<16xf32>
        %parallel_loop3A_1828 = arith.constant 1.500000e+00 : f32
        %parallel_loop3A_1829 = vector.broadcast %parallel_loop3A_1828 : f32 to vector<16xf32>
        %parallel_loop3A_1830 = arith.subf %parallel_loop3A_1829, %parallel_loop3A_1827 : vector<16xf32>
        %parallel_loop3A_1831 = arith.mulf %parallel_loop3A_1822, %parallel_loop3A_1830 : vector<16xf32>
        %parallel_loop3A_1832 = arith.mulf %parallel_loop3A_1814, %parallel_loop3A_1831 : vector<16xf32>
        %parallel_loop3A_1833 = arith.constant 1.500000e+00 : f32
        %parallel_loop3A_1834 = vector.broadcast %parallel_loop3A_1833 : f32 to vector<16xf32>
        %parallel_loop3A_1835 = arith.mulf %parallel_loop3A_1834, %parallel_loop3A_1832 : vector<16xf32>
        %parallel_loop3A_1836 = arith.constant 2.500000e+00 : f32
        %parallel_loop3A_1837 = vector.broadcast %parallel_loop3A_1836 : f32 to vector<16xf32>
        %parallel_loop3A_1838 = arith.subf %parallel_loop3A_1835, %parallel_loop3A_1837 : vector<16xf32>
        %parallel_loop3A_1839 = arith.mulf %parallel_loop3A_1838, %parallel_loop3A_1814 : vector<16xf32>
        %parallel_loop3A_1840 = arith.constant 1.000000e+00 : f32
        %parallel_loop3A_1841 = vector.broadcast %parallel_loop3A_1840 : f32 to vector<16xf32>
        %parallel_loop3A_1842 = arith.addf %parallel_loop3A_1839, %parallel_loop3A_1841 : vector<16xf32>
        %parallel_loop3A_1843 = arith.mulf %parallel_loop3A_1465, %parallel_loop3A_1842 : vector<16xf32>
        %parallel_loop3A_1844 = arith.constant 0.000000e+00 : f32
        %parallel_loop3A_1845 = vector.broadcast %parallel_loop3A_1844 : f32 to vector<16xf32>
        %parallel_loop3A_1846 = arith.select %parallel_loop3A_1645, %parallel_loop3A_1843, %parallel_loop3A_1845 : vector<16xi1>, vector<16xf32>
        %parallel_loop3A_1847 = arith.mulf %parallel_loop3A_160, %div3A_47 : vector<16xf32>
        %parallel_loop3A_1848 = vector.bitcast %parallel_loop3A_1847 : vector<16xf32> to vector<16xi32>
        %parallel_loop3A_1849 = arith.constant 1 : i32
        %parallel_loop3A_1850 = vector.broadcast %parallel_loop3A_1849 : i32 to vector<16xi32>
        %parallel_loop3A_1851 = arith.shrsi %parallel_loop3A_1848, %parallel_loop3A_1850 : vector<16xi32>
        %parallel_loop3A_1852 = arith.constant 1597463007 : i32
        %parallel_loop3A_1853 = vector.broadcast %parallel_loop3A_1852 : i32 to vector<16xi32>
        %parallel_loop3A_1854 = arith.subi %parallel_loop3A_1853, %parallel_loop3A_1851 : vector<16xi32>
        %parallel_loop3A_1855 = vector.bitcast %parallel_loop3A_1854 : vector<16xi32> to vector<16xf32>
        %parallel_loop3A_1856 = arith.constant 5.000000e-01 : f32
        %parallel_loop3A_1857 = vector.broadcast %parallel_loop3A_1856 : f32 to vector<16xf32>
        %parallel_loop3A_1858 = arith.mulf %parallel_loop3A_1857, %parallel_loop3A_1847 : vector<16xf32>
        %parallel_loop3A_1859 = arith.mulf %parallel_loop3A_1858, %parallel_loop3A_1855 : vector<16xf32>
        %parallel_loop3A_1860 = arith.mulf %parallel_loop3A_1859, %parallel_loop3A_1855 : vector<16xf32>
        %parallel_loop3A_1861 = arith.constant 1.500000e+00 : f32
        %parallel_loop3A_1862 = vector.broadcast %parallel_loop3A_1861 : f32 to vector<16xf32>
        %parallel_loop3A_1863 = arith.subf %parallel_loop3A_1862, %parallel_loop3A_1860 : vector<16xf32>
        %parallel_loop3A_1864 = arith.mulf %parallel_loop3A_1855, %parallel_loop3A_1863 : vector<16xf32>
        %parallel_loop3A_1865 = arith.mulf %parallel_loop3A_1847, %parallel_loop3A_1864 : vector<16xf32>
        %parallel_loop3A_1866 = arith.constant 1.500000e+00 : f32
        %parallel_loop3A_1867 = vector.broadcast %parallel_loop3A_1866 : f32 to vector<16xf32>
        %parallel_loop3A_1868 = arith.mulf %parallel_loop3A_1867, %parallel_loop3A_1865 : vector<16xf32>
        %parallel_loop3A_1869 = arith.constant 2.500000e+00 : f32
        %parallel_loop3A_1870 = vector.broadcast %parallel_loop3A_1869 : f32 to vector<16xf32>
        %parallel_loop3A_1871 = arith.subf %parallel_loop3A_1868, %parallel_loop3A_1870 : vector<16xf32>
        %parallel_loop3A_1872 = arith.mulf %parallel_loop3A_1871, %parallel_loop3A_1847 : vector<16xf32>
        %parallel_loop3A_1873 = arith.constant 1.000000e+00 : f32
        %parallel_loop3A_1874 = vector.broadcast %parallel_loop3A_1873 : f32 to vector<16xf32>
        %parallel_loop3A_1875 = arith.addf %parallel_loop3A_1872, %parallel_loop3A_1874 : vector<16xf32>
        %parallel_loop3A_1876 = arith.mulf %parallel_loop3A_1473, %parallel_loop3A_1875 : vector<16xf32>
        %parallel_loop3A_1877 = arith.constant 0.000000e+00 : f32
        %parallel_loop3A_1878 = vector.broadcast %parallel_loop3A_1877 : f32 to vector<16xf32>
        %parallel_loop3A_1879 = arith.select %parallel_loop3A_1648, %parallel_loop3A_1876, %parallel_loop3A_1878 : vector<16xi1>, vector<16xf32>
        %parallel_loop3A_1880 = arith.mulf %parallel_loop3A_161, %div3A_47 : vector<16xf32>
        %parallel_loop3A_1881 = vector.bitcast %parallel_loop3A_1880 : vector<16xf32> to vector<16xi32>
        %parallel_loop3A_1882 = arith.constant 1 : i32
        %parallel_loop3A_1883 = vector.broadcast %parallel_loop3A_1882 : i32 to vector<16xi32>
        %parallel_loop3A_1884 = arith.shrsi %parallel_loop3A_1881, %parallel_loop3A_1883 : vector<16xi32>
        %parallel_loop3A_1885 = arith.constant 1597463007 : i32
        %parallel_loop3A_1886 = vector.broadcast %parallel_loop3A_1885 : i32 to vector<16xi32>
        %parallel_loop3A_1887 = arith.subi %parallel_loop3A_1886, %parallel_loop3A_1884 : vector<16xi32>
        %parallel_loop3A_1888 = vector.bitcast %parallel_loop3A_1887 : vector<16xi32> to vector<16xf32>
        %parallel_loop3A_1889 = arith.constant 5.000000e-01 : f32
        %parallel_loop3A_1890 = vector.broadcast %parallel_loop3A_1889 : f32 to vector<16xf32>
        %parallel_loop3A_1891 = arith.mulf %parallel_loop3A_1890, %parallel_loop3A_1880 : vector<16xf32>
        %parallel_loop3A_1892 = arith.mulf %parallel_loop3A_1891, %parallel_loop3A_1888 : vector<16xf32>
        %parallel_loop3A_1893 = arith.mulf %parallel_loop3A_1892, %parallel_loop3A_1888 : vector<16xf32>
        %parallel_loop3A_1894 = arith.constant 1.500000e+00 : f32
        %parallel_loop3A_1895 = vector.broadcast %parallel_loop3A_1894 : f32 to vector<16xf32>
        %parallel_loop3A_1896 = arith.subf %parallel_loop3A_1895, %parallel_loop3A_1893 : vector<16xf32>
        %parallel_loop3A_1897 = arith.mulf %parallel_loop3A_1888, %parallel_loop3A_1896 : vector<16xf32>
        %parallel_loop3A_1898 = arith.mulf %parallel_loop3A_1880, %parallel_loop3A_1897 : vector<16xf32>
        %parallel_loop3A_1899 = arith.constant 1.500000e+00 : f32
        %parallel_loop3A_1900 = vector.broadcast %parallel_loop3A_1899 : f32 to vector<16xf32>
        %parallel_loop3A_1901 = arith.mulf %parallel_loop3A_1900, %parallel_loop3A_1898 : vector<16xf32>
        %parallel_loop3A_1902 = arith.constant 2.500000e+00 : f32
        %parallel_loop3A_1903 = vector.broadcast %parallel_loop3A_1902 : f32 to vector<16xf32>
        %parallel_loop3A_1904 = arith.subf %parallel_loop3A_1901, %parallel_loop3A_1903 : vector<16xf32>
        %parallel_loop3A_1905 = arith.mulf %parallel_loop3A_1904, %parallel_loop3A_1880 : vector<16xf32>
        %parallel_loop3A_1906 = arith.constant 1.000000e+00 : f32
        %parallel_loop3A_1907 = vector.broadcast %parallel_loop3A_1906 : f32 to vector<16xf32>
        %parallel_loop3A_1908 = arith.addf %parallel_loop3A_1905, %parallel_loop3A_1907 : vector<16xf32>
        %parallel_loop3A_1909 = arith.mulf %parallel_loop3A_1481, %parallel_loop3A_1908 : vector<16xf32>
        %parallel_loop3A_1910 = arith.constant 0.000000e+00 : f32
        %parallel_loop3A_1911 = vector.broadcast %parallel_loop3A_1910 : f32 to vector<16xf32>
        %parallel_loop3A_1912 = arith.select %parallel_loop3A_1651, %parallel_loop3A_1909, %parallel_loop3A_1911 : vector<16xi1>, vector<16xf32>
        %parallel_loop3A_1913 = arith.mulf %parallel_loop3A_162, %div3A_47 : vector<16xf32>
        %parallel_loop3A_1914 = vector.bitcast %parallel_loop3A_1913 : vector<16xf32> to vector<16xi32>
        %parallel_loop3A_1915 = arith.constant 1 : i32
        %parallel_loop3A_1916 = vector.broadcast %parallel_loop3A_1915 : i32 to vector<16xi32>
        %parallel_loop3A_1917 = arith.shrsi %parallel_loop3A_1914, %parallel_loop3A_1916 : vector<16xi32>
        %parallel_loop3A_1918 = arith.constant 1597463007 : i32
        %parallel_loop3A_1919 = vector.broadcast %parallel_loop3A_1918 : i32 to vector<16xi32>
        %parallel_loop3A_1920 = arith.subi %parallel_loop3A_1919, %parallel_loop3A_1917 : vector<16xi32>
        %parallel_loop3A_1921 = vector.bitcast %parallel_loop3A_1920 : vector<16xi32> to vector<16xf32>
        %parallel_loop3A_1922 = arith.constant 5.000000e-01 : f32
        %parallel_loop3A_1923 = vector.broadcast %parallel_loop3A_1922 : f32 to vector<16xf32>
        %parallel_loop3A_1924 = arith.mulf %parallel_loop3A_1923, %parallel_loop3A_1913 : vector<16xf32>
        %parallel_loop3A_1925 = arith.mulf %parallel_loop3A_1924, %parallel_loop3A_1921 : vector<16xf32>
        %parallel_loop3A_1926 = arith.mulf %parallel_loop3A_1925, %parallel_loop3A_1921 : vector<16xf32>
        %parallel_loop3A_1927 = arith.constant 1.500000e+00 : f32
        %parallel_loop3A_1928 = vector.broadcast %parallel_loop3A_1927 : f32 to vector<16xf32>
        %parallel_loop3A_1929 = arith.subf %parallel_loop3A_1928, %parallel_loop3A_1926 : vector<16xf32>
        %parallel_loop3A_1930 = arith.mulf %parallel_loop3A_1921, %parallel_loop3A_1929 : vector<16xf32>
        %parallel_loop3A_1931 = arith.mulf %parallel_loop3A_1913, %parallel_loop3A_1930 : vector<16xf32>
        %parallel_loop3A_1932 = arith.constant 1.500000e+00 : f32
        %parallel_loop3A_1933 = vector.broadcast %parallel_loop3A_1932 : f32 to vector<16xf32>
        %parallel_loop3A_1934 = arith.mulf %parallel_loop3A_1933, %parallel_loop3A_1931 : vector<16xf32>
        %parallel_loop3A_1935 = arith.constant 2.500000e+00 : f32
        %parallel_loop3A_1936 = vector.broadcast %parallel_loop3A_1935 : f32 to vector<16xf32>
        %parallel_loop3A_1937 = arith.subf %parallel_loop3A_1934, %parallel_loop3A_1936 : vector<16xf32>
        %parallel_loop3A_1938 = arith.mulf %parallel_loop3A_1937, %parallel_loop3A_1913 : vector<16xf32>
        %parallel_loop3A_1939 = arith.constant 1.000000e+00 : f32
        %parallel_loop3A_1940 = vector.broadcast %parallel_loop3A_1939 : f32 to vector<16xf32>
        %parallel_loop3A_1941 = arith.addf %parallel_loop3A_1938, %parallel_loop3A_1940 : vector<16xf32>
        %parallel_loop3A_1942 = arith.mulf %parallel_loop3A_1489, %parallel_loop3A_1941 : vector<16xf32>
        %parallel_loop3A_1943 = arith.constant 0.000000e+00 : f32
        %parallel_loop3A_1944 = vector.broadcast %parallel_loop3A_1943 : f32 to vector<16xf32>
        %parallel_loop3A_1945 = arith.select %parallel_loop3A_1654, %parallel_loop3A_1942, %parallel_loop3A_1944 : vector<16xi1>, vector<16xf32>
        %parallel_loop3A_1946 = arith.mulf %parallel_loop3A_163, %div3A_47 : vector<16xf32>
        %parallel_loop3A_1947 = vector.bitcast %parallel_loop3A_1946 : vector<16xf32> to vector<16xi32>
        %parallel_loop3A_1948 = arith.constant 1 : i32
        %parallel_loop3A_1949 = vector.broadcast %parallel_loop3A_1948 : i32 to vector<16xi32>
        %parallel_loop3A_1950 = arith.shrsi %parallel_loop3A_1947, %parallel_loop3A_1949 : vector<16xi32>
        %parallel_loop3A_1951 = arith.constant 1597463007 : i32
        %parallel_loop3A_1952 = vector.broadcast %parallel_loop3A_1951 : i32 to vector<16xi32>
        %parallel_loop3A_1953 = arith.subi %parallel_loop3A_1952, %parallel_loop3A_1950 : vector<16xi32>
        %parallel_loop3A_1954 = vector.bitcast %parallel_loop3A_1953 : vector<16xi32> to vector<16xf32>
        %parallel_loop3A_1955 = arith.constant 5.000000e-01 : f32
        %parallel_loop3A_1956 = vector.broadcast %parallel_loop3A_1955 : f32 to vector<16xf32>
        %parallel_loop3A_1957 = arith.mulf %parallel_loop3A_1956, %parallel_loop3A_1946 : vector<16xf32>
        %parallel_loop3A_1958 = arith.mulf %parallel_loop3A_1957, %parallel_loop3A_1954 : vector<16xf32>
        %parallel_loop3A_1959 = arith.mulf %parallel_loop3A_1958, %parallel_loop3A_1954 : vector<16xf32>
        %parallel_loop3A_1960 = arith.constant 1.500000e+00 : f32
        %parallel_loop3A_1961 = vector.broadcast %parallel_loop3A_1960 : f32 to vector<16xf32>
        %parallel_loop3A_1962 = arith.subf %parallel_loop3A_1961, %parallel_loop3A_1959 : vector<16xf32>
        %parallel_loop3A_1963 = arith.mulf %parallel_loop3A_1954, %parallel_loop3A_1962 : vector<16xf32>
        %parallel_loop3A_1964 = arith.mulf %parallel_loop3A_1946, %parallel_loop3A_1963 : vector<16xf32>
        %parallel_loop3A_1965 = arith.constant 1.500000e+00 : f32
        %parallel_loop3A_1966 = vector.broadcast %parallel_loop3A_1965 : f32 to vector<16xf32>
        %parallel_loop3A_1967 = arith.mulf %parallel_loop3A_1966, %parallel_loop3A_1964 : vector<16xf32>
        %parallel_loop3A_1968 = arith.constant 2.500000e+00 : f32
        %parallel_loop3A_1969 = vector.broadcast %parallel_loop3A_1968 : f32 to vector<16xf32>
        %parallel_loop3A_1970 = arith.subf %parallel_loop3A_1967, %parallel_loop3A_1969 : vector<16xf32>
        %parallel_loop3A_1971 = arith.mulf %parallel_loop3A_1970, %parallel_loop3A_1946 : vector<16xf32>
        %parallel_loop3A_1972 = arith.constant 1.000000e+00 : f32
        %parallel_loop3A_1973 = vector.broadcast %parallel_loop3A_1972 : f32 to vector<16xf32>
        %parallel_loop3A_1974 = arith.addf %parallel_loop3A_1971, %parallel_loop3A_1973 : vector<16xf32>
        %parallel_loop3A_1975 = arith.mulf %parallel_loop3A_1497, %parallel_loop3A_1974 : vector<16xf32>
        %parallel_loop3A_1976 = arith.constant 0.000000e+00 : f32
        %parallel_loop3A_1977 = vector.broadcast %parallel_loop3A_1976 : f32 to vector<16xf32>
        %parallel_loop3A_1978 = arith.select %parallel_loop3A_1657, %parallel_loop3A_1975, %parallel_loop3A_1977 : vector<16xi1>, vector<16xf32>
        %parallel_loop3A_1979 = arith.mulf %parallel_loop3A_164, %div3A_47 : vector<16xf32>
        %parallel_loop3A_1980 = vector.bitcast %parallel_loop3A_1979 : vector<16xf32> to vector<16xi32>
        %parallel_loop3A_1981 = arith.constant 1 : i32
        %parallel_loop3A_1982 = vector.broadcast %parallel_loop3A_1981 : i32 to vector<16xi32>
        %parallel_loop3A_1983 = arith.shrsi %parallel_loop3A_1980, %parallel_loop3A_1982 : vector<16xi32>
        %parallel_loop3A_1984 = arith.constant 1597463007 : i32
        %parallel_loop3A_1985 = vector.broadcast %parallel_loop3A_1984 : i32 to vector<16xi32>
        %parallel_loop3A_1986 = arith.subi %parallel_loop3A_1985, %parallel_loop3A_1983 : vector<16xi32>
        %parallel_loop3A_1987 = vector.bitcast %parallel_loop3A_1986 : vector<16xi32> to vector<16xf32>
        %parallel_loop3A_1988 = arith.constant 5.000000e-01 : f32
        %parallel_loop3A_1989 = vector.broadcast %parallel_loop3A_1988 : f32 to vector<16xf32>
        %parallel_loop3A_1990 = arith.mulf %parallel_loop3A_1989, %parallel_loop3A_1979 : vector<16xf32>
        %parallel_loop3A_1991 = arith.mulf %parallel_loop3A_1990, %parallel_loop3A_1987 : vector<16xf32>
        %parallel_loop3A_1992 = arith.mulf %parallel_loop3A_1991, %parallel_loop3A_1987 : vector<16xf32>
        %parallel_loop3A_1993 = arith.constant 1.500000e+00 : f32
        %parallel_loop3A_1994 = vector.broadcast %parallel_loop3A_1993 : f32 to vector<16xf32>
        %parallel_loop3A_1995 = arith.subf %parallel_loop3A_1994, %parallel_loop3A_1992 : vector<16xf32>
        %parallel_loop3A_1996 = arith.mulf %parallel_loop3A_1987, %parallel_loop3A_1995 : vector<16xf32>
        %parallel_loop3A_1997 = arith.mulf %parallel_loop3A_1979, %parallel_loop3A_1996 : vector<16xf32>
        %parallel_loop3A_1998 = arith.constant 1.500000e+00 : f32
        %parallel_loop3A_1999 = vector.broadcast %parallel_loop3A_1998 : f32 to vector<16xf32>
        %parallel_loop3A_2000 = arith.mulf %parallel_loop3A_1999, %parallel_loop3A_1997 : vector<16xf32>
        %parallel_loop3A_2001 = arith.constant 2.500000e+00 : f32
        %parallel_loop3A_2002 = vector.broadcast %parallel_loop3A_2001 : f32 to vector<16xf32>
        %parallel_loop3A_2003 = arith.subf %parallel_loop3A_2000, %parallel_loop3A_2002 : vector<16xf32>
        %parallel_loop3A_2004 = arith.mulf %parallel_loop3A_2003, %parallel_loop3A_1979 : vector<16xf32>
        %parallel_loop3A_2005 = arith.constant 1.000000e+00 : f32
        %parallel_loop3A_2006 = vector.broadcast %parallel_loop3A_2005 : f32 to vector<16xf32>
        %parallel_loop3A_2007 = arith.addf %parallel_loop3A_2004, %parallel_loop3A_2006 : vector<16xf32>
        %parallel_loop3A_2008 = arith.mulf %parallel_loop3A_1505, %parallel_loop3A_2007 : vector<16xf32>
        %parallel_loop3A_2009 = arith.constant 0.000000e+00 : f32
        %parallel_loop3A_2010 = vector.broadcast %parallel_loop3A_2009 : f32 to vector<16xf32>
        %parallel_loop3A_2011 = arith.select %parallel_loop3A_1660, %parallel_loop3A_2008, %parallel_loop3A_2010 : vector<16xi1>, vector<16xf32>
        %parallel_loop3A_2012 = arith.mulf %parallel_loop3A_165, %div3A_47 : vector<16xf32>
        %parallel_loop3A_2013 = vector.bitcast %parallel_loop3A_2012 : vector<16xf32> to vector<16xi32>
        %parallel_loop3A_2014 = arith.constant 1 : i32
        %parallel_loop3A_2015 = vector.broadcast %parallel_loop3A_2014 : i32 to vector<16xi32>
        %parallel_loop3A_2016 = arith.shrsi %parallel_loop3A_2013, %parallel_loop3A_2015 : vector<16xi32>
        %parallel_loop3A_2017 = arith.constant 1597463007 : i32
        %parallel_loop3A_2018 = vector.broadcast %parallel_loop3A_2017 : i32 to vector<16xi32>
        %parallel_loop3A_2019 = arith.subi %parallel_loop3A_2018, %parallel_loop3A_2016 : vector<16xi32>
        %parallel_loop3A_2020 = vector.bitcast %parallel_loop3A_2019 : vector<16xi32> to vector<16xf32>
        %parallel_loop3A_2021 = arith.constant 5.000000e-01 : f32
        %parallel_loop3A_2022 = vector.broadcast %parallel_loop3A_2021 : f32 to vector<16xf32>
        %parallel_loop3A_2023 = arith.mulf %parallel_loop3A_2022, %parallel_loop3A_2012 : vector<16xf32>
        %parallel_loop3A_2024 = arith.mulf %parallel_loop3A_2023, %parallel_loop3A_2020 : vector<16xf32>
        %parallel_loop3A_2025 = arith.mulf %parallel_loop3A_2024, %parallel_loop3A_2020 : vector<16xf32>
        %parallel_loop3A_2026 = arith.constant 1.500000e+00 : f32
        %parallel_loop3A_2027 = vector.broadcast %parallel_loop3A_2026 : f32 to vector<16xf32>
        %parallel_loop3A_2028 = arith.subf %parallel_loop3A_2027, %parallel_loop3A_2025 : vector<16xf32>
        %parallel_loop3A_2029 = arith.mulf %parallel_loop3A_2020, %parallel_loop3A_2028 : vector<16xf32>
        %parallel_loop3A_2030 = arith.mulf %parallel_loop3A_2012, %parallel_loop3A_2029 : vector<16xf32>
        %parallel_loop3A_2031 = arith.constant 1.500000e+00 : f32
        %parallel_loop3A_2032 = vector.broadcast %parallel_loop3A_2031 : f32 to vector<16xf32>
        %parallel_loop3A_2033 = arith.mulf %parallel_loop3A_2032, %parallel_loop3A_2030 : vector<16xf32>
        %parallel_loop3A_2034 = arith.constant 2.500000e+00 : f32
        %parallel_loop3A_2035 = vector.broadcast %parallel_loop3A_2034 : f32 to vector<16xf32>
        %parallel_loop3A_2036 = arith.subf %parallel_loop3A_2033, %parallel_loop3A_2035 : vector<16xf32>
        %parallel_loop3A_2037 = arith.mulf %parallel_loop3A_2036, %parallel_loop3A_2012 : vector<16xf32>
        %parallel_loop3A_2038 = arith.constant 1.000000e+00 : f32
        %parallel_loop3A_2039 = vector.broadcast %parallel_loop3A_2038 : f32 to vector<16xf32>
        %parallel_loop3A_2040 = arith.addf %parallel_loop3A_2037, %parallel_loop3A_2039 : vector<16xf32>
        %parallel_loop3A_2041 = arith.mulf %parallel_loop3A_1513, %parallel_loop3A_2040 : vector<16xf32>
        %parallel_loop3A_2042 = arith.constant 0.000000e+00 : f32
        %parallel_loop3A_2043 = vector.broadcast %parallel_loop3A_2042 : f32 to vector<16xf32>
        %parallel_loop3A_2044 = arith.select %parallel_loop3A_1663, %parallel_loop3A_2041, %parallel_loop3A_2043 : vector<16xi1>, vector<16xf32>
        %parallel_loop3A_2045 = arith.mulf %parallel_loop3A_166, %div3A_47 : vector<16xf32>
        %parallel_loop3A_2046 = vector.bitcast %parallel_loop3A_2045 : vector<16xf32> to vector<16xi32>
        %parallel_loop3A_2047 = arith.constant 1 : i32
        %parallel_loop3A_2048 = vector.broadcast %parallel_loop3A_2047 : i32 to vector<16xi32>
        %parallel_loop3A_2049 = arith.shrsi %parallel_loop3A_2046, %parallel_loop3A_2048 : vector<16xi32>
        %parallel_loop3A_2050 = arith.constant 1597463007 : i32
        %parallel_loop3A_2051 = vector.broadcast %parallel_loop3A_2050 : i32 to vector<16xi32>
        %parallel_loop3A_2052 = arith.subi %parallel_loop3A_2051, %parallel_loop3A_2049 : vector<16xi32>
        %parallel_loop3A_2053 = vector.bitcast %parallel_loop3A_2052 : vector<16xi32> to vector<16xf32>
        %parallel_loop3A_2054 = arith.constant 5.000000e-01 : f32
        %parallel_loop3A_2055 = vector.broadcast %parallel_loop3A_2054 : f32 to vector<16xf32>
        %parallel_loop3A_2056 = arith.mulf %parallel_loop3A_2055, %parallel_loop3A_2045 : vector<16xf32>
        %parallel_loop3A_2057 = arith.mulf %parallel_loop3A_2056, %parallel_loop3A_2053 : vector<16xf32>
        %parallel_loop3A_2058 = arith.mulf %parallel_loop3A_2057, %parallel_loop3A_2053 : vector<16xf32>
        %parallel_loop3A_2059 = arith.constant 1.500000e+00 : f32
        %parallel_loop3A_2060 = vector.broadcast %parallel_loop3A_2059 : f32 to vector<16xf32>
        %parallel_loop3A_2061 = arith.subf %parallel_loop3A_2060, %parallel_loop3A_2058 : vector<16xf32>
        %parallel_loop3A_2062 = arith.mulf %parallel_loop3A_2053, %parallel_loop3A_2061 : vector<16xf32>
        %parallel_loop3A_2063 = arith.mulf %parallel_loop3A_2045, %parallel_loop3A_2062 : vector<16xf32>
        %parallel_loop3A_2064 = arith.constant 1.500000e+00 : f32
        %parallel_loop3A_2065 = vector.broadcast %parallel_loop3A_2064 : f32 to vector<16xf32>
        %parallel_loop3A_2066 = arith.mulf %parallel_loop3A_2065, %parallel_loop3A_2063 : vector<16xf32>
        %parallel_loop3A_2067 = arith.constant 2.500000e+00 : f32
        %parallel_loop3A_2068 = vector.broadcast %parallel_loop3A_2067 : f32 to vector<16xf32>
        %parallel_loop3A_2069 = arith.subf %parallel_loop3A_2066, %parallel_loop3A_2068 : vector<16xf32>
        %parallel_loop3A_2070 = arith.mulf %parallel_loop3A_2069, %parallel_loop3A_2045 : vector<16xf32>
        %parallel_loop3A_2071 = arith.constant 1.000000e+00 : f32
        %parallel_loop3A_2072 = vector.broadcast %parallel_loop3A_2071 : f32 to vector<16xf32>
        %parallel_loop3A_2073 = arith.addf %parallel_loop3A_2070, %parallel_loop3A_2072 : vector<16xf32>
        %parallel_loop3A_2074 = arith.mulf %parallel_loop3A_1521, %parallel_loop3A_2073 : vector<16xf32>
        %parallel_loop3A_2075 = arith.constant 0.000000e+00 : f32
        %parallel_loop3A_2076 = vector.broadcast %parallel_loop3A_2075 : f32 to vector<16xf32>
        %parallel_loop3A_2077 = arith.select %parallel_loop3A_1666, %parallel_loop3A_2074, %parallel_loop3A_2076 : vector<16xi1>, vector<16xf32>
        %parallel_loop3A_2078 = arith.mulf %parallel_loop3A_167, %div3A_47 : vector<16xf32>
        %parallel_loop3A_2079 = vector.bitcast %parallel_loop3A_2078 : vector<16xf32> to vector<16xi32>
        %parallel_loop3A_2080 = arith.constant 1 : i32
        %parallel_loop3A_2081 = vector.broadcast %parallel_loop3A_2080 : i32 to vector<16xi32>
        %parallel_loop3A_2082 = arith.shrsi %parallel_loop3A_2079, %parallel_loop3A_2081 : vector<16xi32>
        %parallel_loop3A_2083 = arith.constant 1597463007 : i32
        %parallel_loop3A_2084 = vector.broadcast %parallel_loop3A_2083 : i32 to vector<16xi32>
        %parallel_loop3A_2085 = arith.subi %parallel_loop3A_2084, %parallel_loop3A_2082 : vector<16xi32>
        %parallel_loop3A_2086 = vector.bitcast %parallel_loop3A_2085 : vector<16xi32> to vector<16xf32>
        %parallel_loop3A_2087 = arith.constant 5.000000e-01 : f32
        %parallel_loop3A_2088 = vector.broadcast %parallel_loop3A_2087 : f32 to vector<16xf32>
        %parallel_loop3A_2089 = arith.mulf %parallel_loop3A_2088, %parallel_loop3A_2078 : vector<16xf32>
        %parallel_loop3A_2090 = arith.mulf %parallel_loop3A_2089, %parallel_loop3A_2086 : vector<16xf32>
        %parallel_loop3A_2091 = arith.mulf %parallel_loop3A_2090, %parallel_loop3A_2086 : vector<16xf32>
        %parallel_loop3A_2092 = arith.constant 1.500000e+00 : f32
        %parallel_loop3A_2093 = vector.broadcast %parallel_loop3A_2092 : f32 to vector<16xf32>
        %parallel_loop3A_2094 = arith.subf %parallel_loop3A_2093, %parallel_loop3A_2091 : vector<16xf32>
        %parallel_loop3A_2095 = arith.mulf %parallel_loop3A_2086, %parallel_loop3A_2094 : vector<16xf32>
        %parallel_loop3A_2096 = arith.mulf %parallel_loop3A_2078, %parallel_loop3A_2095 : vector<16xf32>
        %parallel_loop3A_2097 = arith.constant 1.500000e+00 : f32
        %parallel_loop3A_2098 = vector.broadcast %parallel_loop3A_2097 : f32 to vector<16xf32>
        %parallel_loop3A_2099 = arith.mulf %parallel_loop3A_2098, %parallel_loop3A_2096 : vector<16xf32>
        %parallel_loop3A_2100 = arith.constant 2.500000e+00 : f32
        %parallel_loop3A_2101 = vector.broadcast %parallel_loop3A_2100 : f32 to vector<16xf32>
        %parallel_loop3A_2102 = arith.subf %parallel_loop3A_2099, %parallel_loop3A_2101 : vector<16xf32>
        %parallel_loop3A_2103 = arith.mulf %parallel_loop3A_2102, %parallel_loop3A_2078 : vector<16xf32>
        %parallel_loop3A_2104 = arith.constant 1.000000e+00 : f32
        %parallel_loop3A_2105 = vector.broadcast %parallel_loop3A_2104 : f32 to vector<16xf32>
        %parallel_loop3A_2106 = arith.addf %parallel_loop3A_2103, %parallel_loop3A_2105 : vector<16xf32>
        %parallel_loop3A_2107 = arith.mulf %parallel_loop3A_1529, %parallel_loop3A_2106 : vector<16xf32>
        %parallel_loop3A_2108 = arith.constant 0.000000e+00 : f32
        %parallel_loop3A_2109 = vector.broadcast %parallel_loop3A_2108 : f32 to vector<16xf32>
        %parallel_loop3A_2110 = arith.select %parallel_loop3A_1669, %parallel_loop3A_2107, %parallel_loop3A_2109 : vector<16xi1>, vector<16xf32>
        %parallel_loop3A_2111 = arith.mulf %parallel_loop3A_168, %div3A_47 : vector<16xf32>
        %parallel_loop3A_2112 = vector.bitcast %parallel_loop3A_2111 : vector<16xf32> to vector<16xi32>
        %parallel_loop3A_2113 = arith.constant 1 : i32
        %parallel_loop3A_2114 = vector.broadcast %parallel_loop3A_2113 : i32 to vector<16xi32>
        %parallel_loop3A_2115 = arith.shrsi %parallel_loop3A_2112, %parallel_loop3A_2114 : vector<16xi32>
        %parallel_loop3A_2116 = arith.constant 1597463007 : i32
        %parallel_loop3A_2117 = vector.broadcast %parallel_loop3A_2116 : i32 to vector<16xi32>
        %parallel_loop3A_2118 = arith.subi %parallel_loop3A_2117, %parallel_loop3A_2115 : vector<16xi32>
        %parallel_loop3A_2119 = vector.bitcast %parallel_loop3A_2118 : vector<16xi32> to vector<16xf32>
        %parallel_loop3A_2120 = arith.constant 5.000000e-01 : f32
        %parallel_loop3A_2121 = vector.broadcast %parallel_loop3A_2120 : f32 to vector<16xf32>
        %parallel_loop3A_2122 = arith.mulf %parallel_loop3A_2121, %parallel_loop3A_2111 : vector<16xf32>
        %parallel_loop3A_2123 = arith.mulf %parallel_loop3A_2122, %parallel_loop3A_2119 : vector<16xf32>
        %parallel_loop3A_2124 = arith.mulf %parallel_loop3A_2123, %parallel_loop3A_2119 : vector<16xf32>
        %parallel_loop3A_2125 = arith.constant 1.500000e+00 : f32
        %parallel_loop3A_2126 = vector.broadcast %parallel_loop3A_2125 : f32 to vector<16xf32>
        %parallel_loop3A_2127 = arith.subf %parallel_loop3A_2126, %parallel_loop3A_2124 : vector<16xf32>
        %parallel_loop3A_2128 = arith.mulf %parallel_loop3A_2119, %parallel_loop3A_2127 : vector<16xf32>
        %parallel_loop3A_2129 = arith.mulf %parallel_loop3A_2111, %parallel_loop3A_2128 : vector<16xf32>
        %parallel_loop3A_2130 = arith.constant 1.500000e+00 : f32
        %parallel_loop3A_2131 = vector.broadcast %parallel_loop3A_2130 : f32 to vector<16xf32>
        %parallel_loop3A_2132 = arith.mulf %parallel_loop3A_2131, %parallel_loop3A_2129 : vector<16xf32>
        %parallel_loop3A_2133 = arith.constant 2.500000e+00 : f32
        %parallel_loop3A_2134 = vector.broadcast %parallel_loop3A_2133 : f32 to vector<16xf32>
        %parallel_loop3A_2135 = arith.subf %parallel_loop3A_2132, %parallel_loop3A_2134 : vector<16xf32>
        %parallel_loop3A_2136 = arith.mulf %parallel_loop3A_2135, %parallel_loop3A_2111 : vector<16xf32>
        %parallel_loop3A_2137 = arith.constant 1.000000e+00 : f32
        %parallel_loop3A_2138 = vector.broadcast %parallel_loop3A_2137 : f32 to vector<16xf32>
        %parallel_loop3A_2139 = arith.addf %parallel_loop3A_2136, %parallel_loop3A_2138 : vector<16xf32>
        %parallel_loop3A_2140 = arith.mulf %parallel_loop3A_1537, %parallel_loop3A_2139 : vector<16xf32>
        %parallel_loop3A_2141 = arith.constant 0.000000e+00 : f32
        %parallel_loop3A_2142 = vector.broadcast %parallel_loop3A_2141 : f32 to vector<16xf32>
        %parallel_loop3A_2143 = arith.select %parallel_loop3A_1672, %parallel_loop3A_2140, %parallel_loop3A_2142 : vector<16xi1>, vector<16xf32>
        %parallel_loop3A_2144 = arith.mulf %parallel_loop3A_169, %div3A_47 : vector<16xf32>
        %parallel_loop3A_2145 = vector.bitcast %parallel_loop3A_2144 : vector<16xf32> to vector<16xi32>
        %parallel_loop3A_2146 = arith.constant 1 : i32
        %parallel_loop3A_2147 = vector.broadcast %parallel_loop3A_2146 : i32 to vector<16xi32>
        %parallel_loop3A_2148 = arith.shrsi %parallel_loop3A_2145, %parallel_loop3A_2147 : vector<16xi32>
        %parallel_loop3A_2149 = arith.constant 1597463007 : i32
        %parallel_loop3A_2150 = vector.broadcast %parallel_loop3A_2149 : i32 to vector<16xi32>
        %parallel_loop3A_2151 = arith.subi %parallel_loop3A_2150, %parallel_loop3A_2148 : vector<16xi32>
        %parallel_loop3A_2152 = vector.bitcast %parallel_loop3A_2151 : vector<16xi32> to vector<16xf32>
        %parallel_loop3A_2153 = arith.constant 5.000000e-01 : f32
        %parallel_loop3A_2154 = vector.broadcast %parallel_loop3A_2153 : f32 to vector<16xf32>
        %parallel_loop3A_2155 = arith.mulf %parallel_loop3A_2154, %parallel_loop3A_2144 : vector<16xf32>
        %parallel_loop3A_2156 = arith.mulf %parallel_loop3A_2155, %parallel_loop3A_2152 : vector<16xf32>
        %parallel_loop3A_2157 = arith.mulf %parallel_loop3A_2156, %parallel_loop3A_2152 : vector<16xf32>
        %parallel_loop3A_2158 = arith.constant 1.500000e+00 : f32
        %parallel_loop3A_2159 = vector.broadcast %parallel_loop3A_2158 : f32 to vector<16xf32>
        %parallel_loop3A_2160 = arith.subf %parallel_loop3A_2159, %parallel_loop3A_2157 : vector<16xf32>
        %parallel_loop3A_2161 = arith.mulf %parallel_loop3A_2152, %parallel_loop3A_2160 : vector<16xf32>
        %parallel_loop3A_2162 = arith.mulf %parallel_loop3A_2144, %parallel_loop3A_2161 : vector<16xf32>
        %parallel_loop3A_2163 = arith.constant 1.500000e+00 : f32
        %parallel_loop3A_2164 = vector.broadcast %parallel_loop3A_2163 : f32 to vector<16xf32>
        %parallel_loop3A_2165 = arith.mulf %parallel_loop3A_2164, %parallel_loop3A_2162 : vector<16xf32>
        %parallel_loop3A_2166 = arith.constant 2.500000e+00 : f32
        %parallel_loop3A_2167 = vector.broadcast %parallel_loop3A_2166 : f32 to vector<16xf32>
        %parallel_loop3A_2168 = arith.subf %parallel_loop3A_2165, %parallel_loop3A_2167 : vector<16xf32>
        %parallel_loop3A_2169 = arith.mulf %parallel_loop3A_2168, %parallel_loop3A_2144 : vector<16xf32>
        %parallel_loop3A_2170 = arith.constant 1.000000e+00 : f32
        %parallel_loop3A_2171 = vector.broadcast %parallel_loop3A_2170 : f32 to vector<16xf32>
        %parallel_loop3A_2172 = arith.addf %parallel_loop3A_2169, %parallel_loop3A_2171 : vector<16xf32>
        %parallel_loop3A_2173 = arith.mulf %parallel_loop3A_1545, %parallel_loop3A_2172 : vector<16xf32>
        %parallel_loop3A_2174 = arith.constant 0.000000e+00 : f32
        %parallel_loop3A_2175 = vector.broadcast %parallel_loop3A_2174 : f32 to vector<16xf32>
        %parallel_loop3A_2176 = arith.select %parallel_loop3A_1675, %parallel_loop3A_2173, %parallel_loop3A_2175 : vector<16xi1>, vector<16xf32>
        %parallel_loop3A_2177 = arith.mulf %parallel_loop3A_170, %div3A_47 : vector<16xf32>
        %parallel_loop3A_2178 = vector.bitcast %parallel_loop3A_2177 : vector<16xf32> to vector<16xi32>
        %parallel_loop3A_2179 = arith.constant 1 : i32
        %parallel_loop3A_2180 = vector.broadcast %parallel_loop3A_2179 : i32 to vector<16xi32>
        %parallel_loop3A_2181 = arith.shrsi %parallel_loop3A_2178, %parallel_loop3A_2180 : vector<16xi32>
        %parallel_loop3A_2182 = arith.constant 1597463007 : i32
        %parallel_loop3A_2183 = vector.broadcast %parallel_loop3A_2182 : i32 to vector<16xi32>
        %parallel_loop3A_2184 = arith.subi %parallel_loop3A_2183, %parallel_loop3A_2181 : vector<16xi32>
        %parallel_loop3A_2185 = vector.bitcast %parallel_loop3A_2184 : vector<16xi32> to vector<16xf32>
        %parallel_loop3A_2186 = arith.constant 5.000000e-01 : f32
        %parallel_loop3A_2187 = vector.broadcast %parallel_loop3A_2186 : f32 to vector<16xf32>
        %parallel_loop3A_2188 = arith.mulf %parallel_loop3A_2187, %parallel_loop3A_2177 : vector<16xf32>
        %parallel_loop3A_2189 = arith.mulf %parallel_loop3A_2188, %parallel_loop3A_2185 : vector<16xf32>
        %parallel_loop3A_2190 = arith.mulf %parallel_loop3A_2189, %parallel_loop3A_2185 : vector<16xf32>
        %parallel_loop3A_2191 = arith.constant 1.500000e+00 : f32
        %parallel_loop3A_2192 = vector.broadcast %parallel_loop3A_2191 : f32 to vector<16xf32>
        %parallel_loop3A_2193 = arith.subf %parallel_loop3A_2192, %parallel_loop3A_2190 : vector<16xf32>
        %parallel_loop3A_2194 = arith.mulf %parallel_loop3A_2185, %parallel_loop3A_2193 : vector<16xf32>
        %parallel_loop3A_2195 = arith.mulf %parallel_loop3A_2177, %parallel_loop3A_2194 : vector<16xf32>
        %parallel_loop3A_2196 = arith.constant 1.500000e+00 : f32
        %parallel_loop3A_2197 = vector.broadcast %parallel_loop3A_2196 : f32 to vector<16xf32>
        %parallel_loop3A_2198 = arith.mulf %parallel_loop3A_2197, %parallel_loop3A_2195 : vector<16xf32>
        %parallel_loop3A_2199 = arith.constant 2.500000e+00 : f32
        %parallel_loop3A_2200 = vector.broadcast %parallel_loop3A_2199 : f32 to vector<16xf32>
        %parallel_loop3A_2201 = arith.subf %parallel_loop3A_2198, %parallel_loop3A_2200 : vector<16xf32>
        %parallel_loop3A_2202 = arith.mulf %parallel_loop3A_2201, %parallel_loop3A_2177 : vector<16xf32>
        %parallel_loop3A_2203 = arith.constant 1.000000e+00 : f32
        %parallel_loop3A_2204 = vector.broadcast %parallel_loop3A_2203 : f32 to vector<16xf32>
        %parallel_loop3A_2205 = arith.addf %parallel_loop3A_2202, %parallel_loop3A_2204 : vector<16xf32>
        %parallel_loop3A_2206 = arith.mulf %parallel_loop3A_1553, %parallel_loop3A_2205 : vector<16xf32>
        %parallel_loop3A_2207 = arith.constant 0.000000e+00 : f32
        %parallel_loop3A_2208 = vector.broadcast %parallel_loop3A_2207 : f32 to vector<16xf32>
        %parallel_loop3A_2209 = arith.select %parallel_loop3A_1678, %parallel_loop3A_2206, %parallel_loop3A_2208 : vector<16xi1>, vector<16xf32>
        %parallel_loop3A_2210 = arith.mulf %parallel_loop3A_171, %div3A_47 : vector<16xf32>
        %parallel_loop3A_2211 = vector.bitcast %parallel_loop3A_2210 : vector<16xf32> to vector<16xi32>
        %parallel_loop3A_2212 = arith.constant 1 : i32
        %parallel_loop3A_2213 = vector.broadcast %parallel_loop3A_2212 : i32 to vector<16xi32>
        %parallel_loop3A_2214 = arith.shrsi %parallel_loop3A_2211, %parallel_loop3A_2213 : vector<16xi32>
        %parallel_loop3A_2215 = arith.constant 1597463007 : i32
        %parallel_loop3A_2216 = vector.broadcast %parallel_loop3A_2215 : i32 to vector<16xi32>
        %parallel_loop3A_2217 = arith.subi %parallel_loop3A_2216, %parallel_loop3A_2214 : vector<16xi32>
        %parallel_loop3A_2218 = vector.bitcast %parallel_loop3A_2217 : vector<16xi32> to vector<16xf32>
        %parallel_loop3A_2219 = arith.constant 5.000000e-01 : f32
        %parallel_loop3A_2220 = vector.broadcast %parallel_loop3A_2219 : f32 to vector<16xf32>
        %parallel_loop3A_2221 = arith.mulf %parallel_loop3A_2220, %parallel_loop3A_2210 : vector<16xf32>
        %parallel_loop3A_2222 = arith.mulf %parallel_loop3A_2221, %parallel_loop3A_2218 : vector<16xf32>
        %parallel_loop3A_2223 = arith.mulf %parallel_loop3A_2222, %parallel_loop3A_2218 : vector<16xf32>
        %parallel_loop3A_2224 = arith.constant 1.500000e+00 : f32
        %parallel_loop3A_2225 = vector.broadcast %parallel_loop3A_2224 : f32 to vector<16xf32>
        %parallel_loop3A_2226 = arith.subf %parallel_loop3A_2225, %parallel_loop3A_2223 : vector<16xf32>
        %parallel_loop3A_2227 = arith.mulf %parallel_loop3A_2218, %parallel_loop3A_2226 : vector<16xf32>
        %parallel_loop3A_2228 = arith.mulf %parallel_loop3A_2210, %parallel_loop3A_2227 : vector<16xf32>
        %parallel_loop3A_2229 = arith.constant 1.500000e+00 : f32
        %parallel_loop3A_2230 = vector.broadcast %parallel_loop3A_2229 : f32 to vector<16xf32>
        %parallel_loop3A_2231 = arith.mulf %parallel_loop3A_2230, %parallel_loop3A_2228 : vector<16xf32>
        %parallel_loop3A_2232 = arith.constant 2.500000e+00 : f32
        %parallel_loop3A_2233 = vector.broadcast %parallel_loop3A_2232 : f32 to vector<16xf32>
        %parallel_loop3A_2234 = arith.subf %parallel_loop3A_2231, %parallel_loop3A_2233 : vector<16xf32>
        %parallel_loop3A_2235 = arith.mulf %parallel_loop3A_2234, %parallel_loop3A_2210 : vector<16xf32>
        %parallel_loop3A_2236 = arith.constant 1.000000e+00 : f32
        %parallel_loop3A_2237 = vector.broadcast %parallel_loop3A_2236 : f32 to vector<16xf32>
        %parallel_loop3A_2238 = arith.addf %parallel_loop3A_2235, %parallel_loop3A_2237 : vector<16xf32>
        %parallel_loop3A_2239 = arith.mulf %parallel_loop3A_1561, %parallel_loop3A_2238 : vector<16xf32>
        %parallel_loop3A_2240 = arith.constant 0.000000e+00 : f32
        %parallel_loop3A_2241 = vector.broadcast %parallel_loop3A_2240 : f32 to vector<16xf32>
        %parallel_loop3A_2242 = arith.select %parallel_loop3A_1681, %parallel_loop3A_2239, %parallel_loop3A_2241 : vector<16xi1>, vector<16xf32>
        %parallel_loop3A_2243 = arith.mulf %parallel_loop3A_172, %div3A_47 : vector<16xf32>
        %parallel_loop3A_2244 = vector.bitcast %parallel_loop3A_2243 : vector<16xf32> to vector<16xi32>
        %parallel_loop3A_2245 = arith.constant 1 : i32
        %parallel_loop3A_2246 = vector.broadcast %parallel_loop3A_2245 : i32 to vector<16xi32>
        %parallel_loop3A_2247 = arith.shrsi %parallel_loop3A_2244, %parallel_loop3A_2246 : vector<16xi32>
        %parallel_loop3A_2248 = arith.constant 1597463007 : i32
        %parallel_loop3A_2249 = vector.broadcast %parallel_loop3A_2248 : i32 to vector<16xi32>
        %parallel_loop3A_2250 = arith.subi %parallel_loop3A_2249, %parallel_loop3A_2247 : vector<16xi32>
        %parallel_loop3A_2251 = vector.bitcast %parallel_loop3A_2250 : vector<16xi32> to vector<16xf32>
        %parallel_loop3A_2252 = arith.constant 5.000000e-01 : f32
        %parallel_loop3A_2253 = vector.broadcast %parallel_loop3A_2252 : f32 to vector<16xf32>
        %parallel_loop3A_2254 = arith.mulf %parallel_loop3A_2253, %parallel_loop3A_2243 : vector<16xf32>
        %parallel_loop3A_2255 = arith.mulf %parallel_loop3A_2254, %parallel_loop3A_2251 : vector<16xf32>
        %parallel_loop3A_2256 = arith.mulf %parallel_loop3A_2255, %parallel_loop3A_2251 : vector<16xf32>
        %parallel_loop3A_2257 = arith.constant 1.500000e+00 : f32
        %parallel_loop3A_2258 = vector.broadcast %parallel_loop3A_2257 : f32 to vector<16xf32>
        %parallel_loop3A_2259 = arith.subf %parallel_loop3A_2258, %parallel_loop3A_2256 : vector<16xf32>
        %parallel_loop3A_2260 = arith.mulf %parallel_loop3A_2251, %parallel_loop3A_2259 : vector<16xf32>
        %parallel_loop3A_2261 = arith.mulf %parallel_loop3A_2243, %parallel_loop3A_2260 : vector<16xf32>
        %parallel_loop3A_2262 = arith.constant 1.500000e+00 : f32
        %parallel_loop3A_2263 = vector.broadcast %parallel_loop3A_2262 : f32 to vector<16xf32>
        %parallel_loop3A_2264 = arith.mulf %parallel_loop3A_2263, %parallel_loop3A_2261 : vector<16xf32>
        %parallel_loop3A_2265 = arith.constant 2.500000e+00 : f32
        %parallel_loop3A_2266 = vector.broadcast %parallel_loop3A_2265 : f32 to vector<16xf32>
        %parallel_loop3A_2267 = arith.subf %parallel_loop3A_2264, %parallel_loop3A_2266 : vector<16xf32>
        %parallel_loop3A_2268 = arith.mulf %parallel_loop3A_2267, %parallel_loop3A_2243 : vector<16xf32>
        %parallel_loop3A_2269 = arith.constant 1.000000e+00 : f32
        %parallel_loop3A_2270 = vector.broadcast %parallel_loop3A_2269 : f32 to vector<16xf32>
        %parallel_loop3A_2271 = arith.addf %parallel_loop3A_2268, %parallel_loop3A_2270 : vector<16xf32>
        %parallel_loop3A_2272 = arith.mulf %parallel_loop3A_1569, %parallel_loop3A_2271 : vector<16xf32>
        %parallel_loop3A_2273 = arith.constant 0.000000e+00 : f32
        %parallel_loop3A_2274 = vector.broadcast %parallel_loop3A_2273 : f32 to vector<16xf32>
        %parallel_loop3A_2275 = arith.select %parallel_loop3A_1684, %parallel_loop3A_2272, %parallel_loop3A_2274 : vector<16xi1>, vector<16xf32>
        %parallel_loop3A_2276 = arith.mulf %parallel_loop3A_173, %div3A_47 : vector<16xf32>
        %parallel_loop3A_2277 = vector.bitcast %parallel_loop3A_2276 : vector<16xf32> to vector<16xi32>
        %parallel_loop3A_2278 = arith.constant 1 : i32
        %parallel_loop3A_2279 = vector.broadcast %parallel_loop3A_2278 : i32 to vector<16xi32>
        %parallel_loop3A_2280 = arith.shrsi %parallel_loop3A_2277, %parallel_loop3A_2279 : vector<16xi32>
        %parallel_loop3A_2281 = arith.constant 1597463007 : i32
        %parallel_loop3A_2282 = vector.broadcast %parallel_loop3A_2281 : i32 to vector<16xi32>
        %parallel_loop3A_2283 = arith.subi %parallel_loop3A_2282, %parallel_loop3A_2280 : vector<16xi32>
        %parallel_loop3A_2284 = vector.bitcast %parallel_loop3A_2283 : vector<16xi32> to vector<16xf32>
        %parallel_loop3A_2285 = arith.constant 5.000000e-01 : f32
        %parallel_loop3A_2286 = vector.broadcast %parallel_loop3A_2285 : f32 to vector<16xf32>
        %parallel_loop3A_2287 = arith.mulf %parallel_loop3A_2286, %parallel_loop3A_2276 : vector<16xf32>
        %parallel_loop3A_2288 = arith.mulf %parallel_loop3A_2287, %parallel_loop3A_2284 : vector<16xf32>
        %parallel_loop3A_2289 = arith.mulf %parallel_loop3A_2288, %parallel_loop3A_2284 : vector<16xf32>
        %parallel_loop3A_2290 = arith.constant 1.500000e+00 : f32
        %parallel_loop3A_2291 = vector.broadcast %parallel_loop3A_2290 : f32 to vector<16xf32>
        %parallel_loop3A_2292 = arith.subf %parallel_loop3A_2291, %parallel_loop3A_2289 : vector<16xf32>
        %parallel_loop3A_2293 = arith.mulf %parallel_loop3A_2284, %parallel_loop3A_2292 : vector<16xf32>
        %parallel_loop3A_2294 = arith.mulf %parallel_loop3A_2276, %parallel_loop3A_2293 : vector<16xf32>
        %parallel_loop3A_2295 = arith.constant 1.500000e+00 : f32
        %parallel_loop3A_2296 = vector.broadcast %parallel_loop3A_2295 : f32 to vector<16xf32>
        %parallel_loop3A_2297 = arith.mulf %parallel_loop3A_2296, %parallel_loop3A_2294 : vector<16xf32>
        %parallel_loop3A_2298 = arith.constant 2.500000e+00 : f32
        %parallel_loop3A_2299 = vector.broadcast %parallel_loop3A_2298 : f32 to vector<16xf32>
        %parallel_loop3A_2300 = arith.subf %parallel_loop3A_2297, %parallel_loop3A_2299 : vector<16xf32>
        %parallel_loop3A_2301 = arith.mulf %parallel_loop3A_2300, %parallel_loop3A_2276 : vector<16xf32>
        %parallel_loop3A_2302 = arith.constant 1.000000e+00 : f32
        %parallel_loop3A_2303 = vector.broadcast %parallel_loop3A_2302 : f32 to vector<16xf32>
        %parallel_loop3A_2304 = arith.addf %parallel_loop3A_2301, %parallel_loop3A_2303 : vector<16xf32>
        %parallel_loop3A_2305 = arith.mulf %parallel_loop3A_1577, %parallel_loop3A_2304 : vector<16xf32>
        %parallel_loop3A_2306 = arith.constant 0.000000e+00 : f32
        %parallel_loop3A_2307 = vector.broadcast %parallel_loop3A_2306 : f32 to vector<16xf32>
        %parallel_loop3A_2308 = arith.select %parallel_loop3A_1687, %parallel_loop3A_2305, %parallel_loop3A_2307 : vector<16xi1>, vector<16xf32>
        %parallel_loop3A_2309 = arith.mulf %parallel_loop3A_174, %div3A_47 : vector<16xf32>
        %parallel_loop3A_2310 = vector.bitcast %parallel_loop3A_2309 : vector<16xf32> to vector<16xi32>
        %parallel_loop3A_2311 = arith.constant 1 : i32
        %parallel_loop3A_2312 = vector.broadcast %parallel_loop3A_2311 : i32 to vector<16xi32>
        %parallel_loop3A_2313 = arith.shrsi %parallel_loop3A_2310, %parallel_loop3A_2312 : vector<16xi32>
        %parallel_loop3A_2314 = arith.constant 1597463007 : i32
        %parallel_loop3A_2315 = vector.broadcast %parallel_loop3A_2314 : i32 to vector<16xi32>
        %parallel_loop3A_2316 = arith.subi %parallel_loop3A_2315, %parallel_loop3A_2313 : vector<16xi32>
        %parallel_loop3A_2317 = vector.bitcast %parallel_loop3A_2316 : vector<16xi32> to vector<16xf32>
        %parallel_loop3A_2318 = arith.constant 5.000000e-01 : f32
        %parallel_loop3A_2319 = vector.broadcast %parallel_loop3A_2318 : f32 to vector<16xf32>
        %parallel_loop3A_2320 = arith.mulf %parallel_loop3A_2319, %parallel_loop3A_2309 : vector<16xf32>
        %parallel_loop3A_2321 = arith.mulf %parallel_loop3A_2320, %parallel_loop3A_2317 : vector<16xf32>
        %parallel_loop3A_2322 = arith.mulf %parallel_loop3A_2321, %parallel_loop3A_2317 : vector<16xf32>
        %parallel_loop3A_2323 = arith.constant 1.500000e+00 : f32
        %parallel_loop3A_2324 = vector.broadcast %parallel_loop3A_2323 : f32 to vector<16xf32>
        %parallel_loop3A_2325 = arith.subf %parallel_loop3A_2324, %parallel_loop3A_2322 : vector<16xf32>
        %parallel_loop3A_2326 = arith.mulf %parallel_loop3A_2317, %parallel_loop3A_2325 : vector<16xf32>
        %parallel_loop3A_2327 = arith.mulf %parallel_loop3A_2309, %parallel_loop3A_2326 : vector<16xf32>
        %parallel_loop3A_2328 = arith.constant 1.500000e+00 : f32
        %parallel_loop3A_2329 = vector.broadcast %parallel_loop3A_2328 : f32 to vector<16xf32>
        %parallel_loop3A_2330 = arith.mulf %parallel_loop3A_2329, %parallel_loop3A_2327 : vector<16xf32>
        %parallel_loop3A_2331 = arith.constant 2.500000e+00 : f32
        %parallel_loop3A_2332 = vector.broadcast %parallel_loop3A_2331 : f32 to vector<16xf32>
        %parallel_loop3A_2333 = arith.subf %parallel_loop3A_2330, %parallel_loop3A_2332 : vector<16xf32>
        %parallel_loop3A_2334 = arith.mulf %parallel_loop3A_2333, %parallel_loop3A_2309 : vector<16xf32>
        %parallel_loop3A_2335 = arith.constant 1.000000e+00 : f32
        %parallel_loop3A_2336 = vector.broadcast %parallel_loop3A_2335 : f32 to vector<16xf32>
        %parallel_loop3A_2337 = arith.addf %parallel_loop3A_2334, %parallel_loop3A_2336 : vector<16xf32>
        %parallel_loop3A_2338 = arith.mulf %parallel_loop3A_1585, %parallel_loop3A_2337 : vector<16xf32>
        %parallel_loop3A_2339 = arith.constant 0.000000e+00 : f32
        %parallel_loop3A_2340 = vector.broadcast %parallel_loop3A_2339 : f32 to vector<16xf32>
        %parallel_loop3A_2341 = arith.select %parallel_loop3A_1690, %parallel_loop3A_2338, %parallel_loop3A_2340 : vector<16xi1>, vector<16xf32>
        %parallel_loop3A_2342 = arith.mulf %parallel_loop3A_175, %div3A_47 : vector<16xf32>
        %parallel_loop3A_2343 = vector.bitcast %parallel_loop3A_2342 : vector<16xf32> to vector<16xi32>
        %parallel_loop3A_2344 = arith.constant 1 : i32
        %parallel_loop3A_2345 = vector.broadcast %parallel_loop3A_2344 : i32 to vector<16xi32>
        %parallel_loop3A_2346 = arith.shrsi %parallel_loop3A_2343, %parallel_loop3A_2345 : vector<16xi32>
        %parallel_loop3A_2347 = arith.constant 1597463007 : i32
        %parallel_loop3A_2348 = vector.broadcast %parallel_loop3A_2347 : i32 to vector<16xi32>
        %parallel_loop3A_2349 = arith.subi %parallel_loop3A_2348, %parallel_loop3A_2346 : vector<16xi32>
        %parallel_loop3A_2350 = vector.bitcast %parallel_loop3A_2349 : vector<16xi32> to vector<16xf32>
        %parallel_loop3A_2351 = arith.constant 5.000000e-01 : f32
        %parallel_loop3A_2352 = vector.broadcast %parallel_loop3A_2351 : f32 to vector<16xf32>
        %parallel_loop3A_2353 = arith.mulf %parallel_loop3A_2352, %parallel_loop3A_2342 : vector<16xf32>
        %parallel_loop3A_2354 = arith.mulf %parallel_loop3A_2353, %parallel_loop3A_2350 : vector<16xf32>
        %parallel_loop3A_2355 = arith.mulf %parallel_loop3A_2354, %parallel_loop3A_2350 : vector<16xf32>
        %parallel_loop3A_2356 = arith.constant 1.500000e+00 : f32
        %parallel_loop3A_2357 = vector.broadcast %parallel_loop3A_2356 : f32 to vector<16xf32>
        %parallel_loop3A_2358 = arith.subf %parallel_loop3A_2357, %parallel_loop3A_2355 : vector<16xf32>
        %parallel_loop3A_2359 = arith.mulf %parallel_loop3A_2350, %parallel_loop3A_2358 : vector<16xf32>
        %parallel_loop3A_2360 = arith.mulf %parallel_loop3A_2342, %parallel_loop3A_2359 : vector<16xf32>
        %parallel_loop3A_2361 = arith.constant 1.500000e+00 : f32
        %parallel_loop3A_2362 = vector.broadcast %parallel_loop3A_2361 : f32 to vector<16xf32>
        %parallel_loop3A_2363 = arith.mulf %parallel_loop3A_2362, %parallel_loop3A_2360 : vector<16xf32>
        %parallel_loop3A_2364 = arith.constant 2.500000e+00 : f32
        %parallel_loop3A_2365 = vector.broadcast %parallel_loop3A_2364 : f32 to vector<16xf32>
        %parallel_loop3A_2366 = arith.subf %parallel_loop3A_2363, %parallel_loop3A_2365 : vector<16xf32>
        %parallel_loop3A_2367 = arith.mulf %parallel_loop3A_2366, %parallel_loop3A_2342 : vector<16xf32>
        %parallel_loop3A_2368 = arith.constant 1.000000e+00 : f32
        %parallel_loop3A_2369 = vector.broadcast %parallel_loop3A_2368 : f32 to vector<16xf32>
        %parallel_loop3A_2370 = arith.addf %parallel_loop3A_2367, %parallel_loop3A_2369 : vector<16xf32>
        %parallel_loop3A_2371 = arith.mulf %parallel_loop3A_1593, %parallel_loop3A_2370 : vector<16xf32>
        %parallel_loop3A_2372 = arith.constant 0.000000e+00 : f32
        %parallel_loop3A_2373 = vector.broadcast %parallel_loop3A_2372 : f32 to vector<16xf32>
        %parallel_loop3A_2374 = arith.select %parallel_loop3A_1693, %parallel_loop3A_2371, %parallel_loop3A_2373 : vector<16xi1>, vector<16xf32>
        %parallel_loop3A_2375 = arith.mulf %parallel_loop3A_176, %div3A_47 : vector<16xf32>
        %parallel_loop3A_2376 = vector.bitcast %parallel_loop3A_2375 : vector<16xf32> to vector<16xi32>
        %parallel_loop3A_2377 = arith.constant 1 : i32
        %parallel_loop3A_2378 = vector.broadcast %parallel_loop3A_2377 : i32 to vector<16xi32>
        %parallel_loop3A_2379 = arith.shrsi %parallel_loop3A_2376, %parallel_loop3A_2378 : vector<16xi32>
        %parallel_loop3A_2380 = arith.constant 1597463007 : i32
        %parallel_loop3A_2381 = vector.broadcast %parallel_loop3A_2380 : i32 to vector<16xi32>
        %parallel_loop3A_2382 = arith.subi %parallel_loop3A_2381, %parallel_loop3A_2379 : vector<16xi32>
        %parallel_loop3A_2383 = vector.bitcast %parallel_loop3A_2382 : vector<16xi32> to vector<16xf32>
        %parallel_loop3A_2384 = arith.constant 5.000000e-01 : f32
        %parallel_loop3A_2385 = vector.broadcast %parallel_loop3A_2384 : f32 to vector<16xf32>
        %parallel_loop3A_2386 = arith.mulf %parallel_loop3A_2385, %parallel_loop3A_2375 : vector<16xf32>
        %parallel_loop3A_2387 = arith.mulf %parallel_loop3A_2386, %parallel_loop3A_2383 : vector<16xf32>
        %parallel_loop3A_2388 = arith.mulf %parallel_loop3A_2387, %parallel_loop3A_2383 : vector<16xf32>
        %parallel_loop3A_2389 = arith.constant 1.500000e+00 : f32
        %parallel_loop3A_2390 = vector.broadcast %parallel_loop3A_2389 : f32 to vector<16xf32>
        %parallel_loop3A_2391 = arith.subf %parallel_loop3A_2390, %parallel_loop3A_2388 : vector<16xf32>
        %parallel_loop3A_2392 = arith.mulf %parallel_loop3A_2383, %parallel_loop3A_2391 : vector<16xf32>
        %parallel_loop3A_2393 = arith.mulf %parallel_loop3A_2375, %parallel_loop3A_2392 : vector<16xf32>
        %parallel_loop3A_2394 = arith.constant 1.500000e+00 : f32
        %parallel_loop3A_2395 = vector.broadcast %parallel_loop3A_2394 : f32 to vector<16xf32>
        %parallel_loop3A_2396 = arith.mulf %parallel_loop3A_2395, %parallel_loop3A_2393 : vector<16xf32>
        %parallel_loop3A_2397 = arith.constant 2.500000e+00 : f32
        %parallel_loop3A_2398 = vector.broadcast %parallel_loop3A_2397 : f32 to vector<16xf32>
        %parallel_loop3A_2399 = arith.subf %parallel_loop3A_2396, %parallel_loop3A_2398 : vector<16xf32>
        %parallel_loop3A_2400 = arith.mulf %parallel_loop3A_2399, %parallel_loop3A_2375 : vector<16xf32>
        %parallel_loop3A_2401 = arith.constant 1.000000e+00 : f32
        %parallel_loop3A_2402 = vector.broadcast %parallel_loop3A_2401 : f32 to vector<16xf32>
        %parallel_loop3A_2403 = arith.addf %parallel_loop3A_2400, %parallel_loop3A_2402 : vector<16xf32>
        %parallel_loop3A_2404 = arith.mulf %parallel_loop3A_1601, %parallel_loop3A_2403 : vector<16xf32>
        %parallel_loop3A_2405 = arith.constant 0.000000e+00 : f32
        %parallel_loop3A_2406 = vector.broadcast %parallel_loop3A_2405 : f32 to vector<16xf32>
        %parallel_loop3A_2407 = arith.select %parallel_loop3A_1696, %parallel_loop3A_2404, %parallel_loop3A_2406 : vector<16xi1>, vector<16xf32>
        %parallel_loop3A_2408 = arith.mulf %parallel_loop3A_177, %div3A_47 : vector<16xf32>
        %parallel_loop3A_2409 = vector.bitcast %parallel_loop3A_2408 : vector<16xf32> to vector<16xi32>
        %parallel_loop3A_2410 = arith.constant 1 : i32
        %parallel_loop3A_2411 = vector.broadcast %parallel_loop3A_2410 : i32 to vector<16xi32>
        %parallel_loop3A_2412 = arith.shrsi %parallel_loop3A_2409, %parallel_loop3A_2411 : vector<16xi32>
        %parallel_loop3A_2413 = arith.constant 1597463007 : i32
        %parallel_loop3A_2414 = vector.broadcast %parallel_loop3A_2413 : i32 to vector<16xi32>
        %parallel_loop3A_2415 = arith.subi %parallel_loop3A_2414, %parallel_loop3A_2412 : vector<16xi32>
        %parallel_loop3A_2416 = vector.bitcast %parallel_loop3A_2415 : vector<16xi32> to vector<16xf32>
        %parallel_loop3A_2417 = arith.constant 5.000000e-01 : f32
        %parallel_loop3A_2418 = vector.broadcast %parallel_loop3A_2417 : f32 to vector<16xf32>
        %parallel_loop3A_2419 = arith.mulf %parallel_loop3A_2418, %parallel_loop3A_2408 : vector<16xf32>
        %parallel_loop3A_2420 = arith.mulf %parallel_loop3A_2419, %parallel_loop3A_2416 : vector<16xf32>
        %parallel_loop3A_2421 = arith.mulf %parallel_loop3A_2420, %parallel_loop3A_2416 : vector<16xf32>
        %parallel_loop3A_2422 = arith.constant 1.500000e+00 : f32
        %parallel_loop3A_2423 = vector.broadcast %parallel_loop3A_2422 : f32 to vector<16xf32>
        %parallel_loop3A_2424 = arith.subf %parallel_loop3A_2423, %parallel_loop3A_2421 : vector<16xf32>
        %parallel_loop3A_2425 = arith.mulf %parallel_loop3A_2416, %parallel_loop3A_2424 : vector<16xf32>
        %parallel_loop3A_2426 = arith.mulf %parallel_loop3A_2408, %parallel_loop3A_2425 : vector<16xf32>
        %parallel_loop3A_2427 = arith.constant 1.500000e+00 : f32
        %parallel_loop3A_2428 = vector.broadcast %parallel_loop3A_2427 : f32 to vector<16xf32>
        %parallel_loop3A_2429 = arith.mulf %parallel_loop3A_2428, %parallel_loop3A_2426 : vector<16xf32>
        %parallel_loop3A_2430 = arith.constant 2.500000e+00 : f32
        %parallel_loop3A_2431 = vector.broadcast %parallel_loop3A_2430 : f32 to vector<16xf32>
        %parallel_loop3A_2432 = arith.subf %parallel_loop3A_2429, %parallel_loop3A_2431 : vector<16xf32>
        %parallel_loop3A_2433 = arith.mulf %parallel_loop3A_2432, %parallel_loop3A_2408 : vector<16xf32>
        %parallel_loop3A_2434 = arith.constant 1.000000e+00 : f32
        %parallel_loop3A_2435 = vector.broadcast %parallel_loop3A_2434 : f32 to vector<16xf32>
        %parallel_loop3A_2436 = arith.addf %parallel_loop3A_2433, %parallel_loop3A_2435 : vector<16xf32>
        %parallel_loop3A_2437 = arith.mulf %parallel_loop3A_1609, %parallel_loop3A_2436 : vector<16xf32>
        %parallel_loop3A_2438 = arith.constant 0.000000e+00 : f32
        %parallel_loop3A_2439 = vector.broadcast %parallel_loop3A_2438 : f32 to vector<16xf32>
        %parallel_loop3A_2440 = arith.select %parallel_loop3A_1699, %parallel_loop3A_2437, %parallel_loop3A_2439 : vector<16xi1>, vector<16xf32>
        %parallel_loop3A_2441 = arith.mulf %parallel_loop3A_178, %div3A_47 : vector<16xf32>
        %parallel_loop3A_2442 = vector.bitcast %parallel_loop3A_2441 : vector<16xf32> to vector<16xi32>
        %parallel_loop3A_2443 = arith.constant 1 : i32
        %parallel_loop3A_2444 = vector.broadcast %parallel_loop3A_2443 : i32 to vector<16xi32>
        %parallel_loop3A_2445 = arith.shrsi %parallel_loop3A_2442, %parallel_loop3A_2444 : vector<16xi32>
        %parallel_loop3A_2446 = arith.constant 1597463007 : i32
        %parallel_loop3A_2447 = vector.broadcast %parallel_loop3A_2446 : i32 to vector<16xi32>
        %parallel_loop3A_2448 = arith.subi %parallel_loop3A_2447, %parallel_loop3A_2445 : vector<16xi32>
        %parallel_loop3A_2449 = vector.bitcast %parallel_loop3A_2448 : vector<16xi32> to vector<16xf32>
        %parallel_loop3A_2450 = arith.constant 5.000000e-01 : f32
        %parallel_loop3A_2451 = vector.broadcast %parallel_loop3A_2450 : f32 to vector<16xf32>
        %parallel_loop3A_2452 = arith.mulf %parallel_loop3A_2451, %parallel_loop3A_2441 : vector<16xf32>
        %parallel_loop3A_2453 = arith.mulf %parallel_loop3A_2452, %parallel_loop3A_2449 : vector<16xf32>
        %parallel_loop3A_2454 = arith.mulf %parallel_loop3A_2453, %parallel_loop3A_2449 : vector<16xf32>
        %parallel_loop3A_2455 = arith.constant 1.500000e+00 : f32
        %parallel_loop3A_2456 = vector.broadcast %parallel_loop3A_2455 : f32 to vector<16xf32>
        %parallel_loop3A_2457 = arith.subf %parallel_loop3A_2456, %parallel_loop3A_2454 : vector<16xf32>
        %parallel_loop3A_2458 = arith.mulf %parallel_loop3A_2449, %parallel_loop3A_2457 : vector<16xf32>
        %parallel_loop3A_2459 = arith.mulf %parallel_loop3A_2441, %parallel_loop3A_2458 : vector<16xf32>
        %parallel_loop3A_2460 = arith.constant 1.500000e+00 : f32
        %parallel_loop3A_2461 = vector.broadcast %parallel_loop3A_2460 : f32 to vector<16xf32>
        %parallel_loop3A_2462 = arith.mulf %parallel_loop3A_2461, %parallel_loop3A_2459 : vector<16xf32>
        %parallel_loop3A_2463 = arith.constant 2.500000e+00 : f32
        %parallel_loop3A_2464 = vector.broadcast %parallel_loop3A_2463 : f32 to vector<16xf32>
        %parallel_loop3A_2465 = arith.subf %parallel_loop3A_2462, %parallel_loop3A_2464 : vector<16xf32>
        %parallel_loop3A_2466 = arith.mulf %parallel_loop3A_2465, %parallel_loop3A_2441 : vector<16xf32>
        %parallel_loop3A_2467 = arith.constant 1.000000e+00 : f32
        %parallel_loop3A_2468 = vector.broadcast %parallel_loop3A_2467 : f32 to vector<16xf32>
        %parallel_loop3A_2469 = arith.addf %parallel_loop3A_2466, %parallel_loop3A_2468 : vector<16xf32>
        %parallel_loop3A_2470 = arith.mulf %parallel_loop3A_1617, %parallel_loop3A_2469 : vector<16xf32>
        %parallel_loop3A_2471 = arith.constant 0.000000e+00 : f32
        %parallel_loop3A_2472 = vector.broadcast %parallel_loop3A_2471 : f32 to vector<16xf32>
        %parallel_loop3A_2473 = arith.select %parallel_loop3A_1702, %parallel_loop3A_2470, %parallel_loop3A_2472 : vector<16xi1>, vector<16xf32>
        %parallel_loop3A_2474 = arith.mulf %parallel_loop3A_179, %div3A_47 : vector<16xf32>
        %parallel_loop3A_2475 = vector.bitcast %parallel_loop3A_2474 : vector<16xf32> to vector<16xi32>
        %parallel_loop3A_2476 = arith.constant 1 : i32
        %parallel_loop3A_2477 = vector.broadcast %parallel_loop3A_2476 : i32 to vector<16xi32>
        %parallel_loop3A_2478 = arith.shrsi %parallel_loop3A_2475, %parallel_loop3A_2477 : vector<16xi32>
        %parallel_loop3A_2479 = arith.constant 1597463007 : i32
        %parallel_loop3A_2480 = vector.broadcast %parallel_loop3A_2479 : i32 to vector<16xi32>
        %parallel_loop3A_2481 = arith.subi %parallel_loop3A_2480, %parallel_loop3A_2478 : vector<16xi32>
        %parallel_loop3A_2482 = vector.bitcast %parallel_loop3A_2481 : vector<16xi32> to vector<16xf32>
        %parallel_loop3A_2483 = arith.constant 5.000000e-01 : f32
        %parallel_loop3A_2484 = vector.broadcast %parallel_loop3A_2483 : f32 to vector<16xf32>
        %parallel_loop3A_2485 = arith.mulf %parallel_loop3A_2484, %parallel_loop3A_2474 : vector<16xf32>
        %parallel_loop3A_2486 = arith.mulf %parallel_loop3A_2485, %parallel_loop3A_2482 : vector<16xf32>
        %parallel_loop3A_2487 = arith.mulf %parallel_loop3A_2486, %parallel_loop3A_2482 : vector<16xf32>
        %parallel_loop3A_2488 = arith.constant 1.500000e+00 : f32
        %parallel_loop3A_2489 = vector.broadcast %parallel_loop3A_2488 : f32 to vector<16xf32>
        %parallel_loop3A_2490 = arith.subf %parallel_loop3A_2489, %parallel_loop3A_2487 : vector<16xf32>
        %parallel_loop3A_2491 = arith.mulf %parallel_loop3A_2482, %parallel_loop3A_2490 : vector<16xf32>
        %parallel_loop3A_2492 = arith.mulf %parallel_loop3A_2474, %parallel_loop3A_2491 : vector<16xf32>
        %parallel_loop3A_2493 = arith.constant 1.500000e+00 : f32
        %parallel_loop3A_2494 = vector.broadcast %parallel_loop3A_2493 : f32 to vector<16xf32>
        %parallel_loop3A_2495 = arith.mulf %parallel_loop3A_2494, %parallel_loop3A_2492 : vector<16xf32>
        %parallel_loop3A_2496 = arith.constant 2.500000e+00 : f32
        %parallel_loop3A_2497 = vector.broadcast %parallel_loop3A_2496 : f32 to vector<16xf32>
        %parallel_loop3A_2498 = arith.subf %parallel_loop3A_2495, %parallel_loop3A_2497 : vector<16xf32>
        %parallel_loop3A_2499 = arith.mulf %parallel_loop3A_2498, %parallel_loop3A_2474 : vector<16xf32>
        %parallel_loop3A_2500 = arith.constant 1.000000e+00 : f32
        %parallel_loop3A_2501 = vector.broadcast %parallel_loop3A_2500 : f32 to vector<16xf32>
        %parallel_loop3A_2502 = arith.addf %parallel_loop3A_2499, %parallel_loop3A_2501 : vector<16xf32>
        %parallel_loop3A_2503 = arith.mulf %parallel_loop3A_1625, %parallel_loop3A_2502 : vector<16xf32>
        %parallel_loop3A_2504 = arith.constant 0.000000e+00 : f32
        %parallel_loop3A_2505 = vector.broadcast %parallel_loop3A_2504 : f32 to vector<16xf32>
        %parallel_loop3A_2506 = arith.select %parallel_loop3A_1705, %parallel_loop3A_2503, %parallel_loop3A_2505 : vector<16xi1>, vector<16xf32>
        %parallel_loop3A_2507 = arith.mulf %parallel_loop3A_180, %div3A_47 : vector<16xf32>
        %parallel_loop3A_2508 = vector.bitcast %parallel_loop3A_2507 : vector<16xf32> to vector<16xi32>
        %parallel_loop3A_2509 = arith.constant 1 : i32
        %parallel_loop3A_2510 = vector.broadcast %parallel_loop3A_2509 : i32 to vector<16xi32>
        %parallel_loop3A_2511 = arith.shrsi %parallel_loop3A_2508, %parallel_loop3A_2510 : vector<16xi32>
        %parallel_loop3A_2512 = arith.constant 1597463007 : i32
        %parallel_loop3A_2513 = vector.broadcast %parallel_loop3A_2512 : i32 to vector<16xi32>
        %parallel_loop3A_2514 = arith.subi %parallel_loop3A_2513, %parallel_loop3A_2511 : vector<16xi32>
        %parallel_loop3A_2515 = vector.bitcast %parallel_loop3A_2514 : vector<16xi32> to vector<16xf32>
        %parallel_loop3A_2516 = arith.constant 5.000000e-01 : f32
        %parallel_loop3A_2517 = vector.broadcast %parallel_loop3A_2516 : f32 to vector<16xf32>
        %parallel_loop3A_2518 = arith.mulf %parallel_loop3A_2517, %parallel_loop3A_2507 : vector<16xf32>
        %parallel_loop3A_2519 = arith.mulf %parallel_loop3A_2518, %parallel_loop3A_2515 : vector<16xf32>
        %parallel_loop3A_2520 = arith.mulf %parallel_loop3A_2519, %parallel_loop3A_2515 : vector<16xf32>
        %parallel_loop3A_2521 = arith.constant 1.500000e+00 : f32
        %parallel_loop3A_2522 = vector.broadcast %parallel_loop3A_2521 : f32 to vector<16xf32>
        %parallel_loop3A_2523 = arith.subf %parallel_loop3A_2522, %parallel_loop3A_2520 : vector<16xf32>
        %parallel_loop3A_2524 = arith.mulf %parallel_loop3A_2515, %parallel_loop3A_2523 : vector<16xf32>
        %parallel_loop3A_2525 = arith.mulf %parallel_loop3A_2507, %parallel_loop3A_2524 : vector<16xf32>
        %parallel_loop3A_2526 = arith.constant 1.500000e+00 : f32
        %parallel_loop3A_2527 = vector.broadcast %parallel_loop3A_2526 : f32 to vector<16xf32>
        %parallel_loop3A_2528 = arith.mulf %parallel_loop3A_2527, %parallel_loop3A_2525 : vector<16xf32>
        %parallel_loop3A_2529 = arith.constant 2.500000e+00 : f32
        %parallel_loop3A_2530 = vector.broadcast %parallel_loop3A_2529 : f32 to vector<16xf32>
        %parallel_loop3A_2531 = arith.subf %parallel_loop3A_2528, %parallel_loop3A_2530 : vector<16xf32>
        %parallel_loop3A_2532 = arith.mulf %parallel_loop3A_2531, %parallel_loop3A_2507 : vector<16xf32>
        %parallel_loop3A_2533 = arith.constant 1.000000e+00 : f32
        %parallel_loop3A_2534 = vector.broadcast %parallel_loop3A_2533 : f32 to vector<16xf32>
        %parallel_loop3A_2535 = arith.addf %parallel_loop3A_2532, %parallel_loop3A_2534 : vector<16xf32>
        %parallel_loop3A_2536 = arith.mulf %parallel_loop3A_1633, %parallel_loop3A_2535 : vector<16xf32>
        %parallel_loop3A_2537 = arith.constant 0.000000e+00 : f32
        %parallel_loop3A_2538 = vector.broadcast %parallel_loop3A_2537 : f32 to vector<16xf32>
        %parallel_loop3A_2539 = arith.select %parallel_loop3A_1708, %parallel_loop3A_2536, %parallel_loop3A_2538 : vector<16xi1>, vector<16xf32>
        %parallel_loop3A_2540 = arith.addf %parallel_loop3A_1747, %parallel_loop3A_1780 : vector<16xf32>
        %parallel_loop3A_2541 = arith.addf %parallel_loop3A_1813, %parallel_loop3A_1846 : vector<16xf32>
        %parallel_loop3A_2542 = arith.addf %parallel_loop3A_1879, %parallel_loop3A_1912 : vector<16xf32>
        %parallel_loop3A_2543 = arith.addf %parallel_loop3A_1945, %parallel_loop3A_1978 : vector<16xf32>
        %parallel_loop3A_2544 = arith.addf %parallel_loop3A_2011, %parallel_loop3A_2044 : vector<16xf32>
        %parallel_loop3A_2545 = arith.addf %parallel_loop3A_2077, %parallel_loop3A_2110 : vector<16xf32>
        %parallel_loop3A_2546 = arith.addf %parallel_loop3A_2143, %parallel_loop3A_2176 : vector<16xf32>
        %parallel_loop3A_2547 = arith.addf %parallel_loop3A_2209, %parallel_loop3A_2242 : vector<16xf32>
        %parallel_loop3A_2548 = arith.addf %parallel_loop3A_2275, %parallel_loop3A_2308 : vector<16xf32>
        %parallel_loop3A_2549 = arith.addf %parallel_loop3A_2341, %parallel_loop3A_2374 : vector<16xf32>
        %parallel_loop3A_2550 = arith.addf %parallel_loop3A_2407, %parallel_loop3A_2440 : vector<16xf32>
        %parallel_loop3A_2551 = arith.addf %parallel_loop3A_2473, %parallel_loop3A_2506 : vector<16xf32>
        %parallel_loop3A_2552 = arith.addf %parallel_loop3A_2540, %parallel_loop3A_2541 : vector<16xf32>
        %parallel_loop3A_2553 = arith.addf %parallel_loop3A_2542, %parallel_loop3A_2543 : vector<16xf32>
        %parallel_loop3A_2554 = arith.addf %parallel_loop3A_2544, %parallel_loop3A_2545 : vector<16xf32>
        %parallel_loop3A_2555 = arith.addf %parallel_loop3A_2546, %parallel_loop3A_2547 : vector<16xf32>
        %parallel_loop3A_2556 = arith.addf %parallel_loop3A_2548, %parallel_loop3A_2549 : vector<16xf32>
        %parallel_loop3A_2557 = arith.addf %parallel_loop3A_2550, %parallel_loop3A_2551 : vector<16xf32>
        %parallel_loop3A_2558 = arith.addf %parallel_loop3A_2552, %parallel_loop3A_2553 : vector<16xf32>
        %parallel_loop3A_2559 = arith.addf %parallel_loop3A_2554, %parallel_loop3A_2555 : vector<16xf32>
        %parallel_loop3A_2560 = arith.addf %parallel_loop3A_2556, %parallel_loop3A_2557 : vector<16xf32>
        %parallel_loop3A_2561 = arith.addf %parallel_loop3A_2558, %parallel_loop3A_2559 : vector<16xf32>
        %parallel_loop3A_2562 = arith.addf %parallel_loop3A_2560, %parallel_loop3A_2539 : vector<16xf32>
        %parallel_loop3A_2563 = arith.addf %parallel_loop3A_2561, %parallel_loop3A_2562 : vector<16xf32>
        scf.yield %parallel_loop3A_2563 : vector<16xf32>
      } else {
        %parallel_loop3A_1715 = arith.mulf %parallel_loop3A_156, %div3A_47 : vector<16xf32>
        %parallel_loop3A_1716 = vector.bitcast %parallel_loop3A_1715 : vector<16xf32> to vector<16xi32>
        %parallel_loop3A_1717 = arith.constant 1 : i32
        %parallel_loop3A_1718 = vector.broadcast %parallel_loop3A_1717 : i32 to vector<16xi32>
        %parallel_loop3A_1719 = arith.shrsi %parallel_loop3A_1716, %parallel_loop3A_1718 : vector<16xi32>
        %parallel_loop3A_1720 = arith.constant 1597463007 : i32
        %parallel_loop3A_1721 = vector.broadcast %parallel_loop3A_1720 : i32 to vector<16xi32>
        %parallel_loop3A_1722 = arith.subi %parallel_loop3A_1721, %parallel_loop3A_1719 : vector<16xi32>
        %parallel_loop3A_1723 = vector.bitcast %parallel_loop3A_1722 : vector<16xi32> to vector<16xf32>
        %parallel_loop3A_1724 = arith.constant 5.000000e-01 : f32
        %parallel_loop3A_1725 = vector.broadcast %parallel_loop3A_1724 : f32 to vector<16xf32>
        %parallel_loop3A_1726 = arith.mulf %parallel_loop3A_1725, %parallel_loop3A_1715 : vector<16xf32>
        %parallel_loop3A_1727 = arith.mulf %parallel_loop3A_1726, %parallel_loop3A_1723 : vector<16xf32>
        %parallel_loop3A_1728 = arith.mulf %parallel_loop3A_1727, %parallel_loop3A_1723 : vector<16xf32>
        %parallel_loop3A_1729 = arith.constant 1.500000e+00 : f32
        %parallel_loop3A_1730 = vector.broadcast %parallel_loop3A_1729 : f32 to vector<16xf32>
        %parallel_loop3A_1731 = arith.subf %parallel_loop3A_1730, %parallel_loop3A_1728 : vector<16xf32>
        %parallel_loop3A_1732 = arith.mulf %parallel_loop3A_1723, %parallel_loop3A_1731 : vector<16xf32>
        %parallel_loop3A_1733 = arith.mulf %parallel_loop3A_1726, %parallel_loop3A_1732 : vector<16xf32>
        %parallel_loop3A_1734 = arith.mulf %parallel_loop3A_1733, %parallel_loop3A_1732 : vector<16xf32>
        %parallel_loop3A_1735 = arith.constant 1.500000e+00 : f32
        %parallel_loop3A_1736 = vector.broadcast %parallel_loop3A_1735 : f32 to vector<16xf32>
        %parallel_loop3A_1737 = arith.subf %parallel_loop3A_1736, %parallel_loop3A_1734 : vector<16xf32>
        %parallel_loop3A_1738 = arith.mulf %parallel_loop3A_1732, %parallel_loop3A_1737 : vector<16xf32>
        %parallel_loop3A_1739 = arith.mulf %parallel_loop3A_1715, %parallel_loop3A_1738 : vector<16xf32>
        %parallel_loop3A_1740 = arith.constant 1.500000e+00 : f32
        %parallel_loop3A_1741 = vector.broadcast %parallel_loop3A_1740 : f32 to vector<16xf32>
        %parallel_loop3A_1742 = arith.mulf %parallel_loop3A_1741, %parallel_loop3A_1739 : vector<16xf32>
        %parallel_loop3A_1743 = arith.constant 2.500000e+00 : f32
        %parallel_loop3A_1744 = vector.broadcast %parallel_loop3A_1743 : f32 to vector<16xf32>
        %parallel_loop3A_1745 = arith.subf %parallel_loop3A_1742, %parallel_loop3A_1744 : vector<16xf32>
        %parallel_loop3A_1746 = arith.mulf %parallel_loop3A_1745, %parallel_loop3A_1715 : vector<16xf32>
        %parallel_loop3A_1747 = arith.constant 1.000000e+00 : f32
        %parallel_loop3A_1748 = vector.broadcast %parallel_loop3A_1747 : f32 to vector<16xf32>
        %parallel_loop3A_1749 = arith.addf %parallel_loop3A_1746, %parallel_loop3A_1748 : vector<16xf32>
        %parallel_loop3A_1750 = arith.constant 5.000000e-01 : f32
        %parallel_loop3A_1751 = vector.broadcast %parallel_loop3A_1750 : f32 to vector<16xf32>
        %parallel_loop3A_1752 = arith.mulf %parallel_loop3A_1751, %parallel_loop3A_1739 : vector<16xf32>
        %parallel_loop3A_1753 = arith.constant 2.500000e+00 : f32
        %parallel_loop3A_1754 = vector.broadcast %parallel_loop3A_1753 : f32 to vector<16xf32>
        %parallel_loop3A_1755 = arith.subf %parallel_loop3A_1754, %parallel_loop3A_1752 : vector<16xf32>
        %parallel_loop3A_1756 = arith.mulf %parallel_loop3A_1755, %parallel_loop3A_1715 : vector<16xf32>
        %parallel_loop3A_1757 = arith.constant 4.000000e+00 : f32
        %parallel_loop3A_1758 = vector.broadcast %parallel_loop3A_1757 : f32 to vector<16xf32>
        %parallel_loop3A_1759 = arith.mulf %parallel_loop3A_1758, %parallel_loop3A_1739 : vector<16xf32>
        %parallel_loop3A_1760 = arith.constant 2.000000e+00 : f32
        %parallel_loop3A_1761 = vector.broadcast %parallel_loop3A_1760 : f32 to vector<16xf32>
        %parallel_loop3A_1762 = arith.subf %parallel_loop3A_1761, %parallel_loop3A_1759 : vector<16xf32>
        %parallel_loop3A_1763 = arith.addf %parallel_loop3A_1756, %parallel_loop3A_1762 : vector<16xf32>
        %parallel_loop3A_1764 = arith.constant 1.000000e+00 : f32
        %parallel_loop3A_1765 = vector.broadcast %parallel_loop3A_1764 : f32 to vector<16xf32>
        %parallel_loop3A_1766 = arith.cmpf olt, %parallel_loop3A_1715, %parallel_loop3A_1765 : vector<16xf32>
        %parallel_loop3A_1767 = arith.constant 1.000000e+00 : f32
        %parallel_loop3A_1768 = vector.broadcast %parallel_loop3A_1767 : f32 to vector<16xf32>
        %parallel_loop3A_1769 = arith.cmpf ogt, %parallel_loop3A_1715, %parallel_loop3A_1768 : vector<16xf32>
        %parallel_loop3A_1770 = arith.constant 4.000000e+00 : f32
        %parallel_loop3A_1771 = vector.broadcast %parallel_loop3A_1770 : f32 to vector<16xf32>
        %parallel_loop3A_1772 = arith.cmpf olt, %parallel_loop3A_1715, %parallel_loop3A_1771 : vector<16xf32>
        %parallel_loop3A_1773 = arith.andi %parallel_loop3A_1769, %parallel_loop3A_1772 : vector<16xi1>
        %parallel_loop3A_1774 = arith.constant 0.000000e+00 : f32
        %parallel_loop3A_1775 = vector.broadcast %parallel_loop3A_1774 : f32 to vector<16xf32>
        %parallel_loop3A_1776 = arith.select %parallel_loop3A_1773, %parallel_loop3A_1763, %parallel_loop3A_1775 : vector<16xi1>, vector<16xf32>
        %parallel_loop3A_1777 = arith.select %parallel_loop3A_1766, %parallel_loop3A_1749, %parallel_loop3A_1776 : vector<16xi1>, vector<16xf32>
        %parallel_loop3A_1778 = arith.mulf %parallel_loop3A_1441, %parallel_loop3A_1777 : vector<16xf32>
        %parallel_loop3A_1779 = arith.constant 0.000000e+00 : f32
        %parallel_loop3A_1780 = vector.broadcast %parallel_loop3A_1779 : f32 to vector<16xf32>
        %parallel_loop3A_1781 = arith.select %parallel_loop3A_1636, %parallel_loop3A_1778, %parallel_loop3A_1780 : vector<16xi1>, vector<16xf32>
        %parallel_loop3A_1782 = arith.mulf %parallel_loop3A_157, %div3A_47 : vector<16xf32>
        %parallel_loop3A_1783 = vector.bitcast %parallel_loop3A_1782 : vector<16xf32> to vector<16xi32>
        %parallel_loop3A_1784 = arith.constant 1 : i32
        %parallel_loop3A_1785 = vector.broadcast %parallel_loop3A_1784 : i32 to vector<16xi32>
        %parallel_loop3A_1786 = arith.shrsi %parallel_loop3A_1783, %parallel_loop3A_1785 : vector<16xi32>
        %parallel_loop3A_1787 = arith.constant 1597463007 : i32
        %parallel_loop3A_1788 = vector.broadcast %parallel_loop3A_1787 : i32 to vector<16xi32>
        %parallel_loop3A_1789 = arith.subi %parallel_loop3A_1788, %parallel_loop3A_1786 : vector<16xi32>
        %parallel_loop3A_1790 = vector.bitcast %parallel_loop3A_1789 : vector<16xi32> to vector<16xf32>
        %parallel_loop3A_1791 = arith.constant 5.000000e-01 : f32
        %parallel_loop3A_1792 = vector.broadcast %parallel_loop3A_1791 : f32 to vector<16xf32>
        %parallel_loop3A_1793 = arith.mulf %parallel_loop3A_1792, %parallel_loop3A_1782 : vector<16xf32>
        %parallel_loop3A_1794 = arith.mulf %parallel_loop3A_1793, %parallel_loop3A_1790 : vector<16xf32>
        %parallel_loop3A_1795 = arith.mulf %parallel_loop3A_1794, %parallel_loop3A_1790 : vector<16xf32>
        %parallel_loop3A_1796 = arith.constant 1.500000e+00 : f32
        %parallel_loop3A_1797 = vector.broadcast %parallel_loop3A_1796 : f32 to vector<16xf32>
        %parallel_loop3A_1798 = arith.subf %parallel_loop3A_1797, %parallel_loop3A_1795 : vector<16xf32>
        %parallel_loop3A_1799 = arith.mulf %parallel_loop3A_1790, %parallel_loop3A_1798 : vector<16xf32>
        %parallel_loop3A_1800 = arith.mulf %parallel_loop3A_1793, %parallel_loop3A_1799 : vector<16xf32>
        %parallel_loop3A_1801 = arith.mulf %parallel_loop3A_1800, %parallel_loop3A_1799 : vector<16xf32>
        %parallel_loop3A_1802 = arith.constant 1.500000e+00 : f32
        %parallel_loop3A_1803 = vector.broadcast %parallel_loop3A_1802 : f32 to vector<16xf32>
        %parallel_loop3A_1804 = arith.subf %parallel_loop3A_1803, %parallel_loop3A_1801 : vector<16xf32>
        %parallel_loop3A_1805 = arith.mulf %parallel_loop3A_1799, %parallel_loop3A_1804 : vector<16xf32>
        %parallel_loop3A_1806 = arith.mulf %parallel_loop3A_1782, %parallel_loop3A_1805 : vector<16xf32>
        %parallel_loop3A_1807 = arith.constant 1.500000e+00 : f32
        %parallel_loop3A_1808 = vector.broadcast %parallel_loop3A_1807 : f32 to vector<16xf32>
        %parallel_loop3A_1809 = arith.mulf %parallel_loop3A_1808, %parallel_loop3A_1806 : vector<16xf32>
        %parallel_loop3A_1810 = arith.constant 2.500000e+00 : f32
        %parallel_loop3A_1811 = vector.broadcast %parallel_loop3A_1810 : f32 to vector<16xf32>
        %parallel_loop3A_1812 = arith.subf %parallel_loop3A_1809, %parallel_loop3A_1811 : vector<16xf32>
        %parallel_loop3A_1813 = arith.mulf %parallel_loop3A_1812, %parallel_loop3A_1782 : vector<16xf32>
        %parallel_loop3A_1814 = arith.constant 1.000000e+00 : f32
        %parallel_loop3A_1815 = vector.broadcast %parallel_loop3A_1814 : f32 to vector<16xf32>
        %parallel_loop3A_1816 = arith.addf %parallel_loop3A_1813, %parallel_loop3A_1815 : vector<16xf32>
        %parallel_loop3A_1817 = arith.constant 5.000000e-01 : f32
        %parallel_loop3A_1818 = vector.broadcast %parallel_loop3A_1817 : f32 to vector<16xf32>
        %parallel_loop3A_1819 = arith.mulf %parallel_loop3A_1818, %parallel_loop3A_1806 : vector<16xf32>
        %parallel_loop3A_1820 = arith.constant 2.500000e+00 : f32
        %parallel_loop3A_1821 = vector.broadcast %parallel_loop3A_1820 : f32 to vector<16xf32>
        %parallel_loop3A_1822 = arith.subf %parallel_loop3A_1821, %parallel_loop3A_1819 : vector<16xf32>
        %parallel_loop3A_1823 = arith.mulf %parallel_loop3A_1822, %parallel_loop3A_1782 : vector<16xf32>
        %parallel_loop3A_1824 = arith.constant 4.000000e+00 : f32
        %parallel_loop3A_1825 = vector.broadcast %parallel_loop3A_1824 : f32 to vector<16xf32>
        %parallel_loop3A_1826 = arith.mulf %parallel_loop3A_1825, %parallel_loop3A_1806 : vector<16xf32>
        %parallel_loop3A_1827 = arith.constant 2.000000e+00 : f32
        %parallel_loop3A_1828 = vector.broadcast %parallel_loop3A_1827 : f32 to vector<16xf32>
        %parallel_loop3A_1829 = arith.subf %parallel_loop3A_1828, %parallel_loop3A_1826 : vector<16xf32>
        %parallel_loop3A_1830 = arith.addf %parallel_loop3A_1823, %parallel_loop3A_1829 : vector<16xf32>
        %parallel_loop3A_1831 = arith.constant 1.000000e+00 : f32
        %parallel_loop3A_1832 = vector.broadcast %parallel_loop3A_1831 : f32 to vector<16xf32>
        %parallel_loop3A_1833 = arith.cmpf olt, %parallel_loop3A_1782, %parallel_loop3A_1832 : vector<16xf32>
        %parallel_loop3A_1834 = arith.constant 1.000000e+00 : f32
        %parallel_loop3A_1835 = vector.broadcast %parallel_loop3A_1834 : f32 to vector<16xf32>
        %parallel_loop3A_1836 = arith.cmpf ogt, %parallel_loop3A_1782, %parallel_loop3A_1835 : vector<16xf32>
        %parallel_loop3A_1837 = arith.constant 4.000000e+00 : f32
        %parallel_loop3A_1838 = vector.broadcast %parallel_loop3A_1837 : f32 to vector<16xf32>
        %parallel_loop3A_1839 = arith.cmpf olt, %parallel_loop3A_1782, %parallel_loop3A_1838 : vector<16xf32>
        %parallel_loop3A_1840 = arith.andi %parallel_loop3A_1836, %parallel_loop3A_1839 : vector<16xi1>
        %parallel_loop3A_1841 = arith.constant 0.000000e+00 : f32
        %parallel_loop3A_1842 = vector.broadcast %parallel_loop3A_1841 : f32 to vector<16xf32>
        %parallel_loop3A_1843 = arith.select %parallel_loop3A_1840, %parallel_loop3A_1830, %parallel_loop3A_1842 : vector<16xi1>, vector<16xf32>
        %parallel_loop3A_1844 = arith.select %parallel_loop3A_1833, %parallel_loop3A_1816, %parallel_loop3A_1843 : vector<16xi1>, vector<16xf32>
        %parallel_loop3A_1845 = arith.mulf %parallel_loop3A_1449, %parallel_loop3A_1844 : vector<16xf32>
        %parallel_loop3A_1846 = arith.constant 0.000000e+00 : f32
        %parallel_loop3A_1847 = vector.broadcast %parallel_loop3A_1846 : f32 to vector<16xf32>
        %parallel_loop3A_1848 = arith.select %parallel_loop3A_1639, %parallel_loop3A_1845, %parallel_loop3A_1847 : vector<16xi1>, vector<16xf32>
        %parallel_loop3A_1849 = arith.mulf %parallel_loop3A_158, %div3A_47 : vector<16xf32>
        %parallel_loop3A_1850 = vector.bitcast %parallel_loop3A_1849 : vector<16xf32> to vector<16xi32>
        %parallel_loop3A_1851 = arith.constant 1 : i32
        %parallel_loop3A_1852 = vector.broadcast %parallel_loop3A_1851 : i32 to vector<16xi32>
        %parallel_loop3A_1853 = arith.shrsi %parallel_loop3A_1850, %parallel_loop3A_1852 : vector<16xi32>
        %parallel_loop3A_1854 = arith.constant 1597463007 : i32
        %parallel_loop3A_1855 = vector.broadcast %parallel_loop3A_1854 : i32 to vector<16xi32>
        %parallel_loop3A_1856 = arith.subi %parallel_loop3A_1855, %parallel_loop3A_1853 : vector<16xi32>
        %parallel_loop3A_1857 = vector.bitcast %parallel_loop3A_1856 : vector<16xi32> to vector<16xf32>
        %parallel_loop3A_1858 = arith.constant 5.000000e-01 : f32
        %parallel_loop3A_1859 = vector.broadcast %parallel_loop3A_1858 : f32 to vector<16xf32>
        %parallel_loop3A_1860 = arith.mulf %parallel_loop3A_1859, %parallel_loop3A_1849 : vector<16xf32>
        %parallel_loop3A_1861 = arith.mulf %parallel_loop3A_1860, %parallel_loop3A_1857 : vector<16xf32>
        %parallel_loop3A_1862 = arith.mulf %parallel_loop3A_1861, %parallel_loop3A_1857 : vector<16xf32>
        %parallel_loop3A_1863 = arith.constant 1.500000e+00 : f32
        %parallel_loop3A_1864 = vector.broadcast %parallel_loop3A_1863 : f32 to vector<16xf32>
        %parallel_loop3A_1865 = arith.subf %parallel_loop3A_1864, %parallel_loop3A_1862 : vector<16xf32>
        %parallel_loop3A_1866 = arith.mulf %parallel_loop3A_1857, %parallel_loop3A_1865 : vector<16xf32>
        %parallel_loop3A_1867 = arith.mulf %parallel_loop3A_1860, %parallel_loop3A_1866 : vector<16xf32>
        %parallel_loop3A_1868 = arith.mulf %parallel_loop3A_1867, %parallel_loop3A_1866 : vector<16xf32>
        %parallel_loop3A_1869 = arith.constant 1.500000e+00 : f32
        %parallel_loop3A_1870 = vector.broadcast %parallel_loop3A_1869 : f32 to vector<16xf32>
        %parallel_loop3A_1871 = arith.subf %parallel_loop3A_1870, %parallel_loop3A_1868 : vector<16xf32>
        %parallel_loop3A_1872 = arith.mulf %parallel_loop3A_1866, %parallel_loop3A_1871 : vector<16xf32>
        %parallel_loop3A_1873 = arith.mulf %parallel_loop3A_1849, %parallel_loop3A_1872 : vector<16xf32>
        %parallel_loop3A_1874 = arith.constant 1.500000e+00 : f32
        %parallel_loop3A_1875 = vector.broadcast %parallel_loop3A_1874 : f32 to vector<16xf32>
        %parallel_loop3A_1876 = arith.mulf %parallel_loop3A_1875, %parallel_loop3A_1873 : vector<16xf32>
        %parallel_loop3A_1877 = arith.constant 2.500000e+00 : f32
        %parallel_loop3A_1878 = vector.broadcast %parallel_loop3A_1877 : f32 to vector<16xf32>
        %parallel_loop3A_1879 = arith.subf %parallel_loop3A_1876, %parallel_loop3A_1878 : vector<16xf32>
        %parallel_loop3A_1880 = arith.mulf %parallel_loop3A_1879, %parallel_loop3A_1849 : vector<16xf32>
        %parallel_loop3A_1881 = arith.constant 1.000000e+00 : f32
        %parallel_loop3A_1882 = vector.broadcast %parallel_loop3A_1881 : f32 to vector<16xf32>
        %parallel_loop3A_1883 = arith.addf %parallel_loop3A_1880, %parallel_loop3A_1882 : vector<16xf32>
        %parallel_loop3A_1884 = arith.constant 5.000000e-01 : f32
        %parallel_loop3A_1885 = vector.broadcast %parallel_loop3A_1884 : f32 to vector<16xf32>
        %parallel_loop3A_1886 = arith.mulf %parallel_loop3A_1885, %parallel_loop3A_1873 : vector<16xf32>
        %parallel_loop3A_1887 = arith.constant 2.500000e+00 : f32
        %parallel_loop3A_1888 = vector.broadcast %parallel_loop3A_1887 : f32 to vector<16xf32>
        %parallel_loop3A_1889 = arith.subf %parallel_loop3A_1888, %parallel_loop3A_1886 : vector<16xf32>
        %parallel_loop3A_1890 = arith.mulf %parallel_loop3A_1889, %parallel_loop3A_1849 : vector<16xf32>
        %parallel_loop3A_1891 = arith.constant 4.000000e+00 : f32
        %parallel_loop3A_1892 = vector.broadcast %parallel_loop3A_1891 : f32 to vector<16xf32>
        %parallel_loop3A_1893 = arith.mulf %parallel_loop3A_1892, %parallel_loop3A_1873 : vector<16xf32>
        %parallel_loop3A_1894 = arith.constant 2.000000e+00 : f32
        %parallel_loop3A_1895 = vector.broadcast %parallel_loop3A_1894 : f32 to vector<16xf32>
        %parallel_loop3A_1896 = arith.subf %parallel_loop3A_1895, %parallel_loop3A_1893 : vector<16xf32>
        %parallel_loop3A_1897 = arith.addf %parallel_loop3A_1890, %parallel_loop3A_1896 : vector<16xf32>
        %parallel_loop3A_1898 = arith.constant 1.000000e+00 : f32
        %parallel_loop3A_1899 = vector.broadcast %parallel_loop3A_1898 : f32 to vector<16xf32>
        %parallel_loop3A_1900 = arith.cmpf olt, %parallel_loop3A_1849, %parallel_loop3A_1899 : vector<16xf32>
        %parallel_loop3A_1901 = arith.constant 1.000000e+00 : f32
        %parallel_loop3A_1902 = vector.broadcast %parallel_loop3A_1901 : f32 to vector<16xf32>
        %parallel_loop3A_1903 = arith.cmpf ogt, %parallel_loop3A_1849, %parallel_loop3A_1902 : vector<16xf32>
        %parallel_loop3A_1904 = arith.constant 4.000000e+00 : f32
        %parallel_loop3A_1905 = vector.broadcast %parallel_loop3A_1904 : f32 to vector<16xf32>
        %parallel_loop3A_1906 = arith.cmpf olt, %parallel_loop3A_1849, %parallel_loop3A_1905 : vector<16xf32>
        %parallel_loop3A_1907 = arith.andi %parallel_loop3A_1903, %parallel_loop3A_1906 : vector<16xi1>
        %parallel_loop3A_1908 = arith.constant 0.000000e+00 : f32
        %parallel_loop3A_1909 = vector.broadcast %parallel_loop3A_1908 : f32 to vector<16xf32>
        %parallel_loop3A_1910 = arith.select %parallel_loop3A_1907, %parallel_loop3A_1897, %parallel_loop3A_1909 : vector<16xi1>, vector<16xf32>
        %parallel_loop3A_1911 = arith.select %parallel_loop3A_1900, %parallel_loop3A_1883, %parallel_loop3A_1910 : vector<16xi1>, vector<16xf32>
        %parallel_loop3A_1912 = arith.mulf %parallel_loop3A_1457, %parallel_loop3A_1911 : vector<16xf32>
        %parallel_loop3A_1913 = arith.constant 0.000000e+00 : f32
        %parallel_loop3A_1914 = vector.broadcast %parallel_loop3A_1913 : f32 to vector<16xf32>
        %parallel_loop3A_1915 = arith.select %parallel_loop3A_1642, %parallel_loop3A_1912, %parallel_loop3A_1914 : vector<16xi1>, vector<16xf32>
        %parallel_loop3A_1916 = arith.mulf %parallel_loop3A_159, %div3A_47 : vector<16xf32>
        %parallel_loop3A_1917 = vector.bitcast %parallel_loop3A_1916 : vector<16xf32> to vector<16xi32>
        %parallel_loop3A_1918 = arith.constant 1 : i32
        %parallel_loop3A_1919 = vector.broadcast %parallel_loop3A_1918 : i32 to vector<16xi32>
        %parallel_loop3A_1920 = arith.shrsi %parallel_loop3A_1917, %parallel_loop3A_1919 : vector<16xi32>
        %parallel_loop3A_1921 = arith.constant 1597463007 : i32
        %parallel_loop3A_1922 = vector.broadcast %parallel_loop3A_1921 : i32 to vector<16xi32>
        %parallel_loop3A_1923 = arith.subi %parallel_loop3A_1922, %parallel_loop3A_1920 : vector<16xi32>
        %parallel_loop3A_1924 = vector.bitcast %parallel_loop3A_1923 : vector<16xi32> to vector<16xf32>
        %parallel_loop3A_1925 = arith.constant 5.000000e-01 : f32
        %parallel_loop3A_1926 = vector.broadcast %parallel_loop3A_1925 : f32 to vector<16xf32>
        %parallel_loop3A_1927 = arith.mulf %parallel_loop3A_1926, %parallel_loop3A_1916 : vector<16xf32>
        %parallel_loop3A_1928 = arith.mulf %parallel_loop3A_1927, %parallel_loop3A_1924 : vector<16xf32>
        %parallel_loop3A_1929 = arith.mulf %parallel_loop3A_1928, %parallel_loop3A_1924 : vector<16xf32>
        %parallel_loop3A_1930 = arith.constant 1.500000e+00 : f32
        %parallel_loop3A_1931 = vector.broadcast %parallel_loop3A_1930 : f32 to vector<16xf32>
        %parallel_loop3A_1932 = arith.subf %parallel_loop3A_1931, %parallel_loop3A_1929 : vector<16xf32>
        %parallel_loop3A_1933 = arith.mulf %parallel_loop3A_1924, %parallel_loop3A_1932 : vector<16xf32>
        %parallel_loop3A_1934 = arith.mulf %parallel_loop3A_1927, %parallel_loop3A_1933 : vector<16xf32>
        %parallel_loop3A_1935 = arith.mulf %parallel_loop3A_1934, %parallel_loop3A_1933 : vector<16xf32>
        %parallel_loop3A_1936 = arith.constant 1.500000e+00 : f32
        %parallel_loop3A_1937 = vector.broadcast %parallel_loop3A_1936 : f32 to vector<16xf32>
        %parallel_loop3A_1938 = arith.subf %parallel_loop3A_1937, %parallel_loop3A_1935 : vector<16xf32>
        %parallel_loop3A_1939 = arith.mulf %parallel_loop3A_1933, %parallel_loop3A_1938 : vector<16xf32>
        %parallel_loop3A_1940 = arith.mulf %parallel_loop3A_1916, %parallel_loop3A_1939 : vector<16xf32>
        %parallel_loop3A_1941 = arith.constant 1.500000e+00 : f32
        %parallel_loop3A_1942 = vector.broadcast %parallel_loop3A_1941 : f32 to vector<16xf32>
        %parallel_loop3A_1943 = arith.mulf %parallel_loop3A_1942, %parallel_loop3A_1940 : vector<16xf32>
        %parallel_loop3A_1944 = arith.constant 2.500000e+00 : f32
        %parallel_loop3A_1945 = vector.broadcast %parallel_loop3A_1944 : f32 to vector<16xf32>
        %parallel_loop3A_1946 = arith.subf %parallel_loop3A_1943, %parallel_loop3A_1945 : vector<16xf32>
        %parallel_loop3A_1947 = arith.mulf %parallel_loop3A_1946, %parallel_loop3A_1916 : vector<16xf32>
        %parallel_loop3A_1948 = arith.constant 1.000000e+00 : f32
        %parallel_loop3A_1949 = vector.broadcast %parallel_loop3A_1948 : f32 to vector<16xf32>
        %parallel_loop3A_1950 = arith.addf %parallel_loop3A_1947, %parallel_loop3A_1949 : vector<16xf32>
        %parallel_loop3A_1951 = arith.constant 5.000000e-01 : f32
        %parallel_loop3A_1952 = vector.broadcast %parallel_loop3A_1951 : f32 to vector<16xf32>
        %parallel_loop3A_1953 = arith.mulf %parallel_loop3A_1952, %parallel_loop3A_1940 : vector<16xf32>
        %parallel_loop3A_1954 = arith.constant 2.500000e+00 : f32
        %parallel_loop3A_1955 = vector.broadcast %parallel_loop3A_1954 : f32 to vector<16xf32>
        %parallel_loop3A_1956 = arith.subf %parallel_loop3A_1955, %parallel_loop3A_1953 : vector<16xf32>
        %parallel_loop3A_1957 = arith.mulf %parallel_loop3A_1956, %parallel_loop3A_1916 : vector<16xf32>
        %parallel_loop3A_1958 = arith.constant 4.000000e+00 : f32
        %parallel_loop3A_1959 = vector.broadcast %parallel_loop3A_1958 : f32 to vector<16xf32>
        %parallel_loop3A_1960 = arith.mulf %parallel_loop3A_1959, %parallel_loop3A_1940 : vector<16xf32>
        %parallel_loop3A_1961 = arith.constant 2.000000e+00 : f32
        %parallel_loop3A_1962 = vector.broadcast %parallel_loop3A_1961 : f32 to vector<16xf32>
        %parallel_loop3A_1963 = arith.subf %parallel_loop3A_1962, %parallel_loop3A_1960 : vector<16xf32>
        %parallel_loop3A_1964 = arith.addf %parallel_loop3A_1957, %parallel_loop3A_1963 : vector<16xf32>
        %parallel_loop3A_1965 = arith.constant 1.000000e+00 : f32
        %parallel_loop3A_1966 = vector.broadcast %parallel_loop3A_1965 : f32 to vector<16xf32>
        %parallel_loop3A_1967 = arith.cmpf olt, %parallel_loop3A_1916, %parallel_loop3A_1966 : vector<16xf32>
        %parallel_loop3A_1968 = arith.constant 1.000000e+00 : f32
        %parallel_loop3A_1969 = vector.broadcast %parallel_loop3A_1968 : f32 to vector<16xf32>
        %parallel_loop3A_1970 = arith.cmpf ogt, %parallel_loop3A_1916, %parallel_loop3A_1969 : vector<16xf32>
        %parallel_loop3A_1971 = arith.constant 4.000000e+00 : f32
        %parallel_loop3A_1972 = vector.broadcast %parallel_loop3A_1971 : f32 to vector<16xf32>
        %parallel_loop3A_1973 = arith.cmpf olt, %parallel_loop3A_1916, %parallel_loop3A_1972 : vector<16xf32>
        %parallel_loop3A_1974 = arith.andi %parallel_loop3A_1970, %parallel_loop3A_1973 : vector<16xi1>
        %parallel_loop3A_1975 = arith.constant 0.000000e+00 : f32
        %parallel_loop3A_1976 = vector.broadcast %parallel_loop3A_1975 : f32 to vector<16xf32>
        %parallel_loop3A_1977 = arith.select %parallel_loop3A_1974, %parallel_loop3A_1964, %parallel_loop3A_1976 : vector<16xi1>, vector<16xf32>
        %parallel_loop3A_1978 = arith.select %parallel_loop3A_1967, %parallel_loop3A_1950, %parallel_loop3A_1977 : vector<16xi1>, vector<16xf32>
        %parallel_loop3A_1979 = arith.mulf %parallel_loop3A_1465, %parallel_loop3A_1978 : vector<16xf32>
        %parallel_loop3A_1980 = arith.constant 0.000000e+00 : f32
        %parallel_loop3A_1981 = vector.broadcast %parallel_loop3A_1980 : f32 to vector<16xf32>
        %parallel_loop3A_1982 = arith.select %parallel_loop3A_1645, %parallel_loop3A_1979, %parallel_loop3A_1981 : vector<16xi1>, vector<16xf32>
        %parallel_loop3A_1983 = arith.mulf %parallel_loop3A_160, %div3A_47 : vector<16xf32>
        %parallel_loop3A_1984 = vector.bitcast %parallel_loop3A_1983 : vector<16xf32> to vector<16xi32>
        %parallel_loop3A_1985 = arith.constant 1 : i32
        %parallel_loop3A_1986 = vector.broadcast %parallel_loop3A_1985 : i32 to vector<16xi32>
        %parallel_loop3A_1987 = arith.shrsi %parallel_loop3A_1984, %parallel_loop3A_1986 : vector<16xi32>
        %parallel_loop3A_1988 = arith.constant 1597463007 : i32
        %parallel_loop3A_1989 = vector.broadcast %parallel_loop3A_1988 : i32 to vector<16xi32>
        %parallel_loop3A_1990 = arith.subi %parallel_loop3A_1989, %parallel_loop3A_1987 : vector<16xi32>
        %parallel_loop3A_1991 = vector.bitcast %parallel_loop3A_1990 : vector<16xi32> to vector<16xf32>
        %parallel_loop3A_1992 = arith.constant 5.000000e-01 : f32
        %parallel_loop3A_1993 = vector.broadcast %parallel_loop3A_1992 : f32 to vector<16xf32>
        %parallel_loop3A_1994 = arith.mulf %parallel_loop3A_1993, %parallel_loop3A_1983 : vector<16xf32>
        %parallel_loop3A_1995 = arith.mulf %parallel_loop3A_1994, %parallel_loop3A_1991 : vector<16xf32>
        %parallel_loop3A_1996 = arith.mulf %parallel_loop3A_1995, %parallel_loop3A_1991 : vector<16xf32>
        %parallel_loop3A_1997 = arith.constant 1.500000e+00 : f32
        %parallel_loop3A_1998 = vector.broadcast %parallel_loop3A_1997 : f32 to vector<16xf32>
        %parallel_loop3A_1999 = arith.subf %parallel_loop3A_1998, %parallel_loop3A_1996 : vector<16xf32>
        %parallel_loop3A_2000 = arith.mulf %parallel_loop3A_1991, %parallel_loop3A_1999 : vector<16xf32>
        %parallel_loop3A_2001 = arith.mulf %parallel_loop3A_1994, %parallel_loop3A_2000 : vector<16xf32>
        %parallel_loop3A_2002 = arith.mulf %parallel_loop3A_2001, %parallel_loop3A_2000 : vector<16xf32>
        %parallel_loop3A_2003 = arith.constant 1.500000e+00 : f32
        %parallel_loop3A_2004 = vector.broadcast %parallel_loop3A_2003 : f32 to vector<16xf32>
        %parallel_loop3A_2005 = arith.subf %parallel_loop3A_2004, %parallel_loop3A_2002 : vector<16xf32>
        %parallel_loop3A_2006 = arith.mulf %parallel_loop3A_2000, %parallel_loop3A_2005 : vector<16xf32>
        %parallel_loop3A_2007 = arith.mulf %parallel_loop3A_1983, %parallel_loop3A_2006 : vector<16xf32>
        %parallel_loop3A_2008 = arith.constant 1.500000e+00 : f32
        %parallel_loop3A_2009 = vector.broadcast %parallel_loop3A_2008 : f32 to vector<16xf32>
        %parallel_loop3A_2010 = arith.mulf %parallel_loop3A_2009, %parallel_loop3A_2007 : vector<16xf32>
        %parallel_loop3A_2011 = arith.constant 2.500000e+00 : f32
        %parallel_loop3A_2012 = vector.broadcast %parallel_loop3A_2011 : f32 to vector<16xf32>
        %parallel_loop3A_2013 = arith.subf %parallel_loop3A_2010, %parallel_loop3A_2012 : vector<16xf32>
        %parallel_loop3A_2014 = arith.mulf %parallel_loop3A_2013, %parallel_loop3A_1983 : vector<16xf32>
        %parallel_loop3A_2015 = arith.constant 1.000000e+00 : f32
        %parallel_loop3A_2016 = vector.broadcast %parallel_loop3A_2015 : f32 to vector<16xf32>
        %parallel_loop3A_2017 = arith.addf %parallel_loop3A_2014, %parallel_loop3A_2016 : vector<16xf32>
        %parallel_loop3A_2018 = arith.constant 5.000000e-01 : f32
        %parallel_loop3A_2019 = vector.broadcast %parallel_loop3A_2018 : f32 to vector<16xf32>
        %parallel_loop3A_2020 = arith.mulf %parallel_loop3A_2019, %parallel_loop3A_2007 : vector<16xf32>
        %parallel_loop3A_2021 = arith.constant 2.500000e+00 : f32
        %parallel_loop3A_2022 = vector.broadcast %parallel_loop3A_2021 : f32 to vector<16xf32>
        %parallel_loop3A_2023 = arith.subf %parallel_loop3A_2022, %parallel_loop3A_2020 : vector<16xf32>
        %parallel_loop3A_2024 = arith.mulf %parallel_loop3A_2023, %parallel_loop3A_1983 : vector<16xf32>
        %parallel_loop3A_2025 = arith.constant 4.000000e+00 : f32
        %parallel_loop3A_2026 = vector.broadcast %parallel_loop3A_2025 : f32 to vector<16xf32>
        %parallel_loop3A_2027 = arith.mulf %parallel_loop3A_2026, %parallel_loop3A_2007 : vector<16xf32>
        %parallel_loop3A_2028 = arith.constant 2.000000e+00 : f32
        %parallel_loop3A_2029 = vector.broadcast %parallel_loop3A_2028 : f32 to vector<16xf32>
        %parallel_loop3A_2030 = arith.subf %parallel_loop3A_2029, %parallel_loop3A_2027 : vector<16xf32>
        %parallel_loop3A_2031 = arith.addf %parallel_loop3A_2024, %parallel_loop3A_2030 : vector<16xf32>
        %parallel_loop3A_2032 = arith.constant 1.000000e+00 : f32
        %parallel_loop3A_2033 = vector.broadcast %parallel_loop3A_2032 : f32 to vector<16xf32>
        %parallel_loop3A_2034 = arith.cmpf olt, %parallel_loop3A_1983, %parallel_loop3A_2033 : vector<16xf32>
        %parallel_loop3A_2035 = arith.constant 1.000000e+00 : f32
        %parallel_loop3A_2036 = vector.broadcast %parallel_loop3A_2035 : f32 to vector<16xf32>
        %parallel_loop3A_2037 = arith.cmpf ogt, %parallel_loop3A_1983, %parallel_loop3A_2036 : vector<16xf32>
        %parallel_loop3A_2038 = arith.constant 4.000000e+00 : f32
        %parallel_loop3A_2039 = vector.broadcast %parallel_loop3A_2038 : f32 to vector<16xf32>
        %parallel_loop3A_2040 = arith.cmpf olt, %parallel_loop3A_1983, %parallel_loop3A_2039 : vector<16xf32>
        %parallel_loop3A_2041 = arith.andi %parallel_loop3A_2037, %parallel_loop3A_2040 : vector<16xi1>
        %parallel_loop3A_2042 = arith.constant 0.000000e+00 : f32
        %parallel_loop3A_2043 = vector.broadcast %parallel_loop3A_2042 : f32 to vector<16xf32>
        %parallel_loop3A_2044 = arith.select %parallel_loop3A_2041, %parallel_loop3A_2031, %parallel_loop3A_2043 : vector<16xi1>, vector<16xf32>
        %parallel_loop3A_2045 = arith.select %parallel_loop3A_2034, %parallel_loop3A_2017, %parallel_loop3A_2044 : vector<16xi1>, vector<16xf32>
        %parallel_loop3A_2046 = arith.mulf %parallel_loop3A_1473, %parallel_loop3A_2045 : vector<16xf32>
        %parallel_loop3A_2047 = arith.constant 0.000000e+00 : f32
        %parallel_loop3A_2048 = vector.broadcast %parallel_loop3A_2047 : f32 to vector<16xf32>
        %parallel_loop3A_2049 = arith.select %parallel_loop3A_1648, %parallel_loop3A_2046, %parallel_loop3A_2048 : vector<16xi1>, vector<16xf32>
        %parallel_loop3A_2050 = arith.mulf %parallel_loop3A_161, %div3A_47 : vector<16xf32>
        %parallel_loop3A_2051 = vector.bitcast %parallel_loop3A_2050 : vector<16xf32> to vector<16xi32>
        %parallel_loop3A_2052 = arith.constant 1 : i32
        %parallel_loop3A_2053 = vector.broadcast %parallel_loop3A_2052 : i32 to vector<16xi32>
        %parallel_loop3A_2054 = arith.shrsi %parallel_loop3A_2051, %parallel_loop3A_2053 : vector<16xi32>
        %parallel_loop3A_2055 = arith.constant 1597463007 : i32
        %parallel_loop3A_2056 = vector.broadcast %parallel_loop3A_2055 : i32 to vector<16xi32>
        %parallel_loop3A_2057 = arith.subi %parallel_loop3A_2056, %parallel_loop3A_2054 : vector<16xi32>
        %parallel_loop3A_2058 = vector.bitcast %parallel_loop3A_2057 : vector<16xi32> to vector<16xf32>
        %parallel_loop3A_2059 = arith.constant 5.000000e-01 : f32
        %parallel_loop3A_2060 = vector.broadcast %parallel_loop3A_2059 : f32 to vector<16xf32>
        %parallel_loop3A_2061 = arith.mulf %parallel_loop3A_2060, %parallel_loop3A_2050 : vector<16xf32>
        %parallel_loop3A_2062 = arith.mulf %parallel_loop3A_2061, %parallel_loop3A_2058 : vector<16xf32>
        %parallel_loop3A_2063 = arith.mulf %parallel_loop3A_2062, %parallel_loop3A_2058 : vector<16xf32>
        %parallel_loop3A_2064 = arith.constant 1.500000e+00 : f32
        %parallel_loop3A_2065 = vector.broadcast %parallel_loop3A_2064 : f32 to vector<16xf32>
        %parallel_loop3A_2066 = arith.subf %parallel_loop3A_2065, %parallel_loop3A_2063 : vector<16xf32>
        %parallel_loop3A_2067 = arith.mulf %parallel_loop3A_2058, %parallel_loop3A_2066 : vector<16xf32>
        %parallel_loop3A_2068 = arith.mulf %parallel_loop3A_2061, %parallel_loop3A_2067 : vector<16xf32>
        %parallel_loop3A_2069 = arith.mulf %parallel_loop3A_2068, %parallel_loop3A_2067 : vector<16xf32>
        %parallel_loop3A_2070 = arith.constant 1.500000e+00 : f32
        %parallel_loop3A_2071 = vector.broadcast %parallel_loop3A_2070 : f32 to vector<16xf32>
        %parallel_loop3A_2072 = arith.subf %parallel_loop3A_2071, %parallel_loop3A_2069 : vector<16xf32>
        %parallel_loop3A_2073 = arith.mulf %parallel_loop3A_2067, %parallel_loop3A_2072 : vector<16xf32>
        %parallel_loop3A_2074 = arith.mulf %parallel_loop3A_2050, %parallel_loop3A_2073 : vector<16xf32>
        %parallel_loop3A_2075 = arith.constant 1.500000e+00 : f32
        %parallel_loop3A_2076 = vector.broadcast %parallel_loop3A_2075 : f32 to vector<16xf32>
        %parallel_loop3A_2077 = arith.mulf %parallel_loop3A_2076, %parallel_loop3A_2074 : vector<16xf32>
        %parallel_loop3A_2078 = arith.constant 2.500000e+00 : f32
        %parallel_loop3A_2079 = vector.broadcast %parallel_loop3A_2078 : f32 to vector<16xf32>
        %parallel_loop3A_2080 = arith.subf %parallel_loop3A_2077, %parallel_loop3A_2079 : vector<16xf32>
        %parallel_loop3A_2081 = arith.mulf %parallel_loop3A_2080, %parallel_loop3A_2050 : vector<16xf32>
        %parallel_loop3A_2082 = arith.constant 1.000000e+00 : f32
        %parallel_loop3A_2083 = vector.broadcast %parallel_loop3A_2082 : f32 to vector<16xf32>
        %parallel_loop3A_2084 = arith.addf %parallel_loop3A_2081, %parallel_loop3A_2083 : vector<16xf32>
        %parallel_loop3A_2085 = arith.constant 5.000000e-01 : f32
        %parallel_loop3A_2086 = vector.broadcast %parallel_loop3A_2085 : f32 to vector<16xf32>
        %parallel_loop3A_2087 = arith.mulf %parallel_loop3A_2086, %parallel_loop3A_2074 : vector<16xf32>
        %parallel_loop3A_2088 = arith.constant 2.500000e+00 : f32
        %parallel_loop3A_2089 = vector.broadcast %parallel_loop3A_2088 : f32 to vector<16xf32>
        %parallel_loop3A_2090 = arith.subf %parallel_loop3A_2089, %parallel_loop3A_2087 : vector<16xf32>
        %parallel_loop3A_2091 = arith.mulf %parallel_loop3A_2090, %parallel_loop3A_2050 : vector<16xf32>
        %parallel_loop3A_2092 = arith.constant 4.000000e+00 : f32
        %parallel_loop3A_2093 = vector.broadcast %parallel_loop3A_2092 : f32 to vector<16xf32>
        %parallel_loop3A_2094 = arith.mulf %parallel_loop3A_2093, %parallel_loop3A_2074 : vector<16xf32>
        %parallel_loop3A_2095 = arith.constant 2.000000e+00 : f32
        %parallel_loop3A_2096 = vector.broadcast %parallel_loop3A_2095 : f32 to vector<16xf32>
        %parallel_loop3A_2097 = arith.subf %parallel_loop3A_2096, %parallel_loop3A_2094 : vector<16xf32>
        %parallel_loop3A_2098 = arith.addf %parallel_loop3A_2091, %parallel_loop3A_2097 : vector<16xf32>
        %parallel_loop3A_2099 = arith.constant 1.000000e+00 : f32
        %parallel_loop3A_2100 = vector.broadcast %parallel_loop3A_2099 : f32 to vector<16xf32>
        %parallel_loop3A_2101 = arith.cmpf olt, %parallel_loop3A_2050, %parallel_loop3A_2100 : vector<16xf32>
        %parallel_loop3A_2102 = arith.constant 1.000000e+00 : f32
        %parallel_loop3A_2103 = vector.broadcast %parallel_loop3A_2102 : f32 to vector<16xf32>
        %parallel_loop3A_2104 = arith.cmpf ogt, %parallel_loop3A_2050, %parallel_loop3A_2103 : vector<16xf32>
        %parallel_loop3A_2105 = arith.constant 4.000000e+00 : f32
        %parallel_loop3A_2106 = vector.broadcast %parallel_loop3A_2105 : f32 to vector<16xf32>
        %parallel_loop3A_2107 = arith.cmpf olt, %parallel_loop3A_2050, %parallel_loop3A_2106 : vector<16xf32>
        %parallel_loop3A_2108 = arith.andi %parallel_loop3A_2104, %parallel_loop3A_2107 : vector<16xi1>
        %parallel_loop3A_2109 = arith.constant 0.000000e+00 : f32
        %parallel_loop3A_2110 = vector.broadcast %parallel_loop3A_2109 : f32 to vector<16xf32>
        %parallel_loop3A_2111 = arith.select %parallel_loop3A_2108, %parallel_loop3A_2098, %parallel_loop3A_2110 : vector<16xi1>, vector<16xf32>
        %parallel_loop3A_2112 = arith.select %parallel_loop3A_2101, %parallel_loop3A_2084, %parallel_loop3A_2111 : vector<16xi1>, vector<16xf32>
        %parallel_loop3A_2113 = arith.mulf %parallel_loop3A_1481, %parallel_loop3A_2112 : vector<16xf32>
        %parallel_loop3A_2114 = arith.constant 0.000000e+00 : f32
        %parallel_loop3A_2115 = vector.broadcast %parallel_loop3A_2114 : f32 to vector<16xf32>
        %parallel_loop3A_2116 = arith.select %parallel_loop3A_1651, %parallel_loop3A_2113, %parallel_loop3A_2115 : vector<16xi1>, vector<16xf32>
        %parallel_loop3A_2117 = arith.mulf %parallel_loop3A_162, %div3A_47 : vector<16xf32>
        %parallel_loop3A_2118 = vector.bitcast %parallel_loop3A_2117 : vector<16xf32> to vector<16xi32>
        %parallel_loop3A_2119 = arith.constant 1 : i32
        %parallel_loop3A_2120 = vector.broadcast %parallel_loop3A_2119 : i32 to vector<16xi32>
        %parallel_loop3A_2121 = arith.shrsi %parallel_loop3A_2118, %parallel_loop3A_2120 : vector<16xi32>
        %parallel_loop3A_2122 = arith.constant 1597463007 : i32
        %parallel_loop3A_2123 = vector.broadcast %parallel_loop3A_2122 : i32 to vector<16xi32>
        %parallel_loop3A_2124 = arith.subi %parallel_loop3A_2123, %parallel_loop3A_2121 : vector<16xi32>
        %parallel_loop3A_2125 = vector.bitcast %parallel_loop3A_2124 : vector<16xi32> to vector<16xf32>
        %parallel_loop3A_2126 = arith.constant 5.000000e-01 : f32
        %parallel_loop3A_2127 = vector.broadcast %parallel_loop3A_2126 : f32 to vector<16xf32>
        %parallel_loop3A_2128 = arith.mulf %parallel_loop3A_2127, %parallel_loop3A_2117 : vector<16xf32>
        %parallel_loop3A_2129 = arith.mulf %parallel_loop3A_2128, %parallel_loop3A_2125 : vector<16xf32>
        %parallel_loop3A_2130 = arith.mulf %parallel_loop3A_2129, %parallel_loop3A_2125 : vector<16xf32>
        %parallel_loop3A_2131 = arith.constant 1.500000e+00 : f32
        %parallel_loop3A_2132 = vector.broadcast %parallel_loop3A_2131 : f32 to vector<16xf32>
        %parallel_loop3A_2133 = arith.subf %parallel_loop3A_2132, %parallel_loop3A_2130 : vector<16xf32>
        %parallel_loop3A_2134 = arith.mulf %parallel_loop3A_2125, %parallel_loop3A_2133 : vector<16xf32>
        %parallel_loop3A_2135 = arith.mulf %parallel_loop3A_2128, %parallel_loop3A_2134 : vector<16xf32>
        %parallel_loop3A_2136 = arith.mulf %parallel_loop3A_2135, %parallel_loop3A_2134 : vector<16xf32>
        %parallel_loop3A_2137 = arith.constant 1.500000e+00 : f32
        %parallel_loop3A_2138 = vector.broadcast %parallel_loop3A_2137 : f32 to vector<16xf32>
        %parallel_loop3A_2139 = arith.subf %parallel_loop3A_2138, %parallel_loop3A_2136 : vector<16xf32>
        %parallel_loop3A_2140 = arith.mulf %parallel_loop3A_2134, %parallel_loop3A_2139 : vector<16xf32>
        %parallel_loop3A_2141 = arith.mulf %parallel_loop3A_2117, %parallel_loop3A_2140 : vector<16xf32>
        %parallel_loop3A_2142 = arith.constant 1.500000e+00 : f32
        %parallel_loop3A_2143 = vector.broadcast %parallel_loop3A_2142 : f32 to vector<16xf32>
        %parallel_loop3A_2144 = arith.mulf %parallel_loop3A_2143, %parallel_loop3A_2141 : vector<16xf32>
        %parallel_loop3A_2145 = arith.constant 2.500000e+00 : f32
        %parallel_loop3A_2146 = vector.broadcast %parallel_loop3A_2145 : f32 to vector<16xf32>
        %parallel_loop3A_2147 = arith.subf %parallel_loop3A_2144, %parallel_loop3A_2146 : vector<16xf32>
        %parallel_loop3A_2148 = arith.mulf %parallel_loop3A_2147, %parallel_loop3A_2117 : vector<16xf32>
        %parallel_loop3A_2149 = arith.constant 1.000000e+00 : f32
        %parallel_loop3A_2150 = vector.broadcast %parallel_loop3A_2149 : f32 to vector<16xf32>
        %parallel_loop3A_2151 = arith.addf %parallel_loop3A_2148, %parallel_loop3A_2150 : vector<16xf32>
        %parallel_loop3A_2152 = arith.constant 5.000000e-01 : f32
        %parallel_loop3A_2153 = vector.broadcast %parallel_loop3A_2152 : f32 to vector<16xf32>
        %parallel_loop3A_2154 = arith.mulf %parallel_loop3A_2153, %parallel_loop3A_2141 : vector<16xf32>
        %parallel_loop3A_2155 = arith.constant 2.500000e+00 : f32
        %parallel_loop3A_2156 = vector.broadcast %parallel_loop3A_2155 : f32 to vector<16xf32>
        %parallel_loop3A_2157 = arith.subf %parallel_loop3A_2156, %parallel_loop3A_2154 : vector<16xf32>
        %parallel_loop3A_2158 = arith.mulf %parallel_loop3A_2157, %parallel_loop3A_2117 : vector<16xf32>
        %parallel_loop3A_2159 = arith.constant 4.000000e+00 : f32
        %parallel_loop3A_2160 = vector.broadcast %parallel_loop3A_2159 : f32 to vector<16xf32>
        %parallel_loop3A_2161 = arith.mulf %parallel_loop3A_2160, %parallel_loop3A_2141 : vector<16xf32>
        %parallel_loop3A_2162 = arith.constant 2.000000e+00 : f32
        %parallel_loop3A_2163 = vector.broadcast %parallel_loop3A_2162 : f32 to vector<16xf32>
        %parallel_loop3A_2164 = arith.subf %parallel_loop3A_2163, %parallel_loop3A_2161 : vector<16xf32>
        %parallel_loop3A_2165 = arith.addf %parallel_loop3A_2158, %parallel_loop3A_2164 : vector<16xf32>
        %parallel_loop3A_2166 = arith.constant 1.000000e+00 : f32
        %parallel_loop3A_2167 = vector.broadcast %parallel_loop3A_2166 : f32 to vector<16xf32>
        %parallel_loop3A_2168 = arith.cmpf olt, %parallel_loop3A_2117, %parallel_loop3A_2167 : vector<16xf32>
        %parallel_loop3A_2169 = arith.constant 1.000000e+00 : f32
        %parallel_loop3A_2170 = vector.broadcast %parallel_loop3A_2169 : f32 to vector<16xf32>
        %parallel_loop3A_2171 = arith.cmpf ogt, %parallel_loop3A_2117, %parallel_loop3A_2170 : vector<16xf32>
        %parallel_loop3A_2172 = arith.constant 4.000000e+00 : f32
        %parallel_loop3A_2173 = vector.broadcast %parallel_loop3A_2172 : f32 to vector<16xf32>
        %parallel_loop3A_2174 = arith.cmpf olt, %parallel_loop3A_2117, %parallel_loop3A_2173 : vector<16xf32>
        %parallel_loop3A_2175 = arith.andi %parallel_loop3A_2171, %parallel_loop3A_2174 : vector<16xi1>
        %parallel_loop3A_2176 = arith.constant 0.000000e+00 : f32
        %parallel_loop3A_2177 = vector.broadcast %parallel_loop3A_2176 : f32 to vector<16xf32>
        %parallel_loop3A_2178 = arith.select %parallel_loop3A_2175, %parallel_loop3A_2165, %parallel_loop3A_2177 : vector<16xi1>, vector<16xf32>
        %parallel_loop3A_2179 = arith.select %parallel_loop3A_2168, %parallel_loop3A_2151, %parallel_loop3A_2178 : vector<16xi1>, vector<16xf32>
        %parallel_loop3A_2180 = arith.mulf %parallel_loop3A_1489, %parallel_loop3A_2179 : vector<16xf32>
        %parallel_loop3A_2181 = arith.constant 0.000000e+00 : f32
        %parallel_loop3A_2182 = vector.broadcast %parallel_loop3A_2181 : f32 to vector<16xf32>
        %parallel_loop3A_2183 = arith.select %parallel_loop3A_1654, %parallel_loop3A_2180, %parallel_loop3A_2182 : vector<16xi1>, vector<16xf32>
        %parallel_loop3A_2184 = arith.mulf %parallel_loop3A_163, %div3A_47 : vector<16xf32>
        %parallel_loop3A_2185 = vector.bitcast %parallel_loop3A_2184 : vector<16xf32> to vector<16xi32>
        %parallel_loop3A_2186 = arith.constant 1 : i32
        %parallel_loop3A_2187 = vector.broadcast %parallel_loop3A_2186 : i32 to vector<16xi32>
        %parallel_loop3A_2188 = arith.shrsi %parallel_loop3A_2185, %parallel_loop3A_2187 : vector<16xi32>
        %parallel_loop3A_2189 = arith.constant 1597463007 : i32
        %parallel_loop3A_2190 = vector.broadcast %parallel_loop3A_2189 : i32 to vector<16xi32>
        %parallel_loop3A_2191 = arith.subi %parallel_loop3A_2190, %parallel_loop3A_2188 : vector<16xi32>
        %parallel_loop3A_2192 = vector.bitcast %parallel_loop3A_2191 : vector<16xi32> to vector<16xf32>
        %parallel_loop3A_2193 = arith.constant 5.000000e-01 : f32
        %parallel_loop3A_2194 = vector.broadcast %parallel_loop3A_2193 : f32 to vector<16xf32>
        %parallel_loop3A_2195 = arith.mulf %parallel_loop3A_2194, %parallel_loop3A_2184 : vector<16xf32>
        %parallel_loop3A_2196 = arith.mulf %parallel_loop3A_2195, %parallel_loop3A_2192 : vector<16xf32>
        %parallel_loop3A_2197 = arith.mulf %parallel_loop3A_2196, %parallel_loop3A_2192 : vector<16xf32>
        %parallel_loop3A_2198 = arith.constant 1.500000e+00 : f32
        %parallel_loop3A_2199 = vector.broadcast %parallel_loop3A_2198 : f32 to vector<16xf32>
        %parallel_loop3A_2200 = arith.subf %parallel_loop3A_2199, %parallel_loop3A_2197 : vector<16xf32>
        %parallel_loop3A_2201 = arith.mulf %parallel_loop3A_2192, %parallel_loop3A_2200 : vector<16xf32>
        %parallel_loop3A_2202 = arith.mulf %parallel_loop3A_2195, %parallel_loop3A_2201 : vector<16xf32>
        %parallel_loop3A_2203 = arith.mulf %parallel_loop3A_2202, %parallel_loop3A_2201 : vector<16xf32>
        %parallel_loop3A_2204 = arith.constant 1.500000e+00 : f32
        %parallel_loop3A_2205 = vector.broadcast %parallel_loop3A_2204 : f32 to vector<16xf32>
        %parallel_loop3A_2206 = arith.subf %parallel_loop3A_2205, %parallel_loop3A_2203 : vector<16xf32>
        %parallel_loop3A_2207 = arith.mulf %parallel_loop3A_2201, %parallel_loop3A_2206 : vector<16xf32>
        %parallel_loop3A_2208 = arith.mulf %parallel_loop3A_2184, %parallel_loop3A_2207 : vector<16xf32>
        %parallel_loop3A_2209 = arith.constant 1.500000e+00 : f32
        %parallel_loop3A_2210 = vector.broadcast %parallel_loop3A_2209 : f32 to vector<16xf32>
        %parallel_loop3A_2211 = arith.mulf %parallel_loop3A_2210, %parallel_loop3A_2208 : vector<16xf32>
        %parallel_loop3A_2212 = arith.constant 2.500000e+00 : f32
        %parallel_loop3A_2213 = vector.broadcast %parallel_loop3A_2212 : f32 to vector<16xf32>
        %parallel_loop3A_2214 = arith.subf %parallel_loop3A_2211, %parallel_loop3A_2213 : vector<16xf32>
        %parallel_loop3A_2215 = arith.mulf %parallel_loop3A_2214, %parallel_loop3A_2184 : vector<16xf32>
        %parallel_loop3A_2216 = arith.constant 1.000000e+00 : f32
        %parallel_loop3A_2217 = vector.broadcast %parallel_loop3A_2216 : f32 to vector<16xf32>
        %parallel_loop3A_2218 = arith.addf %parallel_loop3A_2215, %parallel_loop3A_2217 : vector<16xf32>
        %parallel_loop3A_2219 = arith.constant 5.000000e-01 : f32
        %parallel_loop3A_2220 = vector.broadcast %parallel_loop3A_2219 : f32 to vector<16xf32>
        %parallel_loop3A_2221 = arith.mulf %parallel_loop3A_2220, %parallel_loop3A_2208 : vector<16xf32>
        %parallel_loop3A_2222 = arith.constant 2.500000e+00 : f32
        %parallel_loop3A_2223 = vector.broadcast %parallel_loop3A_2222 : f32 to vector<16xf32>
        %parallel_loop3A_2224 = arith.subf %parallel_loop3A_2223, %parallel_loop3A_2221 : vector<16xf32>
        %parallel_loop3A_2225 = arith.mulf %parallel_loop3A_2224, %parallel_loop3A_2184 : vector<16xf32>
        %parallel_loop3A_2226 = arith.constant 4.000000e+00 : f32
        %parallel_loop3A_2227 = vector.broadcast %parallel_loop3A_2226 : f32 to vector<16xf32>
        %parallel_loop3A_2228 = arith.mulf %parallel_loop3A_2227, %parallel_loop3A_2208 : vector<16xf32>
        %parallel_loop3A_2229 = arith.constant 2.000000e+00 : f32
        %parallel_loop3A_2230 = vector.broadcast %parallel_loop3A_2229 : f32 to vector<16xf32>
        %parallel_loop3A_2231 = arith.subf %parallel_loop3A_2230, %parallel_loop3A_2228 : vector<16xf32>
        %parallel_loop3A_2232 = arith.addf %parallel_loop3A_2225, %parallel_loop3A_2231 : vector<16xf32>
        %parallel_loop3A_2233 = arith.constant 1.000000e+00 : f32
        %parallel_loop3A_2234 = vector.broadcast %parallel_loop3A_2233 : f32 to vector<16xf32>
        %parallel_loop3A_2235 = arith.cmpf olt, %parallel_loop3A_2184, %parallel_loop3A_2234 : vector<16xf32>
        %parallel_loop3A_2236 = arith.constant 1.000000e+00 : f32
        %parallel_loop3A_2237 = vector.broadcast %parallel_loop3A_2236 : f32 to vector<16xf32>
        %parallel_loop3A_2238 = arith.cmpf ogt, %parallel_loop3A_2184, %parallel_loop3A_2237 : vector<16xf32>
        %parallel_loop3A_2239 = arith.constant 4.000000e+00 : f32
        %parallel_loop3A_2240 = vector.broadcast %parallel_loop3A_2239 : f32 to vector<16xf32>
        %parallel_loop3A_2241 = arith.cmpf olt, %parallel_loop3A_2184, %parallel_loop3A_2240 : vector<16xf32>
        %parallel_loop3A_2242 = arith.andi %parallel_loop3A_2238, %parallel_loop3A_2241 : vector<16xi1>
        %parallel_loop3A_2243 = arith.constant 0.000000e+00 : f32
        %parallel_loop3A_2244 = vector.broadcast %parallel_loop3A_2243 : f32 to vector<16xf32>
        %parallel_loop3A_2245 = arith.select %parallel_loop3A_2242, %parallel_loop3A_2232, %parallel_loop3A_2244 : vector<16xi1>, vector<16xf32>
        %parallel_loop3A_2246 = arith.select %parallel_loop3A_2235, %parallel_loop3A_2218, %parallel_loop3A_2245 : vector<16xi1>, vector<16xf32>
        %parallel_loop3A_2247 = arith.mulf %parallel_loop3A_1497, %parallel_loop3A_2246 : vector<16xf32>
        %parallel_loop3A_2248 = arith.constant 0.000000e+00 : f32
        %parallel_loop3A_2249 = vector.broadcast %parallel_loop3A_2248 : f32 to vector<16xf32>
        %parallel_loop3A_2250 = arith.select %parallel_loop3A_1657, %parallel_loop3A_2247, %parallel_loop3A_2249 : vector<16xi1>, vector<16xf32>
        %parallel_loop3A_2251 = arith.mulf %parallel_loop3A_164, %div3A_47 : vector<16xf32>
        %parallel_loop3A_2252 = vector.bitcast %parallel_loop3A_2251 : vector<16xf32> to vector<16xi32>
        %parallel_loop3A_2253 = arith.constant 1 : i32
        %parallel_loop3A_2254 = vector.broadcast %parallel_loop3A_2253 : i32 to vector<16xi32>
        %parallel_loop3A_2255 = arith.shrsi %parallel_loop3A_2252, %parallel_loop3A_2254 : vector<16xi32>
        %parallel_loop3A_2256 = arith.constant 1597463007 : i32
        %parallel_loop3A_2257 = vector.broadcast %parallel_loop3A_2256 : i32 to vector<16xi32>
        %parallel_loop3A_2258 = arith.subi %parallel_loop3A_2257, %parallel_loop3A_2255 : vector<16xi32>
        %parallel_loop3A_2259 = vector.bitcast %parallel_loop3A_2258 : vector<16xi32> to vector<16xf32>
        %parallel_loop3A_2260 = arith.constant 5.000000e-01 : f32
        %parallel_loop3A_2261 = vector.broadcast %parallel_loop3A_2260 : f32 to vector<16xf32>
        %parallel_loop3A_2262 = arith.mulf %parallel_loop3A_2261, %parallel_loop3A_2251 : vector<16xf32>
        %parallel_loop3A_2263 = arith.mulf %parallel_loop3A_2262, %parallel_loop3A_2259 : vector<16xf32>
        %parallel_loop3A_2264 = arith.mulf %parallel_loop3A_2263, %parallel_loop3A_2259 : vector<16xf32>
        %parallel_loop3A_2265 = arith.constant 1.500000e+00 : f32
        %parallel_loop3A_2266 = vector.broadcast %parallel_loop3A_2265 : f32 to vector<16xf32>
        %parallel_loop3A_2267 = arith.subf %parallel_loop3A_2266, %parallel_loop3A_2264 : vector<16xf32>
        %parallel_loop3A_2268 = arith.mulf %parallel_loop3A_2259, %parallel_loop3A_2267 : vector<16xf32>
        %parallel_loop3A_2269 = arith.mulf %parallel_loop3A_2262, %parallel_loop3A_2268 : vector<16xf32>
        %parallel_loop3A_2270 = arith.mulf %parallel_loop3A_2269, %parallel_loop3A_2268 : vector<16xf32>
        %parallel_loop3A_2271 = arith.constant 1.500000e+00 : f32
        %parallel_loop3A_2272 = vector.broadcast %parallel_loop3A_2271 : f32 to vector<16xf32>
        %parallel_loop3A_2273 = arith.subf %parallel_loop3A_2272, %parallel_loop3A_2270 : vector<16xf32>
        %parallel_loop3A_2274 = arith.mulf %parallel_loop3A_2268, %parallel_loop3A_2273 : vector<16xf32>
        %parallel_loop3A_2275 = arith.mulf %parallel_loop3A_2251, %parallel_loop3A_2274 : vector<16xf32>
        %parallel_loop3A_2276 = arith.constant 1.500000e+00 : f32
        %parallel_loop3A_2277 = vector.broadcast %parallel_loop3A_2276 : f32 to vector<16xf32>
        %parallel_loop3A_2278 = arith.mulf %parallel_loop3A_2277, %parallel_loop3A_2275 : vector<16xf32>
        %parallel_loop3A_2279 = arith.constant 2.500000e+00 : f32
        %parallel_loop3A_2280 = vector.broadcast %parallel_loop3A_2279 : f32 to vector<16xf32>
        %parallel_loop3A_2281 = arith.subf %parallel_loop3A_2278, %parallel_loop3A_2280 : vector<16xf32>
        %parallel_loop3A_2282 = arith.mulf %parallel_loop3A_2281, %parallel_loop3A_2251 : vector<16xf32>
        %parallel_loop3A_2283 = arith.constant 1.000000e+00 : f32
        %parallel_loop3A_2284 = vector.broadcast %parallel_loop3A_2283 : f32 to vector<16xf32>
        %parallel_loop3A_2285 = arith.addf %parallel_loop3A_2282, %parallel_loop3A_2284 : vector<16xf32>
        %parallel_loop3A_2286 = arith.constant 5.000000e-01 : f32
        %parallel_loop3A_2287 = vector.broadcast %parallel_loop3A_2286 : f32 to vector<16xf32>
        %parallel_loop3A_2288 = arith.mulf %parallel_loop3A_2287, %parallel_loop3A_2275 : vector<16xf32>
        %parallel_loop3A_2289 = arith.constant 2.500000e+00 : f32
        %parallel_loop3A_2290 = vector.broadcast %parallel_loop3A_2289 : f32 to vector<16xf32>
        %parallel_loop3A_2291 = arith.subf %parallel_loop3A_2290, %parallel_loop3A_2288 : vector<16xf32>
        %parallel_loop3A_2292 = arith.mulf %parallel_loop3A_2291, %parallel_loop3A_2251 : vector<16xf32>
        %parallel_loop3A_2293 = arith.constant 4.000000e+00 : f32
        %parallel_loop3A_2294 = vector.broadcast %parallel_loop3A_2293 : f32 to vector<16xf32>
        %parallel_loop3A_2295 = arith.mulf %parallel_loop3A_2294, %parallel_loop3A_2275 : vector<16xf32>
        %parallel_loop3A_2296 = arith.constant 2.000000e+00 : f32
        %parallel_loop3A_2297 = vector.broadcast %parallel_loop3A_2296 : f32 to vector<16xf32>
        %parallel_loop3A_2298 = arith.subf %parallel_loop3A_2297, %parallel_loop3A_2295 : vector<16xf32>
        %parallel_loop3A_2299 = arith.addf %parallel_loop3A_2292, %parallel_loop3A_2298 : vector<16xf32>
        %parallel_loop3A_2300 = arith.constant 1.000000e+00 : f32
        %parallel_loop3A_2301 = vector.broadcast %parallel_loop3A_2300 : f32 to vector<16xf32>
        %parallel_loop3A_2302 = arith.cmpf olt, %parallel_loop3A_2251, %parallel_loop3A_2301 : vector<16xf32>
        %parallel_loop3A_2303 = arith.constant 1.000000e+00 : f32
        %parallel_loop3A_2304 = vector.broadcast %parallel_loop3A_2303 : f32 to vector<16xf32>
        %parallel_loop3A_2305 = arith.cmpf ogt, %parallel_loop3A_2251, %parallel_loop3A_2304 : vector<16xf32>
        %parallel_loop3A_2306 = arith.constant 4.000000e+00 : f32
        %parallel_loop3A_2307 = vector.broadcast %parallel_loop3A_2306 : f32 to vector<16xf32>
        %parallel_loop3A_2308 = arith.cmpf olt, %parallel_loop3A_2251, %parallel_loop3A_2307 : vector<16xf32>
        %parallel_loop3A_2309 = arith.andi %parallel_loop3A_2305, %parallel_loop3A_2308 : vector<16xi1>
        %parallel_loop3A_2310 = arith.constant 0.000000e+00 : f32
        %parallel_loop3A_2311 = vector.broadcast %parallel_loop3A_2310 : f32 to vector<16xf32>
        %parallel_loop3A_2312 = arith.select %parallel_loop3A_2309, %parallel_loop3A_2299, %parallel_loop3A_2311 : vector<16xi1>, vector<16xf32>
        %parallel_loop3A_2313 = arith.select %parallel_loop3A_2302, %parallel_loop3A_2285, %parallel_loop3A_2312 : vector<16xi1>, vector<16xf32>
        %parallel_loop3A_2314 = arith.mulf %parallel_loop3A_1505, %parallel_loop3A_2313 : vector<16xf32>
        %parallel_loop3A_2315 = arith.constant 0.000000e+00 : f32
        %parallel_loop3A_2316 = vector.broadcast %parallel_loop3A_2315 : f32 to vector<16xf32>
        %parallel_loop3A_2317 = arith.select %parallel_loop3A_1660, %parallel_loop3A_2314, %parallel_loop3A_2316 : vector<16xi1>, vector<16xf32>
        %parallel_loop3A_2318 = arith.mulf %parallel_loop3A_165, %div3A_47 : vector<16xf32>
        %parallel_loop3A_2319 = vector.bitcast %parallel_loop3A_2318 : vector<16xf32> to vector<16xi32>
        %parallel_loop3A_2320 = arith.constant 1 : i32
        %parallel_loop3A_2321 = vector.broadcast %parallel_loop3A_2320 : i32 to vector<16xi32>
        %parallel_loop3A_2322 = arith.shrsi %parallel_loop3A_2319, %parallel_loop3A_2321 : vector<16xi32>
        %parallel_loop3A_2323 = arith.constant 1597463007 : i32
        %parallel_loop3A_2324 = vector.broadcast %parallel_loop3A_2323 : i32 to vector<16xi32>
        %parallel_loop3A_2325 = arith.subi %parallel_loop3A_2324, %parallel_loop3A_2322 : vector<16xi32>
        %parallel_loop3A_2326 = vector.bitcast %parallel_loop3A_2325 : vector<16xi32> to vector<16xf32>
        %parallel_loop3A_2327 = arith.constant 5.000000e-01 : f32
        %parallel_loop3A_2328 = vector.broadcast %parallel_loop3A_2327 : f32 to vector<16xf32>
        %parallel_loop3A_2329 = arith.mulf %parallel_loop3A_2328, %parallel_loop3A_2318 : vector<16xf32>
        %parallel_loop3A_2330 = arith.mulf %parallel_loop3A_2329, %parallel_loop3A_2326 : vector<16xf32>
        %parallel_loop3A_2331 = arith.mulf %parallel_loop3A_2330, %parallel_loop3A_2326 : vector<16xf32>
        %parallel_loop3A_2332 = arith.constant 1.500000e+00 : f32
        %parallel_loop3A_2333 = vector.broadcast %parallel_loop3A_2332 : f32 to vector<16xf32>
        %parallel_loop3A_2334 = arith.subf %parallel_loop3A_2333, %parallel_loop3A_2331 : vector<16xf32>
        %parallel_loop3A_2335 = arith.mulf %parallel_loop3A_2326, %parallel_loop3A_2334 : vector<16xf32>
        %parallel_loop3A_2336 = arith.mulf %parallel_loop3A_2329, %parallel_loop3A_2335 : vector<16xf32>
        %parallel_loop3A_2337 = arith.mulf %parallel_loop3A_2336, %parallel_loop3A_2335 : vector<16xf32>
        %parallel_loop3A_2338 = arith.constant 1.500000e+00 : f32
        %parallel_loop3A_2339 = vector.broadcast %parallel_loop3A_2338 : f32 to vector<16xf32>
        %parallel_loop3A_2340 = arith.subf %parallel_loop3A_2339, %parallel_loop3A_2337 : vector<16xf32>
        %parallel_loop3A_2341 = arith.mulf %parallel_loop3A_2335, %parallel_loop3A_2340 : vector<16xf32>
        %parallel_loop3A_2342 = arith.mulf %parallel_loop3A_2318, %parallel_loop3A_2341 : vector<16xf32>
        %parallel_loop3A_2343 = arith.constant 1.500000e+00 : f32
        %parallel_loop3A_2344 = vector.broadcast %parallel_loop3A_2343 : f32 to vector<16xf32>
        %parallel_loop3A_2345 = arith.mulf %parallel_loop3A_2344, %parallel_loop3A_2342 : vector<16xf32>
        %parallel_loop3A_2346 = arith.constant 2.500000e+00 : f32
        %parallel_loop3A_2347 = vector.broadcast %parallel_loop3A_2346 : f32 to vector<16xf32>
        %parallel_loop3A_2348 = arith.subf %parallel_loop3A_2345, %parallel_loop3A_2347 : vector<16xf32>
        %parallel_loop3A_2349 = arith.mulf %parallel_loop3A_2348, %parallel_loop3A_2318 : vector<16xf32>
        %parallel_loop3A_2350 = arith.constant 1.000000e+00 : f32
        %parallel_loop3A_2351 = vector.broadcast %parallel_loop3A_2350 : f32 to vector<16xf32>
        %parallel_loop3A_2352 = arith.addf %parallel_loop3A_2349, %parallel_loop3A_2351 : vector<16xf32>
        %parallel_loop3A_2353 = arith.constant 5.000000e-01 : f32
        %parallel_loop3A_2354 = vector.broadcast %parallel_loop3A_2353 : f32 to vector<16xf32>
        %parallel_loop3A_2355 = arith.mulf %parallel_loop3A_2354, %parallel_loop3A_2342 : vector<16xf32>
        %parallel_loop3A_2356 = arith.constant 2.500000e+00 : f32
        %parallel_loop3A_2357 = vector.broadcast %parallel_loop3A_2356 : f32 to vector<16xf32>
        %parallel_loop3A_2358 = arith.subf %parallel_loop3A_2357, %parallel_loop3A_2355 : vector<16xf32>
        %parallel_loop3A_2359 = arith.mulf %parallel_loop3A_2358, %parallel_loop3A_2318 : vector<16xf32>
        %parallel_loop3A_2360 = arith.constant 4.000000e+00 : f32
        %parallel_loop3A_2361 = vector.broadcast %parallel_loop3A_2360 : f32 to vector<16xf32>
        %parallel_loop3A_2362 = arith.mulf %parallel_loop3A_2361, %parallel_loop3A_2342 : vector<16xf32>
        %parallel_loop3A_2363 = arith.constant 2.000000e+00 : f32
        %parallel_loop3A_2364 = vector.broadcast %parallel_loop3A_2363 : f32 to vector<16xf32>
        %parallel_loop3A_2365 = arith.subf %parallel_loop3A_2364, %parallel_loop3A_2362 : vector<16xf32>
        %parallel_loop3A_2366 = arith.addf %parallel_loop3A_2359, %parallel_loop3A_2365 : vector<16xf32>
        %parallel_loop3A_2367 = arith.constant 1.000000e+00 : f32
        %parallel_loop3A_2368 = vector.broadcast %parallel_loop3A_2367 : f32 to vector<16xf32>
        %parallel_loop3A_2369 = arith.cmpf olt, %parallel_loop3A_2318, %parallel_loop3A_2368 : vector<16xf32>
        %parallel_loop3A_2370 = arith.constant 1.000000e+00 : f32
        %parallel_loop3A_2371 = vector.broadcast %parallel_loop3A_2370 : f32 to vector<16xf32>
        %parallel_loop3A_2372 = arith.cmpf ogt, %parallel_loop3A_2318, %parallel_loop3A_2371 : vector<16xf32>
        %parallel_loop3A_2373 = arith.constant 4.000000e+00 : f32
        %parallel_loop3A_2374 = vector.broadcast %parallel_loop3A_2373 : f32 to vector<16xf32>
        %parallel_loop3A_2375 = arith.cmpf olt, %parallel_loop3A_2318, %parallel_loop3A_2374 : vector<16xf32>
        %parallel_loop3A_2376 = arith.andi %parallel_loop3A_2372, %parallel_loop3A_2375 : vector<16xi1>
        %parallel_loop3A_2377 = arith.constant 0.000000e+00 : f32
        %parallel_loop3A_2378 = vector.broadcast %parallel_loop3A_2377 : f32 to vector<16xf32>
        %parallel_loop3A_2379 = arith.select %parallel_loop3A_2376, %parallel_loop3A_2366, %parallel_loop3A_2378 : vector<16xi1>, vector<16xf32>
        %parallel_loop3A_2380 = arith.select %parallel_loop3A_2369, %parallel_loop3A_2352, %parallel_loop3A_2379 : vector<16xi1>, vector<16xf32>
        %parallel_loop3A_2381 = arith.mulf %parallel_loop3A_1513, %parallel_loop3A_2380 : vector<16xf32>
        %parallel_loop3A_2382 = arith.constant 0.000000e+00 : f32
        %parallel_loop3A_2383 = vector.broadcast %parallel_loop3A_2382 : f32 to vector<16xf32>
        %parallel_loop3A_2384 = arith.select %parallel_loop3A_1663, %parallel_loop3A_2381, %parallel_loop3A_2383 : vector<16xi1>, vector<16xf32>
        %parallel_loop3A_2385 = arith.mulf %parallel_loop3A_166, %div3A_47 : vector<16xf32>
        %parallel_loop3A_2386 = vector.bitcast %parallel_loop3A_2385 : vector<16xf32> to vector<16xi32>
        %parallel_loop3A_2387 = arith.constant 1 : i32
        %parallel_loop3A_2388 = vector.broadcast %parallel_loop3A_2387 : i32 to vector<16xi32>
        %parallel_loop3A_2389 = arith.shrsi %parallel_loop3A_2386, %parallel_loop3A_2388 : vector<16xi32>
        %parallel_loop3A_2390 = arith.constant 1597463007 : i32
        %parallel_loop3A_2391 = vector.broadcast %parallel_loop3A_2390 : i32 to vector<16xi32>
        %parallel_loop3A_2392 = arith.subi %parallel_loop3A_2391, %parallel_loop3A_2389 : vector<16xi32>
        %parallel_loop3A_2393 = vector.bitcast %parallel_loop3A_2392 : vector<16xi32> to vector<16xf32>
        %parallel_loop3A_2394 = arith.constant 5.000000e-01 : f32
        %parallel_loop3A_2395 = vector.broadcast %parallel_loop3A_2394 : f32 to vector<16xf32>
        %parallel_loop3A_2396 = arith.mulf %parallel_loop3A_2395, %parallel_loop3A_2385 : vector<16xf32>
        %parallel_loop3A_2397 = arith.mulf %parallel_loop3A_2396, %parallel_loop3A_2393 : vector<16xf32>
        %parallel_loop3A_2398 = arith.mulf %parallel_loop3A_2397, %parallel_loop3A_2393 : vector<16xf32>
        %parallel_loop3A_2399 = arith.constant 1.500000e+00 : f32
        %parallel_loop3A_2400 = vector.broadcast %parallel_loop3A_2399 : f32 to vector<16xf32>
        %parallel_loop3A_2401 = arith.subf %parallel_loop3A_2400, %parallel_loop3A_2398 : vector<16xf32>
        %parallel_loop3A_2402 = arith.mulf %parallel_loop3A_2393, %parallel_loop3A_2401 : vector<16xf32>
        %parallel_loop3A_2403 = arith.mulf %parallel_loop3A_2396, %parallel_loop3A_2402 : vector<16xf32>
        %parallel_loop3A_2404 = arith.mulf %parallel_loop3A_2403, %parallel_loop3A_2402 : vector<16xf32>
        %parallel_loop3A_2405 = arith.constant 1.500000e+00 : f32
        %parallel_loop3A_2406 = vector.broadcast %parallel_loop3A_2405 : f32 to vector<16xf32>
        %parallel_loop3A_2407 = arith.subf %parallel_loop3A_2406, %parallel_loop3A_2404 : vector<16xf32>
        %parallel_loop3A_2408 = arith.mulf %parallel_loop3A_2402, %parallel_loop3A_2407 : vector<16xf32>
        %parallel_loop3A_2409 = arith.mulf %parallel_loop3A_2385, %parallel_loop3A_2408 : vector<16xf32>
        %parallel_loop3A_2410 = arith.constant 1.500000e+00 : f32
        %parallel_loop3A_2411 = vector.broadcast %parallel_loop3A_2410 : f32 to vector<16xf32>
        %parallel_loop3A_2412 = arith.mulf %parallel_loop3A_2411, %parallel_loop3A_2409 : vector<16xf32>
        %parallel_loop3A_2413 = arith.constant 2.500000e+00 : f32
        %parallel_loop3A_2414 = vector.broadcast %parallel_loop3A_2413 : f32 to vector<16xf32>
        %parallel_loop3A_2415 = arith.subf %parallel_loop3A_2412, %parallel_loop3A_2414 : vector<16xf32>
        %parallel_loop3A_2416 = arith.mulf %parallel_loop3A_2415, %parallel_loop3A_2385 : vector<16xf32>
        %parallel_loop3A_2417 = arith.constant 1.000000e+00 : f32
        %parallel_loop3A_2418 = vector.broadcast %parallel_loop3A_2417 : f32 to vector<16xf32>
        %parallel_loop3A_2419 = arith.addf %parallel_loop3A_2416, %parallel_loop3A_2418 : vector<16xf32>
        %parallel_loop3A_2420 = arith.constant 5.000000e-01 : f32
        %parallel_loop3A_2421 = vector.broadcast %parallel_loop3A_2420 : f32 to vector<16xf32>
        %parallel_loop3A_2422 = arith.mulf %parallel_loop3A_2421, %parallel_loop3A_2409 : vector<16xf32>
        %parallel_loop3A_2423 = arith.constant 2.500000e+00 : f32
        %parallel_loop3A_2424 = vector.broadcast %parallel_loop3A_2423 : f32 to vector<16xf32>
        %parallel_loop3A_2425 = arith.subf %parallel_loop3A_2424, %parallel_loop3A_2422 : vector<16xf32>
        %parallel_loop3A_2426 = arith.mulf %parallel_loop3A_2425, %parallel_loop3A_2385 : vector<16xf32>
        %parallel_loop3A_2427 = arith.constant 4.000000e+00 : f32
        %parallel_loop3A_2428 = vector.broadcast %parallel_loop3A_2427 : f32 to vector<16xf32>
        %parallel_loop3A_2429 = arith.mulf %parallel_loop3A_2428, %parallel_loop3A_2409 : vector<16xf32>
        %parallel_loop3A_2430 = arith.constant 2.000000e+00 : f32
        %parallel_loop3A_2431 = vector.broadcast %parallel_loop3A_2430 : f32 to vector<16xf32>
        %parallel_loop3A_2432 = arith.subf %parallel_loop3A_2431, %parallel_loop3A_2429 : vector<16xf32>
        %parallel_loop3A_2433 = arith.addf %parallel_loop3A_2426, %parallel_loop3A_2432 : vector<16xf32>
        %parallel_loop3A_2434 = arith.constant 1.000000e+00 : f32
        %parallel_loop3A_2435 = vector.broadcast %parallel_loop3A_2434 : f32 to vector<16xf32>
        %parallel_loop3A_2436 = arith.cmpf olt, %parallel_loop3A_2385, %parallel_loop3A_2435 : vector<16xf32>
        %parallel_loop3A_2437 = arith.constant 1.000000e+00 : f32
        %parallel_loop3A_2438 = vector.broadcast %parallel_loop3A_2437 : f32 to vector<16xf32>
        %parallel_loop3A_2439 = arith.cmpf ogt, %parallel_loop3A_2385, %parallel_loop3A_2438 : vector<16xf32>
        %parallel_loop3A_2440 = arith.constant 4.000000e+00 : f32
        %parallel_loop3A_2441 = vector.broadcast %parallel_loop3A_2440 : f32 to vector<16xf32>
        %parallel_loop3A_2442 = arith.cmpf olt, %parallel_loop3A_2385, %parallel_loop3A_2441 : vector<16xf32>
        %parallel_loop3A_2443 = arith.andi %parallel_loop3A_2439, %parallel_loop3A_2442 : vector<16xi1>
        %parallel_loop3A_2444 = arith.constant 0.000000e+00 : f32
        %parallel_loop3A_2445 = vector.broadcast %parallel_loop3A_2444 : f32 to vector<16xf32>
        %parallel_loop3A_2446 = arith.select %parallel_loop3A_2443, %parallel_loop3A_2433, %parallel_loop3A_2445 : vector<16xi1>, vector<16xf32>
        %parallel_loop3A_2447 = arith.select %parallel_loop3A_2436, %parallel_loop3A_2419, %parallel_loop3A_2446 : vector<16xi1>, vector<16xf32>
        %parallel_loop3A_2448 = arith.mulf %parallel_loop3A_1521, %parallel_loop3A_2447 : vector<16xf32>
        %parallel_loop3A_2449 = arith.constant 0.000000e+00 : f32
        %parallel_loop3A_2450 = vector.broadcast %parallel_loop3A_2449 : f32 to vector<16xf32>
        %parallel_loop3A_2451 = arith.select %parallel_loop3A_1666, %parallel_loop3A_2448, %parallel_loop3A_2450 : vector<16xi1>, vector<16xf32>
        %parallel_loop3A_2452 = arith.mulf %parallel_loop3A_167, %div3A_47 : vector<16xf32>
        %parallel_loop3A_2453 = vector.bitcast %parallel_loop3A_2452 : vector<16xf32> to vector<16xi32>
        %parallel_loop3A_2454 = arith.constant 1 : i32
        %parallel_loop3A_2455 = vector.broadcast %parallel_loop3A_2454 : i32 to vector<16xi32>
        %parallel_loop3A_2456 = arith.shrsi %parallel_loop3A_2453, %parallel_loop3A_2455 : vector<16xi32>
        %parallel_loop3A_2457 = arith.constant 1597463007 : i32
        %parallel_loop3A_2458 = vector.broadcast %parallel_loop3A_2457 : i32 to vector<16xi32>
        %parallel_loop3A_2459 = arith.subi %parallel_loop3A_2458, %parallel_loop3A_2456 : vector<16xi32>
        %parallel_loop3A_2460 = vector.bitcast %parallel_loop3A_2459 : vector<16xi32> to vector<16xf32>
        %parallel_loop3A_2461 = arith.constant 5.000000e-01 : f32
        %parallel_loop3A_2462 = vector.broadcast %parallel_loop3A_2461 : f32 to vector<16xf32>
        %parallel_loop3A_2463 = arith.mulf %parallel_loop3A_2462, %parallel_loop3A_2452 : vector<16xf32>
        %parallel_loop3A_2464 = arith.mulf %parallel_loop3A_2463, %parallel_loop3A_2460 : vector<16xf32>
        %parallel_loop3A_2465 = arith.mulf %parallel_loop3A_2464, %parallel_loop3A_2460 : vector<16xf32>
        %parallel_loop3A_2466 = arith.constant 1.500000e+00 : f32
        %parallel_loop3A_2467 = vector.broadcast %parallel_loop3A_2466 : f32 to vector<16xf32>
        %parallel_loop3A_2468 = arith.subf %parallel_loop3A_2467, %parallel_loop3A_2465 : vector<16xf32>
        %parallel_loop3A_2469 = arith.mulf %parallel_loop3A_2460, %parallel_loop3A_2468 : vector<16xf32>
        %parallel_loop3A_2470 = arith.mulf %parallel_loop3A_2463, %parallel_loop3A_2469 : vector<16xf32>
        %parallel_loop3A_2471 = arith.mulf %parallel_loop3A_2470, %parallel_loop3A_2469 : vector<16xf32>
        %parallel_loop3A_2472 = arith.constant 1.500000e+00 : f32
        %parallel_loop3A_2473 = vector.broadcast %parallel_loop3A_2472 : f32 to vector<16xf32>
        %parallel_loop3A_2474 = arith.subf %parallel_loop3A_2473, %parallel_loop3A_2471 : vector<16xf32>
        %parallel_loop3A_2475 = arith.mulf %parallel_loop3A_2469, %parallel_loop3A_2474 : vector<16xf32>
        %parallel_loop3A_2476 = arith.mulf %parallel_loop3A_2452, %parallel_loop3A_2475 : vector<16xf32>
        %parallel_loop3A_2477 = arith.constant 1.500000e+00 : f32
        %parallel_loop3A_2478 = vector.broadcast %parallel_loop3A_2477 : f32 to vector<16xf32>
        %parallel_loop3A_2479 = arith.mulf %parallel_loop3A_2478, %parallel_loop3A_2476 : vector<16xf32>
        %parallel_loop3A_2480 = arith.constant 2.500000e+00 : f32
        %parallel_loop3A_2481 = vector.broadcast %parallel_loop3A_2480 : f32 to vector<16xf32>
        %parallel_loop3A_2482 = arith.subf %parallel_loop3A_2479, %parallel_loop3A_2481 : vector<16xf32>
        %parallel_loop3A_2483 = arith.mulf %parallel_loop3A_2482, %parallel_loop3A_2452 : vector<16xf32>
        %parallel_loop3A_2484 = arith.constant 1.000000e+00 : f32
        %parallel_loop3A_2485 = vector.broadcast %parallel_loop3A_2484 : f32 to vector<16xf32>
        %parallel_loop3A_2486 = arith.addf %parallel_loop3A_2483, %parallel_loop3A_2485 : vector<16xf32>
        %parallel_loop3A_2487 = arith.constant 5.000000e-01 : f32
        %parallel_loop3A_2488 = vector.broadcast %parallel_loop3A_2487 : f32 to vector<16xf32>
        %parallel_loop3A_2489 = arith.mulf %parallel_loop3A_2488, %parallel_loop3A_2476 : vector<16xf32>
        %parallel_loop3A_2490 = arith.constant 2.500000e+00 : f32
        %parallel_loop3A_2491 = vector.broadcast %parallel_loop3A_2490 : f32 to vector<16xf32>
        %parallel_loop3A_2492 = arith.subf %parallel_loop3A_2491, %parallel_loop3A_2489 : vector<16xf32>
        %parallel_loop3A_2493 = arith.mulf %parallel_loop3A_2492, %parallel_loop3A_2452 : vector<16xf32>
        %parallel_loop3A_2494 = arith.constant 4.000000e+00 : f32
        %parallel_loop3A_2495 = vector.broadcast %parallel_loop3A_2494 : f32 to vector<16xf32>
        %parallel_loop3A_2496 = arith.mulf %parallel_loop3A_2495, %parallel_loop3A_2476 : vector<16xf32>
        %parallel_loop3A_2497 = arith.constant 2.000000e+00 : f32
        %parallel_loop3A_2498 = vector.broadcast %parallel_loop3A_2497 : f32 to vector<16xf32>
        %parallel_loop3A_2499 = arith.subf %parallel_loop3A_2498, %parallel_loop3A_2496 : vector<16xf32>
        %parallel_loop3A_2500 = arith.addf %parallel_loop3A_2493, %parallel_loop3A_2499 : vector<16xf32>
        %parallel_loop3A_2501 = arith.constant 1.000000e+00 : f32
        %parallel_loop3A_2502 = vector.broadcast %parallel_loop3A_2501 : f32 to vector<16xf32>
        %parallel_loop3A_2503 = arith.cmpf olt, %parallel_loop3A_2452, %parallel_loop3A_2502 : vector<16xf32>
        %parallel_loop3A_2504 = arith.constant 1.000000e+00 : f32
        %parallel_loop3A_2505 = vector.broadcast %parallel_loop3A_2504 : f32 to vector<16xf32>
        %parallel_loop3A_2506 = arith.cmpf ogt, %parallel_loop3A_2452, %parallel_loop3A_2505 : vector<16xf32>
        %parallel_loop3A_2507 = arith.constant 4.000000e+00 : f32
        %parallel_loop3A_2508 = vector.broadcast %parallel_loop3A_2507 : f32 to vector<16xf32>
        %parallel_loop3A_2509 = arith.cmpf olt, %parallel_loop3A_2452, %parallel_loop3A_2508 : vector<16xf32>
        %parallel_loop3A_2510 = arith.andi %parallel_loop3A_2506, %parallel_loop3A_2509 : vector<16xi1>
        %parallel_loop3A_2511 = arith.constant 0.000000e+00 : f32
        %parallel_loop3A_2512 = vector.broadcast %parallel_loop3A_2511 : f32 to vector<16xf32>
        %parallel_loop3A_2513 = arith.select %parallel_loop3A_2510, %parallel_loop3A_2500, %parallel_loop3A_2512 : vector<16xi1>, vector<16xf32>
        %parallel_loop3A_2514 = arith.select %parallel_loop3A_2503, %parallel_loop3A_2486, %parallel_loop3A_2513 : vector<16xi1>, vector<16xf32>
        %parallel_loop3A_2515 = arith.mulf %parallel_loop3A_1529, %parallel_loop3A_2514 : vector<16xf32>
        %parallel_loop3A_2516 = arith.constant 0.000000e+00 : f32
        %parallel_loop3A_2517 = vector.broadcast %parallel_loop3A_2516 : f32 to vector<16xf32>
        %parallel_loop3A_2518 = arith.select %parallel_loop3A_1669, %parallel_loop3A_2515, %parallel_loop3A_2517 : vector<16xi1>, vector<16xf32>
        %parallel_loop3A_2519 = arith.mulf %parallel_loop3A_168, %div3A_47 : vector<16xf32>
        %parallel_loop3A_2520 = vector.bitcast %parallel_loop3A_2519 : vector<16xf32> to vector<16xi32>
        %parallel_loop3A_2521 = arith.constant 1 : i32
        %parallel_loop3A_2522 = vector.broadcast %parallel_loop3A_2521 : i32 to vector<16xi32>
        %parallel_loop3A_2523 = arith.shrsi %parallel_loop3A_2520, %parallel_loop3A_2522 : vector<16xi32>
        %parallel_loop3A_2524 = arith.constant 1597463007 : i32
        %parallel_loop3A_2525 = vector.broadcast %parallel_loop3A_2524 : i32 to vector<16xi32>
        %parallel_loop3A_2526 = arith.subi %parallel_loop3A_2525, %parallel_loop3A_2523 : vector<16xi32>
        %parallel_loop3A_2527 = vector.bitcast %parallel_loop3A_2526 : vector<16xi32> to vector<16xf32>
        %parallel_loop3A_2528 = arith.constant 5.000000e-01 : f32
        %parallel_loop3A_2529 = vector.broadcast %parallel_loop3A_2528 : f32 to vector<16xf32>
        %parallel_loop3A_2530 = arith.mulf %parallel_loop3A_2529, %parallel_loop3A_2519 : vector<16xf32>
        %parallel_loop3A_2531 = arith.mulf %parallel_loop3A_2530, %parallel_loop3A_2527 : vector<16xf32>
        %parallel_loop3A_2532 = arith.mulf %parallel_loop3A_2531, %parallel_loop3A_2527 : vector<16xf32>
        %parallel_loop3A_2533 = arith.constant 1.500000e+00 : f32
        %parallel_loop3A_2534 = vector.broadcast %parallel_loop3A_2533 : f32 to vector<16xf32>
        %parallel_loop3A_2535 = arith.subf %parallel_loop3A_2534, %parallel_loop3A_2532 : vector<16xf32>
        %parallel_loop3A_2536 = arith.mulf %parallel_loop3A_2527, %parallel_loop3A_2535 : vector<16xf32>
        %parallel_loop3A_2537 = arith.mulf %parallel_loop3A_2530, %parallel_loop3A_2536 : vector<16xf32>
        %parallel_loop3A_2538 = arith.mulf %parallel_loop3A_2537, %parallel_loop3A_2536 : vector<16xf32>
        %parallel_loop3A_2539 = arith.constant 1.500000e+00 : f32
        %parallel_loop3A_2540 = vector.broadcast %parallel_loop3A_2539 : f32 to vector<16xf32>
        %parallel_loop3A_2541 = arith.subf %parallel_loop3A_2540, %parallel_loop3A_2538 : vector<16xf32>
        %parallel_loop3A_2542 = arith.mulf %parallel_loop3A_2536, %parallel_loop3A_2541 : vector<16xf32>
        %parallel_loop3A_2543 = arith.mulf %parallel_loop3A_2519, %parallel_loop3A_2542 : vector<16xf32>
        %parallel_loop3A_2544 = arith.constant 1.500000e+00 : f32
        %parallel_loop3A_2545 = vector.broadcast %parallel_loop3A_2544 : f32 to vector<16xf32>
        %parallel_loop3A_2546 = arith.mulf %parallel_loop3A_2545, %parallel_loop3A_2543 : vector<16xf32>
        %parallel_loop3A_2547 = arith.constant 2.500000e+00 : f32
        %parallel_loop3A_2548 = vector.broadcast %parallel_loop3A_2547 : f32 to vector<16xf32>
        %parallel_loop3A_2549 = arith.subf %parallel_loop3A_2546, %parallel_loop3A_2548 : vector<16xf32>
        %parallel_loop3A_2550 = arith.mulf %parallel_loop3A_2549, %parallel_loop3A_2519 : vector<16xf32>
        %parallel_loop3A_2551 = arith.constant 1.000000e+00 : f32
        %parallel_loop3A_2552 = vector.broadcast %parallel_loop3A_2551 : f32 to vector<16xf32>
        %parallel_loop3A_2553 = arith.addf %parallel_loop3A_2550, %parallel_loop3A_2552 : vector<16xf32>
        %parallel_loop3A_2554 = arith.constant 5.000000e-01 : f32
        %parallel_loop3A_2555 = vector.broadcast %parallel_loop3A_2554 : f32 to vector<16xf32>
        %parallel_loop3A_2556 = arith.mulf %parallel_loop3A_2555, %parallel_loop3A_2543 : vector<16xf32>
        %parallel_loop3A_2557 = arith.constant 2.500000e+00 : f32
        %parallel_loop3A_2558 = vector.broadcast %parallel_loop3A_2557 : f32 to vector<16xf32>
        %parallel_loop3A_2559 = arith.subf %parallel_loop3A_2558, %parallel_loop3A_2556 : vector<16xf32>
        %parallel_loop3A_2560 = arith.mulf %parallel_loop3A_2559, %parallel_loop3A_2519 : vector<16xf32>
        %parallel_loop3A_2561 = arith.constant 4.000000e+00 : f32
        %parallel_loop3A_2562 = vector.broadcast %parallel_loop3A_2561 : f32 to vector<16xf32>
        %parallel_loop3A_2563 = arith.mulf %parallel_loop3A_2562, %parallel_loop3A_2543 : vector<16xf32>
        %parallel_loop3A_2564 = arith.constant 2.000000e+00 : f32
        %parallel_loop3A_2565 = vector.broadcast %parallel_loop3A_2564 : f32 to vector<16xf32>
        %parallel_loop3A_2566 = arith.subf %parallel_loop3A_2565, %parallel_loop3A_2563 : vector<16xf32>
        %parallel_loop3A_2567 = arith.addf %parallel_loop3A_2560, %parallel_loop3A_2566 : vector<16xf32>
        %parallel_loop3A_2568 = arith.constant 1.000000e+00 : f32
        %parallel_loop3A_2569 = vector.broadcast %parallel_loop3A_2568 : f32 to vector<16xf32>
        %parallel_loop3A_2570 = arith.cmpf olt, %parallel_loop3A_2519, %parallel_loop3A_2569 : vector<16xf32>
        %parallel_loop3A_2571 = arith.constant 1.000000e+00 : f32
        %parallel_loop3A_2572 = vector.broadcast %parallel_loop3A_2571 : f32 to vector<16xf32>
        %parallel_loop3A_2573 = arith.cmpf ogt, %parallel_loop3A_2519, %parallel_loop3A_2572 : vector<16xf32>
        %parallel_loop3A_2574 = arith.constant 4.000000e+00 : f32
        %parallel_loop3A_2575 = vector.broadcast %parallel_loop3A_2574 : f32 to vector<16xf32>
        %parallel_loop3A_2576 = arith.cmpf olt, %parallel_loop3A_2519, %parallel_loop3A_2575 : vector<16xf32>
        %parallel_loop3A_2577 = arith.andi %parallel_loop3A_2573, %parallel_loop3A_2576 : vector<16xi1>
        %parallel_loop3A_2578 = arith.constant 0.000000e+00 : f32
        %parallel_loop3A_2579 = vector.broadcast %parallel_loop3A_2578 : f32 to vector<16xf32>
        %parallel_loop3A_2580 = arith.select %parallel_loop3A_2577, %parallel_loop3A_2567, %parallel_loop3A_2579 : vector<16xi1>, vector<16xf32>
        %parallel_loop3A_2581 = arith.select %parallel_loop3A_2570, %parallel_loop3A_2553, %parallel_loop3A_2580 : vector<16xi1>, vector<16xf32>
        %parallel_loop3A_2582 = arith.mulf %parallel_loop3A_1537, %parallel_loop3A_2581 : vector<16xf32>
        %parallel_loop3A_2583 = arith.constant 0.000000e+00 : f32
        %parallel_loop3A_2584 = vector.broadcast %parallel_loop3A_2583 : f32 to vector<16xf32>
        %parallel_loop3A_2585 = arith.select %parallel_loop3A_1672, %parallel_loop3A_2582, %parallel_loop3A_2584 : vector<16xi1>, vector<16xf32>
        %parallel_loop3A_2586 = arith.mulf %parallel_loop3A_169, %div3A_47 : vector<16xf32>
        %parallel_loop3A_2587 = vector.bitcast %parallel_loop3A_2586 : vector<16xf32> to vector<16xi32>
        %parallel_loop3A_2588 = arith.constant 1 : i32
        %parallel_loop3A_2589 = vector.broadcast %parallel_loop3A_2588 : i32 to vector<16xi32>
        %parallel_loop3A_2590 = arith.shrsi %parallel_loop3A_2587, %parallel_loop3A_2589 : vector<16xi32>
        %parallel_loop3A_2591 = arith.constant 1597463007 : i32
        %parallel_loop3A_2592 = vector.broadcast %parallel_loop3A_2591 : i32 to vector<16xi32>
        %parallel_loop3A_2593 = arith.subi %parallel_loop3A_2592, %parallel_loop3A_2590 : vector<16xi32>
        %parallel_loop3A_2594 = vector.bitcast %parallel_loop3A_2593 : vector<16xi32> to vector<16xf32>
        %parallel_loop3A_2595 = arith.constant 5.000000e-01 : f32
        %parallel_loop3A_2596 = vector.broadcast %parallel_loop3A_2595 : f32 to vector<16xf32>
        %parallel_loop3A_2597 = arith.mulf %parallel_loop3A_2596, %parallel_loop3A_2586 : vector<16xf32>
        %parallel_loop3A_2598 = arith.mulf %parallel_loop3A_2597, %parallel_loop3A_2594 : vector<16xf32>
        %parallel_loop3A_2599 = arith.mulf %parallel_loop3A_2598, %parallel_loop3A_2594 : vector<16xf32>
        %parallel_loop3A_2600 = arith.constant 1.500000e+00 : f32
        %parallel_loop3A_2601 = vector.broadcast %parallel_loop3A_2600 : f32 to vector<16xf32>
        %parallel_loop3A_2602 = arith.subf %parallel_loop3A_2601, %parallel_loop3A_2599 : vector<16xf32>
        %parallel_loop3A_2603 = arith.mulf %parallel_loop3A_2594, %parallel_loop3A_2602 : vector<16xf32>
        %parallel_loop3A_2604 = arith.mulf %parallel_loop3A_2597, %parallel_loop3A_2603 : vector<16xf32>
        %parallel_loop3A_2605 = arith.mulf %parallel_loop3A_2604, %parallel_loop3A_2603 : vector<16xf32>
        %parallel_loop3A_2606 = arith.constant 1.500000e+00 : f32
        %parallel_loop3A_2607 = vector.broadcast %parallel_loop3A_2606 : f32 to vector<16xf32>
        %parallel_loop3A_2608 = arith.subf %parallel_loop3A_2607, %parallel_loop3A_2605 : vector<16xf32>
        %parallel_loop3A_2609 = arith.mulf %parallel_loop3A_2603, %parallel_loop3A_2608 : vector<16xf32>
        %parallel_loop3A_2610 = arith.mulf %parallel_loop3A_2586, %parallel_loop3A_2609 : vector<16xf32>
        %parallel_loop3A_2611 = arith.constant 1.500000e+00 : f32
        %parallel_loop3A_2612 = vector.broadcast %parallel_loop3A_2611 : f32 to vector<16xf32>
        %parallel_loop3A_2613 = arith.mulf %parallel_loop3A_2612, %parallel_loop3A_2610 : vector<16xf32>
        %parallel_loop3A_2614 = arith.constant 2.500000e+00 : f32
        %parallel_loop3A_2615 = vector.broadcast %parallel_loop3A_2614 : f32 to vector<16xf32>
        %parallel_loop3A_2616 = arith.subf %parallel_loop3A_2613, %parallel_loop3A_2615 : vector<16xf32>
        %parallel_loop3A_2617 = arith.mulf %parallel_loop3A_2616, %parallel_loop3A_2586 : vector<16xf32>
        %parallel_loop3A_2618 = arith.constant 1.000000e+00 : f32
        %parallel_loop3A_2619 = vector.broadcast %parallel_loop3A_2618 : f32 to vector<16xf32>
        %parallel_loop3A_2620 = arith.addf %parallel_loop3A_2617, %parallel_loop3A_2619 : vector<16xf32>
        %parallel_loop3A_2621 = arith.constant 5.000000e-01 : f32
        %parallel_loop3A_2622 = vector.broadcast %parallel_loop3A_2621 : f32 to vector<16xf32>
        %parallel_loop3A_2623 = arith.mulf %parallel_loop3A_2622, %parallel_loop3A_2610 : vector<16xf32>
        %parallel_loop3A_2624 = arith.constant 2.500000e+00 : f32
        %parallel_loop3A_2625 = vector.broadcast %parallel_loop3A_2624 : f32 to vector<16xf32>
        %parallel_loop3A_2626 = arith.subf %parallel_loop3A_2625, %parallel_loop3A_2623 : vector<16xf32>
        %parallel_loop3A_2627 = arith.mulf %parallel_loop3A_2626, %parallel_loop3A_2586 : vector<16xf32>
        %parallel_loop3A_2628 = arith.constant 4.000000e+00 : f32
        %parallel_loop3A_2629 = vector.broadcast %parallel_loop3A_2628 : f32 to vector<16xf32>
        %parallel_loop3A_2630 = arith.mulf %parallel_loop3A_2629, %parallel_loop3A_2610 : vector<16xf32>
        %parallel_loop3A_2631 = arith.constant 2.000000e+00 : f32
        %parallel_loop3A_2632 = vector.broadcast %parallel_loop3A_2631 : f32 to vector<16xf32>
        %parallel_loop3A_2633 = arith.subf %parallel_loop3A_2632, %parallel_loop3A_2630 : vector<16xf32>
        %parallel_loop3A_2634 = arith.addf %parallel_loop3A_2627, %parallel_loop3A_2633 : vector<16xf32>
        %parallel_loop3A_2635 = arith.constant 1.000000e+00 : f32
        %parallel_loop3A_2636 = vector.broadcast %parallel_loop3A_2635 : f32 to vector<16xf32>
        %parallel_loop3A_2637 = arith.cmpf olt, %parallel_loop3A_2586, %parallel_loop3A_2636 : vector<16xf32>
        %parallel_loop3A_2638 = arith.constant 1.000000e+00 : f32
        %parallel_loop3A_2639 = vector.broadcast %parallel_loop3A_2638 : f32 to vector<16xf32>
        %parallel_loop3A_2640 = arith.cmpf ogt, %parallel_loop3A_2586, %parallel_loop3A_2639 : vector<16xf32>
        %parallel_loop3A_2641 = arith.constant 4.000000e+00 : f32
        %parallel_loop3A_2642 = vector.broadcast %parallel_loop3A_2641 : f32 to vector<16xf32>
        %parallel_loop3A_2643 = arith.cmpf olt, %parallel_loop3A_2586, %parallel_loop3A_2642 : vector<16xf32>
        %parallel_loop3A_2644 = arith.andi %parallel_loop3A_2640, %parallel_loop3A_2643 : vector<16xi1>
        %parallel_loop3A_2645 = arith.constant 0.000000e+00 : f32
        %parallel_loop3A_2646 = vector.broadcast %parallel_loop3A_2645 : f32 to vector<16xf32>
        %parallel_loop3A_2647 = arith.select %parallel_loop3A_2644, %parallel_loop3A_2634, %parallel_loop3A_2646 : vector<16xi1>, vector<16xf32>
        %parallel_loop3A_2648 = arith.select %parallel_loop3A_2637, %parallel_loop3A_2620, %parallel_loop3A_2647 : vector<16xi1>, vector<16xf32>
        %parallel_loop3A_2649 = arith.mulf %parallel_loop3A_1545, %parallel_loop3A_2648 : vector<16xf32>
        %parallel_loop3A_2650 = arith.constant 0.000000e+00 : f32
        %parallel_loop3A_2651 = vector.broadcast %parallel_loop3A_2650 : f32 to vector<16xf32>
        %parallel_loop3A_2652 = arith.select %parallel_loop3A_1675, %parallel_loop3A_2649, %parallel_loop3A_2651 : vector<16xi1>, vector<16xf32>
        %parallel_loop3A_2653 = arith.mulf %parallel_loop3A_170, %div3A_47 : vector<16xf32>
        %parallel_loop3A_2654 = vector.bitcast %parallel_loop3A_2653 : vector<16xf32> to vector<16xi32>
        %parallel_loop3A_2655 = arith.constant 1 : i32
        %parallel_loop3A_2656 = vector.broadcast %parallel_loop3A_2655 : i32 to vector<16xi32>
        %parallel_loop3A_2657 = arith.shrsi %parallel_loop3A_2654, %parallel_loop3A_2656 : vector<16xi32>
        %parallel_loop3A_2658 = arith.constant 1597463007 : i32
        %parallel_loop3A_2659 = vector.broadcast %parallel_loop3A_2658 : i32 to vector<16xi32>
        %parallel_loop3A_2660 = arith.subi %parallel_loop3A_2659, %parallel_loop3A_2657 : vector<16xi32>
        %parallel_loop3A_2661 = vector.bitcast %parallel_loop3A_2660 : vector<16xi32> to vector<16xf32>
        %parallel_loop3A_2662 = arith.constant 5.000000e-01 : f32
        %parallel_loop3A_2663 = vector.broadcast %parallel_loop3A_2662 : f32 to vector<16xf32>
        %parallel_loop3A_2664 = arith.mulf %parallel_loop3A_2663, %parallel_loop3A_2653 : vector<16xf32>
        %parallel_loop3A_2665 = arith.mulf %parallel_loop3A_2664, %parallel_loop3A_2661 : vector<16xf32>
        %parallel_loop3A_2666 = arith.mulf %parallel_loop3A_2665, %parallel_loop3A_2661 : vector<16xf32>
        %parallel_loop3A_2667 = arith.constant 1.500000e+00 : f32
        %parallel_loop3A_2668 = vector.broadcast %parallel_loop3A_2667 : f32 to vector<16xf32>
        %parallel_loop3A_2669 = arith.subf %parallel_loop3A_2668, %parallel_loop3A_2666 : vector<16xf32>
        %parallel_loop3A_2670 = arith.mulf %parallel_loop3A_2661, %parallel_loop3A_2669 : vector<16xf32>
        %parallel_loop3A_2671 = arith.mulf %parallel_loop3A_2664, %parallel_loop3A_2670 : vector<16xf32>
        %parallel_loop3A_2672 = arith.mulf %parallel_loop3A_2671, %parallel_loop3A_2670 : vector<16xf32>
        %parallel_loop3A_2673 = arith.constant 1.500000e+00 : f32
        %parallel_loop3A_2674 = vector.broadcast %parallel_loop3A_2673 : f32 to vector<16xf32>
        %parallel_loop3A_2675 = arith.subf %parallel_loop3A_2674, %parallel_loop3A_2672 : vector<16xf32>
        %parallel_loop3A_2676 = arith.mulf %parallel_loop3A_2670, %parallel_loop3A_2675 : vector<16xf32>
        %parallel_loop3A_2677 = arith.mulf %parallel_loop3A_2653, %parallel_loop3A_2676 : vector<16xf32>
        %parallel_loop3A_2678 = arith.constant 1.500000e+00 : f32
        %parallel_loop3A_2679 = vector.broadcast %parallel_loop3A_2678 : f32 to vector<16xf32>
        %parallel_loop3A_2680 = arith.mulf %parallel_loop3A_2679, %parallel_loop3A_2677 : vector<16xf32>
        %parallel_loop3A_2681 = arith.constant 2.500000e+00 : f32
        %parallel_loop3A_2682 = vector.broadcast %parallel_loop3A_2681 : f32 to vector<16xf32>
        %parallel_loop3A_2683 = arith.subf %parallel_loop3A_2680, %parallel_loop3A_2682 : vector<16xf32>
        %parallel_loop3A_2684 = arith.mulf %parallel_loop3A_2683, %parallel_loop3A_2653 : vector<16xf32>
        %parallel_loop3A_2685 = arith.constant 1.000000e+00 : f32
        %parallel_loop3A_2686 = vector.broadcast %parallel_loop3A_2685 : f32 to vector<16xf32>
        %parallel_loop3A_2687 = arith.addf %parallel_loop3A_2684, %parallel_loop3A_2686 : vector<16xf32>
        %parallel_loop3A_2688 = arith.constant 5.000000e-01 : f32
        %parallel_loop3A_2689 = vector.broadcast %parallel_loop3A_2688 : f32 to vector<16xf32>
        %parallel_loop3A_2690 = arith.mulf %parallel_loop3A_2689, %parallel_loop3A_2677 : vector<16xf32>
        %parallel_loop3A_2691 = arith.constant 2.500000e+00 : f32
        %parallel_loop3A_2692 = vector.broadcast %parallel_loop3A_2691 : f32 to vector<16xf32>
        %parallel_loop3A_2693 = arith.subf %parallel_loop3A_2692, %parallel_loop3A_2690 : vector<16xf32>
        %parallel_loop3A_2694 = arith.mulf %parallel_loop3A_2693, %parallel_loop3A_2653 : vector<16xf32>
        %parallel_loop3A_2695 = arith.constant 4.000000e+00 : f32
        %parallel_loop3A_2696 = vector.broadcast %parallel_loop3A_2695 : f32 to vector<16xf32>
        %parallel_loop3A_2697 = arith.mulf %parallel_loop3A_2696, %parallel_loop3A_2677 : vector<16xf32>
        %parallel_loop3A_2698 = arith.constant 2.000000e+00 : f32
        %parallel_loop3A_2699 = vector.broadcast %parallel_loop3A_2698 : f32 to vector<16xf32>
        %parallel_loop3A_2700 = arith.subf %parallel_loop3A_2699, %parallel_loop3A_2697 : vector<16xf32>
        %parallel_loop3A_2701 = arith.addf %parallel_loop3A_2694, %parallel_loop3A_2700 : vector<16xf32>
        %parallel_loop3A_2702 = arith.constant 1.000000e+00 : f32
        %parallel_loop3A_2703 = vector.broadcast %parallel_loop3A_2702 : f32 to vector<16xf32>
        %parallel_loop3A_2704 = arith.cmpf olt, %parallel_loop3A_2653, %parallel_loop3A_2703 : vector<16xf32>
        %parallel_loop3A_2705 = arith.constant 1.000000e+00 : f32
        %parallel_loop3A_2706 = vector.broadcast %parallel_loop3A_2705 : f32 to vector<16xf32>
        %parallel_loop3A_2707 = arith.cmpf ogt, %parallel_loop3A_2653, %parallel_loop3A_2706 : vector<16xf32>
        %parallel_loop3A_2708 = arith.constant 4.000000e+00 : f32
        %parallel_loop3A_2709 = vector.broadcast %parallel_loop3A_2708 : f32 to vector<16xf32>
        %parallel_loop3A_2710 = arith.cmpf olt, %parallel_loop3A_2653, %parallel_loop3A_2709 : vector<16xf32>
        %parallel_loop3A_2711 = arith.andi %parallel_loop3A_2707, %parallel_loop3A_2710 : vector<16xi1>
        %parallel_loop3A_2712 = arith.constant 0.000000e+00 : f32
        %parallel_loop3A_2713 = vector.broadcast %parallel_loop3A_2712 : f32 to vector<16xf32>
        %parallel_loop3A_2714 = arith.select %parallel_loop3A_2711, %parallel_loop3A_2701, %parallel_loop3A_2713 : vector<16xi1>, vector<16xf32>
        %parallel_loop3A_2715 = arith.select %parallel_loop3A_2704, %parallel_loop3A_2687, %parallel_loop3A_2714 : vector<16xi1>, vector<16xf32>
        %parallel_loop3A_2716 = arith.mulf %parallel_loop3A_1553, %parallel_loop3A_2715 : vector<16xf32>
        %parallel_loop3A_2717 = arith.constant 0.000000e+00 : f32
        %parallel_loop3A_2718 = vector.broadcast %parallel_loop3A_2717 : f32 to vector<16xf32>
        %parallel_loop3A_2719 = arith.select %parallel_loop3A_1678, %parallel_loop3A_2716, %parallel_loop3A_2718 : vector<16xi1>, vector<16xf32>
        %parallel_loop3A_2720 = arith.mulf %parallel_loop3A_171, %div3A_47 : vector<16xf32>
        %parallel_loop3A_2721 = vector.bitcast %parallel_loop3A_2720 : vector<16xf32> to vector<16xi32>
        %parallel_loop3A_2722 = arith.constant 1 : i32
        %parallel_loop3A_2723 = vector.broadcast %parallel_loop3A_2722 : i32 to vector<16xi32>
        %parallel_loop3A_2724 = arith.shrsi %parallel_loop3A_2721, %parallel_loop3A_2723 : vector<16xi32>
        %parallel_loop3A_2725 = arith.constant 1597463007 : i32
        %parallel_loop3A_2726 = vector.broadcast %parallel_loop3A_2725 : i32 to vector<16xi32>
        %parallel_loop3A_2727 = arith.subi %parallel_loop3A_2726, %parallel_loop3A_2724 : vector<16xi32>
        %parallel_loop3A_2728 = vector.bitcast %parallel_loop3A_2727 : vector<16xi32> to vector<16xf32>
        %parallel_loop3A_2729 = arith.constant 5.000000e-01 : f32
        %parallel_loop3A_2730 = vector.broadcast %parallel_loop3A_2729 : f32 to vector<16xf32>
        %parallel_loop3A_2731 = arith.mulf %parallel_loop3A_2730, %parallel_loop3A_2720 : vector<16xf32>
        %parallel_loop3A_2732 = arith.mulf %parallel_loop3A_2731, %parallel_loop3A_2728 : vector<16xf32>
        %parallel_loop3A_2733 = arith.mulf %parallel_loop3A_2732, %parallel_loop3A_2728 : vector<16xf32>
        %parallel_loop3A_2734 = arith.constant 1.500000e+00 : f32
        %parallel_loop3A_2735 = vector.broadcast %parallel_loop3A_2734 : f32 to vector<16xf32>
        %parallel_loop3A_2736 = arith.subf %parallel_loop3A_2735, %parallel_loop3A_2733 : vector<16xf32>
        %parallel_loop3A_2737 = arith.mulf %parallel_loop3A_2728, %parallel_loop3A_2736 : vector<16xf32>
        %parallel_loop3A_2738 = arith.mulf %parallel_loop3A_2731, %parallel_loop3A_2737 : vector<16xf32>
        %parallel_loop3A_2739 = arith.mulf %parallel_loop3A_2738, %parallel_loop3A_2737 : vector<16xf32>
        %parallel_loop3A_2740 = arith.constant 1.500000e+00 : f32
        %parallel_loop3A_2741 = vector.broadcast %parallel_loop3A_2740 : f32 to vector<16xf32>
        %parallel_loop3A_2742 = arith.subf %parallel_loop3A_2741, %parallel_loop3A_2739 : vector<16xf32>
        %parallel_loop3A_2743 = arith.mulf %parallel_loop3A_2737, %parallel_loop3A_2742 : vector<16xf32>
        %parallel_loop3A_2744 = arith.mulf %parallel_loop3A_2720, %parallel_loop3A_2743 : vector<16xf32>
        %parallel_loop3A_2745 = arith.constant 1.500000e+00 : f32
        %parallel_loop3A_2746 = vector.broadcast %parallel_loop3A_2745 : f32 to vector<16xf32>
        %parallel_loop3A_2747 = arith.mulf %parallel_loop3A_2746, %parallel_loop3A_2744 : vector<16xf32>
        %parallel_loop3A_2748 = arith.constant 2.500000e+00 : f32
        %parallel_loop3A_2749 = vector.broadcast %parallel_loop3A_2748 : f32 to vector<16xf32>
        %parallel_loop3A_2750 = arith.subf %parallel_loop3A_2747, %parallel_loop3A_2749 : vector<16xf32>
        %parallel_loop3A_2751 = arith.mulf %parallel_loop3A_2750, %parallel_loop3A_2720 : vector<16xf32>
        %parallel_loop3A_2752 = arith.constant 1.000000e+00 : f32
        %parallel_loop3A_2753 = vector.broadcast %parallel_loop3A_2752 : f32 to vector<16xf32>
        %parallel_loop3A_2754 = arith.addf %parallel_loop3A_2751, %parallel_loop3A_2753 : vector<16xf32>
        %parallel_loop3A_2755 = arith.constant 5.000000e-01 : f32
        %parallel_loop3A_2756 = vector.broadcast %parallel_loop3A_2755 : f32 to vector<16xf32>
        %parallel_loop3A_2757 = arith.mulf %parallel_loop3A_2756, %parallel_loop3A_2744 : vector<16xf32>
        %parallel_loop3A_2758 = arith.constant 2.500000e+00 : f32
        %parallel_loop3A_2759 = vector.broadcast %parallel_loop3A_2758 : f32 to vector<16xf32>
        %parallel_loop3A_2760 = arith.subf %parallel_loop3A_2759, %parallel_loop3A_2757 : vector<16xf32>
        %parallel_loop3A_2761 = arith.mulf %parallel_loop3A_2760, %parallel_loop3A_2720 : vector<16xf32>
        %parallel_loop3A_2762 = arith.constant 4.000000e+00 : f32
        %parallel_loop3A_2763 = vector.broadcast %parallel_loop3A_2762 : f32 to vector<16xf32>
        %parallel_loop3A_2764 = arith.mulf %parallel_loop3A_2763, %parallel_loop3A_2744 : vector<16xf32>
        %parallel_loop3A_2765 = arith.constant 2.000000e+00 : f32
        %parallel_loop3A_2766 = vector.broadcast %parallel_loop3A_2765 : f32 to vector<16xf32>
        %parallel_loop3A_2767 = arith.subf %parallel_loop3A_2766, %parallel_loop3A_2764 : vector<16xf32>
        %parallel_loop3A_2768 = arith.addf %parallel_loop3A_2761, %parallel_loop3A_2767 : vector<16xf32>
        %parallel_loop3A_2769 = arith.constant 1.000000e+00 : f32
        %parallel_loop3A_2770 = vector.broadcast %parallel_loop3A_2769 : f32 to vector<16xf32>
        %parallel_loop3A_2771 = arith.cmpf olt, %parallel_loop3A_2720, %parallel_loop3A_2770 : vector<16xf32>
        %parallel_loop3A_2772 = arith.constant 1.000000e+00 : f32
        %parallel_loop3A_2773 = vector.broadcast %parallel_loop3A_2772 : f32 to vector<16xf32>
        %parallel_loop3A_2774 = arith.cmpf ogt, %parallel_loop3A_2720, %parallel_loop3A_2773 : vector<16xf32>
        %parallel_loop3A_2775 = arith.constant 4.000000e+00 : f32
        %parallel_loop3A_2776 = vector.broadcast %parallel_loop3A_2775 : f32 to vector<16xf32>
        %parallel_loop3A_2777 = arith.cmpf olt, %parallel_loop3A_2720, %parallel_loop3A_2776 : vector<16xf32>
        %parallel_loop3A_2778 = arith.andi %parallel_loop3A_2774, %parallel_loop3A_2777 : vector<16xi1>
        %parallel_loop3A_2779 = arith.constant 0.000000e+00 : f32
        %parallel_loop3A_2780 = vector.broadcast %parallel_loop3A_2779 : f32 to vector<16xf32>
        %parallel_loop3A_2781 = arith.select %parallel_loop3A_2778, %parallel_loop3A_2768, %parallel_loop3A_2780 : vector<16xi1>, vector<16xf32>
        %parallel_loop3A_2782 = arith.select %parallel_loop3A_2771, %parallel_loop3A_2754, %parallel_loop3A_2781 : vector<16xi1>, vector<16xf32>
        %parallel_loop3A_2783 = arith.mulf %parallel_loop3A_1561, %parallel_loop3A_2782 : vector<16xf32>
        %parallel_loop3A_2784 = arith.constant 0.000000e+00 : f32
        %parallel_loop3A_2785 = vector.broadcast %parallel_loop3A_2784 : f32 to vector<16xf32>
        %parallel_loop3A_2786 = arith.select %parallel_loop3A_1681, %parallel_loop3A_2783, %parallel_loop3A_2785 : vector<16xi1>, vector<16xf32>
        %parallel_loop3A_2787 = arith.mulf %parallel_loop3A_172, %div3A_47 : vector<16xf32>
        %parallel_loop3A_2788 = vector.bitcast %parallel_loop3A_2787 : vector<16xf32> to vector<16xi32>
        %parallel_loop3A_2789 = arith.constant 1 : i32
        %parallel_loop3A_2790 = vector.broadcast %parallel_loop3A_2789 : i32 to vector<16xi32>
        %parallel_loop3A_2791 = arith.shrsi %parallel_loop3A_2788, %parallel_loop3A_2790 : vector<16xi32>
        %parallel_loop3A_2792 = arith.constant 1597463007 : i32
        %parallel_loop3A_2793 = vector.broadcast %parallel_loop3A_2792 : i32 to vector<16xi32>
        %parallel_loop3A_2794 = arith.subi %parallel_loop3A_2793, %parallel_loop3A_2791 : vector<16xi32>
        %parallel_loop3A_2795 = vector.bitcast %parallel_loop3A_2794 : vector<16xi32> to vector<16xf32>
        %parallel_loop3A_2796 = arith.constant 5.000000e-01 : f32
        %parallel_loop3A_2797 = vector.broadcast %parallel_loop3A_2796 : f32 to vector<16xf32>
        %parallel_loop3A_2798 = arith.mulf %parallel_loop3A_2797, %parallel_loop3A_2787 : vector<16xf32>
        %parallel_loop3A_2799 = arith.mulf %parallel_loop3A_2798, %parallel_loop3A_2795 : vector<16xf32>
        %parallel_loop3A_2800 = arith.mulf %parallel_loop3A_2799, %parallel_loop3A_2795 : vector<16xf32>
        %parallel_loop3A_2801 = arith.constant 1.500000e+00 : f32
        %parallel_loop3A_2802 = vector.broadcast %parallel_loop3A_2801 : f32 to vector<16xf32>
        %parallel_loop3A_2803 = arith.subf %parallel_loop3A_2802, %parallel_loop3A_2800 : vector<16xf32>
        %parallel_loop3A_2804 = arith.mulf %parallel_loop3A_2795, %parallel_loop3A_2803 : vector<16xf32>
        %parallel_loop3A_2805 = arith.mulf %parallel_loop3A_2798, %parallel_loop3A_2804 : vector<16xf32>
        %parallel_loop3A_2806 = arith.mulf %parallel_loop3A_2805, %parallel_loop3A_2804 : vector<16xf32>
        %parallel_loop3A_2807 = arith.constant 1.500000e+00 : f32
        %parallel_loop3A_2808 = vector.broadcast %parallel_loop3A_2807 : f32 to vector<16xf32>
        %parallel_loop3A_2809 = arith.subf %parallel_loop3A_2808, %parallel_loop3A_2806 : vector<16xf32>
        %parallel_loop3A_2810 = arith.mulf %parallel_loop3A_2804, %parallel_loop3A_2809 : vector<16xf32>
        %parallel_loop3A_2811 = arith.mulf %parallel_loop3A_2787, %parallel_loop3A_2810 : vector<16xf32>
        %parallel_loop3A_2812 = arith.constant 1.500000e+00 : f32
        %parallel_loop3A_2813 = vector.broadcast %parallel_loop3A_2812 : f32 to vector<16xf32>
        %parallel_loop3A_2814 = arith.mulf %parallel_loop3A_2813, %parallel_loop3A_2811 : vector<16xf32>
        %parallel_loop3A_2815 = arith.constant 2.500000e+00 : f32
        %parallel_loop3A_2816 = vector.broadcast %parallel_loop3A_2815 : f32 to vector<16xf32>
        %parallel_loop3A_2817 = arith.subf %parallel_loop3A_2814, %parallel_loop3A_2816 : vector<16xf32>
        %parallel_loop3A_2818 = arith.mulf %parallel_loop3A_2817, %parallel_loop3A_2787 : vector<16xf32>
        %parallel_loop3A_2819 = arith.constant 1.000000e+00 : f32
        %parallel_loop3A_2820 = vector.broadcast %parallel_loop3A_2819 : f32 to vector<16xf32>
        %parallel_loop3A_2821 = arith.addf %parallel_loop3A_2818, %parallel_loop3A_2820 : vector<16xf32>
        %parallel_loop3A_2822 = arith.constant 5.000000e-01 : f32
        %parallel_loop3A_2823 = vector.broadcast %parallel_loop3A_2822 : f32 to vector<16xf32>
        %parallel_loop3A_2824 = arith.mulf %parallel_loop3A_2823, %parallel_loop3A_2811 : vector<16xf32>
        %parallel_loop3A_2825 = arith.constant 2.500000e+00 : f32
        %parallel_loop3A_2826 = vector.broadcast %parallel_loop3A_2825 : f32 to vector<16xf32>
        %parallel_loop3A_2827 = arith.subf %parallel_loop3A_2826, %parallel_loop3A_2824 : vector<16xf32>
        %parallel_loop3A_2828 = arith.mulf %parallel_loop3A_2827, %parallel_loop3A_2787 : vector<16xf32>
        %parallel_loop3A_2829 = arith.constant 4.000000e+00 : f32
        %parallel_loop3A_2830 = vector.broadcast %parallel_loop3A_2829 : f32 to vector<16xf32>
        %parallel_loop3A_2831 = arith.mulf %parallel_loop3A_2830, %parallel_loop3A_2811 : vector<16xf32>
        %parallel_loop3A_2832 = arith.constant 2.000000e+00 : f32
        %parallel_loop3A_2833 = vector.broadcast %parallel_loop3A_2832 : f32 to vector<16xf32>
        %parallel_loop3A_2834 = arith.subf %parallel_loop3A_2833, %parallel_loop3A_2831 : vector<16xf32>
        %parallel_loop3A_2835 = arith.addf %parallel_loop3A_2828, %parallel_loop3A_2834 : vector<16xf32>
        %parallel_loop3A_2836 = arith.constant 1.000000e+00 : f32
        %parallel_loop3A_2837 = vector.broadcast %parallel_loop3A_2836 : f32 to vector<16xf32>
        %parallel_loop3A_2838 = arith.cmpf olt, %parallel_loop3A_2787, %parallel_loop3A_2837 : vector<16xf32>
        %parallel_loop3A_2839 = arith.constant 1.000000e+00 : f32
        %parallel_loop3A_2840 = vector.broadcast %parallel_loop3A_2839 : f32 to vector<16xf32>
        %parallel_loop3A_2841 = arith.cmpf ogt, %parallel_loop3A_2787, %parallel_loop3A_2840 : vector<16xf32>
        %parallel_loop3A_2842 = arith.constant 4.000000e+00 : f32
        %parallel_loop3A_2843 = vector.broadcast %parallel_loop3A_2842 : f32 to vector<16xf32>
        %parallel_loop3A_2844 = arith.cmpf olt, %parallel_loop3A_2787, %parallel_loop3A_2843 : vector<16xf32>
        %parallel_loop3A_2845 = arith.andi %parallel_loop3A_2841, %parallel_loop3A_2844 : vector<16xi1>
        %parallel_loop3A_2846 = arith.constant 0.000000e+00 : f32
        %parallel_loop3A_2847 = vector.broadcast %parallel_loop3A_2846 : f32 to vector<16xf32>
        %parallel_loop3A_2848 = arith.select %parallel_loop3A_2845, %parallel_loop3A_2835, %parallel_loop3A_2847 : vector<16xi1>, vector<16xf32>
        %parallel_loop3A_2849 = arith.select %parallel_loop3A_2838, %parallel_loop3A_2821, %parallel_loop3A_2848 : vector<16xi1>, vector<16xf32>
        %parallel_loop3A_2850 = arith.mulf %parallel_loop3A_1569, %parallel_loop3A_2849 : vector<16xf32>
        %parallel_loop3A_2851 = arith.constant 0.000000e+00 : f32
        %parallel_loop3A_2852 = vector.broadcast %parallel_loop3A_2851 : f32 to vector<16xf32>
        %parallel_loop3A_2853 = arith.select %parallel_loop3A_1684, %parallel_loop3A_2850, %parallel_loop3A_2852 : vector<16xi1>, vector<16xf32>
        %parallel_loop3A_2854 = arith.mulf %parallel_loop3A_173, %div3A_47 : vector<16xf32>
        %parallel_loop3A_2855 = vector.bitcast %parallel_loop3A_2854 : vector<16xf32> to vector<16xi32>
        %parallel_loop3A_2856 = arith.constant 1 : i32
        %parallel_loop3A_2857 = vector.broadcast %parallel_loop3A_2856 : i32 to vector<16xi32>
        %parallel_loop3A_2858 = arith.shrsi %parallel_loop3A_2855, %parallel_loop3A_2857 : vector<16xi32>
        %parallel_loop3A_2859 = arith.constant 1597463007 : i32
        %parallel_loop3A_2860 = vector.broadcast %parallel_loop3A_2859 : i32 to vector<16xi32>
        %parallel_loop3A_2861 = arith.subi %parallel_loop3A_2860, %parallel_loop3A_2858 : vector<16xi32>
        %parallel_loop3A_2862 = vector.bitcast %parallel_loop3A_2861 : vector<16xi32> to vector<16xf32>
        %parallel_loop3A_2863 = arith.constant 5.000000e-01 : f32
        %parallel_loop3A_2864 = vector.broadcast %parallel_loop3A_2863 : f32 to vector<16xf32>
        %parallel_loop3A_2865 = arith.mulf %parallel_loop3A_2864, %parallel_loop3A_2854 : vector<16xf32>
        %parallel_loop3A_2866 = arith.mulf %parallel_loop3A_2865, %parallel_loop3A_2862 : vector<16xf32>
        %parallel_loop3A_2867 = arith.mulf %parallel_loop3A_2866, %parallel_loop3A_2862 : vector<16xf32>
        %parallel_loop3A_2868 = arith.constant 1.500000e+00 : f32
        %parallel_loop3A_2869 = vector.broadcast %parallel_loop3A_2868 : f32 to vector<16xf32>
        %parallel_loop3A_2870 = arith.subf %parallel_loop3A_2869, %parallel_loop3A_2867 : vector<16xf32>
        %parallel_loop3A_2871 = arith.mulf %parallel_loop3A_2862, %parallel_loop3A_2870 : vector<16xf32>
        %parallel_loop3A_2872 = arith.mulf %parallel_loop3A_2865, %parallel_loop3A_2871 : vector<16xf32>
        %parallel_loop3A_2873 = arith.mulf %parallel_loop3A_2872, %parallel_loop3A_2871 : vector<16xf32>
        %parallel_loop3A_2874 = arith.constant 1.500000e+00 : f32
        %parallel_loop3A_2875 = vector.broadcast %parallel_loop3A_2874 : f32 to vector<16xf32>
        %parallel_loop3A_2876 = arith.subf %parallel_loop3A_2875, %parallel_loop3A_2873 : vector<16xf32>
        %parallel_loop3A_2877 = arith.mulf %parallel_loop3A_2871, %parallel_loop3A_2876 : vector<16xf32>
        %parallel_loop3A_2878 = arith.mulf %parallel_loop3A_2854, %parallel_loop3A_2877 : vector<16xf32>
        %parallel_loop3A_2879 = arith.constant 1.500000e+00 : f32
        %parallel_loop3A_2880 = vector.broadcast %parallel_loop3A_2879 : f32 to vector<16xf32>
        %parallel_loop3A_2881 = arith.mulf %parallel_loop3A_2880, %parallel_loop3A_2878 : vector<16xf32>
        %parallel_loop3A_2882 = arith.constant 2.500000e+00 : f32
        %parallel_loop3A_2883 = vector.broadcast %parallel_loop3A_2882 : f32 to vector<16xf32>
        %parallel_loop3A_2884 = arith.subf %parallel_loop3A_2881, %parallel_loop3A_2883 : vector<16xf32>
        %parallel_loop3A_2885 = arith.mulf %parallel_loop3A_2884, %parallel_loop3A_2854 : vector<16xf32>
        %parallel_loop3A_2886 = arith.constant 1.000000e+00 : f32
        %parallel_loop3A_2887 = vector.broadcast %parallel_loop3A_2886 : f32 to vector<16xf32>
        %parallel_loop3A_2888 = arith.addf %parallel_loop3A_2885, %parallel_loop3A_2887 : vector<16xf32>
        %parallel_loop3A_2889 = arith.constant 5.000000e-01 : f32
        %parallel_loop3A_2890 = vector.broadcast %parallel_loop3A_2889 : f32 to vector<16xf32>
        %parallel_loop3A_2891 = arith.mulf %parallel_loop3A_2890, %parallel_loop3A_2878 : vector<16xf32>
        %parallel_loop3A_2892 = arith.constant 2.500000e+00 : f32
        %parallel_loop3A_2893 = vector.broadcast %parallel_loop3A_2892 : f32 to vector<16xf32>
        %parallel_loop3A_2894 = arith.subf %parallel_loop3A_2893, %parallel_loop3A_2891 : vector<16xf32>
        %parallel_loop3A_2895 = arith.mulf %parallel_loop3A_2894, %parallel_loop3A_2854 : vector<16xf32>
        %parallel_loop3A_2896 = arith.constant 4.000000e+00 : f32
        %parallel_loop3A_2897 = vector.broadcast %parallel_loop3A_2896 : f32 to vector<16xf32>
        %parallel_loop3A_2898 = arith.mulf %parallel_loop3A_2897, %parallel_loop3A_2878 : vector<16xf32>
        %parallel_loop3A_2899 = arith.constant 2.000000e+00 : f32
        %parallel_loop3A_2900 = vector.broadcast %parallel_loop3A_2899 : f32 to vector<16xf32>
        %parallel_loop3A_2901 = arith.subf %parallel_loop3A_2900, %parallel_loop3A_2898 : vector<16xf32>
        %parallel_loop3A_2902 = arith.addf %parallel_loop3A_2895, %parallel_loop3A_2901 : vector<16xf32>
        %parallel_loop3A_2903 = arith.constant 1.000000e+00 : f32
        %parallel_loop3A_2904 = vector.broadcast %parallel_loop3A_2903 : f32 to vector<16xf32>
        %parallel_loop3A_2905 = arith.cmpf olt, %parallel_loop3A_2854, %parallel_loop3A_2904 : vector<16xf32>
        %parallel_loop3A_2906 = arith.constant 1.000000e+00 : f32
        %parallel_loop3A_2907 = vector.broadcast %parallel_loop3A_2906 : f32 to vector<16xf32>
        %parallel_loop3A_2908 = arith.cmpf ogt, %parallel_loop3A_2854, %parallel_loop3A_2907 : vector<16xf32>
        %parallel_loop3A_2909 = arith.constant 4.000000e+00 : f32
        %parallel_loop3A_2910 = vector.broadcast %parallel_loop3A_2909 : f32 to vector<16xf32>
        %parallel_loop3A_2911 = arith.cmpf olt, %parallel_loop3A_2854, %parallel_loop3A_2910 : vector<16xf32>
        %parallel_loop3A_2912 = arith.andi %parallel_loop3A_2908, %parallel_loop3A_2911 : vector<16xi1>
        %parallel_loop3A_2913 = arith.constant 0.000000e+00 : f32
        %parallel_loop3A_2914 = vector.broadcast %parallel_loop3A_2913 : f32 to vector<16xf32>
        %parallel_loop3A_2915 = arith.select %parallel_loop3A_2912, %parallel_loop3A_2902, %parallel_loop3A_2914 : vector<16xi1>, vector<16xf32>
        %parallel_loop3A_2916 = arith.select %parallel_loop3A_2905, %parallel_loop3A_2888, %parallel_loop3A_2915 : vector<16xi1>, vector<16xf32>
        %parallel_loop3A_2917 = arith.mulf %parallel_loop3A_1577, %parallel_loop3A_2916 : vector<16xf32>
        %parallel_loop3A_2918 = arith.constant 0.000000e+00 : f32
        %parallel_loop3A_2919 = vector.broadcast %parallel_loop3A_2918 : f32 to vector<16xf32>
        %parallel_loop3A_2920 = arith.select %parallel_loop3A_1687, %parallel_loop3A_2917, %parallel_loop3A_2919 : vector<16xi1>, vector<16xf32>
        %parallel_loop3A_2921 = arith.mulf %parallel_loop3A_174, %div3A_47 : vector<16xf32>
        %parallel_loop3A_2922 = vector.bitcast %parallel_loop3A_2921 : vector<16xf32> to vector<16xi32>
        %parallel_loop3A_2923 = arith.constant 1 : i32
        %parallel_loop3A_2924 = vector.broadcast %parallel_loop3A_2923 : i32 to vector<16xi32>
        %parallel_loop3A_2925 = arith.shrsi %parallel_loop3A_2922, %parallel_loop3A_2924 : vector<16xi32>
        %parallel_loop3A_2926 = arith.constant 1597463007 : i32
        %parallel_loop3A_2927 = vector.broadcast %parallel_loop3A_2926 : i32 to vector<16xi32>
        %parallel_loop3A_2928 = arith.subi %parallel_loop3A_2927, %parallel_loop3A_2925 : vector<16xi32>
        %parallel_loop3A_2929 = vector.bitcast %parallel_loop3A_2928 : vector<16xi32> to vector<16xf32>
        %parallel_loop3A_2930 = arith.constant 5.000000e-01 : f32
        %parallel_loop3A_2931 = vector.broadcast %parallel_loop3A_2930 : f32 to vector<16xf32>
        %parallel_loop3A_2932 = arith.mulf %parallel_loop3A_2931, %parallel_loop3A_2921 : vector<16xf32>
        %parallel_loop3A_2933 = arith.mulf %parallel_loop3A_2932, %parallel_loop3A_2929 : vector<16xf32>
        %parallel_loop3A_2934 = arith.mulf %parallel_loop3A_2933, %parallel_loop3A_2929 : vector<16xf32>
        %parallel_loop3A_2935 = arith.constant 1.500000e+00 : f32
        %parallel_loop3A_2936 = vector.broadcast %parallel_loop3A_2935 : f32 to vector<16xf32>
        %parallel_loop3A_2937 = arith.subf %parallel_loop3A_2936, %parallel_loop3A_2934 : vector<16xf32>
        %parallel_loop3A_2938 = arith.mulf %parallel_loop3A_2929, %parallel_loop3A_2937 : vector<16xf32>
        %parallel_loop3A_2939 = arith.mulf %parallel_loop3A_2932, %parallel_loop3A_2938 : vector<16xf32>
        %parallel_loop3A_2940 = arith.mulf %parallel_loop3A_2939, %parallel_loop3A_2938 : vector<16xf32>
        %parallel_loop3A_2941 = arith.constant 1.500000e+00 : f32
        %parallel_loop3A_2942 = vector.broadcast %parallel_loop3A_2941 : f32 to vector<16xf32>
        %parallel_loop3A_2943 = arith.subf %parallel_loop3A_2942, %parallel_loop3A_2940 : vector<16xf32>
        %parallel_loop3A_2944 = arith.mulf %parallel_loop3A_2938, %parallel_loop3A_2943 : vector<16xf32>
        %parallel_loop3A_2945 = arith.mulf %parallel_loop3A_2921, %parallel_loop3A_2944 : vector<16xf32>
        %parallel_loop3A_2946 = arith.constant 1.500000e+00 : f32
        %parallel_loop3A_2947 = vector.broadcast %parallel_loop3A_2946 : f32 to vector<16xf32>
        %parallel_loop3A_2948 = arith.mulf %parallel_loop3A_2947, %parallel_loop3A_2945 : vector<16xf32>
        %parallel_loop3A_2949 = arith.constant 2.500000e+00 : f32
        %parallel_loop3A_2950 = vector.broadcast %parallel_loop3A_2949 : f32 to vector<16xf32>
        %parallel_loop3A_2951 = arith.subf %parallel_loop3A_2948, %parallel_loop3A_2950 : vector<16xf32>
        %parallel_loop3A_2952 = arith.mulf %parallel_loop3A_2951, %parallel_loop3A_2921 : vector<16xf32>
        %parallel_loop3A_2953 = arith.constant 1.000000e+00 : f32
        %parallel_loop3A_2954 = vector.broadcast %parallel_loop3A_2953 : f32 to vector<16xf32>
        %parallel_loop3A_2955 = arith.addf %parallel_loop3A_2952, %parallel_loop3A_2954 : vector<16xf32>
        %parallel_loop3A_2956 = arith.constant 5.000000e-01 : f32
        %parallel_loop3A_2957 = vector.broadcast %parallel_loop3A_2956 : f32 to vector<16xf32>
        %parallel_loop3A_2958 = arith.mulf %parallel_loop3A_2957, %parallel_loop3A_2945 : vector<16xf32>
        %parallel_loop3A_2959 = arith.constant 2.500000e+00 : f32
        %parallel_loop3A_2960 = vector.broadcast %parallel_loop3A_2959 : f32 to vector<16xf32>
        %parallel_loop3A_2961 = arith.subf %parallel_loop3A_2960, %parallel_loop3A_2958 : vector<16xf32>
        %parallel_loop3A_2962 = arith.mulf %parallel_loop3A_2961, %parallel_loop3A_2921 : vector<16xf32>
        %parallel_loop3A_2963 = arith.constant 4.000000e+00 : f32
        %parallel_loop3A_2964 = vector.broadcast %parallel_loop3A_2963 : f32 to vector<16xf32>
        %parallel_loop3A_2965 = arith.mulf %parallel_loop3A_2964, %parallel_loop3A_2945 : vector<16xf32>
        %parallel_loop3A_2966 = arith.constant 2.000000e+00 : f32
        %parallel_loop3A_2967 = vector.broadcast %parallel_loop3A_2966 : f32 to vector<16xf32>
        %parallel_loop3A_2968 = arith.subf %parallel_loop3A_2967, %parallel_loop3A_2965 : vector<16xf32>
        %parallel_loop3A_2969 = arith.addf %parallel_loop3A_2962, %parallel_loop3A_2968 : vector<16xf32>
        %parallel_loop3A_2970 = arith.constant 1.000000e+00 : f32
        %parallel_loop3A_2971 = vector.broadcast %parallel_loop3A_2970 : f32 to vector<16xf32>
        %parallel_loop3A_2972 = arith.cmpf olt, %parallel_loop3A_2921, %parallel_loop3A_2971 : vector<16xf32>
        %parallel_loop3A_2973 = arith.constant 1.000000e+00 : f32
        %parallel_loop3A_2974 = vector.broadcast %parallel_loop3A_2973 : f32 to vector<16xf32>
        %parallel_loop3A_2975 = arith.cmpf ogt, %parallel_loop3A_2921, %parallel_loop3A_2974 : vector<16xf32>
        %parallel_loop3A_2976 = arith.constant 4.000000e+00 : f32
        %parallel_loop3A_2977 = vector.broadcast %parallel_loop3A_2976 : f32 to vector<16xf32>
        %parallel_loop3A_2978 = arith.cmpf olt, %parallel_loop3A_2921, %parallel_loop3A_2977 : vector<16xf32>
        %parallel_loop3A_2979 = arith.andi %parallel_loop3A_2975, %parallel_loop3A_2978 : vector<16xi1>
        %parallel_loop3A_2980 = arith.constant 0.000000e+00 : f32
        %parallel_loop3A_2981 = vector.broadcast %parallel_loop3A_2980 : f32 to vector<16xf32>
        %parallel_loop3A_2982 = arith.select %parallel_loop3A_2979, %parallel_loop3A_2969, %parallel_loop3A_2981 : vector<16xi1>, vector<16xf32>
        %parallel_loop3A_2983 = arith.select %parallel_loop3A_2972, %parallel_loop3A_2955, %parallel_loop3A_2982 : vector<16xi1>, vector<16xf32>
        %parallel_loop3A_2984 = arith.mulf %parallel_loop3A_1585, %parallel_loop3A_2983 : vector<16xf32>
        %parallel_loop3A_2985 = arith.constant 0.000000e+00 : f32
        %parallel_loop3A_2986 = vector.broadcast %parallel_loop3A_2985 : f32 to vector<16xf32>
        %parallel_loop3A_2987 = arith.select %parallel_loop3A_1690, %parallel_loop3A_2984, %parallel_loop3A_2986 : vector<16xi1>, vector<16xf32>
        %parallel_loop3A_2988 = arith.mulf %parallel_loop3A_175, %div3A_47 : vector<16xf32>
        %parallel_loop3A_2989 = vector.bitcast %parallel_loop3A_2988 : vector<16xf32> to vector<16xi32>
        %parallel_loop3A_2990 = arith.constant 1 : i32
        %parallel_loop3A_2991 = vector.broadcast %parallel_loop3A_2990 : i32 to vector<16xi32>
        %parallel_loop3A_2992 = arith.shrsi %parallel_loop3A_2989, %parallel_loop3A_2991 : vector<16xi32>
        %parallel_loop3A_2993 = arith.constant 1597463007 : i32
        %parallel_loop3A_2994 = vector.broadcast %parallel_loop3A_2993 : i32 to vector<16xi32>
        %parallel_loop3A_2995 = arith.subi %parallel_loop3A_2994, %parallel_loop3A_2992 : vector<16xi32>
        %parallel_loop3A_2996 = vector.bitcast %parallel_loop3A_2995 : vector<16xi32> to vector<16xf32>
        %parallel_loop3A_2997 = arith.constant 5.000000e-01 : f32
        %parallel_loop3A_2998 = vector.broadcast %parallel_loop3A_2997 : f32 to vector<16xf32>
        %parallel_loop3A_2999 = arith.mulf %parallel_loop3A_2998, %parallel_loop3A_2988 : vector<16xf32>
        %parallel_loop3A_3000 = arith.mulf %parallel_loop3A_2999, %parallel_loop3A_2996 : vector<16xf32>
        %parallel_loop3A_3001 = arith.mulf %parallel_loop3A_3000, %parallel_loop3A_2996 : vector<16xf32>
        %parallel_loop3A_3002 = arith.constant 1.500000e+00 : f32
        %parallel_loop3A_3003 = vector.broadcast %parallel_loop3A_3002 : f32 to vector<16xf32>
        %parallel_loop3A_3004 = arith.subf %parallel_loop3A_3003, %parallel_loop3A_3001 : vector<16xf32>
        %parallel_loop3A_3005 = arith.mulf %parallel_loop3A_2996, %parallel_loop3A_3004 : vector<16xf32>
        %parallel_loop3A_3006 = arith.mulf %parallel_loop3A_2999, %parallel_loop3A_3005 : vector<16xf32>
        %parallel_loop3A_3007 = arith.mulf %parallel_loop3A_3006, %parallel_loop3A_3005 : vector<16xf32>
        %parallel_loop3A_3008 = arith.constant 1.500000e+00 : f32
        %parallel_loop3A_3009 = vector.broadcast %parallel_loop3A_3008 : f32 to vector<16xf32>
        %parallel_loop3A_3010 = arith.subf %parallel_loop3A_3009, %parallel_loop3A_3007 : vector<16xf32>
        %parallel_loop3A_3011 = arith.mulf %parallel_loop3A_3005, %parallel_loop3A_3010 : vector<16xf32>
        %parallel_loop3A_3012 = arith.mulf %parallel_loop3A_2988, %parallel_loop3A_3011 : vector<16xf32>
        %parallel_loop3A_3013 = arith.constant 1.500000e+00 : f32
        %parallel_loop3A_3014 = vector.broadcast %parallel_loop3A_3013 : f32 to vector<16xf32>
        %parallel_loop3A_3015 = arith.mulf %parallel_loop3A_3014, %parallel_loop3A_3012 : vector<16xf32>
        %parallel_loop3A_3016 = arith.constant 2.500000e+00 : f32
        %parallel_loop3A_3017 = vector.broadcast %parallel_loop3A_3016 : f32 to vector<16xf32>
        %parallel_loop3A_3018 = arith.subf %parallel_loop3A_3015, %parallel_loop3A_3017 : vector<16xf32>
        %parallel_loop3A_3019 = arith.mulf %parallel_loop3A_3018, %parallel_loop3A_2988 : vector<16xf32>
        %parallel_loop3A_3020 = arith.constant 1.000000e+00 : f32
        %parallel_loop3A_3021 = vector.broadcast %parallel_loop3A_3020 : f32 to vector<16xf32>
        %parallel_loop3A_3022 = arith.addf %parallel_loop3A_3019, %parallel_loop3A_3021 : vector<16xf32>
        %parallel_loop3A_3023 = arith.constant 5.000000e-01 : f32
        %parallel_loop3A_3024 = vector.broadcast %parallel_loop3A_3023 : f32 to vector<16xf32>
        %parallel_loop3A_3025 = arith.mulf %parallel_loop3A_3024, %parallel_loop3A_3012 : vector<16xf32>
        %parallel_loop3A_3026 = arith.constant 2.500000e+00 : f32
        %parallel_loop3A_3027 = vector.broadcast %parallel_loop3A_3026 : f32 to vector<16xf32>
        %parallel_loop3A_3028 = arith.subf %parallel_loop3A_3027, %parallel_loop3A_3025 : vector<16xf32>
        %parallel_loop3A_3029 = arith.mulf %parallel_loop3A_3028, %parallel_loop3A_2988 : vector<16xf32>
        %parallel_loop3A_3030 = arith.constant 4.000000e+00 : f32
        %parallel_loop3A_3031 = vector.broadcast %parallel_loop3A_3030 : f32 to vector<16xf32>
        %parallel_loop3A_3032 = arith.mulf %parallel_loop3A_3031, %parallel_loop3A_3012 : vector<16xf32>
        %parallel_loop3A_3033 = arith.constant 2.000000e+00 : f32
        %parallel_loop3A_3034 = vector.broadcast %parallel_loop3A_3033 : f32 to vector<16xf32>
        %parallel_loop3A_3035 = arith.subf %parallel_loop3A_3034, %parallel_loop3A_3032 : vector<16xf32>
        %parallel_loop3A_3036 = arith.addf %parallel_loop3A_3029, %parallel_loop3A_3035 : vector<16xf32>
        %parallel_loop3A_3037 = arith.constant 1.000000e+00 : f32
        %parallel_loop3A_3038 = vector.broadcast %parallel_loop3A_3037 : f32 to vector<16xf32>
        %parallel_loop3A_3039 = arith.cmpf olt, %parallel_loop3A_2988, %parallel_loop3A_3038 : vector<16xf32>
        %parallel_loop3A_3040 = arith.constant 1.000000e+00 : f32
        %parallel_loop3A_3041 = vector.broadcast %parallel_loop3A_3040 : f32 to vector<16xf32>
        %parallel_loop3A_3042 = arith.cmpf ogt, %parallel_loop3A_2988, %parallel_loop3A_3041 : vector<16xf32>
        %parallel_loop3A_3043 = arith.constant 4.000000e+00 : f32
        %parallel_loop3A_3044 = vector.broadcast %parallel_loop3A_3043 : f32 to vector<16xf32>
        %parallel_loop3A_3045 = arith.cmpf olt, %parallel_loop3A_2988, %parallel_loop3A_3044 : vector<16xf32>
        %parallel_loop3A_3046 = arith.andi %parallel_loop3A_3042, %parallel_loop3A_3045 : vector<16xi1>
        %parallel_loop3A_3047 = arith.constant 0.000000e+00 : f32
        %parallel_loop3A_3048 = vector.broadcast %parallel_loop3A_3047 : f32 to vector<16xf32>
        %parallel_loop3A_3049 = arith.select %parallel_loop3A_3046, %parallel_loop3A_3036, %parallel_loop3A_3048 : vector<16xi1>, vector<16xf32>
        %parallel_loop3A_3050 = arith.select %parallel_loop3A_3039, %parallel_loop3A_3022, %parallel_loop3A_3049 : vector<16xi1>, vector<16xf32>
        %parallel_loop3A_3051 = arith.mulf %parallel_loop3A_1593, %parallel_loop3A_3050 : vector<16xf32>
        %parallel_loop3A_3052 = arith.constant 0.000000e+00 : f32
        %parallel_loop3A_3053 = vector.broadcast %parallel_loop3A_3052 : f32 to vector<16xf32>
        %parallel_loop3A_3054 = arith.select %parallel_loop3A_1693, %parallel_loop3A_3051, %parallel_loop3A_3053 : vector<16xi1>, vector<16xf32>
        %parallel_loop3A_3055 = arith.mulf %parallel_loop3A_176, %div3A_47 : vector<16xf32>
        %parallel_loop3A_3056 = vector.bitcast %parallel_loop3A_3055 : vector<16xf32> to vector<16xi32>
        %parallel_loop3A_3057 = arith.constant 1 : i32
        %parallel_loop3A_3058 = vector.broadcast %parallel_loop3A_3057 : i32 to vector<16xi32>
        %parallel_loop3A_3059 = arith.shrsi %parallel_loop3A_3056, %parallel_loop3A_3058 : vector<16xi32>
        %parallel_loop3A_3060 = arith.constant 1597463007 : i32
        %parallel_loop3A_3061 = vector.broadcast %parallel_loop3A_3060 : i32 to vector<16xi32>
        %parallel_loop3A_3062 = arith.subi %parallel_loop3A_3061, %parallel_loop3A_3059 : vector<16xi32>
        %parallel_loop3A_3063 = vector.bitcast %parallel_loop3A_3062 : vector<16xi32> to vector<16xf32>
        %parallel_loop3A_3064 = arith.constant 5.000000e-01 : f32
        %parallel_loop3A_3065 = vector.broadcast %parallel_loop3A_3064 : f32 to vector<16xf32>
        %parallel_loop3A_3066 = arith.mulf %parallel_loop3A_3065, %parallel_loop3A_3055 : vector<16xf32>
        %parallel_loop3A_3067 = arith.mulf %parallel_loop3A_3066, %parallel_loop3A_3063 : vector<16xf32>
        %parallel_loop3A_3068 = arith.mulf %parallel_loop3A_3067, %parallel_loop3A_3063 : vector<16xf32>
        %parallel_loop3A_3069 = arith.constant 1.500000e+00 : f32
        %parallel_loop3A_3070 = vector.broadcast %parallel_loop3A_3069 : f32 to vector<16xf32>
        %parallel_loop3A_3071 = arith.subf %parallel_loop3A_3070, %parallel_loop3A_3068 : vector<16xf32>
        %parallel_loop3A_3072 = arith.mulf %parallel_loop3A_3063, %parallel_loop3A_3071 : vector<16xf32>
        %parallel_loop3A_3073 = arith.mulf %parallel_loop3A_3066, %parallel_loop3A_3072 : vector<16xf32>
        %parallel_loop3A_3074 = arith.mulf %parallel_loop3A_3073, %parallel_loop3A_3072 : vector<16xf32>
        %parallel_loop3A_3075 = arith.constant 1.500000e+00 : f32
        %parallel_loop3A_3076 = vector.broadcast %parallel_loop3A_3075 : f32 to vector<16xf32>
        %parallel_loop3A_3077 = arith.subf %parallel_loop3A_3076, %parallel_loop3A_3074 : vector<16xf32>
        %parallel_loop3A_3078 = arith.mulf %parallel_loop3A_3072, %parallel_loop3A_3077 : vector<16xf32>
        %parallel_loop3A_3079 = arith.mulf %parallel_loop3A_3055, %parallel_loop3A_3078 : vector<16xf32>
        %parallel_loop3A_3080 = arith.constant 1.500000e+00 : f32
        %parallel_loop3A_3081 = vector.broadcast %parallel_loop3A_3080 : f32 to vector<16xf32>
        %parallel_loop3A_3082 = arith.mulf %parallel_loop3A_3081, %parallel_loop3A_3079 : vector<16xf32>
        %parallel_loop3A_3083 = arith.constant 2.500000e+00 : f32
        %parallel_loop3A_3084 = vector.broadcast %parallel_loop3A_3083 : f32 to vector<16xf32>
        %parallel_loop3A_3085 = arith.subf %parallel_loop3A_3082, %parallel_loop3A_3084 : vector<16xf32>
        %parallel_loop3A_3086 = arith.mulf %parallel_loop3A_3085, %parallel_loop3A_3055 : vector<16xf32>
        %parallel_loop3A_3087 = arith.constant 1.000000e+00 : f32
        %parallel_loop3A_3088 = vector.broadcast %parallel_loop3A_3087 : f32 to vector<16xf32>
        %parallel_loop3A_3089 = arith.addf %parallel_loop3A_3086, %parallel_loop3A_3088 : vector<16xf32>
        %parallel_loop3A_3090 = arith.constant 5.000000e-01 : f32
        %parallel_loop3A_3091 = vector.broadcast %parallel_loop3A_3090 : f32 to vector<16xf32>
        %parallel_loop3A_3092 = arith.mulf %parallel_loop3A_3091, %parallel_loop3A_3079 : vector<16xf32>
        %parallel_loop3A_3093 = arith.constant 2.500000e+00 : f32
        %parallel_loop3A_3094 = vector.broadcast %parallel_loop3A_3093 : f32 to vector<16xf32>
        %parallel_loop3A_3095 = arith.subf %parallel_loop3A_3094, %parallel_loop3A_3092 : vector<16xf32>
        %parallel_loop3A_3096 = arith.mulf %parallel_loop3A_3095, %parallel_loop3A_3055 : vector<16xf32>
        %parallel_loop3A_3097 = arith.constant 4.000000e+00 : f32
        %parallel_loop3A_3098 = vector.broadcast %parallel_loop3A_3097 : f32 to vector<16xf32>
        %parallel_loop3A_3099 = arith.mulf %parallel_loop3A_3098, %parallel_loop3A_3079 : vector<16xf32>
        %parallel_loop3A_3100 = arith.constant 2.000000e+00 : f32
        %parallel_loop3A_3101 = vector.broadcast %parallel_loop3A_3100 : f32 to vector<16xf32>
        %parallel_loop3A_3102 = arith.subf %parallel_loop3A_3101, %parallel_loop3A_3099 : vector<16xf32>
        %parallel_loop3A_3103 = arith.addf %parallel_loop3A_3096, %parallel_loop3A_3102 : vector<16xf32>
        %parallel_loop3A_3104 = arith.constant 1.000000e+00 : f32
        %parallel_loop3A_3105 = vector.broadcast %parallel_loop3A_3104 : f32 to vector<16xf32>
        %parallel_loop3A_3106 = arith.cmpf olt, %parallel_loop3A_3055, %parallel_loop3A_3105 : vector<16xf32>
        %parallel_loop3A_3107 = arith.constant 1.000000e+00 : f32
        %parallel_loop3A_3108 = vector.broadcast %parallel_loop3A_3107 : f32 to vector<16xf32>
        %parallel_loop3A_3109 = arith.cmpf ogt, %parallel_loop3A_3055, %parallel_loop3A_3108 : vector<16xf32>
        %parallel_loop3A_3110 = arith.constant 4.000000e+00 : f32
        %parallel_loop3A_3111 = vector.broadcast %parallel_loop3A_3110 : f32 to vector<16xf32>
        %parallel_loop3A_3112 = arith.cmpf olt, %parallel_loop3A_3055, %parallel_loop3A_3111 : vector<16xf32>
        %parallel_loop3A_3113 = arith.andi %parallel_loop3A_3109, %parallel_loop3A_3112 : vector<16xi1>
        %parallel_loop3A_3114 = arith.constant 0.000000e+00 : f32
        %parallel_loop3A_3115 = vector.broadcast %parallel_loop3A_3114 : f32 to vector<16xf32>
        %parallel_loop3A_3116 = arith.select %parallel_loop3A_3113, %parallel_loop3A_3103, %parallel_loop3A_3115 : vector<16xi1>, vector<16xf32>
        %parallel_loop3A_3117 = arith.select %parallel_loop3A_3106, %parallel_loop3A_3089, %parallel_loop3A_3116 : vector<16xi1>, vector<16xf32>
        %parallel_loop3A_3118 = arith.mulf %parallel_loop3A_1601, %parallel_loop3A_3117 : vector<16xf32>
        %parallel_loop3A_3119 = arith.constant 0.000000e+00 : f32
        %parallel_loop3A_3120 = vector.broadcast %parallel_loop3A_3119 : f32 to vector<16xf32>
        %parallel_loop3A_3121 = arith.select %parallel_loop3A_1696, %parallel_loop3A_3118, %parallel_loop3A_3120 : vector<16xi1>, vector<16xf32>
        %parallel_loop3A_3122 = arith.mulf %parallel_loop3A_177, %div3A_47 : vector<16xf32>
        %parallel_loop3A_3123 = vector.bitcast %parallel_loop3A_3122 : vector<16xf32> to vector<16xi32>
        %parallel_loop3A_3124 = arith.constant 1 : i32
        %parallel_loop3A_3125 = vector.broadcast %parallel_loop3A_3124 : i32 to vector<16xi32>
        %parallel_loop3A_3126 = arith.shrsi %parallel_loop3A_3123, %parallel_loop3A_3125 : vector<16xi32>
        %parallel_loop3A_3127 = arith.constant 1597463007 : i32
        %parallel_loop3A_3128 = vector.broadcast %parallel_loop3A_3127 : i32 to vector<16xi32>
        %parallel_loop3A_3129 = arith.subi %parallel_loop3A_3128, %parallel_loop3A_3126 : vector<16xi32>
        %parallel_loop3A_3130 = vector.bitcast %parallel_loop3A_3129 : vector<16xi32> to vector<16xf32>
        %parallel_loop3A_3131 = arith.constant 5.000000e-01 : f32
        %parallel_loop3A_3132 = vector.broadcast %parallel_loop3A_3131 : f32 to vector<16xf32>
        %parallel_loop3A_3133 = arith.mulf %parallel_loop3A_3132, %parallel_loop3A_3122 : vector<16xf32>
        %parallel_loop3A_3134 = arith.mulf %parallel_loop3A_3133, %parallel_loop3A_3130 : vector<16xf32>
        %parallel_loop3A_3135 = arith.mulf %parallel_loop3A_3134, %parallel_loop3A_3130 : vector<16xf32>
        %parallel_loop3A_3136 = arith.constant 1.500000e+00 : f32
        %parallel_loop3A_3137 = vector.broadcast %parallel_loop3A_3136 : f32 to vector<16xf32>
        %parallel_loop3A_3138 = arith.subf %parallel_loop3A_3137, %parallel_loop3A_3135 : vector<16xf32>
        %parallel_loop3A_3139 = arith.mulf %parallel_loop3A_3130, %parallel_loop3A_3138 : vector<16xf32>
        %parallel_loop3A_3140 = arith.mulf %parallel_loop3A_3133, %parallel_loop3A_3139 : vector<16xf32>
        %parallel_loop3A_3141 = arith.mulf %parallel_loop3A_3140, %parallel_loop3A_3139 : vector<16xf32>
        %parallel_loop3A_3142 = arith.constant 1.500000e+00 : f32
        %parallel_loop3A_3143 = vector.broadcast %parallel_loop3A_3142 : f32 to vector<16xf32>
        %parallel_loop3A_3144 = arith.subf %parallel_loop3A_3143, %parallel_loop3A_3141 : vector<16xf32>
        %parallel_loop3A_3145 = arith.mulf %parallel_loop3A_3139, %parallel_loop3A_3144 : vector<16xf32>
        %parallel_loop3A_3146 = arith.mulf %parallel_loop3A_3122, %parallel_loop3A_3145 : vector<16xf32>
        %parallel_loop3A_3147 = arith.constant 1.500000e+00 : f32
        %parallel_loop3A_3148 = vector.broadcast %parallel_loop3A_3147 : f32 to vector<16xf32>
        %parallel_loop3A_3149 = arith.mulf %parallel_loop3A_3148, %parallel_loop3A_3146 : vector<16xf32>
        %parallel_loop3A_3150 = arith.constant 2.500000e+00 : f32
        %parallel_loop3A_3151 = vector.broadcast %parallel_loop3A_3150 : f32 to vector<16xf32>
        %parallel_loop3A_3152 = arith.subf %parallel_loop3A_3149, %parallel_loop3A_3151 : vector<16xf32>
        %parallel_loop3A_3153 = arith.mulf %parallel_loop3A_3152, %parallel_loop3A_3122 : vector<16xf32>
        %parallel_loop3A_3154 = arith.constant 1.000000e+00 : f32
        %parallel_loop3A_3155 = vector.broadcast %parallel_loop3A_3154 : f32 to vector<16xf32>
        %parallel_loop3A_3156 = arith.addf %parallel_loop3A_3153, %parallel_loop3A_3155 : vector<16xf32>
        %parallel_loop3A_3157 = arith.constant 5.000000e-01 : f32
        %parallel_loop3A_3158 = vector.broadcast %parallel_loop3A_3157 : f32 to vector<16xf32>
        %parallel_loop3A_3159 = arith.mulf %parallel_loop3A_3158, %parallel_loop3A_3146 : vector<16xf32>
        %parallel_loop3A_3160 = arith.constant 2.500000e+00 : f32
        %parallel_loop3A_3161 = vector.broadcast %parallel_loop3A_3160 : f32 to vector<16xf32>
        %parallel_loop3A_3162 = arith.subf %parallel_loop3A_3161, %parallel_loop3A_3159 : vector<16xf32>
        %parallel_loop3A_3163 = arith.mulf %parallel_loop3A_3162, %parallel_loop3A_3122 : vector<16xf32>
        %parallel_loop3A_3164 = arith.constant 4.000000e+00 : f32
        %parallel_loop3A_3165 = vector.broadcast %parallel_loop3A_3164 : f32 to vector<16xf32>
        %parallel_loop3A_3166 = arith.mulf %parallel_loop3A_3165, %parallel_loop3A_3146 : vector<16xf32>
        %parallel_loop3A_3167 = arith.constant 2.000000e+00 : f32
        %parallel_loop3A_3168 = vector.broadcast %parallel_loop3A_3167 : f32 to vector<16xf32>
        %parallel_loop3A_3169 = arith.subf %parallel_loop3A_3168, %parallel_loop3A_3166 : vector<16xf32>
        %parallel_loop3A_3170 = arith.addf %parallel_loop3A_3163, %parallel_loop3A_3169 : vector<16xf32>
        %parallel_loop3A_3171 = arith.constant 1.000000e+00 : f32
        %parallel_loop3A_3172 = vector.broadcast %parallel_loop3A_3171 : f32 to vector<16xf32>
        %parallel_loop3A_3173 = arith.cmpf olt, %parallel_loop3A_3122, %parallel_loop3A_3172 : vector<16xf32>
        %parallel_loop3A_3174 = arith.constant 1.000000e+00 : f32
        %parallel_loop3A_3175 = vector.broadcast %parallel_loop3A_3174 : f32 to vector<16xf32>
        %parallel_loop3A_3176 = arith.cmpf ogt, %parallel_loop3A_3122, %parallel_loop3A_3175 : vector<16xf32>
        %parallel_loop3A_3177 = arith.constant 4.000000e+00 : f32
        %parallel_loop3A_3178 = vector.broadcast %parallel_loop3A_3177 : f32 to vector<16xf32>
        %parallel_loop3A_3179 = arith.cmpf olt, %parallel_loop3A_3122, %parallel_loop3A_3178 : vector<16xf32>
        %parallel_loop3A_3180 = arith.andi %parallel_loop3A_3176, %parallel_loop3A_3179 : vector<16xi1>
        %parallel_loop3A_3181 = arith.constant 0.000000e+00 : f32
        %parallel_loop3A_3182 = vector.broadcast %parallel_loop3A_3181 : f32 to vector<16xf32>
        %parallel_loop3A_3183 = arith.select %parallel_loop3A_3180, %parallel_loop3A_3170, %parallel_loop3A_3182 : vector<16xi1>, vector<16xf32>
        %parallel_loop3A_3184 = arith.select %parallel_loop3A_3173, %parallel_loop3A_3156, %parallel_loop3A_3183 : vector<16xi1>, vector<16xf32>
        %parallel_loop3A_3185 = arith.mulf %parallel_loop3A_1609, %parallel_loop3A_3184 : vector<16xf32>
        %parallel_loop3A_3186 = arith.constant 0.000000e+00 : f32
        %parallel_loop3A_3187 = vector.broadcast %parallel_loop3A_3186 : f32 to vector<16xf32>
        %parallel_loop3A_3188 = arith.select %parallel_loop3A_1699, %parallel_loop3A_3185, %parallel_loop3A_3187 : vector<16xi1>, vector<16xf32>
        %parallel_loop3A_3189 = arith.mulf %parallel_loop3A_178, %div3A_47 : vector<16xf32>
        %parallel_loop3A_3190 = vector.bitcast %parallel_loop3A_3189 : vector<16xf32> to vector<16xi32>
        %parallel_loop3A_3191 = arith.constant 1 : i32
        %parallel_loop3A_3192 = vector.broadcast %parallel_loop3A_3191 : i32 to vector<16xi32>
        %parallel_loop3A_3193 = arith.shrsi %parallel_loop3A_3190, %parallel_loop3A_3192 : vector<16xi32>
        %parallel_loop3A_3194 = arith.constant 1597463007 : i32
        %parallel_loop3A_3195 = vector.broadcast %parallel_loop3A_3194 : i32 to vector<16xi32>
        %parallel_loop3A_3196 = arith.subi %parallel_loop3A_3195, %parallel_loop3A_3193 : vector<16xi32>
        %parallel_loop3A_3197 = vector.bitcast %parallel_loop3A_3196 : vector<16xi32> to vector<16xf32>
        %parallel_loop3A_3198 = arith.constant 5.000000e-01 : f32
        %parallel_loop3A_3199 = vector.broadcast %parallel_loop3A_3198 : f32 to vector<16xf32>
        %parallel_loop3A_3200 = arith.mulf %parallel_loop3A_3199, %parallel_loop3A_3189 : vector<16xf32>
        %parallel_loop3A_3201 = arith.mulf %parallel_loop3A_3200, %parallel_loop3A_3197 : vector<16xf32>
        %parallel_loop3A_3202 = arith.mulf %parallel_loop3A_3201, %parallel_loop3A_3197 : vector<16xf32>
        %parallel_loop3A_3203 = arith.constant 1.500000e+00 : f32
        %parallel_loop3A_3204 = vector.broadcast %parallel_loop3A_3203 : f32 to vector<16xf32>
        %parallel_loop3A_3205 = arith.subf %parallel_loop3A_3204, %parallel_loop3A_3202 : vector<16xf32>
        %parallel_loop3A_3206 = arith.mulf %parallel_loop3A_3197, %parallel_loop3A_3205 : vector<16xf32>
        %parallel_loop3A_3207 = arith.mulf %parallel_loop3A_3200, %parallel_loop3A_3206 : vector<16xf32>
        %parallel_loop3A_3208 = arith.mulf %parallel_loop3A_3207, %parallel_loop3A_3206 : vector<16xf32>
        %parallel_loop3A_3209 = arith.constant 1.500000e+00 : f32
        %parallel_loop3A_3210 = vector.broadcast %parallel_loop3A_3209 : f32 to vector<16xf32>
        %parallel_loop3A_3211 = arith.subf %parallel_loop3A_3210, %parallel_loop3A_3208 : vector<16xf32>
        %parallel_loop3A_3212 = arith.mulf %parallel_loop3A_3206, %parallel_loop3A_3211 : vector<16xf32>
        %parallel_loop3A_3213 = arith.mulf %parallel_loop3A_3189, %parallel_loop3A_3212 : vector<16xf32>
        %parallel_loop3A_3214 = arith.constant 1.500000e+00 : f32
        %parallel_loop3A_3215 = vector.broadcast %parallel_loop3A_3214 : f32 to vector<16xf32>
        %parallel_loop3A_3216 = arith.mulf %parallel_loop3A_3215, %parallel_loop3A_3213 : vector<16xf32>
        %parallel_loop3A_3217 = arith.constant 2.500000e+00 : f32
        %parallel_loop3A_3218 = vector.broadcast %parallel_loop3A_3217 : f32 to vector<16xf32>
        %parallel_loop3A_3219 = arith.subf %parallel_loop3A_3216, %parallel_loop3A_3218 : vector<16xf32>
        %parallel_loop3A_3220 = arith.mulf %parallel_loop3A_3219, %parallel_loop3A_3189 : vector<16xf32>
        %parallel_loop3A_3221 = arith.constant 1.000000e+00 : f32
        %parallel_loop3A_3222 = vector.broadcast %parallel_loop3A_3221 : f32 to vector<16xf32>
        %parallel_loop3A_3223 = arith.addf %parallel_loop3A_3220, %parallel_loop3A_3222 : vector<16xf32>
        %parallel_loop3A_3224 = arith.constant 5.000000e-01 : f32
        %parallel_loop3A_3225 = vector.broadcast %parallel_loop3A_3224 : f32 to vector<16xf32>
        %parallel_loop3A_3226 = arith.mulf %parallel_loop3A_3225, %parallel_loop3A_3213 : vector<16xf32>
        %parallel_loop3A_3227 = arith.constant 2.500000e+00 : f32
        %parallel_loop3A_3228 = vector.broadcast %parallel_loop3A_3227 : f32 to vector<16xf32>
        %parallel_loop3A_3229 = arith.subf %parallel_loop3A_3228, %parallel_loop3A_3226 : vector<16xf32>
        %parallel_loop3A_3230 = arith.mulf %parallel_loop3A_3229, %parallel_loop3A_3189 : vector<16xf32>
        %parallel_loop3A_3231 = arith.constant 4.000000e+00 : f32
        %parallel_loop3A_3232 = vector.broadcast %parallel_loop3A_3231 : f32 to vector<16xf32>
        %parallel_loop3A_3233 = arith.mulf %parallel_loop3A_3232, %parallel_loop3A_3213 : vector<16xf32>
        %parallel_loop3A_3234 = arith.constant 2.000000e+00 : f32
        %parallel_loop3A_3235 = vector.broadcast %parallel_loop3A_3234 : f32 to vector<16xf32>
        %parallel_loop3A_3236 = arith.subf %parallel_loop3A_3235, %parallel_loop3A_3233 : vector<16xf32>
        %parallel_loop3A_3237 = arith.addf %parallel_loop3A_3230, %parallel_loop3A_3236 : vector<16xf32>
        %parallel_loop3A_3238 = arith.constant 1.000000e+00 : f32
        %parallel_loop3A_3239 = vector.broadcast %parallel_loop3A_3238 : f32 to vector<16xf32>
        %parallel_loop3A_3240 = arith.cmpf olt, %parallel_loop3A_3189, %parallel_loop3A_3239 : vector<16xf32>
        %parallel_loop3A_3241 = arith.constant 1.000000e+00 : f32
        %parallel_loop3A_3242 = vector.broadcast %parallel_loop3A_3241 : f32 to vector<16xf32>
        %parallel_loop3A_3243 = arith.cmpf ogt, %parallel_loop3A_3189, %parallel_loop3A_3242 : vector<16xf32>
        %parallel_loop3A_3244 = arith.constant 4.000000e+00 : f32
        %parallel_loop3A_3245 = vector.broadcast %parallel_loop3A_3244 : f32 to vector<16xf32>
        %parallel_loop3A_3246 = arith.cmpf olt, %parallel_loop3A_3189, %parallel_loop3A_3245 : vector<16xf32>
        %parallel_loop3A_3247 = arith.andi %parallel_loop3A_3243, %parallel_loop3A_3246 : vector<16xi1>
        %parallel_loop3A_3248 = arith.constant 0.000000e+00 : f32
        %parallel_loop3A_3249 = vector.broadcast %parallel_loop3A_3248 : f32 to vector<16xf32>
        %parallel_loop3A_3250 = arith.select %parallel_loop3A_3247, %parallel_loop3A_3237, %parallel_loop3A_3249 : vector<16xi1>, vector<16xf32>
        %parallel_loop3A_3251 = arith.select %parallel_loop3A_3240, %parallel_loop3A_3223, %parallel_loop3A_3250 : vector<16xi1>, vector<16xf32>
        %parallel_loop3A_3252 = arith.mulf %parallel_loop3A_1617, %parallel_loop3A_3251 : vector<16xf32>
        %parallel_loop3A_3253 = arith.constant 0.000000e+00 : f32
        %parallel_loop3A_3254 = vector.broadcast %parallel_loop3A_3253 : f32 to vector<16xf32>
        %parallel_loop3A_3255 = arith.select %parallel_loop3A_1702, %parallel_loop3A_3252, %parallel_loop3A_3254 : vector<16xi1>, vector<16xf32>
        %parallel_loop3A_3256 = arith.mulf %parallel_loop3A_179, %div3A_47 : vector<16xf32>
        %parallel_loop3A_3257 = vector.bitcast %parallel_loop3A_3256 : vector<16xf32> to vector<16xi32>
        %parallel_loop3A_3258 = arith.constant 1 : i32
        %parallel_loop3A_3259 = vector.broadcast %parallel_loop3A_3258 : i32 to vector<16xi32>
        %parallel_loop3A_3260 = arith.shrsi %parallel_loop3A_3257, %parallel_loop3A_3259 : vector<16xi32>
        %parallel_loop3A_3261 = arith.constant 1597463007 : i32
        %parallel_loop3A_3262 = vector.broadcast %parallel_loop3A_3261 : i32 to vector<16xi32>
        %parallel_loop3A_3263 = arith.subi %parallel_loop3A_3262, %parallel_loop3A_3260 : vector<16xi32>
        %parallel_loop3A_3264 = vector.bitcast %parallel_loop3A_3263 : vector<16xi32> to vector<16xf32>
        %parallel_loop3A_3265 = arith.constant 5.000000e-01 : f32
        %parallel_loop3A_3266 = vector.broadcast %parallel_loop3A_3265 : f32 to vector<16xf32>
        %parallel_loop3A_3267 = arith.mulf %parallel_loop3A_3266, %parallel_loop3A_3256 : vector<16xf32>
        %parallel_loop3A_3268 = arith.mulf %parallel_loop3A_3267, %parallel_loop3A_3264 : vector<16xf32>
        %parallel_loop3A_3269 = arith.mulf %parallel_loop3A_3268, %parallel_loop3A_3264 : vector<16xf32>
        %parallel_loop3A_3270 = arith.constant 1.500000e+00 : f32
        %parallel_loop3A_3271 = vector.broadcast %parallel_loop3A_3270 : f32 to vector<16xf32>
        %parallel_loop3A_3272 = arith.subf %parallel_loop3A_3271, %parallel_loop3A_3269 : vector<16xf32>
        %parallel_loop3A_3273 = arith.mulf %parallel_loop3A_3264, %parallel_loop3A_3272 : vector<16xf32>
        %parallel_loop3A_3274 = arith.mulf %parallel_loop3A_3267, %parallel_loop3A_3273 : vector<16xf32>
        %parallel_loop3A_3275 = arith.mulf %parallel_loop3A_3274, %parallel_loop3A_3273 : vector<16xf32>
        %parallel_loop3A_3276 = arith.constant 1.500000e+00 : f32
        %parallel_loop3A_3277 = vector.broadcast %parallel_loop3A_3276 : f32 to vector<16xf32>
        %parallel_loop3A_3278 = arith.subf %parallel_loop3A_3277, %parallel_loop3A_3275 : vector<16xf32>
        %parallel_loop3A_3279 = arith.mulf %parallel_loop3A_3273, %parallel_loop3A_3278 : vector<16xf32>
        %parallel_loop3A_3280 = arith.mulf %parallel_loop3A_3256, %parallel_loop3A_3279 : vector<16xf32>
        %parallel_loop3A_3281 = arith.constant 1.500000e+00 : f32
        %parallel_loop3A_3282 = vector.broadcast %parallel_loop3A_3281 : f32 to vector<16xf32>
        %parallel_loop3A_3283 = arith.mulf %parallel_loop3A_3282, %parallel_loop3A_3280 : vector<16xf32>
        %parallel_loop3A_3284 = arith.constant 2.500000e+00 : f32
        %parallel_loop3A_3285 = vector.broadcast %parallel_loop3A_3284 : f32 to vector<16xf32>
        %parallel_loop3A_3286 = arith.subf %parallel_loop3A_3283, %parallel_loop3A_3285 : vector<16xf32>
        %parallel_loop3A_3287 = arith.mulf %parallel_loop3A_3286, %parallel_loop3A_3256 : vector<16xf32>
        %parallel_loop3A_3288 = arith.constant 1.000000e+00 : f32
        %parallel_loop3A_3289 = vector.broadcast %parallel_loop3A_3288 : f32 to vector<16xf32>
        %parallel_loop3A_3290 = arith.addf %parallel_loop3A_3287, %parallel_loop3A_3289 : vector<16xf32>
        %parallel_loop3A_3291 = arith.constant 5.000000e-01 : f32
        %parallel_loop3A_3292 = vector.broadcast %parallel_loop3A_3291 : f32 to vector<16xf32>
        %parallel_loop3A_3293 = arith.mulf %parallel_loop3A_3292, %parallel_loop3A_3280 : vector<16xf32>
        %parallel_loop3A_3294 = arith.constant 2.500000e+00 : f32
        %parallel_loop3A_3295 = vector.broadcast %parallel_loop3A_3294 : f32 to vector<16xf32>
        %parallel_loop3A_3296 = arith.subf %parallel_loop3A_3295, %parallel_loop3A_3293 : vector<16xf32>
        %parallel_loop3A_3297 = arith.mulf %parallel_loop3A_3296, %parallel_loop3A_3256 : vector<16xf32>
        %parallel_loop3A_3298 = arith.constant 4.000000e+00 : f32
        %parallel_loop3A_3299 = vector.broadcast %parallel_loop3A_3298 : f32 to vector<16xf32>
        %parallel_loop3A_3300 = arith.mulf %parallel_loop3A_3299, %parallel_loop3A_3280 : vector<16xf32>
        %parallel_loop3A_3301 = arith.constant 2.000000e+00 : f32
        %parallel_loop3A_3302 = vector.broadcast %parallel_loop3A_3301 : f32 to vector<16xf32>
        %parallel_loop3A_3303 = arith.subf %parallel_loop3A_3302, %parallel_loop3A_3300 : vector<16xf32>
        %parallel_loop3A_3304 = arith.addf %parallel_loop3A_3297, %parallel_loop3A_3303 : vector<16xf32>
        %parallel_loop3A_3305 = arith.constant 1.000000e+00 : f32
        %parallel_loop3A_3306 = vector.broadcast %parallel_loop3A_3305 : f32 to vector<16xf32>
        %parallel_loop3A_3307 = arith.cmpf olt, %parallel_loop3A_3256, %parallel_loop3A_3306 : vector<16xf32>
        %parallel_loop3A_3308 = arith.constant 1.000000e+00 : f32
        %parallel_loop3A_3309 = vector.broadcast %parallel_loop3A_3308 : f32 to vector<16xf32>
        %parallel_loop3A_3310 = arith.cmpf ogt, %parallel_loop3A_3256, %parallel_loop3A_3309 : vector<16xf32>
        %parallel_loop3A_3311 = arith.constant 4.000000e+00 : f32
        %parallel_loop3A_3312 = vector.broadcast %parallel_loop3A_3311 : f32 to vector<16xf32>
        %parallel_loop3A_3313 = arith.cmpf olt, %parallel_loop3A_3256, %parallel_loop3A_3312 : vector<16xf32>
        %parallel_loop3A_3314 = arith.andi %parallel_loop3A_3310, %parallel_loop3A_3313 : vector<16xi1>
        %parallel_loop3A_3315 = arith.constant 0.000000e+00 : f32
        %parallel_loop3A_3316 = vector.broadcast %parallel_loop3A_3315 : f32 to vector<16xf32>
        %parallel_loop3A_3317 = arith.select %parallel_loop3A_3314, %parallel_loop3A_3304, %parallel_loop3A_3316 : vector<16xi1>, vector<16xf32>
        %parallel_loop3A_3318 = arith.select %parallel_loop3A_3307, %parallel_loop3A_3290, %parallel_loop3A_3317 : vector<16xi1>, vector<16xf32>
        %parallel_loop3A_3319 = arith.mulf %parallel_loop3A_1625, %parallel_loop3A_3318 : vector<16xf32>
        %parallel_loop3A_3320 = arith.constant 0.000000e+00 : f32
        %parallel_loop3A_3321 = vector.broadcast %parallel_loop3A_3320 : f32 to vector<16xf32>
        %parallel_loop3A_3322 = arith.select %parallel_loop3A_1705, %parallel_loop3A_3319, %parallel_loop3A_3321 : vector<16xi1>, vector<16xf32>
        %parallel_loop3A_3323 = arith.mulf %parallel_loop3A_180, %div3A_47 : vector<16xf32>
        %parallel_loop3A_3324 = vector.bitcast %parallel_loop3A_3323 : vector<16xf32> to vector<16xi32>
        %parallel_loop3A_3325 = arith.constant 1 : i32
        %parallel_loop3A_3326 = vector.broadcast %parallel_loop3A_3325 : i32 to vector<16xi32>
        %parallel_loop3A_3327 = arith.shrsi %parallel_loop3A_3324, %parallel_loop3A_3326 : vector<16xi32>
        %parallel_loop3A_3328 = arith.constant 1597463007 : i32
        %parallel_loop3A_3329 = vector.broadcast %parallel_loop3A_3328 : i32 to vector<16xi32>
        %parallel_loop3A_3330 = arith.subi %parallel_loop3A_3329, %parallel_loop3A_3327 : vector<16xi32>
        %parallel_loop3A_3331 = vector.bitcast %parallel_loop3A_3330 : vector<16xi32> to vector<16xf32>
        %parallel_loop3A_3332 = arith.constant 5.000000e-01 : f32
        %parallel_loop3A_3333 = vector.broadcast %parallel_loop3A_3332 : f32 to vector<16xf32>
        %parallel_loop3A_3334 = arith.mulf %parallel_loop3A_3333, %parallel_loop3A_3323 : vector<16xf32>
        %parallel_loop3A_3335 = arith.mulf %parallel_loop3A_3334, %parallel_loop3A_3331 : vector<16xf32>
        %parallel_loop3A_3336 = arith.mulf %parallel_loop3A_3335, %parallel_loop3A_3331 : vector<16xf32>
        %parallel_loop3A_3337 = arith.constant 1.500000e+00 : f32
        %parallel_loop3A_3338 = vector.broadcast %parallel_loop3A_3337 : f32 to vector<16xf32>
        %parallel_loop3A_3339 = arith.subf %parallel_loop3A_3338, %parallel_loop3A_3336 : vector<16xf32>
        %parallel_loop3A_3340 = arith.mulf %parallel_loop3A_3331, %parallel_loop3A_3339 : vector<16xf32>
        %parallel_loop3A_3341 = arith.mulf %parallel_loop3A_3334, %parallel_loop3A_3340 : vector<16xf32>
        %parallel_loop3A_3342 = arith.mulf %parallel_loop3A_3341, %parallel_loop3A_3340 : vector<16xf32>
        %parallel_loop3A_3343 = arith.constant 1.500000e+00 : f32
        %parallel_loop3A_3344 = vector.broadcast %parallel_loop3A_3343 : f32 to vector<16xf32>
        %parallel_loop3A_3345 = arith.subf %parallel_loop3A_3344, %parallel_loop3A_3342 : vector<16xf32>
        %parallel_loop3A_3346 = arith.mulf %parallel_loop3A_3340, %parallel_loop3A_3345 : vector<16xf32>
        %parallel_loop3A_3347 = arith.mulf %parallel_loop3A_3323, %parallel_loop3A_3346 : vector<16xf32>
        %parallel_loop3A_3348 = arith.constant 1.500000e+00 : f32
        %parallel_loop3A_3349 = vector.broadcast %parallel_loop3A_3348 : f32 to vector<16xf32>
        %parallel_loop3A_3350 = arith.mulf %parallel_loop3A_3349, %parallel_loop3A_3347 : vector<16xf32>
        %parallel_loop3A_3351 = arith.constant 2.500000e+00 : f32
        %parallel_loop3A_3352 = vector.broadcast %parallel_loop3A_3351 : f32 to vector<16xf32>
        %parallel_loop3A_3353 = arith.subf %parallel_loop3A_3350, %parallel_loop3A_3352 : vector<16xf32>
        %parallel_loop3A_3354 = arith.mulf %parallel_loop3A_3353, %parallel_loop3A_3323 : vector<16xf32>
        %parallel_loop3A_3355 = arith.constant 1.000000e+00 : f32
        %parallel_loop3A_3356 = vector.broadcast %parallel_loop3A_3355 : f32 to vector<16xf32>
        %parallel_loop3A_3357 = arith.addf %parallel_loop3A_3354, %parallel_loop3A_3356 : vector<16xf32>
        %parallel_loop3A_3358 = arith.constant 5.000000e-01 : f32
        %parallel_loop3A_3359 = vector.broadcast %parallel_loop3A_3358 : f32 to vector<16xf32>
        %parallel_loop3A_3360 = arith.mulf %parallel_loop3A_3359, %parallel_loop3A_3347 : vector<16xf32>
        %parallel_loop3A_3361 = arith.constant 2.500000e+00 : f32
        %parallel_loop3A_3362 = vector.broadcast %parallel_loop3A_3361 : f32 to vector<16xf32>
        %parallel_loop3A_3363 = arith.subf %parallel_loop3A_3362, %parallel_loop3A_3360 : vector<16xf32>
        %parallel_loop3A_3364 = arith.mulf %parallel_loop3A_3363, %parallel_loop3A_3323 : vector<16xf32>
        %parallel_loop3A_3365 = arith.constant 4.000000e+00 : f32
        %parallel_loop3A_3366 = vector.broadcast %parallel_loop3A_3365 : f32 to vector<16xf32>
        %parallel_loop3A_3367 = arith.mulf %parallel_loop3A_3366, %parallel_loop3A_3347 : vector<16xf32>
        %parallel_loop3A_3368 = arith.constant 2.000000e+00 : f32
        %parallel_loop3A_3369 = vector.broadcast %parallel_loop3A_3368 : f32 to vector<16xf32>
        %parallel_loop3A_3370 = arith.subf %parallel_loop3A_3369, %parallel_loop3A_3367 : vector<16xf32>
        %parallel_loop3A_3371 = arith.addf %parallel_loop3A_3364, %parallel_loop3A_3370 : vector<16xf32>
        %parallel_loop3A_3372 = arith.constant 1.000000e+00 : f32
        %parallel_loop3A_3373 = vector.broadcast %parallel_loop3A_3372 : f32 to vector<16xf32>
        %parallel_loop3A_3374 = arith.cmpf olt, %parallel_loop3A_3323, %parallel_loop3A_3373 : vector<16xf32>
        %parallel_loop3A_3375 = arith.constant 1.000000e+00 : f32
        %parallel_loop3A_3376 = vector.broadcast %parallel_loop3A_3375 : f32 to vector<16xf32>
        %parallel_loop3A_3377 = arith.cmpf ogt, %parallel_loop3A_3323, %parallel_loop3A_3376 : vector<16xf32>
        %parallel_loop3A_3378 = arith.constant 4.000000e+00 : f32
        %parallel_loop3A_3379 = vector.broadcast %parallel_loop3A_3378 : f32 to vector<16xf32>
        %parallel_loop3A_3380 = arith.cmpf olt, %parallel_loop3A_3323, %parallel_loop3A_3379 : vector<16xf32>
        %parallel_loop3A_3381 = arith.andi %parallel_loop3A_3377, %parallel_loop3A_3380 : vector<16xi1>
        %parallel_loop3A_3382 = arith.constant 0.000000e+00 : f32
        %parallel_loop3A_3383 = vector.broadcast %parallel_loop3A_3382 : f32 to vector<16xf32>
        %parallel_loop3A_3384 = arith.select %parallel_loop3A_3381, %parallel_loop3A_3371, %parallel_loop3A_3383 : vector<16xi1>, vector<16xf32>
        %parallel_loop3A_3385 = arith.select %parallel_loop3A_3374, %parallel_loop3A_3357, %parallel_loop3A_3384 : vector<16xi1>, vector<16xf32>
        %parallel_loop3A_3386 = arith.mulf %parallel_loop3A_1633, %parallel_loop3A_3385 : vector<16xf32>
        %parallel_loop3A_3387 = arith.constant 0.000000e+00 : f32
        %parallel_loop3A_3388 = vector.broadcast %parallel_loop3A_3387 : f32 to vector<16xf32>
        %parallel_loop3A_3389 = arith.select %parallel_loop3A_1708, %parallel_loop3A_3386, %parallel_loop3A_3388 : vector<16xi1>, vector<16xf32>
        %parallel_loop3A_3390 = arith.addf %parallel_loop3A_1781, %parallel_loop3A_1848 : vector<16xf32>
        %parallel_loop3A_3391 = arith.addf %parallel_loop3A_1915, %parallel_loop3A_1982 : vector<16xf32>
        %parallel_loop3A_3392 = arith.addf %parallel_loop3A_2049, %parallel_loop3A_2116 : vector<16xf32>
        %parallel_loop3A_3393 = arith.addf %parallel_loop3A_2183, %parallel_loop3A_2250 : vector<16xf32>
        %parallel_loop3A_3394 = arith.addf %parallel_loop3A_2317, %parallel_loop3A_2384 : vector<16xf32>
        %parallel_loop3A_3395 = arith.addf %parallel_loop3A_2451, %parallel_loop3A_2518 : vector<16xf32>
        %parallel_loop3A_3396 = arith.addf %parallel_loop3A_2585, %parallel_loop3A_2652 : vector<16xf32>
        %parallel_loop3A_3397 = arith.addf %parallel_loop3A_2719, %parallel_loop3A_2786 : vector<16xf32>
        %parallel_loop3A_3398 = arith.addf %parallel_loop3A_2853, %parallel_loop3A_2920 : vector<16xf32>
        %parallel_loop3A_3399 = arith.addf %parallel_loop3A_2987, %parallel_loop3A_3054 : vector<16xf32>
        %parallel_loop3A_3400 = arith.addf %parallel_loop3A_3121, %parallel_loop3A_3188 : vector<16xf32>
        %parallel_loop3A_3401 = arith.addf %parallel_loop3A_3255, %parallel_loop3A_3322 : vector<16xf32>
        %parallel_loop3A_3402 = arith.addf %parallel_loop3A_3390, %parallel_loop3A_3391 : vector<16xf32>
        %parallel_loop3A_3403 = arith.addf %parallel_loop3A_3392, %parallel_loop3A_3393 : vector<16xf32>
        %parallel_loop3A_3404 = arith.addf %parallel_loop3A_3394, %parallel_loop3A_3395 : vector<16xf32>
        %parallel_loop3A_3405 = arith.addf %parallel_loop3A_3396, %parallel_loop3A_3397 : vector<16xf32>
        %parallel_loop3A_3406 = arith.addf %parallel_loop3A_3398, %parallel_loop3A_3399 : vector<16xf32>
        %parallel_loop3A_3407 = arith.addf %parallel_loop3A_3400, %parallel_loop3A_3401 : vector<16xf32>
        %parallel_loop3A_3408 = arith.addf %parallel_loop3A_3402, %parallel_loop3A_3403 : vector<16xf32>
        %parallel_loop3A_3409 = arith.addf %parallel_loop3A_3404, %parallel_loop3A_3405 : vector<16xf32>
        %parallel_loop3A_3410 = arith.addf %parallel_loop3A_3406, %parallel_loop3A_3407 : vector<16xf32>
        %parallel_loop3A_3411 = arith.addf %parallel_loop3A_3408, %parallel_loop3A_3409 : vector<16xf32>
        %parallel_loop3A_3412 = arith.addf %parallel_loop3A_3410, %parallel_loop3A_3389 : vector<16xf32>
        %parallel_loop3A_3413 = arith.addf %parallel_loop3A_3411, %parallel_loop3A_3412 : vector<16xf32>
        scf.yield %parallel_loop3A_3413 : vector<16xf32>
      }
      %parallel_loop3A_1713 = arith.index_cast %parallel_loop3A_53 : i32 to index
      %parallel_loop3A_1714 = tpu.vector_load %arg13[%parallel_loop3A_1713] {strides = array<i32>} : memref<256xf32, #tpu.memory_space<vmem>>, vector<16xf32>,
      tpu.vector_store %arg13[%parallel_loop3A_1713], %parallel_loop3A_1712 {strides = array<i32>} : memref<256xf32, #tpu.memory_space<vmem>>, vector<16xf32>,
    } {sc.loop_unroll_factor = 1 : i64, sc.parallel_access}
    "tpu.region"() ({
      %run_scoped3A = tpu.sem_alloc : memref<!tpu.dma_semaphore, #tpu.memory_space<semaphore_mem>>
      %dma_start3A = tpu.memref_slice %arg6[%mul3A_2] : memref<8192xf32, #tpu.memory_space<hbm>> -> memref<256xf32, #tpu.memory_space<hbm>>
      %dma_start3A_51 = tpu.memref_slice %arg6[%mul3A_2] : memref<8192xf32, #tpu.memory_space<hbm>> -> memref<256xf32, #tpu.memory_space<hbm>>
      tpu.enqueue_dma source(%arg13 : memref<256xf32, #tpu.memory_space<vmem>>) target(%dma_start3A_51 : memref<256xf32, #tpu.memory_space<hbm>>) target_semaphore(%run_scoped3A : memref<!tpu.dma_semaphore, #tpu.memory_space<semaphore_mem>>)
      %dma_wait3A = tpu.memref_slice %arg6[%mul3A_2] : memref<8192xf32, #tpu.memory_space<hbm>> -> memref<256xf32, #tpu.memory_space<hbm>>
      %dma_wait3A_52 = tpu.memref_slice %arg6[%mul3A_2] : memref<8192xf32, #tpu.memory_space<hbm>> -> memref<256xf32, #tpu.memory_space<hbm>>
      tpu.wait_dma2 semaphore(%run_scoped3A : memref<!tpu.dma_semaphore, #tpu.memory_space<semaphore_mem>>) src(%arg13 : memref<256xf32, #tpu.memory_space<vmem>>) dst(%dma_wait3A_52 : memref<256xf32, #tpu.memory_space<hbm>>)
      tpu.yield
    }) : () -> ()
    return
  }
}

</mosaic_0001>

<sc_bundles>
// kernel: kernel.3.cloned.1.call-start
scs
__scs_entry_jumppad:
0x0: {  	(pc) =	sbr.rel $0x88, $3  }
0x1: {  	(tag) =	ssettag $0x0;
	lr =	simm.s32 $0x1  }
0x2: {  	[smem:$0x3F9E] =	sst lr;
	_ =	strace $0xD0000000  }
0x3: {  	_ = 	snop  }
0x4: {  	_ = 	snop  }
0x5: {  	_ = 	snop  }
0x6: {  	_ = 	snop  }
0x7: {  	_ = 	snop  }
__scs_overlays_trampoline_lowered:
0x8: {  	[smem:$0x3FAD] =	sst s0  }
0x9: {  	[smem:$0x3FAE] =	sst s1  }
0xa: {  	[smem:$0x3FAF] =	sst s2  }
0xb: {  	[smem:$0x3FB0] =	sst s3  }
0xc: {  	[smem:$0x3FB1] =	sst s4  }
0xd: {  	[smem:$0x3FB2] =	sst s5  }
0xe: {  	[smem:$0x3FB3] =	sst s6  }
0xf: {  	[smem:$0x3FB4] =	sst s7  }
0x10: {  	[smem:$0x3FB5] =	sst s8  }
0x11: {  	[smem:$0x3FB6] =	sst s9;
	s0 =	simm.s32 @!p0 $0x0  }
0x12: {  	s1 =	sld [smem:$0x3F9C];
	s0 =	simm.s32 @p0 $0x1  }
0x13: {  	[smem:$0x3FB7] =	sst s0;
	s0 =	simm.s32 @!p1 $0x0  }
0x14: {  	s2 =	sld [smem:$0x3F9B];
	s0 =	simm.s32 @p1 $0x1  }
0x15: {  	[smem:$0x3FB8] =	sst s0;
	s0 =	simm.s32 @!p2 $0x0  }
0x16: {  	s3 =	sld [smem:$0x3FDB];
	s0 =	simm.s32 @p2 $0x1  }
0x17: {  	s4 =	simm.s32 $0x1BF5;
	[smem:$0x3FBA] =	sst s0  }
0x18: {  	s0 =	sld [smem:$0x3F9D];
	_ =	swait.ge [sflag:s4], $0x0  }
0x19: {  	s7 =	sld [smem:$0x3F9E]  }
0x1a: {  	s8 =	sadd.s32 $0xFFFFE003, lr  }
0x1b: {  	s9 =	sadd.s32 $0xFFFFFEF7, lr;
	s5 =	simm.s32 $0xFFFFFFFF;
	p2 =	slt.u32 s8, $0xFFFFF086  }
0x1c: {  	p1 =	slt.u32 s9, $0xF7A;
	s5 =	simm.s32 @!p2 $0x0  }
0x1d: {  	s5 =	simm.s32 @p1 $0x1;
	p0 =	seq.s32 s7, s2  }
0x1e: {  	s7 =	smul.u32 @!p0 $0xF7A, s2;
	p2 =	seq.s32 @!p0 s5, $0x0  }
0x1f: {  	s9 =	smul.u32 $0xF7A, s1;
	s8 =	simm.s32 @!p0 $0x1BF5;
	p2 =	por !p2, p0  }
0x20: {  	[sflag:s8] =	ssyncset.s32 @!p0 $0xFFFFF086;
	s6 =	sadd.s32 @!p0 s3, s7;
	s7 =	simm.s32 @!p0 $0x108  }
0x21: {  	s3 =	sadd.s32 s3, s9;
	s6 =	sadd.s32 @!p0 $0x88, s6;
	s7 =	simm.s32 @p2 $0x1082  }
0x22: {  	[simem:s7], [sflag:s8] =	dma.local @!p0 [hbm:s6], $0xF7A  }
0x23: {  	s9 =	sor.u32 $0xD0000000, s2;
	s6 =	simm.s32 $0x108;
	_ =	swait.ge @!p0 [sflag:s8], $0x0  }
0x24: {  	s3 =	sadd.s32 $0x88, s3;
	s6 =	simm.s32 @!p1 $0x1082;
	[sflag:s4] =	ssyncset.s32 $0xFFFFF086  }
0x25: {  	[simem:s6], [sflag:s4] =	dma.local [hbm:s3], $0xF7A  }
0x26: {  	[smem:$0x3F9E] =	sst s1;
	(tag) =	ssettag s2;
	_ =	strace s9  }
0x27: {  	s1 =	sld [smem:$0x3FAE]  }
0x28: {  	s2 =	sld [smem:$0x3FAF]  }
0x29: {  	s4 =	sld [smem:$0x3FB1]  }
0x2a: {  	p0 =	seq.s32 s5, $0x0;
	s5 =	sld [smem:$0x3FB2]  }
0x2b: {  	s6 =	sld [smem:$0x3FB3]  }
0x2c: {  	s7 =	sld [smem:$0x3FB4]  }
0x2d: {  	s3 =	simm.s32 $0x108;
	s8 =	sld [smem:$0x3FB5]  }
0x2e: {  	s3 =	simm.s32 @!p0 $0x1082;
	s9 =	sld [smem:$0x3FB6]  }
0x2f: {  	lr =	sadd.s32 s0, s3;
	s0 =	sld [smem:$0x3FAD]  }
0x30: {  	s3 =	sld [smem:$0x3FB0]  }
0x31: {  	[smem:$0x3FB9] =	sst s10  }
0x32: {  	s10 =	sld [smem:$0x3FB7];
	_ =	sdelay $0x3  }
0x33: {  	p0 =	seq.s32 s10, $0x1;
	s10 =	sld [smem:$0x3FB9];
	_ =	sdelay $0x3  }
0x34: {  	[smem:$0x3FB9] =	sst s10  }
0x35: {  	s10 =	sld [smem:$0x3FB8];
	_ =	sdelay $0x3  }
0x36: {  	p1 =	seq.s32 s10, $0x1;
	s10 =	sld [smem:$0x3FB9];
	_ =	sdelay $0x3  }
0x37: {  	[smem:$0x3FB9] =	sst s10  }
0x38: {  	s10 =	sld [smem:$0x3FBA]  }
0x39: {  	_ = 	snop;
	(pc) =	sbr.ind lr, $3  }
0x3a: {  	_ = 	snop  }
0x3b: {  	_ = 	snop  }
0x3c: {  	p2 =	seq.s32 s10, $0x1;
	s10 =	sld [smem:$0x3FB9]  }
0x3d: {  	_ =	shalt  }
0x3e: {  	_ =	shalt  }
0x3f: {  	_ =	shalt  }
0x40: {  	_ =	shalt  }
0x41: {  	_ =	shalt  }
0x42: {  	_ =	shalt  }
0x43: {  	_ =	shalt  }
0x44: {  	_ =	shalt  }
0x45: {  	_ =	shalt  }
0x46: {  	_ =	shalt  }
0x47: {  	_ =	shalt  }
0x48: {  	_ =	shalt  }
0x49: {  	_ =	shalt  }
0x4a: {  	_ =	shalt  }
0x4b: {  	_ =	shalt  }
0x4c: {  	_ =	shalt  }
0x4d: {  	_ =	shalt  }
0x4e: {  	_ =	shalt  }
0x4f: {  	_ =	shalt  }
0x50: {  	_ =	shalt  }
0x51: {  	_ =	shalt  }
0x52: {  	_ =	shalt  }
0x53: {  	_ =	shalt  }
0x54: {  	_ =	shalt  }
0x55: {  	_ =	shalt  }
0x56: {  	_ =	shalt  }
0x57: {  	_ =	shalt  }
0x58: {  	_ =	shalt  }
0x59: {  	_ =	shalt  }
0x5a: {  	_ =	shalt  }
0x5b: {  	_ =	shalt  }
0x5c: {  	_ =	shalt  }
0x5d: {  	_ =	shalt  }
0x5e: {  	_ =	shalt  }
0x5f: {  	_ =	shalt  }
0x60: {  	_ =	shalt  }
0x61: {  	_ =	shalt  }
0x62: {  	_ =	shalt  }
0x63: {  	_ =	shalt  }
0x64: {  	_ =	shalt  }
0x65: {  	_ =	shalt  }
0x66: {  	_ =	shalt  }
0x67: {  	_ =	shalt  }
0x68: {  	_ =	shalt  }
0x69: {  	_ =	shalt  }
0x6a: {  	_ =	shalt  }
0x6b: {  	_ =	shalt  }
0x6c: {  	_ =	shalt  }
0x6d: {  	_ =	shalt  }
0x6e: {  	_ =	shalt  }
0x6f: {  	_ =	shalt  }
0x70: {  	_ =	shalt  }
0x71: {  	_ =	shalt  }
0x72: {  	_ =	shalt  }
0x73: {  	_ =	shalt  }
0x74: {  	_ =	shalt  }
0x75: {  	_ =	shalt  }
0x76: {  	_ =	shalt  }
0x77: {  	_ =	shalt  }
0x78: {  	_ =	shalt  }
0x79: {  	_ =	shalt  }
0x7a: {  	_ =	shalt  }
0x7b: {  	_ =	shalt  }
0x7c: {  	_ =	shalt  }
0x7d: {  	_ =	shalt  }
0x7e: {  	_ =	shalt  }
0x7f: {  	_ =	shalt  }
0x80: {  	_ =	shalt  }
0x81: {  	_ =	shalt  }
0x82: {  	_ =	shalt  }
0x83: {  	_ =	shalt  }
0x84: {  	_ =	shalt  }
0x85: {  	_ =	shalt  }
0x86: {  	_ =	shalt  }
0x87: {  	_ =	shalt  }
.Lfunc_end0:
.L_simem_size_0:
called_computation_lowered:
.L_overlay_start_0:
0x88: {  	s2 =	sld [smem:$0x3FD9]  }
0x89: {  	s3 =	sld [smem:$0x3FFE];
	_ =	sdelay $0x1  }
0x8a: {  	s1 =	srdreg.scid  }
0x8b: {  	s0 =	sand.u32 $0x1, s1  }
0x8c: {  	s14 =	sshll.u32 s0, $0xA;
	s2 =	sadd.s32 s3, s2  }
0x8d: {  	s2 =	sadd.s32 s2, s14  }
0x8e: {  	[smem:$0x3FC5] =	sst s2  }
0x8f: {  	_ = 	snop  }
0x90: {  	s2 =	sld [smem:$0x3FD0];
	_ =	sdelay $0x2  }
0x91: {  	s4 =	simm.s32 $0xA;
	s5 =	simm.s32 $0x10;
	s15 =	sld [smem:$0x3FC8]  }
0x92: {  	[smem:s5], [sflag:s4] =	dma.local [hbm:s2], $0x1  }
0x93: {  	_ =	swait.eq [sflag:s4], $0x1  }
0x94: {  	[sflag:s4] =	ssyncset.done $0x0  }
0x95: {  	s16 =	sld [smem:$0x10];
	[sflag:s4] =	ssyncadd.s32 $0xFFFFFFFF  }
0x96: {  	s17 =	sld [smem:$0x11];
	(tm) =	ssettm $0x1  }
0x97: {  	s18 =	sld [smem:$0x3FFB];
	_ =	sdelay $0x3  }
0x98: {  	_ =	strace s18  }
0x99: {  	s5 =	sld [smem:$0x3FFC];
	_ =	sdelay $0x3  }
0x9a: {  	_ =	strace s5  }
0x9b: {  	s5 =	sld [smem:$0x3FFD];
	_ =	sdelay $0x3  }
0x9c: {  	_ =	strace s5  }
0x9d: {  	_ =	strace $0x8FFFFFFF  }
0x9e: {  	s19 =	sld [smem:$0x3FDB];
	_ =	sdelay $0x1  }
0x9f: {  	s6 =	simm.s32 $_scs_section_size  }
0xa0: {  	s7 =	simm.s32 $_size__tile_overlayer_lowered;
	s8 =	simm.s32 $_tile_overlayer_lowered  }
0xa1: {  	s22 =	simm.s32 $0x1BFF;
	s21 =	sshll.u32 s8, $0x1;
	s5 =	sadd.s32 s6, s19  }
0xa2: {  	s9 =	simm.s32 $0x0;
	s20 =	sshll.u32 s7, $0x1;
	s7 =	sadd.s32 s21, s5  }
0xa3: {  	[timem:s9], [sflag:s22] =	dma.local [hbm:s7], s20  }
0xa4: {  	_ =	swait.ge [sflag:s22], s20  }
0xa5: {  	s6 =	ssub.s32 $0x0, s20;
	[sflag:s22] =	ssyncset.done $0x0  }
0xa6: {  	[sflag:s22] =	ssyncadd.s32 s6;
	_ =	sdelay $0x1  }
0xa7: {  	s23 =	simm.s32 $0x1B8B  }
0xa8: {  	_ =	swait.ge [sflag:s23], $0x1  }
0xa9: {  	[sflag:s23] =	ssyncset.done $0x0  }
0xaa: {  	s25 =	simm.s32 $0x1B8E;
	s24 =	sld [smem:$0x3FFE];
	[sflag:s23] =	ssyncadd.s32 $0xFFFFFFFF  }
0xab: {  	s26 =	simm.s32 $execute0_lowered;
	[smem:$0x3FD2] =	sst s25  }
0xac: {  	s7 =	sshll.u32 s26, $0x1;
	_ =	strace $0x80000046;
	[dreg:$0x1] =	wrdreg $0xFFFFFFFF  }
0xad: {  	s28 =	simm.s32 $_size_execute0_lowered;
	s5 =	sadd.s32 s5, s7;
	[dreg:$0x0] =	wrdreg $0x0  }
0xae: {  	s7 =	sshll.u32 s28, $0x1;
	[dreg:$0x2] =	wrdreg s5  }
0xaf: {  	[dreg:$0x3] =	wrdreg s7  }
0xb0: {  	[dreg:$0x4] =	wrdreg $0xC0  }
0xb1: {  	_ =	task [dreg:s9], $0x5FFFF  }
0xb2: {  	[dreg:$0x1] =	wrdreg $0xFFFFFFFF  }
0xb3: {  	[dreg:$0x0] =	wrdreg $0x60  }
0xb4: {  	[dreg:$0x2] =	wrdreg s24  }
0xb5: {  	[dreg:$0x3] =	wrdreg s17  }
0xb6: {  	[dreg:$0x4] =	wrdreg s15  }
0xb7: {  	[dreg:$0x5] =	wrdreg s16  }
0xb8: {  	[dreg:$0x6] =	wrdreg $0x9  }
0xb9: {  	_ =	task.clear_ibuf [dreg:s9], $0x7FFFF;
	_ =	strace $0x90000046  }
0xba: {  	s29 =	simm.s32 $0x9;
	_ =	strace $0x80000048  }
0xbb: {  	_ =	swait.ge [sflag:s29], $0x1  }
0xbc: {  	[sflag:s29] =	ssyncadd.s32 $0xFFFFFFFF  }
0xbd: {  	_ =	strace $0x90000048  }
0xbe: {  	_ =	sfence  }
0xbf: {  	s30 =	sld [smem:$0x0];
	_ =	sdelay $0x2  }
0xc0: {  	s31 =	sshll.u32 s1, $0xD;
	s1 =	sshrl.u32 s1, $0x2  }
0xc1: {  	s3 =	sand.u32 $0x4000, s31;
	s1 =	sadd.s32 s1, s30  }
0xc2: {  	s0 =	sor.u32 s3, s0;
	s1 =	sshll.u32 s1, $0x11  }
0xc3: {  	s0 =	sor.u32 s1, s0  }
0xc4: {  	s0 =	sadd.s32 $0x8F2B, s0  }
0xc5: {  	[sflag:s0] =	ssyncadd.remote.s32 $0x1  }
0xc6: {  	_ =	sfence.sel $0xFFFF  }
0xc7: {  	[dreg:$0x0] =	wrdreg $0xFFFFFFFF;
	(pc) =	sbr.abs _section_cstart, $3  }
0xc8: {  	[dreg:$0x1] =	wrdreg $0xFFFFFFFF  }
0xc9: {  	_ =	task.clear_ibuf [dreg:s9], $0x2FFFF;
	_ =	strace $0x9FFFFFFF  }
0xca: {  	(tm) =	ssettm $0x7FFFFFFF  }
0xcb: {  	_ =	shalt  }
tec
execute0_lowered:
.L_overlay_start_1:
0x0: {  	(tag) =	ssettag $0x1  }
0x1: {  	s6 =	rddreg [dreg:$0x0]  }
0x2: {  	s1 =	rddreg [dreg:$0x1]  }
0x3: {  	s2 =	rddreg [dreg:$0x2]  }
0x4: {  	s9 =	rddreg [dreg:$0x3]  }
0x5: {  	s0 =	rddreg [dreg:$0x4];
	s3 =	simm.s32 $0x0  }
0x6: {  	s5 =	srdreg.scid;
	s4 =	stileid.u32;
	s12 =	simm.s32 $0x2  }
0x7: {  	s13 =	simm.s32 $0x100;
	s14 =	simm.s32 $0x4200;
	s15 =	simm.s32 $0x4280  }
0x8: {  	s16 =	simm.s32 $0x4300;
	s17 =	simm.s32 $0x1;
	s18 =	simm.s32 $0x4380  }
0x9: {  	vm0 =	vmmov $0x1;
	v0 =	vimm.s32 $0x0;
	s19 =	simm.s32 $0x0;
	[smem:$0x7FF] =	sst s3;
	s5 =	sand.u32 $0x1, s5  }
.Ltmp0:
0xa: {  	v0 =	vsel vm0, $0xFFFFFFFF, v0;
	s8 =	sshll.u32 s4, $0x6;
	s7 =	ssub.s32 $0x2, s5;
	(pc) =	sbr.rel .LBB2_1-.Ltmp0, $4  }
0xb: {  	[tilespmem:$0x1FFF0] =	vst v0;
	s10 =	sshll.u32 s5, $0x5;
	s5 =	sadd.s32 $0x800, s6;
	s6 =	sadd.s32 $0xC00, s6  }
0xc: {  	_ =	strace $0x80000047;
	s11 =	sshrl.u32 s7, $0x1;
	s10 =	sor.u32 s10, s8  }
0xd: {  	s11 =	ssub.s32 s7, s11;
	s7 =	sadd.s32 s5, s10;
	s8 =	sadd.s32 s1, s10  }
0xe: {  	v6 =	vimm.s32 $0x0;
	s9 =	sadd.s32 s9, s10;
	s10 =	smax.u32 s11, $0x1;
	s11 =	simm.s32 $0x200  }
.LBB2_6:
0xf: {  	s19 =	sadd.s32 $0x1, s19  }
0x10: {  	p0 =	sne.s32 s19, s10  }
.Ltmp1:
0x11: {  	_ = 	snop;
	(pc) =	sbr.rel @!p0 .LBB2_7-.Ltmp1, $4  }
0x12: {  	[hbm4b:s9+s3] =	stream.linear.scatter [tilespmem:s18], [sflag:$0x2], $0x100, $0x38;
	[tilespmem:$0x4480] =	vst v63  }
0x13: {  	_ =	swait.ge [sflag:s12], $0x100  }
0x14: {  	[sflag:s12] =	ssyncset.done $0x0  }
0x15: {  	[sflag:s12] =	ssyncadd.s32 $0xFFFFFF00  }
.LBB2_1:
0x16: {  	[tilespmem:s11], [sflag:$0x1] =	stream.linear.gather [hbm4b:s2+s3], $0x4000, $0x38;
	[tilespmem:$0x4480] =	vst v63  }
0x17: {  	_ = 	snop  }
0x18: {  	[tilespmem:s3], [sflag:$0x2] =	stream.linear.gather [hbm4b:s7+s3], $0x100, $0x38;
	[tilespmem:$0x4480] =	vst v63  }
0x19: {  	_ =	swait.ge [sflag:s12], $0x100  }
0x1a: {  	[sflag:s12] =	ssyncset.done $0x0  }
0x1b: {  	[sflag:s12] =	ssyncadd.s32 $0xFFFFFF00  }
0x1c: {  	[tilespmem:s13], [sflag:$0x2] =	stream.linear.gather [hbm4b:s8+s3], $0x100, $0x38;
	[tilespmem:$0x4480] =	vst v63  }
0x1d: {  	_ =	swait.ge [sflag:s12], $0x100  }
0x1e: {  	[sflag:s12] =	ssyncset.done $0x0  }
0x1f: {  	[sflag:s12] =	ssyncadd.s32 $0xFFFFFF00  }
0x20: {  	[tilespmem:s14], [sflag:$0x2] =	stream.linear.gather [hbm4b:s6+s3], $0x80, $0x38;
	[tilespmem:$0x4480] =	vst v63  }
0x21: {  	_ =	swait.ge [sflag:s12], $0x80  }
0x22: {  	[sflag:s12] =	ssyncset.done $0x0  }
0x23: {  	[sflag:s12] =	ssyncadd.s32 $0xFFFFFF80  }
0x24: {  	[tilespmem:s15], [sflag:$0x2] =	stream.linear.gather [hbm4b:s5+s3], $0x10, $0x38;
	[tilespmem:$0x4480] =	vst v63  }
0x25: {  	_ =	swait.ge [sflag:s12], $0x10  }
0x26: {  	[sflag:s12] =	ssyncset.done $0x0  }
0x27: {  	[sflag:s12] =	ssyncadd.s32 $0xFFFFFFF0  }
0x28: {  	[tilespmem:s16], [sflag:$0x2] =	stream.linear.gather [hbm4b:s1+s3], $0x10, $0x38;
	[tilespmem:$0x4480] =	vst v63  }
0x29: {  	_ =	swait.ge [sflag:s12], $0x10  }
0x2a: {  	[sflag:s12] =	ssyncset.done $0x0  }
0x2b: {  	v2 =	vld [tilespmem:$0x1FFF0];
	[sflag:s12] =	ssyncadd.s32 $0xFFFFFFF0  }
0x2c: {  	v0 =	vld [tilespmem:$0x4280];
	_ =	sdelay $0x1  }
0x2d: {  	v1 =	vld [tilespmem:$0x4300];
	_ =	sdelay $0x1  }
0x2e: {  	vm0 =	vnez.u8 v2  }
0x2f: {  	vm1 =	vcmask $0x308;
	v2 =	vnsel vm0, $0xFF7FC99E, v0  }
0x30: {  	v0 =	vsel vm1, $0xFF7FC99E, v0;
	(xrf0) =	vmax.scan.msk.f32 $0xffff, v2  }
0x31: {  	v57 =	vnsel vm0, $0xFF7FC99E, v1;
	(xrf0) =	vmax.scan.msk.f32 $0xffff, v0  }
0x32: {  	v58 =	vsel vm1, $0xFF7FC99E, v1;
	(xrf0) =	vmax.scan.msk.f32 $0xffff, v57  }
0x33: {  	(xrf0) =	vmax.scan.msk.f32 $0xffff, v58;
	_ =	sdelay $0x2  }
0x34: {  	v59, _, _ =	vpop (xrf0)  }
0x35: {  	v60, _, _ =	vpop (xrf0);
	(v2sf) =	vpush v59, $0xF  }
0x36: {  	v61, _, _ =	vpop (xrf0);
	(v2sf) =	vpush v60, $0xF  }
0x37: {  	(v2sf) =	vpush v61, $0xF;
	v62, _, _ =	vpop (xrf0)  }
0x38: {  	(v2sf) =	vpush v62, $0xF;
	_ =	sdelay $0xb  }
0x39: {  	s20 =	spop (v2sf)  }
0x3a: {  	s21 =	spop (v2sf)  }
0x3b: {  	s22 =	spop (v2sf)  }
0x3c: {  	s20 =	ssub.f32 s20, s21;
	s23 =	spop (v2sf)  }
0x3d: {  	s31 =	ssub.f32 s22, s23  }
0x3e: {  	s20 =	smul.f32 s20, s20  }
0x3f: {  	s21 =	smul.f32 s31, s31;
	_ =	sdelay $0x1  }
0x40: {  	s20 =	sadd.f32 s21, s20;
	_ =	sdelay $0x1  }
0x41: {  	v63 =	vmov s20  }
0x42: {  	(erf) = vrcp.f32 v63;
	_ =	sdelay $0x8  }
.Ltmp2:
0x43: {  	v0 =	vpop (erf);
	(pc) =	sbr.rel .LBB2_2-.Ltmp2, $4  }
0x44: {  	[tilespmem:$0x1FFE0] =	vst v0  }
0x45: {  	_ =	swait.ge [sflag:s17], $0x4000  }
0x46: {  	[sflag:s17] =	ssyncset.done $0x0  }
0x47: {  	p0 =	sgt.f32 s20, $1.587203150e-02;
	s20 =	simm.s32 $0x0;
	[sflag:s17] =	ssyncadd.s32 $0xFFFFC000  }
.LBB2_4:
0x48: {  	v20 =	vmul.f32 v51, v56  }
0x49: {  	v26 =	vshra.s32 v16, $0x1;
	v50 =	vmul.f32 $5.000000000e-01, v16;
	v49 =	vmul.f32 v49, v58  }
0x4a: {  	v48 =	vmul.f32 v48, v58;
	vm0 =	vgt.f32 v57, $1.000000000e+00;
	v47 =	vmul.f32 v47, v58  }
0x4b: {  	vm1 =	vlt.f32 v57, $4.000000000e+00;
	v46 =	vmul.f32 v46, v58;
	v44 =	vmul.f32 v44, v58  }
0x4c: {  	v43 =	vmul.f32 v43, v58;
	v26 =	vsub.s32 $0x5F3759DF, v26;
	v20 =	vmul.f32 v20, v51  }
0x4d: {  	vm12 =	vlt.f32 v57, $1.000000000e+00;
	v42 =	vmul.f32 v42, v58;
	v52 =	vmul.f32 v26, v50  }
0x4e: {  	v41 =	vmul.f32 v41, v58;
	v39 =	vmul.f32 v39, v58;
	v20 =	vsub.f32 $1.500000000e+00, v20  }
0x4f: {  	vm13 =	vgt.f32 v16, $1.000000000e+00;
	v37 =	vmul.f32 v37, v58;
	v52 =	vmul.f32 v26, v52  }
0x50: {  	v61 =	vshra.s32 v49, $0x1;
	v62 =	vmul.f32 $5.000000000e-01, v49;
	v20 =	vmul.f32 v20, v51  }
0x51: {  	v36 =	vmul.f32 v36, v58;
	v60 =	vsub.f32 $1.500000000e+00, v52;
	v51 =	vsub.s32 $0x5F3759DF, v61  }
0x52: {  	vm14 =	vlt.f32 v16, $4.000000000e+00;
	v55 =	vmul.f32 v51, v62;
	v20 =	vmul.f32 v20, v57  }
0x53: {  	vm15 =	vlt.f32 v16, $1.000000000e+00;
	v27 =	vmul.f32 v27, v58;
	v26 =	vmul.f32 v26, v60  }
0x54: {  	v28 =	vld [tilespmem:$0x1F680];
	vm0 =	vmand vm0, vm1;
	v55 =	vmul.f32 v51, v55;
	v53 =	vmul.f32 $5.000000000e-01, v20  }
0x55: {  	v63 =	vld [tilespmem:$0x1F610];
	v31 =	vshra.s32 v48, $0x1;
	v50 =	vmul.f32 v26, v50;
	v54 =	vmul.f32 $1.500000000e+00, v20  }
0x56: {  	v20 =	vmul.f32 $4.000000000e+00, v20;
	v55 =	vsub.f32 $1.500000000e+00, v55;
	v53 =	vsub.f32 $2.500000000e+00, v53  }
0x57: {  	vm1 =	vgt.f32 v48, $1.000000000e+00;
	v54 =	vadd.f32 $-2.500000000e+00, v54;
	v50 =	vmul.f32 v50, v26  }
0x58: {  	v20 =	vsub.f32 $2.000000000e+00, v20;
	v29 =	vmul.f32 v51, v55;
	v53 =	vmul.f32 v53, v57  }
0x59: {  	vm10 =	vlt.u32 v28, $0x9;
	v54 =	vmul.f32 v54, v57;
	v50 =	vsub.f32 $1.500000000e+00, v50  }
0x5a: {  	vm11 =	vlt.u32 v63, $0x9;
	v63 =	vld [tilespmem:$0x1F5F0];
	v52 =	vmul.f32 v29, v62;
	v20 =	vadd.f32 v53, v20  }
0x5b: {  	v26 =	vmul.f32 v50, v26;
	v30 =	vadd.f32 $1.000000000e+00, v54;
	v54 =	vmul.f32 $5.000000000e-01, v48  }
0x5c: {  	v53 =	vsub.s32 $0x5F3759DF, v31;
	v31 =	vmul.f32 $5.000000000e-01, v47;
	v35 =	vmul.f32 v52, v29  }
0x5d: {  	v26 =	vmul.f32 v26, v16;
	v33 =	vmul.f32 v53, v54;
	v20 =	vnsel vm0, $0x0, v20  }
0x5e: {  	vm0 =	vmand vm13, vm14;
	vm13 =	vgt.f32 v49, $1.000000000e+00;
	v20 =	vsel vm12, v30, v20  }
0x5f: {  	v51 =	vsub.f32 $1.500000000e+00, v35;
	vm12 =	vlt.u32 v63, $0x9;
	v63 =	vmul.f32 $5.000000000e-01, v46  }
0x60: {  	vm14 =	vlt.f32 v49, $4.000000000e+00;
	v34 =	vmul.f32 $5.000000000e-01, v26;
	v60 =	vmul.f32 v53, v33  }
0x61: {  	v30 =	vshra.s32 v47, $0x1;
	v62 =	vmul.f32 $1.500000000e+00, v26;
	v50 =	vmul.f32 v51, v29  }
0x62: {  	v26 =	vmul.f32 $4.000000000e+00, v26;
	v61 =	vsub.f32 $2.500000000e+00, v34;
	v52 =	vsub.f32 $1.500000000e+00, v60  }
0x63: {  	v20 =	vmul.f32 v20, v25;
	v56 =	vadd.f32 $-2.500000000e+00, v62;
	v50 =	vmul.f32 v50, v49  }
0x64: {  	v26 =	vsub.f32 $2.000000000e+00, v26;
	v55 =	vmul.f32 v61, v16;
	v28 =	vmul.f32 v53, v52  }
0x65: {  	v29 =	vmul.f32 v56, v16;
	v53 =	vsub.s32 $0x5F3759DF, v30;
	v33 =	vmul.f32 $5.000000000e-01, v50  }
0x66: {  	v62 =	vshra.s32 v46, $0x1;
	v35 =	vmul.f32 v53, v31;
	v60 =	vmul.f32 $4.000000000e+00, v50  }
0x67: {  	v50 =	vmul.f32 $1.500000000e+00, v50;
	v26 =	vadd.f32 v55, v26;
	v52 =	vadd.f32 $1.000000000e+00, v29  }
0x68: {  	v54 =	vmul.f32 v28, v54;
	v56 =	vsub.f32 $2.500000000e+00, v33;
	v57 =	vsub.f32 $2.000000000e+00, v60  }
0x69: {  	v50 =	vadd.f32 $-2.500000000e+00, v50;
	v60 =	vshra.s32 v44, $0x1;
	v34 =	vnsel vm0, $0x0, v26  }
0x6a: {  	v54 =	vmul.f32 v54, v28;
	v26 =	vmul.f32 v53, v35;
	vm0 =	vmand vm13, vm14  }
0x6b: {  	vm13 =	vlt.f32 v48, $4.000000000e+00;
	vm14 =	vlt.f32 v47, $1.000000000e+00;
	v56 =	vmul.f32 v56, v49  }
0x6c: {  	v16 =	vsel vm15, v52, v34;
	v54 =	vsub.f32 $1.500000000e+00, v54;
	v26 =	vsub.f32 $1.500000000e+00, v26  }
0x6d: {  	v50 =	vmul.f32 v50, v49;
	vm15 =	vlt.f32 v49, $1.000000000e+00;
	vm1 =	vmand vm1, vm13  }
0x6e: {  	v51 =	vmul.f32 v54, v28;
	v26 =	vmul.f32 v53, v26;
	v53 =	vsub.s32 $0x5F3759DF, v62  }
0x6f: {  	v16 =	vmul.f32 v16, v22;
	v61 =	vadd.f32 v56, v57;
	v29 =	vmul.f32 v53, v63  }
0x70: {  	vm13 =	vlt.f32 v47, $4.000000000e+00;
	v51 =	vmul.f32 v51, v48;
	v55 =	vmul.f32 v26, v31  }
0x71: {  	v50 =	vadd.f32 $1.000000000e+00, v50;
	v30 =	vnsel vm0, $0x0, v61;
	v57 =	vmul.f32 v53, v29  }
0x72: {  	vm0 =	vlt.f32 v48, $1.000000000e+00;
	v28 =	vmul.f32 $5.000000000e-01, v51;
	v55 =	vmul.f32 v55, v26  }
0x73: {  	v31 =	vmul.f32 $4.000000000e+00, v51;
	v51 =	vmul.f32 $1.500000000e+00, v51;
	v57 =	vsub.f32 $1.500000000e+00, v57  }
0x74: {  	v61 =	vmul.f32 $5.000000000e-01, v44;
	v56 =	vsub.f32 $2.500000000e+00, v28;
	v55 =	vsub.f32 $1.500000000e+00, v55  }
0x75: {  	v22 =	vsel vm15, v50, v30;
	v33 =	vadd.f32 $-2.500000000e+00, v51;
	v35 =	vmul.f32 v53, v57  }
0x76: {  	v52 =	vsub.f32 $2.000000000e+00, v31;
	v56 =	vmul.f32 v56, v48;
	v26 =	vmul.f32 v55, v26  }
0x77: {  	vm15 =	vlt.f32 v46, $4.000000000e+00;
	v49 =	vmul.f32 v33, v48;
	v59 =	vmul.f32 v35, v63  }
0x78: {  	v22 =	vmul.f32 v22, v19;
	v33 =	vld [tilespmem:$0x1F5C0];
	v34 =	vadd.f32 v56, v52;
	v26 =	vmul.f32 v26, v47  }
0x79: {  	v49 =	vadd.f32 $1.000000000e+00, v49;
	v52 =	vsub.s32 $0x5F3759DF, v60;
	v48 =	vmul.f32 v59, v35  }
0x7a: {  	v63 =	vmul.f32 v52, v61;
	v62 =	vmul.f32 $5.000000000e-01, v26;
	v50 =	vnsel vm1, $0x0, v34  }
0x7b: {  	v28 =	vmul.f32 $1.500000000e+00, v26;
	v26 =	vmul.f32 $4.000000000e+00, v26;
	vm1 =	vgt.f32 v47, $1.000000000e+00  }
0x7c: {  	v48 =	vsub.f32 $1.500000000e+00, v48;
	v55 =	vmul.f32 v52, v63;
	v49 =	vsel vm0, v49, v50  }
0x7d: {  	vm0 =	vlt.u32 v33, $0x9;
	vm1 =	vmand vm1, vm13;
	v54 =	vsub.f32 $2.500000000e+00, v62  }
0x7e: {  	v63 =	vld [tilespmem:$0x1F5A0];
	v29 =	vadd.f32 $-2.500000000e+00, v28;
	v26 =	vsub.f32 $2.000000000e+00, v26;
	v28 =	vshra.s32 v43, $0x1  }
0x7f: {  	v49 =	vmul.f32 v49, v11;
	v11 =	vnsel vm12, $0x0, v22;
	v48 =	vmul.f32 v48, v35  }
0x80: {  	v31 =	vsub.f32 $1.500000000e+00, v55;
	v33 =	vsub.s32 $0x5F3759DF, v28;
	v30 =	vmul.f32 v54, v47  }
0x81: {  	v50 =	vmul.f32 v29, v47;
	v29 =	vmul.f32 $5.000000000e-01, v43;
	v22 =	vnsel vm11, $0x0, v49  }
0x82: {  	vm11 =	vlt.f32 v46, $1.000000000e+00;
	v34 =	vmul.f32 v48, v46;
	v35 =	vmul.f32 v52, v31  }
0x83: {  	v11 =	vadd.f32 v11, v22;
	vm13 =	vlt.u32 v63, $0x9;
	v63 =	vmul.f32 $5.000000000e-01, v42  }
0x84: {  	v26 =	vadd.f32 v30, v26;
	v57 =	vmul.f32 $5.000000000e-01, v34;
	v61 =	vmul.f32 v35, v61  }
0x85: {  	v59 =	vadd.f32 $1.000000000e+00, v50;
	v62 =	vmul.f32 $4.000000000e+00, v34;
	v30 =	vmul.f32 $1.500000000e+00, v34  }
0x86: {  	v34 =	vmul.f32 v33, v29;
	v19 =	vnsel vm13, $0x0, v20;
	v20 =	vnsel vm0, $0x0, v16  }
0x87: {  	vm13 =	vgt.f32 v44, $1.000000000e+00;
	v26 =	vnsel vm1, $0x0, v26;
	v19 =	vadd.f32 v20, v19  }
0x88: {  	v60 =	vsub.f32 $2.500000000e+00, v57;
	v26 =	vsel vm14, v59, v26;
	v51 =	vmul.f32 v61, v35  }
0x89: {  	v47 =	vsub.f32 $2.000000000e+00, v62;
	v55 =	vmul.f32 v33, v34;
	vm14 =	vgt.f32 v46, $1.000000000e+00  }
0x8a: {  	v62 =	vshra.s32 v42, $0x1;
	vm0 =	vmand vm14, vm15;
	v31 =	vsub.f32 $1.500000000e+00, v51  }
0x8b: {  	v23 =	vmul.f32 v26, v23;
	v50 =	vmul.f32 v60, v46;
	v16 =	vsub.f32 $1.500000000e+00, v55  }
0x8c: {  	vm14 =	vlt.f32 v44, $4.000000000e+00;
	v48 =	vmul.f32 v31, v35;
	v35 =	vadd.f32 $-2.500000000e+00, v30  }
0x8d: {  	vm15 =	vlt.f32 v44, $1.000000000e+00;
	v60 =	vld [tilespmem:$0x1F650];
	v47 =	vadd.f32 v50, v47;
	v16 =	vmul.f32 v33, v16  }
0x8e: {  	v11 =	vadd.f32 v11, v19;
	v55 =	vshra.s32 v41, $0x1;
	v56 =	vmul.f32 v35, v46  }
0x8f: {  	v48 =	vmul.f32 v48, v44;
	v47 =	vnsel vm0, $0x0, v47;
	v61 =	vmul.f32 v16, v29  }
0x90: {  	vm0 =	vmand vm13, vm14;
	vm13 =	vlt.f32 v43, $1.000000000e+00;
	vm14 =	vgt.f32 v42, $1.000000000e+00  }
0x91: {  	v57 =	vadd.f32 $1.000000000e+00, v56;
	v59 =	vmul.f32 $1.500000000e+00, v48;
	v28 =	vmul.f32 $5.000000000e-01, v48  }
0x92: {  	vm12 =	vlt.u32 v60, $0x9;
	v51 =	vmul.f32 v61, v16;
	v48 =	vmul.f32 $4.000000000e+00, v48  }
0x93: {  	v60 =	vld [tilespmem:$0x1F6A0];
	v56 =	vmul.f32 $5.000000000e-01, v41;
	v26 =	vsel vm11, v57, v47;
	v46 =	vadd.f32 $-2.500000000e+00, v59  }
0x94: {  	v47 =	vsub.s32 $0x5F3759DF, v62;
	v50 =	vsub.f32 $2.500000000e+00, v28;
	v51 =	vsub.f32 $1.500000000e+00, v51  }
0x95: {  	v48 =	vsub.f32 $2.000000000e+00, v48;
	v59 =	vsub.s32 $0x5F3759DF, v55;
	v26 =	vmul.f32 v26, v21  }
0x96: {  	vm11 =	vlt.f32 v43, $4.000000000e+00;
	v29 =	vmul.f32 v47, v63;
	v46 =	vmul.f32 v46, v44  }
0x97: {  	v21 =	vnsel vm12, $0x0, v23;
	v50 =	vmul.f32 v50, v44;
	v16 =	vmul.f32 v51, v16  }
0x98: {  	vm12 =	vlt.u32 v60, $0x9;
	v23 =	vnsel vm10, $0x0, v26;
	v31 =	vmul.f32 v47, v29  }
0x99: {  	vm10 =	vgt.f32 v43, $1.000000000e+00;
	v30 =	vadd.f32 $1.000000000e+00, v46;
	v16 =	vmul.f32 v16, v43  }
0x9a: {  	v48 =	vadd.f32 v50, v48;
	v50 =	vmul.f32 v59, v56;
	vm1 =	vmand vm10, vm11  }
0x9b: {  	vm10 =	vlt.f32 v42, $1.000000000e+00;
	v46 =	vsub.f32 $1.500000000e+00, v31;
	v35 =	vmul.f32 $1.500000000e+00, v16  }
0x9c: {  	vm11 =	vgt.f32 v41, $1.000000000e+00;
	v54 =	vmul.f32 $5.000000000e-01, v16;
	v16 =	vmul.f32 $4.000000000e+00, v16  }
0x9d: {  	v34 =	vnsel vm0, $0x0, v48;
	v50 =	vmul.f32 v59, v50;
	v33 =	vmul.f32 v47, v46  }
0x9e: {  	v26 =	vsel vm15, v30, v34;
	vm15 =	vlt.f32 v42, $4.000000000e+00;
	v57 =	vadd.f32 $-2.500000000e+00, v35  }
0x9f: {  	v48 =	vsub.f32 $2.500000000e+00, v54;
	v16 =	vsub.f32 $2.000000000e+00, v16;
	v26 =	vmul.f32 v26, v45  }
0xa0: {  	v61 =	vsub.f32 $1.500000000e+00, v50;
	v45 =	vmul.f32 v40, v58;
	v49 =	vmul.f32 v33, v63  }
0xa1: {  	vm0 =	vmand vm14, vm15;
	v48 =	vmul.f32 v48, v43;
	v46 =	vmul.f32 v57, v43  }
0xa2: {  	v63 =	vmul.f32 v59, v61;
	v28 =	vshra.s32 v45, $0x1;
	v29 =	vmul.f32 $5.000000000e-01, v45  }
0xa3: {  	v57 =	vmul.f32 $5.000000000e-01, v39;
	v49 =	vmul.f32 v49, v33;
	v47 =	vsub.s32 $0x5F3759DF, v28  }
0xa4: {  	v16 =	vadd.f32 v48, v16;
	v62 =	vadd.f32 $1.000000000e+00, v46;
	v31 =	vmul.f32 v63, v56  }
0xa5: {  	v34 =	vmul.f32 v47, v29;
	v56 =	vshra.s32 v39, $0x1;
	v49 =	vsub.f32 $1.500000000e+00, v49  }
0xa6: {  	v46 =	vsub.s32 $0x5F3759DF, v56;
	v16 =	vnsel vm1, $0x0, v16;
	v50 =	vmul.f32 v31, v63  }
0xa7: {  	v51 =	vmul.f32 v47, v34;
	v60 =	vmul.f32 v46, v57;
	v16 =	vsel vm13, v62, v16  }
0xa8: {  	v25 =	vnsel vm12, $0x0, v26;
	v44 =	vmul.f32 v49, v33;
	v40 =	vmul.f32 v16, v14  }
0xa9: {  	v52 =	vsub.f32 $1.500000000e+00, v50;
	v53 =	vsub.f32 $1.500000000e+00, v51;
	v50 =	vmul.f32 v46, v60  }
0xaa: {  	vm12 =	vlt.f32 v41, $4.000000000e+00;
	v51 =	vmul.f32 v38, v58;
	v44 =	vmul.f32 v44, v42  }
0xab: {  	vm14 =	vgt.f32 v45, $1.000000000e+00;
	v54 =	vmul.f32 v52, v63;
	v55 =	vmul.f32 v47, v53  }
0xac: {  	vm15 =	vlt.f32 v45, $4.000000000e+00;
	v31 =	vmul.f32 $5.000000000e-01, v51;
	v30 =	vmul.f32 $1.500000000e+00, v44  }
0xad: {  	vm13 =	vlt.f32 v41, $1.000000000e+00;
	v33 =	vmul.f32 $5.000000000e-01, v44;
	v26 =	vmul.f32 v54, v41  }
0xae: {  	v44 =	vmul.f32 $4.000000000e+00, v44;
	v48 =	vmul.f32 v55, v29;
	v29 =	vsub.f32 $1.500000000e+00, v50  }
0xaf: {  	v49 =	vadd.f32 $-2.500000000e+00, v30;
	v43 =	vsub.f32 $2.500000000e+00, v33;
	v59 =	vmul.f32 $1.500000000e+00, v26  }
0xb0: {  	v44 =	vsub.f32 $2.000000000e+00, v44;
	v61 =	vmul.f32 v48, v55;
	v63 =	vmul.f32 $5.000000000e-01, v26  }
0xb1: {  	v30 =	vshra.s32 v51, $0x1;
	v46 =	vmul.f32 v46, v29;
	v26 =	vmul.f32 $4.000000000e+00, v26  }
0xb2: {  	v35 =	vmul.f32 v49, v42;
	v43 =	vmul.f32 v43, v42;
	v62 =	vadd.f32 $-2.500000000e+00, v59  }
0xb3: {  	v42 =	vsub.f32 $1.500000000e+00, v61;
	v28 =	vsub.f32 $2.500000000e+00, v63;
	v47 =	vmul.f32 v46, v57  }
0xb4: {  	v26 =	vsub.f32 $2.000000000e+00, v26;
	v61 =	vshra.s32 v37, $0x1;
	v43 =	vadd.f32 v43, v44  }
0xb5: {  	v44 =	vsub.s32 $0x5F3759DF, v30;
	v14 =	vmul.f32 v62, v41;
	v42 =	vmul.f32 v42, v55  }
0xb6: {  	v16 =	vadd.f32 $1.000000000e+00, v35;
	v48 =	vmul.f32 v28, v41;
	v33 =	vmul.f32 v44, v31  }
0xb7: {  	v47 =	vmul.f32 v47, v46;
	v62 =	vmul.f32 $5.000000000e-01, v37;
	v43 =	vnsel vm0, $0x0, v43  }
0xb8: {  	vm0 =	vmand vm11, vm12;
	vm11 =	vgt.f32 v39, $1.000000000e+00;
	vm12 =	vlt.f32 v39, $4.000000000e+00  }
0xb9: {  	v16 =	vsel vm10, v16, v43;
	v38 =	vadd.f32 $1.000000000e+00, v14;
	v42 =	vmul.f32 v42, v45  }
0xba: {  	v43 =	vmul.f32 v44, v33;
	v26 =	vadd.f32 v48, v26;
	v14 =	vsub.s32 $0x5F3759DF, v61  }
0xbb: {  	v47 =	vsub.f32 $1.500000000e+00, v47;
	vm10 =	vlt.f32 v45, $1.000000000e+00;
	v28 =	vmul.f32 v14, v62  }
0xbc: {  	v16 =	vmul.f32 v16, v32;
	v34 =	vmul.f32 $1.500000000e+00, v42;
	v43 =	vsub.f32 $1.500000000e+00, v43  }
0xbd: {  	v52 =	vmul.f32 $5.000000000e-01, v42;
	v26 =	vnsel vm0, $0x0, v26;
	v46 =	vmul.f32 v47, v46  }
0xbe: {  	v56 =	vmul.f32 $4.000000000e+00, v42;
	vm0 =	vmand vm14, vm15;
	vm14 =	vlt.f32 v51, $4.000000000e+00  }
0xbf: {  	v38 =	vsel vm13, v38, v26;
	v35 =	vadd.f32 $-2.500000000e+00, v34;
	v53 =	vmul.f32 v44, v43  }
0xc0: {  	v55 =	vsub.f32 $2.500000000e+00, v52;
	v46 =	vmul.f32 v46, v39;
	v8 =	vmul.f32 v38, v8  }
0xc1: {  	vm15 =	vlt.f32 v39, $1.000000000e+00;
	v54 =	vmul.f32 v35, v45;
	v57 =	vmul.f32 v53, v31  }
0xc2: {  	vm13 =	vgt.f32 v51, $1.000000000e+00;
	v44 =	vmul.f32 v55, v45;
	v59 =	vmul.f32 $1.500000000e+00, v46  }
0xc3: {  	v26 =	vsub.f32 $2.000000000e+00, v56;
	v63 =	vmul.f32 $5.000000000e-01, v46;
	v30 =	vmul.f32 $4.000000000e+00, v46  }
0xc4: {  	v45 =	vmul.f32 v14, v28;
	v55 =	vmul.f32 $5.000000000e-01, v36;
	v43 =	vadd.f32 $1.000000000e+00, v54  }
0xc5: {  	v42 =	vmul.f32 v57, v53;
	v26 =	vadd.f32 v44, v26;
	v60 =	vadd.f32 $-2.500000000e+00, v59  }
0xc6: {  	v29 =	vsub.f32 $2.500000000e+00, v63;
	v45 =	vsub.f32 $1.500000000e+00, v45;
	v54 =	vshra.s32 v36, $0x1  }
0xc7: {  	v48 =	vsub.s32 $0x5F3759DF, v54;
	v42 =	vsub.f32 $1.500000000e+00, v42;
	v26 =	vnsel vm0, $0x0, v26  }
0xc8: {  	v44 =	vmul.f32 v60, v39;
	v31 =	vmul.f32 v29, v39;
	vm0 =	vmand vm11, vm12  }
0xc9: {  	v56 =	vmul.f32 v48, v55;
	vm11 =	vgt.f32 v37, $1.000000000e+00;
	v41 =	vmul.f32 v42, v53  }
0xca: {  	vm12 =	vlt.f32 v37, $4.000000000e+00;
	v26 =	vsel vm10, v43, v26;
	v43 =	vsub.f32 $2.000000000e+00, v30  }
0xcb: {  	v54 =	vld [tilespmem:$0x1FB00];
	vm10 =	vlt.f32 v51, $1.000000000e+00;
	vm1 =	vmand vm11, vm12;
	v41 =	vmul.f32 v41, v51  }
0xcc: {  	vm11 =	vlt.f32 v36, $4.000000000e+00;
	v42 =	vmul.f32 v14, v45;
	v60 =	vmul.f32 v48, v56  }
0xcd: {  	v63 =	vld [tilespmem:$0x1F730];
	v44 =	vadd.f32 $1.000000000e+00, v44;
	v26 =	vmul.f32 v26, v7;
	v34 =	vmul.f32 $5.000000000e-01, v41  }
0xce: {  	v43 =	vadd.f32 v31, v43;
	v53 =	vmul.f32 v42, v62;
	v33 =	vmul.f32 $1.500000000e+00, v41  }
0xcf: {  	v61 =	vsub.f32 $1.500000000e+00, v60;
	v62 =	vld [tilespmem:$0x1FAA0];
	v41 =	vmul.f32 $4.000000000e+00, v41;
	v52 =	vsub.f32 $2.500000000e+00, v34  }
0xd0: {  	v49 =	vmul.f32 v54, v58;
	v54 =	vld [tilespmem:$0x1F700];
	v43 =	vnsel vm0, $0x0, v43;
	v47 =	vadd.f32 $-2.500000000e+00, v33  }
0xd1: {  	vm0 =	vmand vm13, vm14;
	v41 =	vsub.f32 $2.000000000e+00, v41;
	v46 =	vmul.f32 v52, v51  }
0xd2: {  	vm13 =	vlt.u32 v63, $0x9;
	v35 =	vmul.f32 v47, v51;
	v47 =	vmul.f32 v53, v42  }
0xd3: {  	vm14 =	vlt.f32 v37, $1.000000000e+00;
	v43 =	vsel vm15, v44, v43;
	v41 =	vadd.f32 v46, v41  }
0xd4: {  	v57 =	vsub.f32 $1.500000000e+00, v47;
	v59 =	vadd.f32 $1.000000000e+00, v35;
	v35 =	vmul.f32 v62, v58  }
0xd5: {  	v3 =	vmul.f32 v43, v3;
	vm15 =	vlt.u32 v54, $0x9;
	v51 =	vmul.f32 $5.000000000e-01, v49  }
0xd6: {  	v41 =	vnsel vm0, $0x0, v41;
	v42 =	vmul.f32 v57, v42;
	v30 =	vshra.s32 v35, $0x1  }
0xd7: {  	v31 =	vmul.f32 $5.000000000e-01, v35;
	v39 =	vsel vm10, v59, v41;
	v41 =	vmul.f32 v48, v61  }
0xd8: {  	v57 =	vshra.s32 v49, $0x1;
	v47 =	vsub.s32 $0x5F3759DF, v30;
	v42 =	vmul.f32 v42, v37  }
0xd9: {  	v50 =	vsub.s32 $0x5F3759DF, v57;
	v56 =	vmul.f32 v47, v31;
	v29 =	vmul.f32 v41, v55  }
0xda: {  	vm10 =	vgt.f32 v36, $1.000000000e+00;
	v59 =	vmul.f32 v50, v51;
	v28 =	vmul.f32 $5.000000000e-01, v42  }
0xdb: {  	vm0 =	vmand vm10, vm11;
	v14 =	vmul.f32 $1.500000000e+00, v42;
	v55 =	vmul.f32 v29, v41  }
0xdc: {  	v42 =	vmul.f32 $4.000000000e+00, v42;
	v46 =	vmul.f32 v47, v56;
	v34 =	vsub.f32 $2.500000000e+00, v28  }
0xdd: {  	v62 =	vmul.f32 v50, v59;
	v44 =	vadd.f32 $-2.500000000e+00, v14;
	v45 =	vsub.f32 $1.500000000e+00, v55  }
0xde: {  	v42 =	vsub.f32 $2.000000000e+00, v42;
	v60 =	vsub.f32 $1.500000000e+00, v46;
	v34 =	vmul.f32 v34, v37  }
0xdf: {  	vm10 =	vlt.f32 v35, $4.000000000e+00;
	v44 =	vmul.f32 v44, v37;
	v41 =	vmul.f32 v45, v41  }
0xe0: {  	v63 =	vmul.f32 v47, v60;
	v61 =	vadd.f32 v34, v42;
	v34 =	vsub.f32 $1.500000000e+00, v62  }
0xe1: {  	v0 =	vmul.f32 v39, v0;
	v44 =	vadd.f32 $1.000000000e+00, v44;
	v41 =	vmul.f32 v41, v36  }
0xe2: {  	v53 =	vmul.f32 v63, v31;
	v14 =	vnsel vm1, $0x0, v61;
	v45 =	vmul.f32 v50, v34  }
0xe3: {  	v34 =	vnsel vm13, $0x0, v16;
	vm13 =	vlt.f32 v36, $1.000000000e+00;
	v52 =	vmul.f32 $5.000000000e-01, v41  }
0xe4: {  	v50 =	vld [tilespmem:$0x1FC40];
	v37 =	vsel vm14, v44, v14;
	v55 =	vmul.f32 $1.500000000e+00, v41;
	v41 =	vmul.f32 $4.000000000e+00, v41  }
0xe5: {  	v61 =	vld [tilespmem:$0x1F830];
	v44 =	vmul.f32 v53, v63;
	v14 =	vnsel vm15, $0x0, v40;
	v62 =	vmul.f32 v45, v51  }
0xe6: {  	vm15 =	vgt.f32 v35, $1.000000000e+00;
	v51 =	vld [tilespmem:$0x1F7B0];
	v56 =	vsub.f32 $2.500000000e+00, v52;
	v57 =	vadd.f32 $-2.500000000e+00, v55  }
0xe7: {  	v2 =	vmul.f32 v37, v2;
	v44 =	vsub.f32 $1.500000000e+00, v44;
	v48 =	vmul.f32 v62, v45  }
0xe8: {  	v41 =	vsub.f32 $2.000000000e+00, v41;
	v59 =	vmul.f32 v56, v36;
	v16 =	vmul.f32 v57, v36  }
0xe9: {  	v14 =	vadd.f32 v14, v25;
	v60 =	vmul.f32 v44, v63;
	v33 =	vmul.f32 v50, v58  }
0xea: {  	vm12 =	vlt.u32 v61, $0x9;
	v40 =	vadd.f32 v59, v41;
	v16 =	vadd.f32 $1.000000000e+00, v16  }
0xeb: {  	v63 =	vmul.f32 v60, v35;
	vm14 =	vlt.u32 v51, $0x9;
	v53 =	vshra.s32 v33, $0x1  }
0xec: {  	v61 =	vld [tilespmem:$0x1F860];
	v54 =	vmul.f32 $5.000000000e-01, v33;
	v41 =	vsub.s32 $0x5F3759DF, v53;
	v7 =	vnsel vm14, $0x0, v8  }
0xed: {  	v8 =	vnsel vm12, $0x0, v26;
	vm12 =	vlt.f32 v35, $1.000000000e+00;
	vm14 =	vlt.f32 v49, $4.000000000e+00  }
0xee: {  	v40 =	vnsel vm0, $0x0, v40;
	v52 =	vmul.f32 $5.000000000e-01, v63;
	v55 =	vmul.f32 $1.500000000e+00, v63  }
0xef: {  	v56 =	vmul.f32 v41, v54;
	v57 =	vmul.f32 $4.000000000e+00, v63;
	vm0 =	vmand vm15, vm10  }
0xf0: {  	vm10 =	vlt.f32 v49, $1.000000000e+00;
	v7 =	vadd.f32 v7, v34;
	v16 =	vsel vm13, v16, v40  }
0xf1: {  	v40 =	vsub.f32 $1.500000000e+00, v48;
	vm11 =	vlt.u32 v61, $0x9;
	vm13 =	vgt.f32 v49, $1.000000000e+00  }
0xf2: {  	v38 =	vsub.f32 $2.500000000e+00, v52;
	v59 =	vadd.f32 $-2.500000000e+00, v55;
	v60 =	vmul.f32 v41, v56  }
0xf3: {  	v26 =	vsub.f32 $2.000000000e+00, v57;
	v3 =	vnsel vm11, $0x0, v3;
	vm1 =	vmand vm13, vm14  }
0xf4: {  	v9 =	vmul.f32 v16, v9;
	v56 =	vld [tilespmem:$0x1F900];
	vm13 =	vgt.f32 v33, $1.000000000e+00;
	v40 =	vmul.f32 v40, v45  }
0xf5: {  	v45 =	vld [tilespmem:$0x1FA00];
	v3 =	vadd.f32 v3, v8;
	v38 =	vmul.f32 v38, v35;
	v44 =	vsub.f32 $1.500000000e+00, v60  }
0xf6: {  	vm14 =	vlt.f32 v33, $4.000000000e+00;
	v36 =	vmul.f32 v59, v35;
	v40 =	vmul.f32 v40, v49  }
0xf7: {  	v46 =	vld [tilespmem:$0x1FCA0];
	v3 =	vadd.f32 v7, v3;
	v26 =	vadd.f32 v38, v26;
	v62 =	vmul.f32 v41, v44  }
0xf8: {  	v57 =	vld [tilespmem:$0x1FD60];
	v36 =	vadd.f32 $1.000000000e+00, v36;
	v63 =	vmul.f32 $1.500000000e+00, v40;
	v44 =	vmul.f32 $5.000000000e-01, v40  }
0xf9: {  	v40 =	vmul.f32 $4.000000000e+00, v40;
	vm11 =	vlt.u32 v56, $0x9;
	v26 =	vnsel vm0, $0x0, v26  }
0xfa: {  	v32 =	vmul.f32 v62, v54;
	vm15 =	vlt.u32 v45, $0x9;
	v0 =	vnsel vm11, $0x0, v0  }
0xfb: {  	vm0 =	vmand vm13, vm14;
	v26 =	vsel vm12, v36, v26;
	v35 =	vadd.f32 $-2.500000000e+00, v63  }
0xfc: {  	v41 =	vsub.f32 $2.500000000e+00, v44;
	v36 =	vmul.f32 v32, v62;
	v32 =	vmul.f32 v46, v58  }
0xfd: {  	v40 =	vsub.f32 $2.000000000e+00, v40;
	v10 =	vmul.f32 v26, v10;
	v26 =	vmul.f32 v57, v58  }
0xfe: {  	v63 =	vld [tilespmem:$0x1F970];
	v35 =	vmul.f32 v35, v49;
	v47 =	vmul.f32 v41, v49;
	v36 =	vsub.f32 $1.500000000e+00, v36  }
0xff: {  	v48 =	vshra.s32 v32, $0x1;
	v50 =	vmul.f32 $5.000000000e-01, v32;
	v60 =	vshra.s32 v26, $0x1  }
0x100: {  	v61 =	vmul.f32 $5.000000000e-01, v26;
	vm13 =	vlt.f32 v32, $4.000000000e+00;
	vm14 =	vlt.f32 v32, $1.000000000e+00  }
0x101: {  	v51 =	vadd.f32 v47, v40;
	v38 =	vsub.s32 $0x5F3759DF, v48;
	v36 =	vmul.f32 v36, v62  }
0x102: {  	v35 =	vadd.f32 $1.000000000e+00, v35;
	v37 =	vsub.s32 $0x5F3759DF, v60;
	v52 =	vmul.f32 v38, v50  }
0x103: {  	v60 =	vld [tilespmem:$0x1FE50];
	v62 =	vmul.f32 v37, v61;
	vm12 =	vlt.u32 v63, $0x9;
	v36 =	vmul.f32 v36, v33  }
0x104: {  	v53 =	vnsel vm1, $0x0, v51;
	v2 =	vnsel vm12, $0x0, v2;
	v55 =	vmul.f32 v38, v52  }
0x105: {  	v51 =	vld [tilespmem:$0x1FAB0];
	vm12 =	vgt.f32 v32, $1.000000000e+00;
	v16 =	vsel vm10, v35, v53;
	v54 =	vmul.f32 $5.000000000e-01, v36  }
0x106: {  	vm10 =	vlt.f32 v33, $1.000000000e+00;
	v16 =	vmul.f32 v16, v1;
	v31 =	vsub.f32 $1.500000000e+00, v55  }
0x107: {  	v43 =	vld [tilespmem:$0x1FB60];
	v59 =	vmul.f32 $4.000000000e+00, v36;
	v36 =	vmul.f32 $1.500000000e+00, v36;
	v1 =	vsub.f32 $2.500000000e+00, v54  }
0x108: {  	v44 =	vld [tilespmem:$0x1FDD0];
	v0 =	vadd.f32 v2, v0;
	v29 =	vmul.f32 v60, v58;
	v31 =	vmul.f32 v38, v31  }
0x109: {  	v35 =	vsub.f32 $2.000000000e+00, v59;
	v38 =	vmul.f32 v37, v62;
	v1 =	vmul.f32 v1, v33  }
0x10a: {  	v41 =	vadd.f32 $-2.500000000e+00, v36;
	vm11 =	vlt.u32 v51, $0x9;
	v30 =	vmul.f32 v31, v50  }
0x10b: {  	v62 =	vmul.f32 $5.000000000e-01, v29;
	v38 =	vsub.f32 $1.500000000e+00, v38;
	v35 =	vadd.f32 v1, v35  }
0x10c: {  	v1 =	vnsel vm15, $0x0, v9;
	v42 =	vmul.f32 v30, v31;
	v9 =	vmul.f32 v41, v33  }
0x10d: {  	vm15 =	vlt.u32 v43, $0x9;
	v37 =	vmul.f32 v37, v38;
	v30 =	vmul.f32 v44, v58  }
0x10e: {  	v36 =	vsub.f32 $1.500000000e+00, v42;
	v9 =	vadd.f32 $1.000000000e+00, v9;
	v35 =	vnsel vm0, $0x0, v35  }
0x10f: {  	v45 =	vmul.f32 v37, v61;
	v46 =	vshra.s32 v30, $0x1;
	v47 =	vmul.f32 $5.000000000e-01, v30  }
0x110: {  	v43 =	vld [tilespmem:$0x1FF40];
	vm0 =	vmand vm12, vm13;
	v61 =	vshra.s32 v29, $0x1;
	vm12 =	vlt.f32 v30, $4.000000000e+00  }
0x111: {  	vm13 =	vlt.f32 v30, $1.000000000e+00;
	v48 =	vsub.s32 $0x5F3759DF, v46;
	v63 =	vsub.s32 $0x5F3759DF, v61  }
0x112: {  	v31 =	vmul.f32 v36, v31;
	v9 =	vsel vm10, v9, v35;
	v49 =	vmul.f32 v45, v37  }
0x113: {  	v50 =	vmul.f32 v48, v47;
	vm10 =	vlt.f32 v26, $1.000000000e+00;
	v18 =	vmul.f32 v9, v18  }
0x114: {  	v9 =	vnsel vm11, $0x0, v10;
	v10 =	vnsel vm15, $0x0, v16;
	vm15 =	vgt.f32 v26, $1.000000000e+00  }
0x115: {  	v28 =	vmul.f32 v43, v58;
	vm11 =	vgt.f32 v30, $1.000000000e+00;
	v31 =	vmul.f32 v31, v32  }
0x116: {  	v35 =	vsub.f32 $1.500000000e+00, v49;
	v36 =	vmul.f32 v48, v50;
	v49 =	vshra.s32 v27, $0x1  }
0x117: {  	v50 =	vmul.f32 $5.000000000e-01, v27;
	v1 =	vadd.f32 v1, v9;
	v18 =	vnsel vm9, $0x0, v18  }
0x118: {  	vm9 =	vlt.f32 v26, $4.000000000e+00;
	v44 =	vshra.s32 v28, $0x1;
	v45 =	vmul.f32 $5.000000000e-01, v28  }
0x119: {  	v51 =	vsub.s32 $0x5F3759DF, v49;
	v53 =	vmul.f32 $5.000000000e-01, v31;
	v35 =	vmul.f32 v35, v37  }
0x11a: {  	v52 =	vmul.f32 $1.500000000e+00, v31;
	v31 =	vmul.f32 $4.000000000e+00, v31;
	v36 =	vsub.f32 $1.500000000e+00, v36  }
0x11b: {  	v8 =	vadd.f32 v18, v10;
	v40 =	vsub.f32 $2.500000000e+00, v53;
	v56 =	vmul.f32 v35, v26  }
0x11c: {  	v38 =	vadd.f32 $-2.500000000e+00, v52;
	v33 =	vmul.f32 v48, v36;
	v53 =	vmul.f32 v51, v50  }
0x11d: {  	v31 =	vsub.f32 $2.000000000e+00, v31;
	v55 =	vmul.f32 v40, v32;
	v35 =	vmul.f32 $1.500000000e+00, v56  }
0x11e: {  	v0 =	vadd.f32 v1, v0;
	v36 =	vmul.f32 v33, v47;
	v59 =	vmul.f32 $5.000000000e-01, v56  }
0x11f: {  	v54 =	vmul.f32 v38, v32;
	v16 =	vmul.f32 $4.000000000e+00, v56;
	v31 =	vadd.f32 v55, v31  }
0x120: {  	v57 =	vadd.f32 $-2.500000000e+00, v35;
	v36 =	vmul.f32 v36, v33;
	v35 =	vsub.f32 $2.500000000e+00, v59  }
0x121: {  	v37 =	vadd.f32 $1.000000000e+00, v54;
	v16 =	vsub.f32 $2.000000000e+00, v16;
	v31 =	vnsel vm0, $0x0, v31  }
0x122: {  	v32 =	vmul.f32 v57, v26;
	v36 =	vsub.f32 $1.500000000e+00, v36;
	v35 =	vmul.f32 v35, v26  }
0x123: {  	vm0 =	vmand vm15, vm9;
	vm15 =	vlt.f32 v29, $4.000000000e+00;
	vm9 =	vgt.f32 v27, $1.000000000e+00  }
0x124: {  	v31 =	vsel vm14, v37, v31;
	v37 =	vmul.f32 v63, v62;
	vm14 =	vgt.f32 v29, $1.000000000e+00  }
0x125: {  	v32 =	vadd.f32 $1.000000000e+00, v32;
	v33 =	vmul.f32 v36, v33;
	v16 =	vadd.f32 v35, v16  }
0x126: {  	v36 =	vsub.s32 $0x5F3759DF, v44;
	v17 =	vmul.f32 v31, v17;
	v40 =	vmul.f32 v63, v37  }
0x127: {  	v46 =	vmul.f32 v36, v45;
	v33 =	vmul.f32 v33, v30;
	v16 =	vnsel vm0, $0x0, v16  }
0x128: {  	vm0 =	vmand vm11, vm12;
	v17 =	vnsel vm8, $0x0, v17;
	vm8 =	vlt.f32 v28, $4.000000000e+00  }
0x129: {  	vm11 =	vlt.f32 v28, $1.000000000e+00;
	v35 =	vsub.f32 $1.500000000e+00, v40;
	v42 =	vmul.f32 $5.000000000e-01, v33  }
0x12a: {  	vm12 =	vlt.f32 v27, $1.000000000e+00;
	v31 =	vmul.f32 v36, v46;
	v41 =	vmul.f32 $1.500000000e+00, v33  }
0x12b: {  	v33 =	vmul.f32 $4.000000000e+00, v33;
	v35 =	vmul.f32 v63, v35;
	v37 =	vsub.f32 $2.500000000e+00, v42  }
0x12c: {  	v16 =	vsel vm10, v32, v16;
	v31 =	vsub.f32 $1.500000000e+00, v31;
	v26 =	vadd.f32 $-2.500000000e+00, v41  }
0x12d: {  	v33 =	vsub.f32 $2.000000000e+00, v33;
	v48 =	vmul.f32 v35, v62;
	v37 =	vmul.f32 v37, v30  }
0x12e: {  	vm10 =	vlt.f32 v27, $4.000000000e+00;
	v16 =	vmul.f32 v16, v24;
	v31 =	vmul.f32 v36, v31  }
0x12f: {  	v26 =	vmul.f32 v26, v30;
	v47 =	vadd.f32 v37, v33;
	v33 =	vmul.f32 v48, v35  }
0x130: {  	v16 =	vnsel vm7, $0x0, v16;
	v54 =	vmul.f32 v31, v45;
	v37 =	vmul.f32 v15, v58  }
0x131: {  	v59 =	vld [tilespmem:$0x1FFD0];
	vm7 =	vgt.f32 v28, $1.000000000e+00;
	v26 =	vadd.f32 $1.000000000e+00, v26;
	v33 =	vsub.f32 $1.500000000e+00, v33  }
0x132: {  	v57 =	vmul.f32 v54, v31;
	v32 =	vnsel vm0, $0x0, v47;
	v56 =	vmul.f32 $5.000000000e-01, v37  }
0x133: {  	v55 =	vshra.s32 v37, $0x1;
	v52 =	vmul.f32 v33, v35;
	v33 =	vmul.f32 v51, v53  }
0x134: {  	v39 =	vsub.s32 $0x5F3759DF, v55;
	v26 =	vsel vm13, v26, v32;
	v32 =	vsub.f32 $1.500000000e+00, v57  }
0x135: {  	vm0 =	vmand vm14, vm15;
	v58 =	vmul.f32 v39, v56;
	v60 =	vsub.f32 $1.500000000e+00, v33  }
0x136: {  	vm14 =	vlt.f32 v37, $4.000000000e+00;
	v15 =	vmul.f32 v26, v59;
	v31 =	vmul.f32 v32, v31  }
0x137: {  	vm13 =	vgt.f32 v37, $1.000000000e+00;
	v30 =	vmul.f32 v52, v29;
	v24 =	vmul.f32 v51, v60  }
0x138: {  	v59 =	vadd.f32 v21, v23;
	v62 =	vmul.f32 v39, v58;
	v31 =	vmul.f32 v31, v28  }
0x139: {  	v15 =	vnsel vm6, $0x0, v15;
	v61 =	vmul.f32 $1.500000000e+00, v30;
	v42 =	vmul.f32 v24, v50  }
0x13a: {  	vm6 =	vlt.f32 v29, $1.000000000e+00;
	v63 =	vmul.f32 $5.000000000e-01, v30;
	v30 =	vmul.f32 $4.000000000e+00, v30  }
0x13b: {  	v36 =	vsub.f32 $1.500000000e+00, v62;
	v44 =	vmul.f32 $1.500000000e+00, v31;
	v35 =	vmul.f32 v42, v24  }
0x13c: {  	v46 =	vmul.f32 $5.000000000e-01, v31;
	v31 =	vmul.f32 $4.000000000e+00, v31;
	v41 =	vsub.f32 $2.500000000e+00, v63  }
0x13d: {  	v26 =	vadd.f32 $-2.500000000e+00, v61;
	v32 =	vmul.f32 v39, v36;
	v43 =	vsub.f32 $1.500000000e+00, v35  }
0x13e: {  	v30 =	vsub.f32 $2.000000000e+00, v30;
	v47 =	vadd.f32 $-2.500000000e+00, v44;
	v33 =	vmul.f32 v41, v29  }
0x13f: {  	v31 =	vsub.f32 $2.000000000e+00, v31;
	v45 =	vmul.f32 v32, v56;
	v24 =	vmul.f32 v43, v24  }
0x140: {  	v26 =	vmul.f32 v26, v29;
	v29 =	vmul.f32 v47, v28;
	v30 =	vadd.f32 v33, v30  }
0x141: {  	v48 =	vmul.f32 v45, v32;
	v33 =	vsub.f32 $2.500000000e+00, v46;
	v24 =	vmul.f32 v24, v27  }
0x142: {  	v26 =	vadd.f32 $1.000000000e+00, v26;
	v54 =	vadd.f32 $1.000000000e+00, v29;
	v30 =	vnsel vm0, $0x0, v30  }
0x143: {  	v35 =	vsub.f32 $1.500000000e+00, v48;
	v33 =	vmul.f32 v33, v28;
	v50 =	vmul.f32 $5.000000000e-01, v24  }
0x144: {  	vm0 =	vmand vm7, vm8;
	v26 =	vsel vm6, v26, v30;
	v49 =	vmul.f32 $1.500000000e+00, v24  }
0x145: {  	v32 =	vmul.f32 v35, v32;
	v24 =	vmul.f32 $4.000000000e+00, v24;
	v30 =	vsub.f32 $2.500000000e+00, v50  }
0x146: {  	v31 =	vadd.f32 v33, v31;
	v13 =	vmul.f32 v26, v13;
	v51 =	vadd.f32 $-2.500000000e+00, v49  }
0x147: {  	v32 =	vmul.f32 v32, v37;
	v24 =	vsub.f32 $2.000000000e+00, v24;
	v30 =	vmul.f32 v30, v27  }
0x148: {  	v31 =	vnsel vm0, $0x0, v31;
	vm0 =	vmand vm9, vm10;
	v33 =	vmul.f32 v51, v27  }
0x149: {  	v60 =	vnsel vm5, $0x0, v13;
	v52 =	vmul.f32 $5.000000000e-01, v32;
	v24 =	vadd.f32 v30, v24  }
0x14a: {  	v28 =	vsel vm11, v54, v31;
	v2 =	vmul.f32 $1.500000000e+00, v32;
	v55 =	vadd.f32 $1.000000000e+00, v33  }
0x14b: {  	v53 =	vmul.f32 $4.000000000e+00, v32;
	v35 =	vsub.f32 $2.500000000e+00, v52;
	v24 =	vnsel vm0, $0x0, v24  }
0x14c: {  	v12 =	vmul.f32 v12, v28;
	v2 =	vadd.f32 $-2.500000000e+00, v2;
	v24 =	vsel vm12, v55, v24  }
0x14d: {  	v57 =	vsub.f32 $2.000000000e+00, v53;
	v56 =	vmul.f32 v35, v37;
	v5 =	vmul.f32 v5, v24  }
0x14e: {  	v61 =	vadd.f32 v16, v17;
	v9 =	vadd.f32 v60, v15;
	v2 =	vmul.f32 v2, v37  }
0x14f: {  	v12 =	vnsel vm4, $0x0, v12;
	v58 =	vadd.f32 v56, v57;
	v5 =	vnsel vm3, $0x0, v5  }
0x150: {  	vm0 =	vmand vm13, vm14;
	v2 =	vadd.f32 $1.000000000e+00, v2;
	v5 =	vadd.f32 v5, v12  }
0x151: {  	vm15 =	vlt.f32 v37, $1.000000000e+00;
	v62 =	vadd.f32 v59, v14;
	v63 =	vnsel vm0, $0x0, v58  }
0x152: {  	v1 =	vsel vm15, v2, v63;
	v2 =	vadd.f32 v61, v8;
	v5 =	vadd.f32 v5, v9  }
0x153: {  	v0 =	vadd.f32 v0, v3;
	v1 =	vmul.f32 v4, v1  }
0x154: {  	v4 =	vadd.f32 v11, v62;
	v2 =	vadd.f32 v5, v2  }
0x155: {  	v1 =	vnsel vm2, $0x0, v1  }
0x156: {  	v0 =	vadd.f32 v4, v0;
	v1 =	vadd.f32 v2, v1;
	_ =	sdelay $0x1  }
0x157: {  	v0 =	vadd.f32 v0, v1  }
.LBB2_5:
0x158: {  	s20 =	sadd.s32 $0x40, s20  }
0x159: {  	p1 =	sne.s32 s20, $0x400  }
.Ltmp3:
0x15a: {  	_ = 	snop;
	(pc) =	sbr.rel @!p1 .LBB2_6-.Ltmp3, $2  }
0x15b: {  	_ =	sdelay $0x2  }
0x15c: {  	[tilespmem:s21+$0x4380] =	vst v0  }
.LBB2_2:
0x15d: {  	s21 =	sshra.s32 s20, $0x2  }
0x15e: {  	v0 =	vld [tilespmem:s21+$0x0]  }
0x15f: {  	v1 =	vld [tilespmem:s21+$0x100];
	_ =	sdelay $0x3  }
0x160: {  	v2 =	vadd.f32 $1.000000000e+00, v0  }
0x161: {  	v3 =	vadd.f32 $1.000000000e+00, v1  }
0x162: {  	v2 =	vmul.f32 $6.350000000e+01, v2  }
0x163: {  	v3 =	vmul.f32 $6.350000000e+01, v3  }
0x164: {  	v2 =	vadd.f32 $5.000000000e-01, v2  }
0x165: {  	v3 =	vadd.f32 $5.000000000e-01, v3  }
0x166: {  	v2 =	vtrunc.f32 v2  }
0x167: {  	v3 =	vtrunc.f32 v3;
	v2 =	vcvt.f32.s32 v2  }
0x168: {  	v3 =	vcvt.f32.s32 v3  }
0x169: {  	v2 =	vadd.s32 $0xFFFFFFFE, v2  }
0x16a: {  	v3 =	vadd.s32 $0xFFFFFFFE, v3;
	vm0 =	vgt.s32 v2, $0x0  }
0x16b: {  	v2 =	vnsel vm0, $0x0, v2;
	vm0 =	vgt.s32 v3, $0x0  }
0x16c: {  	v9 =	vmin.u32 v2, $0x7B;
	v2 =	vnsel vm0, $0x0, v3  }
0x16d: {  	v56 =	vmin.u32 v2, $0x7B  }
0x16e: {  	v2 =	vadd.s32 $0x1, v9  }
0x16f: {  	v3 =	vadd.s32 $0x2, v9  }
0x170: {  	v8 =	vadd.s32 $0x3, v9  }
0x171: {  	v7 =	vadd.s32 $0x1, v56;
	v4 =	vld.idx.msk [tilespmem:v9+s14+$0x0], $0xffff  }
0x172: {  	v51 =	vadd.s32 $0x2, v56;
	v5 =	vld.idx.msk [tilespmem:v56+s14+$0x0], $0xffff  }
0x173: {  	v11 =	vadd.s32 $0x3, v56;
	v2 =	vld.idx.msk [tilespmem:v2+s14+$0x0], $0xffff  }
0x174: {  	v13 =	vadd.s32 $0x4, v56;
	v3 =	vld.idx.msk [tilespmem:v3+s14+$0x0], $0xffff  }
0x175: {  	[tilespmem:$0x1FF90] =	vst v9;
	v9 =	vadd.s32 $0x4, v9;
	v8 =	vld.idx.msk [tilespmem:v8+s14+$0x0], $0xffff  }
0x176: {  	[tilespmem:$0x1FFA0] =	vst v7;
	v7 =	vld.idx.msk [tilespmem:v7+s14+$0x0], $0xffff  }
0x177: {  	v10 =	vld.idx.msk [tilespmem:v51+s14+$0x0], $0xffff  }
0x178: {  	[tilespmem:$0x1FFB0] =	vst v11;
	v11 =	vld.idx.msk [tilespmem:v11+s14+$0x0], $0xffff  }
0x179: {  	v12 =	vld.idx.msk [tilespmem:v13+s14+$0x0], $0xffff  }
0x17a: {  	v4 =	vsub.f32 v0, v4;
	v9 =	vld.idx.msk [tilespmem:v9+s14+$0x0], $0xffff;
	v5 =	vsub.f32 v1, v5  }
0x17b: {  	v2 =	vsub.f32 v0, v2;
	v3 =	vsub.f32 v0, v3  }
0x17c: {  	v8 =	vsub.f32 v0, v8;
	v4 =	vmul.f32 v4, v4;
	v7 =	vsub.f32 v1, v7  }
0x17d: {  	v10 =	vsub.f32 v1, v10;
	v11 =	vsub.f32 v1, v11;
	v5 =	vmul.f32 v5, v5  }
0x17e: {  	v1 =	vsub.f32 v1, v12;
	v2 =	vmul.f32 v2, v2;
	v3 =	vmul.f32 v3, v3  }
0x17f: {  	v7 =	vmul.f32 v7, v7;
	v10 =	vmul.f32 v10, v10;
	v0 =	vsub.f32 v0, v9  }
0x180: {  	v11 =	vmul.f32 v11, v11;
	v57 =	vadd.f32 v5, v4;
	v46 =	vadd.f32 v2, v5  }
0x181: {  	v1 =	vmul.f32 v1, v1;
	v40 =	vadd.f32 v3, v5;
	v50 =	vadd.f32 v7, v4  }
0x182: {  	v49 =	vadd.f32 v10, v4;
	v48 =	vadd.f32 v11, v4  }
0x183: {  	v47 =	vadd.f32 v1, v4;
	v44 =	vadd.f32 v7, v2  }
0x184: {  	v43 =	vadd.f32 v10, v2;
	v42 =	vadd.f32 v11, v2  }
0x185: {  	v41 =	vadd.f32 v1, v2;
	v2 =	vmul.f32 v8, v8;
	v39 =	vadd.f32 v3, v7  }
0x186: {  	v38 =	vadd.f32 v10, v3;
	v37 =	vadd.f32 v11, v3  }
0x187: {  	v36 =	vadd.f32 v1, v3;
	v26 =	vadd.f32 v2, v5  }
0x188: {  	v0 =	vmul.f32 v0, v0;
	v35 =	vadd.f32 v2, v7;
	v34 =	vadd.f32 v2, v10  }
0x189: {  	v33 =	vadd.f32 v11, v2;
	v32 =	vadd.f32 v1, v2;
	vm0 =	vle.f32 v57, v50  }
0x18a: {  	vm1 =	vle.f32 v57, v39;
	vm3 =	vle.f32 v57, v36;
	vm7 =	vle.f32 v50, v40  }
0x18b: {  	vm6 =	vle.f32 v50, v39;
	vm9 =	vle.f32 v49, v46;
	v31 =	vadd.f32 v0, v5  }
0x18c: {  	vm8 =	vle.f32 v49, v43;
	v30 =	vadd.f32 v0, v7;
	v29 =	vadd.f32 v0, v10  }
0x18d: {  	v28 =	vadd.f32 v0, v11;
	v27 =	vadd.f32 v1, v0;
	v0 =	vimm.s32 $0x17  }
0x18e: {  	vm10 =	vle.f32 v49, v44;
	v21 =	vsel vm8, $0xFFFFFFFF, v6;
	v5 =	vsel vm0, $0x18, v0  }
0x18f: {  	v0 =	vimm.s32 $0x18;
	vm2 =	vle.f32 v57, v34;
	vm5 =	vle.f32 v57, v32  }
0x190: {  	vm14 =	vle.f32 v50, v35;
	vm11 =	vle.f32 v50, v34;
	vm15 =	vle.f32 v50, v33  }
0x191: {  	v3 =	vsel vm0, $0x17, v0;
	vm0 =	vle.f32 v57, v49;
	v0 =	vimm.s32 $0x16  }
0x192: {  	v9 =	vsel vm0, $0xFFFFFFFF, v6;
	v2 =	vsel vm0, $0x17, v0;
	vm0 =	vle.f32 v57, v48  }
0x193: {  	vm4 =	vle.f32 v57, v28;
	v0 =	vimm.s32 $0x15;
	v10 =	vsel vm0, $0xFFFFFFFF, v6  }
0x194: {  	v7 =	vsel vm0, $0x16, v0;
	vm0 =	vle.f32 v57, v47;
	v0 =	vimm.s32 $0x14  }
0x195: {  	v11 =	vsel vm0, $0xFFFFFFFF, v6;
	v4 =	vsel vm0, $0x15, v0;
	vm0 =	vle.f32 v57, v46  }
0x196: {  	vm12 =	vle.f32 v50, v31;
	v0 =	vimm.s32 $0x13;
	v12 =	vsel vm0, $0xFFFFFFFF, v6  }
0x197: {  	v1 =	vsel vm0, $0x14, v0;
	vm0 =	vle.f32 v57, v44;
	v0 =	vimm.s32 $0x12  }
0x198: {  	[tilespmem:$0x1FFC0] =	vst v13;
	vm13 =	vle.f32 v50, v30;
	v13 =	vsel vm0, $0xFFFFFFFF, v6;
	v8 =	vsel vm0, $0x13, v0  }
0x199: {  	vm0 =	vle.f32 v57, v43;
	v0 =	vimm.s32 $0x11;
	v3 =	vadd.s32 v12, v3  }
0x19a: {  	v14 =	vsel vm0, $0xFFFFFFFF, v6;
	v23 =	vsel vm0, $0x12, v0;
	vm0 =	vle.f32 v57, v42  }
0x19b: {  	v12 =	vsel vm1, $0xFFFFFFFF, v6;
	v0 =	vimm.s32 $0x10;
	v15 =	vsel vm0, $0xFFFFFFFF, v6  }
0x19c: {  	v62 =	vsel vm0, $0x11, v0;
	vm0 =	vle.f32 v57, v41;
	v0 =	vimm.s32 $0xF  }
0x19d: {  	v17 =	vsel vm0, $0xFFFFFFFF, v6;
	v0 =	vsel vm0, $0x10, v0;
	vm0 =	vle.f32 v57, v40  }
0x19e: {  	v3 =	vadd.s32 v13, v3;
	[tilespmem:$0x1F6E0] =	vst v0;
	v18 =	vsel vm0, $0xFFFFFFFF, v6;
	v0 =	vimm.s32 $0xE  }
0x19f: {  	v59 =	vsel vm0, $0xF, v0;
	v0 =	vimm.s32 $0xD;
	vm0 =	vle.f32 v57, v38  }
0x1a0: {  	v3 =	vadd.s32 v18, v3;
	v53 =	vsel vm1, $0xE, v0;
	v13 =	vsel vm0, $0xFFFFFFFF, v6  }
0x1a1: {  	vm1 =	vle.f32 v57, v37;
	v3 =	vadd.s32 v12, v3;
	v0 =	vimm.s32 $0xC  }
0x1a2: {  	v0 =	vsel vm0, $0xD, v0;
	v12 =	vsel vm1, $0xFFFFFFFF, v6;
	v3 =	vadd.s32 v9, v3  }
0x1a3: {  	vm0 =	vle.f32 v57, v26;
	[tilespmem:$0x1F7C0] =	vst v0;
	v0 =	vimm.s32 $0xB;
	v3 =	vadd.s32 v14, v3  }
0x1a4: {  	v9 =	vsel vm0, $0xFFFFFFFF, v6;
	v55 =	vsel vm1, $0xC, v0;
	vm1 =	vle.f32 v57, v35  }
0x1a5: {  	v3 =	vadd.s32 v13, v3;
	v0 =	vimm.s32 $0xA;
	v13 =	vsel vm1, $0xFFFFFFFF, v6  }
0x1a6: {  	v3 =	vadd.s32 v9, v3;
	v9 =	vsel vm2, $0xFFFFFFFF, v6;
	v54 =	vsel vm3, $0xB, v0  }
0x1a7: {  	v0 =	vimm.s32 $0x9;
	v3 =	vadd.s32 v13, v3;
	v13 =	vsel vm3, $0xFFFFFFFF, v6  }
0x1a8: {  	v0 =	vsel vm0, $0xA, v0;
	vm0 =	vle.f32 v57, v33;
	vm3 =	vle.f32 v57, v29  }
0x1a9: {  	v3 =	vadd.s32 v9, v3;
	[tilespmem:$0x1F930] =	vst v0;
	v0 =	vimm.s32 $0x8;
	v9 =	vsel vm0, $0xFFFFFFFF, v6  }
0x1aa: {  	v0 =	vsel vm1, $0x9, v0;
	v3 =	vadd.s32 v10, v3;
	vm1 =	vle.f32 v57, v31  }
0x1ab: {  	[tilespmem:$0x1F9A0] =	vst v0;
	v0 =	vimm.s32 $0x7;
	v3 =	vadd.s32 v15, v3;
	v10 =	vsel vm1, $0xFFFFFFFF, v6  }
0x1ac: {  	v0 =	vsel vm2, $0x8, v0;
	v3 =	vadd.s32 v12, v3;
	vm2 =	vle.f32 v57, v30  }
0x1ad: {  	[tilespmem:$0x1FA40] =	vst v0;
	v3 =	vadd.s32 v9, v3;
	v9 =	vsel vm2, $0xFFFFFFFF, v6;
	v0 =	vimm.s32 $0x6  }
0x1ae: {  	v3 =	vadd.s32 v10, v3;
	v10 =	vsel vm3, $0xFFFFFFFF, v6;
	v0 =	vsel vm0, $0x7, v0  }
0x1af: {  	vm0 =	vle.f32 v57, v27;
	v3 =	vadd.s32 v9, v3;
	[tilespmem:$0x1FAE0] =	vst v0;
	v0 =	vimm.s32 $0x5  }
0x1b0: {  	v9 =	vsel vm4, $0xFFFFFFFF, v6;
	v3 =	vadd.s32 v10, v3;
	v0 =	vsel vm5, $0x6, v0  }
0x1b1: {  	v10 =	vsel vm5, $0xFFFFFFFF, v6;
	vm5 =	vle.f32 v50, v42;
	[tilespmem:$0x1FBA0] =	vst v0;
	v0 =	vimm.s32 $0x4  }
0x1b2: {  	v3 =	vadd.s32 v9, v3;
	v16 =	vsel vm5, $0x1, v6;
	v0 =	vsel vm1, $0x5, v0  }
0x1b3: {  	v3 =	vadd.s32 v11, v3;
	v11 =	vsel vm0, $0xFFFFFFFF, v6;
	vm1 =	vle.f32 v50, v49  }
0x1b4: {  	[tilespmem:$0x1FC80] =	vst v0;
	v0 =	vimm.s32 $0x3;
	v3 =	vadd.s32 v17, v3;
	v14 =	vsel vm1, $0x1, v6  }
0x1b5: {  	v0 =	vsel vm2, $0x4, v0;
	v3 =	vadd.s32 v13, v3;
	v13 =	vsel vm1, $0xFFFFFFFF, v6  }
0x1b6: {  	vm1 =	vle.f32 v50, v47;
	vm2 =	vle.f32 v50, v27;
	v2 =	vadd.s32 v14, v2  }
0x1b7: {  	v14 =	vsel vm9, $0xFFFFFFFF, v6;
	[tilespmem:$0x1FD10] =	vst v0;
	v0 =	vimm.s32 $0x2;
	v3 =	vadd.s32 v10, v3  }
0x1b8: {  	v10 =	vsel vm0, $0x1, v6;
	vm0 =	vle.f32 v50, v48;
	v18 =	vsel vm1, $0xFFFFFFFF, v6  }
0x1b9: {  	v2 =	vadd.s32 v14, v2;
	v0 =	vsel vm3, $0x3, v0;
	vm3 =	vle.f32 v50, v28  }
0x1ba: {  	v15 =	vsel vm0, $0xFFFFFFFF, v6;
	[tilespmem:$0x1FDB0] =	vst v0;
	v0 =	vimm.s32 $0x1;
	v17 =	vsel vm3, $0x1, v6  }
0x1bb: {  	v20 =	vsel vm3, $0xFFFFFFFF, v6;
	v9 =	vsel vm4, $0x2, v0;
	v0 =	vadd.s32 v11, v3  }
0x1bc: {  	v11 =	vsel vm0, $0x1, v6;
	v3 =	vsel vm1, $0x1, v6;
	vm0 =	vle.f32 v50, v46  }
0x1bd: {  	vm1 =	vle.f32 v50, v44;
	vm4 =	vle.f32 v50, v43;
	v12 =	vsel vm0, $0xFFFFFFFF, v6  }
0x1be: {  	[tilespmem:$0x1F5A0] =	vst v0;
	v19 =	vadd.s32 v17, v9;
	v9 =	vsel vm1, $0xFFFFFFFF, v6;
	v0 =	vimm.s32 $0x0  }
0x1bf: {  	v17 =	vsel vm7, $0xFFFFFFFF, v6;
	v9 =	vadd.s32 v12, v9;
	v0 =	vsel vm2, $0xFFFFFFFF, v0  }
0x1c0: {  	v5 =	vadd.s32 v5, v9;
	v9 =	vsel vm2, $0x1, v6;
	vm2 =	vle.f32 v50, v26  }
0x1c1: {  	v12 =	vadd.s32 v9, v10;
	v9 =	vsel vm6, $0xFFFFFFFF, v6;
	v5 =	vadd.s32 v17, v5  }
0x1c2: {  	v10 =	vsel vm0, $0x1, v6;
	vm0 =	vle.f32 v50, v38;
	v5 =	vadd.s32 v9, v5  }
0x1c3: {  	v17 =	vsel vm10, $0xFFFFFFFF, v6;
	v9 =	vsel vm4, $0xFFFFFFFF, v6;
	v5 =	vadd.s32 v13, v5  }
0x1c4: {  	v2 =	vadd.s32 v17, v2;
	v13 =	vsel vm0, $0xFFFFFFFF, v6;
	v5 =	vadd.s32 v9, v5  }
0x1c5: {  	v2 =	vadd.s32 v21, v2;
	v9 =	vsel vm2, $0xFFFFFFFF, v6;
	v5 =	vadd.s32 v13, v5  }
0x1c6: {  	v13 =	vsel vm14, $0xFFFFFFFF, v6;
	v9 =	vadd.s32 v9, v5;
	v5 =	vsel vm1, $0x1, v6  }
0x1c7: {  	vm1 =	vle.f32 v50, v37;
	v9 =	vadd.s32 v13, v9;
	v13 =	vsel vm11, $0xFFFFFFFF, v6  }
0x1c8: {  	v13 =	vadd.s32 v13, v9;
	v9 =	vsel vm4, $0x1, v6;
	vm4 =	vle.f32 v50, v29  }
0x1c9: {  	v13 =	vadd.s32 v15, v13;
	v15 =	vsel vm5, $0xFFFFFFFF, v6;
	vm5 =	vle.f32 v50, v41  }
0x1ca: {  	v13 =	vadd.s32 v15, v13;
	v15 =	vsel vm1, $0xFFFFFFFF, v6;
	v14 =	vsel vm5, $0xFFFFFFFF, v6  }
0x1cb: {  	[tilespmem:$0x1F5B0] =	vst v0;
	v0 =	vsel vm5, $0x1, v6;
	vm5 =	vle.f32 v49, v40;
	v13 =	vadd.s32 v15, v13  }
0x1cc: {  	v15 =	vsel vm15, $0xFFFFFFFF, v6;
	[tilespmem:$0x1F6F0] =	vst v0;
	v0 =	vsel vm7, $0x1, v6;
	vm7 =	vle.f32 v49, v39  }
0x1cd: {  	v13 =	vadd.s32 v15, v13;
	v15 =	vsel vm12, $0xFFFFFFFF, v6;
	[tilespmem:$0x1F710] =	vst v0;
	v0 =	vsel vm6, $0x1, v6  }
0x1ce: {  	vm6 =	vle.f32 v49, v38;
	v13 =	vadd.s32 v15, v13;
	v15 =	vsel vm13, $0xFFFFFFFF, v6  }
0x1cf: {  	[tilespmem:$0x1F770] =	vst v0;
	v0 =	vsel vm0, $0x1, v6;
	v13 =	vadd.s32 v15, v13;
	v15 =	vsel vm4, $0xFFFFFFFF, v6  }
0x1d0: {  	[tilespmem:$0x1F7D0] =	vst v0;
	v0 =	vsel vm1, $0x1, v6;
	vm1 =	vle.f32 v49, v26;
	v13 =	vadd.s32 v15, v13  }
0x1d1: {  	[tilespmem:$0x1F840] =	vst v0;
	v0 =	vimm.s32 $0x0;
	v13 =	vadd.s32 v20, v13;
	v20 =	vsel vm5, $0xFFFFFFFF, v6  }
0x1d2: {  	vm0 =	vle.f32 v50, v36;
	v0 =	vsel vm1, $0xFFFFFFFF, v0;
	v2 =	vadd.s32 v20, v2  }
0x1d3: {  	v20 =	vsel vm7, $0xFFFFFFFF, v6;
	v13 =	vadd.s32 v18, v13;
	[tilespmem:$0x1F5D0] =	vst v0;
	v0 =	vsel vm0, $0x1, v6  }
0x1d4: {  	v18 =	vsel vm6, $0xFFFFFFFF, v6;
	v2 =	vadd.s32 v20, v2;
	[tilespmem:$0x1F8A0] =	vst v0;
	v0 =	vimm.s32 $0x0  }
0x1d5: {  	v2 =	vadd.s32 v18, v2;
	v18 =	vsel vm0, $0xFFFFFFFF, v6;
	vm0 =	vle.f32 v49, v35  }
0x1d6: {  	v0 =	vsel vm0, $0xFFFFFFFF, v0  }
0x1d7: {  	[tilespmem:$0x1F5E0] =	vst v0;
	v0 =	vsel vm2, $0x1, v6  }
0x1d8: {  	[tilespmem:$0x1F940] =	vst v0;
	v0 =	vsel vm14, $0x1, v6  }
0x1d9: {  	vm3 =	vle.f32 v49, v34;
	[tilespmem:$0x1F9B0] =	vst v0;
	v0 =	vsel vm11, $0x1, v6  }
0x1da: {  	v17 =	vsel vm8, $0x1, v6;
	vm8 =	vle.f32 v48, v43;
	[tilespmem:$0x1FA50] =	vst v0;
	v0 =	vsel vm15, $0x1, v6  }
0x1db: {  	v7 =	vadd.s32 v11, v7;
	v24 =	vsel vm8, $0xFFFFFFFF, v6;
	v20 =	vsel vm1, $0xFFFFFFFF, v6;
	[tilespmem:$0x1FAF0] =	vst v0;
	v0 =	vld [tilespmem:$0x1F5B0]  }
0x1dc: {  	v13 =	vadd.s32 v14, v13;
	vm1 =	vle.f32 v50, v32;
	v2 =	vadd.s32 v20, v2  }
0x1dd: {  	v14 =	vsel vm0, $0xFFFFFFFF, v6;
	vm0 =	vle.f32 v49, v48;
	v13 =	vadd.s32 v18, v13  }
0x1de: {  	v18 =	vsel vm1, $0xFFFFFFFF, v6;
	v2 =	vadd.s32 v14, v2;
	v14 =	vsel vm3, $0xFFFFFFFF, v6  }
0x1df: {  	vm2 =	vle.f32 v49, v42;
	v13 =	vadd.s32 v18, v13;
	v2 =	vadd.s32 v14, v2  }
0x1e0: {  	v14 =	vsel vm0, $0xFFFFFFFF, v6;
	v20 =	vsel vm2, $0xFFFFFFFF, v6;
	vm11 =	vnez.u8 v0  }
0x1e1: {  	vm14 =	vle.f32 v49, v33;
	v2 =	vadd.s32 v14, v2;
	v14 =	vsel vm11, $0xFFFFFFFF, v6  }
0x1e2: {  	v2 =	vadd.s32 v20, v2;
	vm11 =	vle.f32 v49, v37;
	v0 =	vadd.s32 v14, v13  }
0x1e3: {  	v18 =	vsel vm11, $0xFFFFFFFF, v6;
	v13 =	vsel vm14, $0xFFFFFFFF, v6;
	[tilespmem:$0x1F5C0] =	vst v0;
	v0 =	vsel vm1, $0x1, v6  }
0x1e4: {  	v2 =	vadd.s32 v18, v2;
	vm1 =	vle.f32 v49, v31;
	[tilespmem:$0x1FBB0] =	vst v0;
	v0 =	vsel vm12, $0x1, v6  }
0x1e5: {  	v2 =	vadd.s32 v13, v2;
	v13 =	vsel vm1, $0xFFFFFFFF, v6;
	vm12 =	vle.f32 v49, v29  }
0x1e6: {  	[tilespmem:$0x1FC90] =	vst v0;
	v0 =	vimm.s32 $0x0;
	v13 =	vadd.s32 v13, v2;
	v2 =	vsel vm9, $0x1, v6  }
0x1e7: {  	vm9 =	vle.f32 v48, v46;
	v0 =	vsel vm1, $0xFFFFFFFF, v0;
	vm1 =	vle.f32 v49, v30  }
0x1e8: {  	[tilespmem:$0x1F600] =	vst v0;
	v0 =	vsel vm13, $0x1, v6;
	vm13 =	vle.f32 v49, v28;
	v21 =	vsel vm1, $0xFFFFFFFF, v6  }
0x1e9: {  	[tilespmem:$0x1FD20] =	vst v0;
	v14 =	vsel vm13, $0x1, v6;
	v0 =	vsel vm4, $0x1, v6;
	vm4 =	vle.f32 v49, v47  }
0x1ea: {  	v13 =	vadd.s32 v21, v13;
	v21 =	vsel vm12, $0xFFFFFFFF, v6;
	v18 =	vadd.s32 v14, v19  }
0x1eb: {  	v14 =	vsel vm0, $0x1, v6;
	v19 =	vsel vm4, $0xFFFFFFFF, v6;
	v20 =	vsel vm4, $0x1, v6  }
0x1ec: {  	vm0 =	vle.f32 v49, v27;
	v13 =	vadd.s32 v21, v13;
	v21 =	vsel vm9, $0xFFFFFFFF, v6  }
0x1ed: {  	[tilespmem:$0x1FDC0] =	vst v0;
	vm4 =	vle.f32 v49, v41;
	v0 =	vsel vm5, $0x1, v6;
	v22 =	vsel vm0, $0x1, v6  }
0x1ee: {  	v11 =	vadd.s32 v14, v7;
	v14 =	vsel vm13, $0xFFFFFFFF, v6;
	[tilespmem:$0x1F740] =	vst v0;
	v0 =	vsel vm7, $0x1, v6  }
0x1ef: {  	v12 =	vadd.s32 v22, v12;
	v22 =	vadd.s32 v14, v13;
	[tilespmem:$0x1F790] =	vst v0;
	v0 =	vsel vm6, $0x1, v6  }
0x1f0: {  	v14 =	vsel vm2, $0x1, v6;
	vm2 =	vle.f32 v49, v36;
	[tilespmem:$0x1F7F0] =	vst v0;
	v0 =	vsel vm11, $0x1, v6  }
0x1f1: {  	v7 =	vsel vm10, $0x1, v6;
	vm10 =	vle.f32 v48, v44;
	[tilespmem:$0x1F850] =	vst v0;
	v0 =	vsel vm2, $0x1, v6  }
0x1f2: {  	vm5 =	vle.f32 v48, v40;
	v11 =	vadd.s32 v21, v11;
	v13 =	vsel vm10, $0xFFFFFFFF, v6;
	[tilespmem:$0x1F8B0] =	vst v0;
	v0 =	vld [tilespmem:$0x1F5D0]  }
0x1f3: {  	vm13 =	vle.f32 v48, v42;
	vm7 =	vle.f32 v48, v39;
	v11 =	vadd.s32 v13, v11  }
0x1f4: {  	v19 =	vadd.s32 v19, v22;
	v22 =	vsel vm13, $0xFFFFFFFF, v6;
	v11 =	vadd.s32 v24, v11  }
0x1f5: {  	v21 =	vsel vm4, $0xFFFFFFFF, v6;
	v11 =	vadd.s32 v22, v11;
	v22 =	vsel vm5, $0xFFFFFFFF, v6  }
0x1f6: {  	v19 =	vadd.s32 v21, v19;
	v21 =	vsel vm7, $0xFFFFFFFF, v6;
	v11 =	vadd.s32 v22, v11  }
0x1f7: {  	v11 =	vadd.s32 v21, v11;
	v21 =	vsel vm2, $0xFFFFFFFF, v6;
	vm2 =	vnez.u8 v0  }
0x1f8: {  	v0 =	vsel vm2, $0x1, v6  }
0x1f9: {  	[tilespmem:$0x1F950] =	vst v0;
	v0 =	vld [tilespmem:$0x1F5E0];
	_ =	sdelay $0x1  }
0x1fa: {  	vm15 =	vle.f32 v48, v38  }
0x1fb: {  	v52 =	vsel vm4, $0x1, v6;
	vm11 =	vle.f32 v48, v37;
	v22 =	vsel vm15, $0xFFFFFFFF, v6  }
0x1fc: {  	v19 =	vadd.s32 v21, v19;
	v11 =	vadd.s32 v22, v11;
	v21 =	vsel vm11, $0xFFFFFFFF, v6  }
0x1fd: {  	vm4 =	vle.f32 v49, v32;
	v11 =	vadd.s32 v21, v11;
	vm2 =	vnez.u8 v0  }
0x1fe: {  	v21 =	vsel vm4, $0xFFFFFFFF, v6;
	v0 =	vsel vm2, $0x1, v6;
	vm2 =	vle.f32 v48, v26  }
0x1ff: {  	vm6 =	vle.f32 v48, v35;
	v19 =	vadd.s32 v21, v19;
	v22 =	vsel vm2, $0xFFFFFFFF, v6  }
0x200: {  	v21 =	vsel vm6, $0xFFFFFFFF, v6;
	[tilespmem:$0x1F9C0] =	vst v0;
	v0 =	vsel vm3, $0x1, v6;
	v11 =	vadd.s32 v22, v11  }
0x201: {  	[tilespmem:$0x1FA60] =	vst v0;
	v0 =	vsel vm14, $0x1, v6;
	v11 =	vadd.s32 v21, v11  }
0x202: {  	[tilespmem:$0x1FB20] =	vst v0;
	v21 =	vsel vm0, $0xFFFFFFFF, v6;
	vm0 =	vle.f32 v48, v33;
	v0 =	vimm.s32 $0x0  }
0x203: {  	v0 =	vsel vm0, $0xFFFFFFFF, v0  }
0x204: {  	[tilespmem:$0x1F620] =	vst v0;
	v0 =	vadd.s32 v21, v19  }
0x205: {  	[tilespmem:$0x1F5F0] =	vst v0;
	v0 =	vsel vm4, $0x1, v6  }
0x206: {  	v19 =	vsel vm0, $0xFFFFFFFF, v6;
	vm0 =	vle.f32 v48, v31;
	[tilespmem:$0x1FBD0] =	vst v0;
	v0 =	vimm.s32 $0x0  }
0x207: {  	v0 =	vsel vm0, $0xFFFFFFFF, v0  }
0x208: {  	[tilespmem:$0x1F630] =	vst v0;
	v0 =	vld [tilespmem:$0x1F600];
	_ =	sdelay $0x1  }
0x209: {  	v3 =	vadd.s32 v3, v4  }
0x20a: {  	v58 =	vsel vm9, $0x1, v6;
	vm9 =	vle.f32 v47, v44;
	vm14 =	vle.f32 v48, v34  }
0x20b: {  	v3 =	vadd.s32 v20, v3;
	v24 =	vsel vm5, $0x1, v6;
	v22 =	vsel vm14, $0xFFFFFFFF, v6  }
0x20c: {  	vm5 =	vle.f32 v47, v39;
	v11 =	vadd.s32 v22, v11;
	vm3 =	vnez.u8 v0  }
0x20d: {  	v60 =	vsel vm5, $0xFFFFFFFF, v6;
	v11 =	vadd.s32 v19, v11;
	v0 =	vsel vm3, $0x1, v6  }
0x20e: {  	vm4 =	vle.f32 v48, v28;
	v19 =	vsel vm0, $0xFFFFFFFF, v6;
	[tilespmem:$0x1FCB0] =	vst v0;
	v0 =	vsel vm1, $0x1, v6  }
0x20f: {  	v21 =	vsel vm4, $0x1, v6;
	vm1 =	vle.f32 v48, v30;
	[tilespmem:$0x1FD30] =	vst v0;
	v0 =	vimm.s32 $0x0  }
0x210: {  	v11 =	vadd.s32 v19, v11;
	vm3 =	vle.f32 v48, v29;
	v0 =	vsel vm1, $0xFFFFFFFF, v0  }
0x211: {  	vm0 =	vle.f32 v48, v32;
	v22 =	vsel vm3, $0xFFFFFFFF, v6;
	[tilespmem:$0x1F640] =	vst v0;
	v0 =	vadd.s32 v21, v18  }
0x212: {  	v18 =	vsel vm1, $0xFFFFFFFF, v6;
	vm1 =	vle.f32 v48, v47;
	v21 =	vsel vm4, $0xFFFFFFFF, v6  }
0x213: {  	vm4 =	vle.f32 v48, v41;
	[tilespmem:$0x1FEA0] =	vst v0;
	v11 =	vadd.s32 v18, v11;
	v0 =	vsel vm12, $0x1, v6  }
0x214: {  	v18 =	vsel vm1, $0xFFFFFFFF, v6;
	v19 =	vsel vm1, $0x1, v6;
	vm1 =	vle.f32 v48, v27  }
0x215: {  	v20 =	vsel vm4, $0x1, v6;
	vm12 =	vle.f32 v47, v42;
	v11 =	vadd.s32 v22, v11  }
0x216: {  	[tilespmem:$0x1FDE0] =	vst v0;
	v4 =	vsel vm1, $0x1, v6;
	v3 =	vadd.s32 v19, v3;
	v0 =	vsel vm7, $0x1, v6  }
0x217: {  	vm7 =	vle.f32 v47, v41;
	v22 =	vadd.s32 v4, v12;
	v4 =	vadd.s32 v21, v11  }
0x218: {  	v11 =	vsel vm10, $0x1, v6;
	vm10 =	vle.f32 v47, v46;
	v12 =	vsel vm9, $0xFFFFFFFF, v6  }
0x219: {  	v21 =	vsel vm8, $0x1, v6;
	vm8 =	vle.f32 v47, v43;
	[tilespmem:$0x1F7A0] =	vst v0;
	v0 =	vsel vm15, $0x1, v6  }
0x21a: {  	v45 =	vsel vm7, $0xFFFFFFFF, v6;
	v18 =	vadd.s32 v18, v4;
	v3 =	vadd.s32 v12, v3  }
0x21b: {  	v4 =	vsel vm10, $0xFFFFFFFF, v6;
	v12 =	vsel vm4, $0xFFFFFFFF, v6;
	v19 =	vsel vm8, $0xFFFFFFFF, v6  }
0x21c: {  	vm4 =	vle.f32 v48, v36;
	[tilespmem:$0x1F820] =	vst v0;
	v0 =	vsel vm11, $0x1, v6;
	v3 =	vadd.s32 v4, v3  }
0x21d: {  	v4 =	vsel vm13, $0x1, v6;
	v18 =	vadd.s32 v12, v18;
	v12 =	vsel vm12, $0xFFFFFFFF, v6  }
0x21e: {  	vm13 =	vle.f32 v47, v40;
	[tilespmem:$0x1F870] =	vst v0;
	v0 =	vsel vm4, $0x1, v6;
	v3 =	vadd.s32 v19, v3  }
0x21f: {  	v19 =	vsel vm4, $0xFFFFFFFF, v6;
	[tilespmem:$0x1F8C0] =	vst v0;
	v0 =	vsel vm2, $0x1, v6;
	v3 =	vadd.s32 v12, v3  }
0x220: {  	v18 =	vadd.s32 v19, v18;
	v19 =	vsel vm13, $0xFFFFFFFF, v6;
	v3 =	vadd.s32 v45, v3  }
0x221: {  	vm4 =	vle.f32 v47, v38;
	v3 =	vadd.s32 v19, v3;
	v19 =	vsel vm0, $0xFFFFFFFF, v6  }
0x222: {  	v18 =	vadd.s32 v19, v18;
	v3 =	vadd.s32 v60, v3;
	v19 =	vsel vm4, $0xFFFFFFFF, v6  }
0x223: {  	[tilespmem:$0x1F990] =	vst v0;
	v0 =	vsel vm6, $0x1, v6;
	v3 =	vadd.s32 v19, v3;
	v19 =	vsel vm1, $0xFFFFFFFF, v6  }
0x224: {  	[tilespmem:$0x1FA20] =	vst v0;
	v0 =	vadd.s32 v19, v18  }
0x225: {  	[tilespmem:$0x1F610] =	vst v0;
	v0 =	vsel vm14, $0x1, v6  }
0x226: {  	[tilespmem:$0x1FAD0] =	vst v0;
	v0 =	vld [tilespmem:$0x1F620];
	_ =	sdelay $0x4  }
0x227: {  	vm1 =	vnez.u8 v0  }
0x228: {  	v0 =	vsel vm1, $0x1, v6  }
0x229: {  	[tilespmem:$0x1FB30] =	vst v0;
	v0 =	vsel vm0, $0x1, v6  }
0x22a: {  	[tilespmem:$0x1FBE0] =	vst v0;
	v0 =	vld [tilespmem:$0x1F630];
	_ =	sdelay $0x1  }
0x22b: {  	v1 =	vadd.s32 v10, v1  }
0x22c: {  	vm15 =	vle.f32 v47, v37;
	v13 =	vsel vm7, $0x1, v6;
	vm7 =	vle.f32 v47, v31  }
0x22d: {  	v61 =	vsel vm15, $0xFFFFFFFF, v6;
	vm11 =	vle.f32 v47, v26;
	vm2 =	vle.f32 v47, v36  }
0x22e: {  	v25 =	vsel vm13, $0x1, v6;
	vm6 =	vle.f32 v47, v27;
	vm0 =	vnez.u8 v0  }
0x22f: {  	v12 =	vsel vm8, $0x1, v6;
	vm8 =	vle.f32 v46, v38;
	v0 =	vsel vm0, $0x1, v6  }
0x230: {  	vm13 =	vle.f32 v46, v26;
	v63 =	vsel vm8, $0xFFFFFFFF, v6;
	v3 =	vadd.s32 v61, v3;
	[tilespmem:$0x1FCC0] =	vst v0;
	v0 =	vld [tilespmem:$0x1F640]  }
0x231: {  	v18 =	vsel vm2, $0xFFFFFFFF, v6;
	v19 =	vsel vm6, $0x1, v6;
	v61 =	vsel vm10, $0x1, v6  }
0x232: {  	vm10 =	vle.f32 v46, v40;
	v3 =	vadd.s32 v18, v3;
	v18 =	vsel vm11, $0xFFFFFFFF, v6  }
0x233: {  	v45 =	vadd.s32 v19, v22;
	v19 =	vsel vm9, $0x1, v6;
	vm1 =	vle.f32 v47, v35  }
0x234: {  	v3 =	vadd.s32 v18, v3;
	v18 =	vsel vm1, $0xFFFFFFFF, v6;
	vm0 =	vle.f32 v47, v34  }
0x235: {  	v3 =	vadd.s32 v18, v3;
	v18 =	vsel vm0, $0xFFFFFFFF, v6;
	vm14 =	vnez.u8 v0  }
0x236: {  	vm9 =	vle.f32 v46, v39;
	v3 =	vadd.s32 v18, v3;
	v0 =	vsel vm14, $0x1, v6  }
0x237: {  	v18 =	vsel vm10, $0xFFFFFFFF, v6;
	vm14 =	vle.f32 v46, v44;
	[tilespmem:$0x1FD40] =	vst v0;
	v0 =	vsel vm3, $0x1, v6  }
0x238: {  	v10 =	vsel vm14, $0xFFFFFFFF, v6;
	vm3 =	vle.f32 v47, v33;
	[tilespmem:$0x1FDF0] =	vst v0;
	v0 =	vimm.s32 $0x0  }
0x239: {  	v1 =	vadd.s32 v10, v1;
	v10 =	vsel vm3, $0xFFFFFFFF, v6;
	v0 =	vsel vm10, $0xFFFFFFFF, v0  }
0x23a: {  	v3 =	vadd.s32 v10, v3;
	v1 =	vadd.s32 v18, v1;
	v10 =	vsel vm9, $0xFFFFFFFF, v6  }
0x23b: {  	v18 =	vsel vm12, $0x1, v6;
	vm10 =	vle.f32 v46, v43;
	[tilespmem:$0x1F660] =	vst v0;
	v0 =	vimm.s32 $0x0  }
0x23c: {  	vm12 =	vle.f32 v47, v30;
	v1 =	vadd.s32 v10, v1;
	v0 =	vsel vm9, $0xFFFFFFFF, v0  }
0x23d: {  	vm9 =	vle.f32 v47, v32;
	v1 =	vadd.s32 v2, v1;
	v2 =	vsel vm10, $0xFFFFFFFF, v6  }
0x23e: {  	[tilespmem:$0x1F670] =	vst v0;
	v22 =	vsel vm9, $0xFFFFFFFF, v6;
	v1 =	vadd.s32 v2, v1;
	v0 =	vsel vm5, $0x1, v6  }
0x23f: {  	vm5 =	vle.f32 v46, v35;
	v3 =	vadd.s32 v22, v3;
	v22 =	vsel vm7, $0xFFFFFFFF, v6  }
0x240: {  	[tilespmem:$0x1F810] =	vst v0;
	v1 =	vadd.s32 v63, v1;
	v0 =	vsel vm4, $0x1, v6;
	v63 =	vsel vm5, $0xFFFFFFFF, v6  }
0x241: {  	vm4 =	vle.f32 v46, v33;
	v3 =	vadd.s32 v22, v3;
	v22 =	vsel vm13, $0xFFFFFFFF, v6  }
0x242: {  	[tilespmem:$0x1F890] =	vst v0;
	v0 =	vsel vm15, $0x1, v6;
	vm15 =	vle.f32 v47, v29;
	v1 =	vadd.s32 v22, v1  }
0x243: {  	[tilespmem:$0x1F920] =	vst v0;
	v0 =	vsel vm2, $0x1, v6;
	vm2 =	vle.f32 v46, v34;
	v22 =	vsel vm12, $0xFFFFFFFF, v6  }
0x244: {  	v3 =	vadd.s32 v22, v3;
	v1 =	vadd.s32 v63, v1;
	v22 =	vsel vm2, $0xFFFFFFFF, v6  }
0x245: {  	[tilespmem:$0x1F8D0] =	vst v0;
	v0 =	vsel vm11, $0x1, v6;
	vm11 =	vle.f32 v46, v30;
	v1 =	vadd.s32 v22, v1  }
0x246: {  	[tilespmem:$0x1FA10] =	vst v0;
	v0 =	vsel vm1, $0x1, v6;
	vm1 =	vle.f32 v46, v42;
	v22 =	vsel vm15, $0xFFFFFFFF, v6  }
0x247: {  	v3 =	vadd.s32 v22, v3;
	v1 =	vadd.s32 v58, v1;
	v22 =	vsel vm1, $0xFFFFFFFF, v6  }
0x248: {  	[tilespmem:$0x1FAC0] =	vst v0;
	v0 =	vsel vm0, $0x1, v6;
	vm0 =	vle.f32 v47, v28;
	v58 =	vsel vm14, $0x1, v6  }
0x249: {  	v1 =	vadd.s32 v22, v1;
	v22 =	vsel vm6, $0xFFFFFFFF, v6;
	vm6 =	vle.f32 v46, v37  }
0x24a: {  	vm14 =	vle.f32 v46, v31;
	[tilespmem:$0x1FB90] =	vst v0;
	v63 =	vsel vm0, $0xFFFFFFFF, v6;
	v0 =	vsel vm6, $0xFFFFFFFF, v6  }
0x24b: {  	v3 =	vadd.s32 v63, v3;
	v0 =	vadd.s32 v0, v1;
	v1 =	vsel vm4, $0xFFFFFFFF, v6  }
0x24c: {  	v2 =	vadd.s32 v22, v3;
	v3 =	vsel vm14, $0xFFFFFFFF, v6;
	v0 =	vadd.s32 v1, v0  }
0x24d: {  	[tilespmem:$0x1F650] =	vst v2;
	v1 =	vadd.s32 v5, v8;
	v2 =	vsel vm3, $0x1, v6;
	vm3 =	vle.f32 v44, v39  }
0x24e: {  	v1 =	vadd.s32 v58, v1;
	[tilespmem:$0x1FC60] =	vst v2;
	v2 =	vsel vm9, $0x1, v6;
	vm9 =	vle.f32 v44, v40  }
0x24f: {  	v0 =	vadd.s32 v3, v0;
	[tilespmem:$0x1FBF0] =	vst v2;
	v2 =	vimm.s32 $0x0;
	v5 =	vsel vm9, $0xFFFFFFFF, v6  }
0x250: {  	v3 =	vsel vm3, $0xFFFFFFFF, v6;
	v2 =	vsel vm9, $0xFFFFFFFF, v2;
	v1 =	vadd.s32 v5, v1  }
0x251: {  	[tilespmem:$0x1F690] =	vst v2;
	v2 =	vsel vm7, $0x1, v6;
	v1 =	vadd.s32 v3, v1;
	v3 =	vsel vm11, $0xFFFFFFFF, v6  }
0x252: {  	[tilespmem:$0x1FE00] =	vst v2;
	v2 =	vsel vm12, $0x1, v6;
	v0 =	vadd.s32 v3, v0  }
0x253: {  	v1 =	vadd.s32 v7, v1;
	v7 =	vsel vm10, $0x1, v6;
	vm12 =	vle.f32 v46, v29  }
0x254: {  	vm10 =	vle.f32 v44, v38;
	[tilespmem:$0x1FE80] =	vst v2;
	v2 =	vsel vm15, $0x1, v6;
	vm15 =	vle.f32 v44, v43  }
0x255: {  	v22 =	vsel vm12, $0xFFFFFFFF, v6;
	v63 =	vsel vm10, $0xFFFFFFFF, v6;
	v3 =	vsel vm15, $0xFFFFFFFF, v6  }
0x256: {  	[tilespmem:$0x1FF50] =	vst v2;
	v2 =	vsel vm0, $0x1, v6;
	vm0 =	vle.f32 v46, v41;
	v1 =	vadd.s32 v3, v1  }
0x257: {  	v8 =	vsel vm0, $0xFFFFFFFF, v6;
	v3 =	vsel vm0, $0x1, v6;
	vm0 =	vle.f32 v44, v26  }
0x258: {  	v22 =	vadd.s32 v22, v0;
	v0 =	vadd.s32 v63, v1;
	v1 =	vsel vm0, $0xFFFFFFFF, v6  }
0x259: {  	v63 =	vadd.s32 v1, v0;
	v0 =	vld [tilespmem:$0x1F660];
	_ =	sdelay $0x3  }
0x25a: {  	[tilespmem:$0x1FF70] =	vst v2;
	v2 =	vimm.s32 $0x0  }
0x25b: {  	v2 =	vsel vm0, $0xFFFFFFFF, v2;
	vm0 =	vnez.u8 v0;
	v0 =	vld [tilespmem:$0x1F670];
	_ =	sdelay $0x3  }
0x25c: {  	v5 =	vsel vm1, $0x1, v6;
	vm1 =	vle.f32 v44, v34  }
0x25d: {  	vm9 =	vle.f32 v44, v31;
	v10 =	vsel vm0, $0x1, v6;
	vm0 =	vnez.u8 v0  }
0x25e: {  	v0 =	vimm.s32 $0x0;
	v15 =	vsel vm0, $0x1, v6;
	vm0 =	vle.f32 v44, v35  }
0x25f: {  	vm7 =	vle.f32 v46, v28;
	v0 =	vsel vm0, $0xFFFFFFFF, v0;
	v1 =	vsel vm0, $0xFFFFFFFF, v6  }
0x260: {  	vm0 =	vle.f32 v46, v36;
	[tilespmem:$0x1F6C0] =	vst v0;
	v0 =	vsel vm7, $0xFFFFFFFF, v6;
	v1 =	vadd.s32 v1, v63  }
0x261: {  	[tilespmem:$0x1F6B0] =	vst v2;
	v2 =	vsel vm0, $0xFFFFFFFF, v6;
	v0 =	vadd.s32 v0, v22;
	v22 =	vsel vm1, $0xFFFFFFFF, v6  }
0x262: {  	v60 =	vsel vm0, $0x1, v6;
	vm0 =	vle.f32 v44, v37;
	v1 =	vadd.s32 v22, v1  }
0x263: {  	v22 =	vsel vm6, $0x1, v6;
	vm6 =	vle.f32 v44, v42;
	v0 =	vadd.s32 v61, v0  }
0x264: {  	v1 =	vadd.s32 v11, v1;
	v11 =	vsel vm6, $0xFFFFFFFF, v6;
	v0 =	vadd.s32 v8, v0  }
0x265: {  	v1 =	vadd.s32 v11, v1;
	v11 =	vsel vm13, $0x1, v6;
	vm13 =	vle.f32 v44, v33  }
0x266: {  	v0 =	vadd.s32 v2, v0;
	v2 =	vsel vm2, $0x1, v6;
	vm2 =	vle.f32 v46, v32;
	[tilespmem:$0x1F960] =	vst v11  }
0x267: {  	v11 =	vsel vm5, $0x1, v6;
	v8 =	vsel vm13, $0xFFFFFFFF, v6;
	[tilespmem:$0x1FA70] =	vst v2;
	v2 =	vsel vm4, $0x1, v6  }
0x268: {  	vm5 =	vle.f32 v46, v27;
	vm4 =	vle.f32 v44, v30;
	[tilespmem:$0x1F9D0] =	vst v11;
	v11 =	vsel vm0, $0xFFFFFFFF, v6  }
0x269: {  	[tilespmem:$0x1FB40] =	vst v2;
	v2 =	vsel vm2, $0xFFFFFFFF, v6;
	v1 =	vadd.s32 v11, v1;
	v11 =	vsel vm4, $0xFFFFFFFF, v6  }
0x26a: {  	v0 =	vadd.s32 v2, v0;
	v2 =	vadd.s32 v9, v23;
	v9 =	vsel vm5, $0xFFFFFFFF, v6  }
0x26b: {  	v1 =	vadd.s32 v8, v1;
	v8 =	vsel vm2, $0x1, v6;
	v2 =	vadd.s32 v17, v2  }
0x26c: {  	v0 =	vadd.s32 v9, v0;
	vm2 =	vle.f32 v44, v41;
	[tilespmem:$0x1FC00] =	vst v8;
	v8 =	vsel vm14, $0x1, v6  }
0x26d: {  	v9 =	vimm.s32 $0x0;
	vm14 =	vle.f32 v44, v29;
	[tilespmem:$0x1FCD0] =	vst v8;
	v8 =	vsel vm9, $0xFFFFFFFF, v6  }
0x26e: {  	v23 =	vsel vm14, $0xFFFFFFFF, v6;
	v1 =	vadd.s32 v8, v1;
	v8 =	vsel vm5, $0x1, v6  }
0x26f: {  	v1 =	vadd.s32 v11, v1;
	v11 =	vsel vm15, $0x1, v6;
	vm15 =	vle.f32 v44, v28  }
0x270: {  	v8 =	vadd.s32 v8, v45;
	v1 =	vadd.s32 v23, v1;
	v17 =	vsel vm15, $0xFFFFFFFF, v6  }
0x271: {  	[tilespmem:$0x1F680] =	vst v0;
	v0 =	vadd.s32 v17, v1;
	v1 =	vadd.s32 v7, v2;
	v2 =	vsel vm11, $0x1, v6  }
0x272: {  	v45 =	vsel vm2, $0x1, v6;
	vm11 =	vle.f32 v43, v40;
	[tilespmem:$0x1FD50] =	vst v2;
	v2 =	vsel vm12, $0x1, v6  }
0x273: {  	v1 =	vadd.s32 v11, v1;
	vm12 =	vle.f32 v43, v39;
	[tilespmem:$0x1FE10] =	vst v2;
	v2 =	vsel vm11, $0xFFFFFFFF, v6  }
0x274: {  	v7 =	vsel vm2, $0xFFFFFFFF, v6;
	v1 =	vadd.s32 v2, v1;
	v2 =	vsel vm12, $0xFFFFFFFF, v6  }
0x275: {  	vm2 =	vle.f32 v43, v26;
	v1 =	vadd.s32 v2, v1;
	v2 =	vsel vm7, $0x1, v6  }
0x276: {  	v9 =	vsel vm2, $0xFFFFFFFF, v9;
	[tilespmem:$0x1FEB0] =	vst v2;
	v2 =	vsel vm6, $0x1, v6;
	vm6 =	vle.f32 v43, v38  }
0x277: {  	v0 =	vadd.s32 v19, v0;
	[tilespmem:$0x1F6D0] =	vst v9;
	v9 =	vsel vm6, $0xFFFFFFFF, v6  }
0x278: {  	v0 =	vadd.s32 v7, v0;
	v7 =	vsel vm2, $0xFFFFFFFF, v6;
	v1 =	vadd.s32 v9, v1  }
0x279: {  	v1 =	vadd.s32 v7, v1;
	v7 =	vld [tilespmem:$0x1F690];
	_ =	sdelay $0x3  }
0x27a: {  	v58 =	vsel vm8, $0x1, v6;
	vm8 =	vle.f32 v43, v35;
	vm7 =	vle.f32 v44, v32  }
0x27b: {  	[tilespmem:$0x1F8E0] =	vst v60;
	v19 =	vsel vm8, $0xFFFFFFFF, v6;
	v60 =	vsel vm7, $0xFFFFFFFF, v6;
	vm2 =	vnez.u8 v7  }
0x27c: {  	v1 =	vadd.s32 v19, v1;
	v11 =	vsel vm2, $0x1, v6;
	vm2 =	vle.f32 v44, v36  }
0x27d: {  	v7 =	vsel vm10, $0x1, v6;
	vm10 =	vle.f32 v43, v34;
	v17 =	vsel vm2, $0xFFFFFFFF, v6  }
0x27e: {  	v19 =	vsel vm2, $0x1, v6;
	v0 =	vadd.s32 v17, v0;
	v17 =	vsel vm10, $0xFFFFFFFF, v6  }
0x27f: {  	v1 =	vadd.s32 v17, v1;
	v17 =	vsel vm0, $0x1, v6;
	vm0 =	vle.f32 v44, v27  }
0x280: {  	vm2 =	vle.f32 v43, v42;
	v0 =	vadd.s32 v60, v0;
	v23 =	vsel vm0, $0xFFFFFFFF, v6  }
0x281: {  	v1 =	vadd.s32 v21, v1;
	v21 =	vsel vm2, $0xFFFFFFFF, v6;
	v0 =	vadd.s32 v23, v0  }
0x282: {  	[tilespmem:$0x1F6A0] =	vst v0;
	v0 =	vadd.s32 v21, v1;
	v1 =	vadd.s32 v16, v62;
	v16 =	vld [tilespmem:$0x1F6B0];
	_ =	sdelay $0x1  }
0x283: {  	v61 =	vsel vm0, $0x1, v6  }
0x284: {  	vm5 =	vle.f32 v43, v33;
	v9 =	vsel vm3, $0x1, v6;
	v8 =	vadd.s32 v61, v8  }
0x285: {  	v61 =	vsel vm11, $0x1, v6;
	vm11 =	vle.f32 v42, v26;
	v1 =	vadd.s32 v14, v1  }
0x286: {  	v1 =	vadd.s32 v4, v1;
	v4 =	vsel vm1, $0x1, v6;
	vm0 =	vnez.u8 v16  }
0x287: {  	v14 =	vsel vm5, $0xFFFFFFFF, v6;
	vm1 =	vle.f32 v43, v27;
	[tilespmem:$0x1FA80] =	vst v4;
	v16 =	vsel vm0, $0x1, v6  }
0x288: {  	v4 =	vsel vm2, $0x1, v6;
	v1 =	vadd.s32 v5, v1;
	vm2 =	vle.f32 v43, v30;
	[tilespmem:$0x1F980] =	vst v16;
	v16 =	vld [tilespmem:$0x1F6C0]  }
0x289: {  	v1 =	vadd.s32 v2, v1;
	v2 =	vsel vm13, $0x1, v6;
	vm13 =	vle.f32 v42, v40  }
0x28a: {  	v1 =	vadd.s32 v4, v1;
	[tilespmem:$0x1FB50] =	vst v2;
	v2 =	vsel vm7, $0x1, v6;
	vm7 =	vle.f32 v42, v39  }
0x28b: {  	v4 =	vsel vm13, $0xFFFFFFFF, v6;
	vm0 =	vle.f32 v43, v37;
	[tilespmem:$0x1FC10] =	vst v2;
	v2 =	vsel vm9, $0x1, v6  }
0x28c: {  	v1 =	vadd.s32 v4, v1;
	vm9 =	vle.f32 v42, v37;
	v21 =	vsel vm0, $0xFFFFFFFF, v6  }
0x28d: {  	[tilespmem:$0x1FCE0] =	vst v2;
	v2 =	vimm.s32 $0x0;
	v0 =	vadd.s32 v21, v0;
	vm3 =	vnez.u8 v16  }
0x28e: {  	v2 =	vsel vm7, $0xFFFFFFFF, v2;
	v16 =	vsel vm3, $0x1, v6;
	vm3 =	vle.f32 v43, v31  }
0x28f: {  	v0 =	vadd.s32 v14, v0;
	v14 =	vsel vm1, $0x1, v6;
	v5 =	vsel vm3, $0xFFFFFFFF, v6  }
0x290: {  	[tilespmem:$0x1F720] =	vst v2;
	v2 =	vsel vm2, $0xFFFFFFFF, v6;
	v23 =	vadd.s32 v14, v8;
	v0 =	vadd.s32 v5, v0  }
0x291: {  	v14 =	vsel vm6, $0x1, v6;
	v0 =	vadd.s32 v2, v0;
	v2 =	vsel vm7, $0xFFFFFFFF, v6  }
0x292: {  	vm6 =	vle.f32 v42, v35;
	v1 =	vadd.s32 v2, v1;
	v2 =	vsel vm4, $0x1, v6  }
0x293: {  	v8 =	vsel vm11, $0xFFFFFFFF, v6;
	vm7 =	vle.f32 v43, v41;
	[tilespmem:$0x1FD70] =	vst v2;
	v2 =	vsel vm14, $0x1, v6  }
0x294: {  	vm4 =	vle.f32 v43, v29;
	[tilespmem:$0x1FE30] =	vst v2;
	v2 =	vsel vm15, $0x1, v6;
	vm15 =	vle.f32 v42, v38  }
0x295: {  	v60 =	vsel vm7, $0x1, v6;
	v4 =	vsel vm4, $0xFFFFFFFF, v6;
	v5 =	vsel vm15, $0xFFFFFFFF, v6  }
0x296: {  	v0 =	vadd.s32 v4, v0;
	v1 =	vadd.s32 v5, v1;
	v5 =	vimm.s32 $0x0  }
0x297: {  	v4 =	vsel vm9, $0xFFFFFFFF, v6;
	[tilespmem:$0x1FEC0] =	vst v2;
	v2 =	vsel vm7, $0xFFFFFFFF, v6;
	v5 =	vsel vm11, $0xFFFFFFFF, v5  }
0x298: {  	vm7 =	vle.f32 v43, v28;
	v1 =	vadd.s32 v4, v1;
	[tilespmem:$0x1F750] =	vst v5;
	v5 =	vimm.s32 $0x0  }
0x299: {  	vm11 =	vle.f32 v42, v34;
	v1 =	vadd.s32 v8, v1;
	v8 =	vld [tilespmem:$0x1F6D0];
	v5 =	vsel vm6, $0xFFFFFFFF, v5  }
0x29a: {  	v62 =	vsel vm11, $0xFFFFFFFF, v6;
	[tilespmem:$0x1F760] =	vst v5;
	v5 =	vsel vm7, $0xFFFFFFFF, v6  }
0x29b: {  	v0 =	vadd.s32 v5, v0;
	v5 =	vsel vm6, $0xFFFFFFFF, v6;
	vm6 =	vle.f32 v42, v33  }
0x29c: {  	v1 =	vadd.s32 v5, v1;
	v5 =	vsel vm0, $0x1, v6;
	vm0 =	vle.f32 v43, v36  }
0x29d: {  	[tilespmem:$0x1F9E0] =	vst v16;
	v0 =	vadd.s32 v12, v0;
	v12 =	vsel vm6, $0xFFFFFFFF, v6;
	v16 =	vsel vm0, $0xFFFFFFFF, v6  }
0x29e: {  	[tilespmem:$0x1F8F0] =	vst v19;
	v19 =	vsel vm0, $0x1, v6;
	vm0 =	vnez.u8 v8;
	v1 =	vadd.s32 v62, v1  }
0x29f: {  	v8 =	vsel vm8, $0x1, v6;
	vm8 =	vle.f32 v42, v31;
	v1 =	vadd.s32 v12, v1  }
0x2a0: {  	[tilespmem:$0x1F9F0] =	vst v8;
	v8 =	vsel vm10, $0x1, v6;
	vm10 =	vle.f32 v42, v30;
	v12 =	vsel vm8, $0xFFFFFFFF, v6  }
0x2a1: {  	v0 =	vadd.s32 v2, v0;
	[tilespmem:$0x1FA90] =	vst v8;
	v1 =	vadd.s32 v12, v1;
	v2 =	vsel vm10, $0xFFFFFFFF, v6;
	v8 =	vld [tilespmem:$0x1F6F0]  }
0x2a2: {  	v1 =	vadd.s32 v2, v1;
	v2 =	vld [tilespmem:$0x1F6E0];
	_ =	sdelay $0x2  }
0x2a3: {  	vm14 =	vle.f32 v42, v29;
	v21 =	vsel vm0, $0x1, v6  }
0x2a4: {  	v0 =	vadd.s32 v16, v0;
	vm0 =	vle.f32 v43, v32;
	v16 =	vsel vm14, $0xFFFFFFFF, v6  }
0x2a5: {  	v12 =	vsel vm0, $0xFFFFFFFF, v6;
	v2 =	vadd.s32 v8, v2;
	v8 =	vsel vm5, $0x1, v6  }
0x2a6: {  	v0 =	vadd.s32 v12, v0;
	v1 =	vadd.s32 v16, v1;
	[tilespmem:$0x1FB70] =	vst v8;
	v8 =	vsel vm0, $0x1, v6  }
0x2a7: {  	v2 =	vadd.s32 v52, v2;
	vm0 =	vle.f32 v42, v28;
	[tilespmem:$0x1FC20] =	vst v8;
	v8 =	vsel vm3, $0x1, v6  }
0x2a8: {  	v2 =	vadd.s32 v20, v2;
	v16 =	vsel vm0, $0xFFFFFFFF, v6;
	[tilespmem:$0x1FCF0] =	vst v8;
	v8 =	vimm.s32 $0x0  }
0x2a9: {  	v1 =	vadd.s32 v16, v1;
	v2 =	vadd.s32 v13, v2;
	v8 =	vsel vm0, $0xFFFFFFFF, v8  }
0x2aa: {  	v2 =	vadd.s32 v3, v2;
	v3 =	vsel vm2, $0x1, v6;
	vm2 =	vle.f32 v42, v41  }
0x2ab: {  	v1 =	vadd.s32 v18, v1;
	vm0 =	vle.f32 v42, v36;
	[tilespmem:$0x1FD80] =	vst v3;
	v3 =	vsel vm2, $0xFFFFFFFF, v6  }
0x2ac: {  	v2 =	vadd.s32 v45, v2;
	v12 =	vsel vm2, $0x1, v6;
	v1 =	vadd.s32 v3, v1  }
0x2ad: {  	v2 =	vadd.s32 v60, v2;
	v3 =	vsel vm1, $0xFFFFFFFF, v6;
	vm1 =	vle.f32 v42, v32  }
0x2ae: {  	[tilespmem:$0x1F780] =	vst v8;
	v2 =	vadd.s32 v12, v2;
	v12 =	vsel vm0, $0xFFFFFFFF, v6;
	v0 =	vadd.s32 v3, v0  }
0x2af: {  	v8 =	vld [tilespmem:$0x1F720];
	v3 =	vsel vm1, $0xFFFFFFFF, v6;
	[tilespmem:$0x1F700] =	vst v0;
	v0 =	vadd.s32 v12, v1  }
0x2b0: {  	v4 =	vsel vm12, $0x1, v6;
	vm12 =	vle.f32 v41, v39;
	v0 =	vadd.s32 v3, v0;
	v3 =	vld [tilespmem:$0x1F710]  }
0x2b1: {  	vm5 =	vle.f32 v41, v38;
	vm3 =	vle.f32 v41, v40;
	v13 =	vsel vm12, $0xFFFFFFFF, v6  }
0x2b2: {  	v16 =	vsel vm5, $0xFFFFFFFF, v6;
	v1 =	vadd.s32 v13, v2;
	v13 =	vsel vm3, $0xFFFFFFFF, v6  }
0x2b3: {  	vm2 =	vle.f32 v42, v27;
	v2 =	vsel vm4, $0x1, v6;
	v1 =	vadd.s32 v13, v1  }
0x2b4: {  	v13 =	vsel vm2, $0xFFFFFFFF, v6;
	vm4 =	vnez.u8 v8;
	v1 =	vadd.s32 v16, v1  }
0x2b5: {  	v18 =	vsel vm4, $0x1, v6;
	vm4 =	vle.f32 v41, v37;
	v3 =	vadd.s32 v3, v59  }
0x2b6: {  	v0 =	vadd.s32 v13, v0;
	v3 =	vadd.s32 v10, v3;
	v10 =	vsel vm4, $0xFFFFFFFF, v6  }
0x2b7: {  	[tilespmem:$0x1F730] =	vst v0;
	v0 =	vadd.s32 v10, v1;
	v1 =	vadd.s32 v11, v3;
	v3 =	vld [tilespmem:$0x1F740];
	_ =	sdelay $0x1  }
0x2b8: {  	v8 =	vsel vm0, $0x1, v6;
	vm0 =	vle.f32 v40, v39  }
0x2b9: {  	v16 =	vsel vm0, $0xFFFFFFFF, v6  }
0x2ba: {  	v1 =	vadd.s32 v16, v1  }
0x2bb: {  	v1 =	vadd.s32 v3, v1;
	v3 =	vld [tilespmem:$0x1F750];
	_ =	sdelay $0x4  }
0x2bc: {  	v12 =	vsel vm2, $0x1, v6;
	vm2 =	vnez.u8 v3;
	v3 =	vld [tilespmem:$0x1F760];
	_ =	sdelay $0x4  }
0x2bd: {  	v11 =	vsel vm9, $0x1, v6;
	vm9 =	vnez.u8 v3  }
0x2be: {  	[tilespmem:$0x1FE40] =	vst v2;
	v3 =	vsel vm9, $0x1, v6  }
0x2bf: {  	v45 =	vsel vm15, $0x1, v6;
	vm15 =	vle.f32 v41, v35;
	[tilespmem:$0x1FA30] =	vst v3;
	v3 =	vsel vm11, $0x1, v6  }
0x2c0: {  	v2 =	vsel vm7, $0x1, v6;
	v12 =	vadd.s32 v12, v23;
	[tilespmem:$0x1FB10] =	vst v3;
	v3 =	vsel vm6, $0x1, v6  }
0x2c1: {  	vm7 =	vle.f32 v41, v27;
	vm6 =	vle.f32 v40, v26;
	[tilespmem:$0x1FB80] =	vst v3;
	v3 =	vimm.s32 $0x0  }
0x2c2: {  	[tilespmem:$0x1FEE0] =	vst v2;
	v2 =	vsel vm13, $0x1, v6;
	v13 =	vsel vm7, $0x1, v6;
	v3 =	vsel vm6, $0xFFFFFFFF, v3  }
0x2c3: {  	vm13 =	vle.f32 v41, v36;
	v12 =	vadd.s32 v13, v12;
	[tilespmem:$0x1F7E0] =	vst v3;
	v3 =	vsel vm1, $0x1, v6  }
0x2c4: {  	v10 =	vsel vm13, $0xFFFFFFFF, v6;
	vm1 =	vle.f32 v40, v35;
	[tilespmem:$0x1FC30] =	vst v3;
	v3 =	vimm.s32 $0x0  }
0x2c5: {  	v0 =	vadd.s32 v10, v0;
	v1 =	vadd.s32 v61, v1;
	v3 =	vsel vm1, $0xFFFFFFFF, v3  }
0x2c6: {  	v10 =	vsel vm2, $0x1, v6;
	vm2 =	vle.f32 v41, v26;
	[tilespmem:$0x1F800] =	vst v3;
	v3 =	vsel vm8, $0x1, v6  }
0x2c7: {  	v13 =	vsel vm2, $0xFFFFFFFF, v6;
	vm9 =	vle.f32 v40, v38;
	[tilespmem:$0x1FD00] =	vst v3;
	v3 =	vsel vm10, $0x1, v6  }
0x2c8: {  	v0 =	vadd.s32 v13, v0;
	v13 =	vsel vm9, $0xFFFFFFFF, v6;
	[tilespmem:$0x1FD90] =	vst v3;
	v3 =	vsel vm14, $0x1, v6  }
0x2c9: {  	v1 =	vadd.s32 v13, v1;
	v13 =	vsel vm15, $0xFFFFFFFF, v6;
	[tilespmem:$0x1FE60] =	vst v3;
	v3 =	vld [tilespmem:$0x1F770]  }
0x2ca: {  	v23 =	vsel vm6, $0xFFFFFFFF, v6;
	v0 =	vadd.s32 v13, v0  }
0x2cb: {  	v1 =	vadd.s32 v23, v1;
	vm6 =	vle.f32 v41, v34;
	v13 =	vsel vm1, $0xFFFFFFFF, v6  }
0x2cc: {  	v1 =	vadd.s32 v13, v1;
	vm1 =	vle.f32 v41, v33;
	v13 =	vsel vm6, $0xFFFFFFFF, v6  }
0x2cd: {  	v0 =	vadd.s32 v13, v0;
	v13 =	vsel vm1, $0xFFFFFFFF, v6  }
0x2ce: {  	v0 =	vadd.s32 v13, v0;
	v13 =	vadd.s32 v3, v53;
	v3 =	vld [tilespmem:$0x1F780];
	_ =	sdelay $0x1  }
0x2cf: {  	v52 =	vsel vm12, $0x1, v6;
	vm12 =	vle.f32 v41, v31;
	vm8 =	vle.f32 v40, v34  }
0x2d0: {  	vm11 =	vle.f32 v40, v37;
	v23 =	vsel vm8, $0xFFFFFFFF, v6;
	vm10 =	vle.f32 v39, v38  }
0x2d1: {  	v1 =	vadd.s32 v23, v1;
	vm14 =	vle.f32 v40, v33;
	v23 =	vsel vm10, $0xFFFFFFFF, v6  }
0x2d2: {  	v13 =	vadd.s32 v15, v13;
	v15 =	vsel vm0, $0x1, v6;
	vm0 =	vnez.u8 v3  }
0x2d3: {  	v1 =	vadd.s32 v24, v1;
	v24 =	vsel vm5, $0x1, v6;
	v3 =	vsel vm0, $0x1, v6  }
0x2d4: {  	vm5 =	vle.f32 v40, v31;
	v1 =	vadd.s32 v2, v1;
	v2 =	vadd.s32 v9, v13;
	[tilespmem:$0x1FF00] =	vst v3;
	v3 =	vld [tilespmem:$0x1F790]  }
0x2d5: {  	v9 =	vsel vm11, $0xFFFFFFFF, v6;
	v13 =	vsel vm3, $0x1, v6;
	vm0 =	vle.f32 v41, v32  }
0x2d6: {  	vm3 =	vle.f32 v39, v35;
	v1 =	vadd.s32 v9, v1;
	v9 =	vsel vm0, $0xFFFFFFFF, v6  }
0x2d7: {  	v2 =	vadd.s32 v15, v2;
	v15 =	vsel vm14, $0xFFFFFFFF, v6;
	v0 =	vadd.s32 v9, v0  }
0x2d8: {  	v9 =	vadd.s32 v15, v1;
	v15 =	vsel vm5, $0xFFFFFFFF, v6;
	v1 =	vsel vm13, $0x1, v6  }
0x2d9: {  	vm13 =	vle.f32 v40, v30;
	v60 =	vadd.s32 v15, v9;
	v2 =	vadd.s32 v3, v2  }
0x2da: {  	v9 =	vsel vm2, $0x1, v6;
	v2 =	vadd.s32 v4, v2;
	v4 =	vsel vm12, $0xFFFFFFFF, v6  }
0x2db: {  	vm2 =	vle.f32 v39, v26;
	v4 =	vadd.s32 v4, v0;
	v0 =	vimm.s32 $0x0  }
0x2dc: {  	v63 =	vsel vm3, $0xFFFFFFFF, v6;
	v53 =	vsel vm13, $0xFFFFFFFF, v6;
	v0 =	vsel vm2, $0xFFFFFFFF, v0  }
0x2dd: {  	v59 =	vsel vm2, $0xFFFFFFFF, v6;
	v60 =	vadd.s32 v53, v60;
	[tilespmem:$0x1F880] =	vst v0;
	v0 =	vsel vm6, $0x1, v6  }
0x2de: {  	v3 =	vsel vm4, $0x1, v6;
	vm4 =	vle.f32 v41, v30;
	[tilespmem:$0x1FBC0] =	vst v0;
	v0 =	vsel vm1, $0x1, v6  }
0x2df: {  	v2 =	vadd.s32 v23, v2;
	v23 =	vsel vm4, $0xFFFFFFFF, v6;
	[tilespmem:$0x1FC70] =	vst v0;
	v0 =	vsel vm0, $0x1, v6  }
0x2e0: {  	v4 =	vadd.s32 v23, v4;
	v2 =	vadd.s32 v59, v2;
	[tilespmem:$0x1FC50] =	vst v0;
	v0 =	vsel vm12, $0x1, v6  }
0x2e1: {  	vm2 =	vle.f32 v40, v29;
	vm6 =	vle.f32 v41, v29;
	[tilespmem:$0x1FE20] =	vst v0;
	v0 =	vsel vm4, $0x1, v6  }
0x2e2: {  	v62 =	vsel vm2, $0xFFFFFFFF, v6;
	v2 =	vadd.s32 v63, v2;
	[tilespmem:$0x1FE90] =	vst v0;
	v0 =	vsel vm6, $0x1, v6  }
0x2e3: {  	v61 =	vsel vm6, $0xFFFFFFFF, v6;
	v59 =	vadd.s32 v62, v60;
	vm1 =	vle.f32 v40, v28;
	[tilespmem:$0x1FF60] =	vst v0;
	v0 =	vld [tilespmem:$0x1F7A0]  }
0x2e4: {  	v62 =	vsel vm7, $0xFFFFFFFF, v6;
	vm7 =	vle.f32 v40, v36;
	v4 =	vadd.s32 v61, v4  }
0x2e5: {  	v60 =	vsel vm1, $0xFFFFFFFF, v6;
	vm12 =	vle.f32 v41, v28;
	vm6 =	vle.f32 v39, v34  }
0x2e6: {  	vm0 =	vle.f32 v39, v37;
	v53 =	vsel vm12, $0xFFFFFFFF, v6;
	v61 =	vsel vm6, $0xFFFFFFFF, v6  }
0x2e7: {  	v60 =	vadd.s32 v60, v59;
	v4 =	vadd.s32 v53, v4;
	v2 =	vadd.s32 v61, v2  }
0x2e8: {  	v25 =	vadd.s32 v25, v60;
	v2 =	vadd.s32 v0, v2;
	v0 =	vadd.s32 v62, v4  }
0x2e9: {  	v2 =	vadd.s32 v18, v2;
	v18 =	vsel vm0, $0xFFFFFFFF, v6;
	[tilespmem:$0x1F7B0] =	vst v0;
	v0 =	vsel vm12, $0x1, v6  }
0x2ea: {  	v4 =	vadd.s32 v13, v25;
	v2 =	vadd.s32 v18, v2;
	[tilespmem:$0x1FF80] =	vst v0;
	v18 =	vsel vm7, $0xFFFFFFFF, v6;
	v0 =	vld [tilespmem:$0x1F7C0]  }
0x2eb: {  	v18 =	vadd.s32 v18, v4;
	v4 =	vld [tilespmem:$0x1F7D0];
	_ =	sdelay $0x4  }
0x2ec: {  	v4 =	vadd.s32 v4, v0;
	v0 =	vld [tilespmem:$0x1F7E0];
	_ =	sdelay $0x4  }
0x2ed: {  	v61 =	vsel vm7, $0x1, v6;
	vm7 =	vnez.u8 v0;
	v0 =	vld [tilespmem:$0x1F7F0];
	_ =	sdelay $0x4  }
0x2ee: {  	v4 =	vadd.s32 v0, v4;
	v0 =	vld [tilespmem:$0x1F800]  }
0x2ef: {  	v20 =	vsel vm15, $0x1, v6;
	vm15 =	vle.f32 v40, v32;
	v15 =	vsel vm8, $0x1, v6  }
0x2f0: {  	vm8 =	vle.f32 v39, v28;
	v23 =	vsel vm5, $0x1, v6;
	vm5 =	vle.f32 v38, v34  }
0x2f1: {  	vm4 =	vle.f32 v40, v27;
	v53 =	vsel vm11, $0x1, v6;
	vm11 =	vle.f32 v39, v31  }
0x2f2: {  	v60 =	vsel vm11, $0xFFFFFFFF, v6;
	v13 =	vsel vm9, $0x1, v6;
	vm9 =	vle.f32 v39, v33  }
0x2f3: {  	v25 =	vsel vm4, $0x1, v6;
	vm12 =	vnez.u8 v0;
	v0 =	vimm.s32 $0x0  }
0x2f4: {  	v63 =	vsel vm9, $0xFFFFFFFF, v6;
	v12 =	vadd.s32 v25, v12;
	v0 =	vsel vm8, $0xFFFFFFFF, v0  }
0x2f5: {  	v2 =	vadd.s32 v63, v2;
	v25 =	vsel vm7, $0x1, v6;
	[tilespmem:$0x1FED0] =	vst v0;
	v0 =	vimm.s32 $0x0  }
0x2f6: {  	vm7 =	vle.f32 v39, v30;
	v58 =	vadd.s32 v58, v4;
	v0 =	vsel vm5, $0xFFFFFFFF, v0  }
0x2f7: {  	v2 =	vadd.s32 v60, v2;
	v62 =	vsel vm7, $0xFFFFFFFF, v6;
	v7 =	vadd.s32 v7, v58;
	[tilespmem:$0x1F910] =	vst v0;
	v0 =	vld [tilespmem:$0x1F810]  }
0x2f8: {  	v58 =	vsel vm15, $0xFFFFFFFF, v6;
	v4 =	vsel vm12, $0x1, v6;
	vm12 =	vle.f32 v39, v29  }
0x2f9: {  	v59 =	vadd.s32 v62, v2;
	v58 =	vadd.s32 v58, v18;
	v60 =	vsel vm12, $0xFFFFFFFF, v6  }
0x2fa: {  	v7 =	vadd.s32 v14, v7;
	v14 =	vsel vm8, $0xFFFFFFFF, v6;
	v18 =	vadd.s32 v60, v59  }
0x2fb: {  	v7 =	vadd.s32 v13, v7;
	v13 =	vsel vm10, $0x1, v6;
	v14 =	vadd.s32 v14, v18  }
0x2fc: {  	v60 =	vsel vm14, $0x1, v6;
	vm14 =	vle.f32 v38, v26;
	v14 =	vadd.s32 v0, v14;
	v0 =	vld [tilespmem:$0x1F820]  }
0x2fd: {  	vm10 =	vle.f32 v38, v35;
	v7 =	vadd.s32 v13, v7;
	v13 =	vsel vm14, $0xFFFFFFFF, v6  }
0x2fe: {  	v7 =	vadd.s32 v13, v7;
	v13 =	vsel vm10, $0xFFFFFFFF, v6  }
0x2ff: {  	v7 =	vadd.s32 v13, v7;
	v13 =	vsel vm5, $0xFFFFFFFF, v6  }
0x300: {  	v7 =	vadd.s32 v13, v7;
	v13 =	vsel vm4, $0xFFFFFFFF, v6  }
0x301: {  	v7 =	vadd.s32 v0, v7;
	v0 =	vadd.s32 v13, v58  }
0x302: {  	[tilespmem:$0x1F830] =	vst v0;
	v0 =	vsel vm13, $0x1, v6  }
0x303: {  	[tilespmem:$0x1FDA0] =	vst v0;
	v0 =	vsel vm2, $0x1, v6  }
0x304: {  	[tilespmem:$0x1FE70] =	vst v0;
	v0 =	vsel vm1, $0x1, v6  }
0x305: {  	[tilespmem:$0x1FF20] =	vst v0;
	v0 =	vld [tilespmem:$0x1F840];
	_ =	sdelay $0x1  }
0x306: {  	vm8 =	vle.f32 v39, v36  }
0x307: {  	v63 =	vsel vm8, $0xFFFFFFFF, v6;
	vm4 =	vle.f32 v39, v32;
	v14 =	vadd.s32 v52, v14  }
0x308: {  	v13 =	vadd.s32 v63, v14;
	v14 =	vsel vm4, $0xFFFFFFFF, v6  }
0x309: {  	v13 =	vadd.s32 v14, v13;
	v14 =	vadd.s32 v0, v55;
	v0 =	vld [tilespmem:$0x1F850];
	_ =	sdelay $0x2  }
0x30a: {  	vm13 =	vle.f32 v39, v27  }
0x30b: {  	v7 =	vadd.s32 v45, v7;
	v45 =	vsel vm13, $0xFFFFFFFF, v6  }
0x30c: {  	v14 =	vadd.s32 v0, v14;
	v0 =	vadd.s32 v45, v13  }
0x30d: {  	[tilespmem:$0x1F860] =	vst v0;
	v0 =	vld [tilespmem:$0x1F870];
	_ =	sdelay $0x4  }
0x30e: {  	v13 =	vadd.s32 v0, v14;
	v0 =	vld [tilespmem:$0x1F880]  }
0x30f: {  	v59 =	vsel vm15, $0x1, v6;
	vm15 =	vle.f32 v38, v30  }
0x310: {  	vm5 =	vle.f32 v38, v33;
	v52 =	vsel vm0, $0x1, v6;
	vm2 =	vle.f32 v38, v37  }
0x311: {  	v58 =	vsel vm5, $0xFFFFFFFF, v6;
	v62 =	vsel vm13, $0x1, v6;
	v63 =	vsel vm2, $0xFFFFFFFF, v6  }
0x312: {  	vm13 =	vle.f32 v38, v31;
	v12 =	vadd.s32 v62, v12;
	v7 =	vadd.s32 v63, v7  }
0x313: {  	v63 =	vsel vm8, $0x1, v6;
	vm8 =	vle.f32 v38, v29;
	vm0 =	vnez.u8 v0  }
0x314: {  	v0 =	vimm.s32 $0x0;
	v14 =	vsel vm0, $0x1, v6;
	vm0 =	vle.f32 v38, v28  }
0x315: {  	v7 =	vadd.s32 v58, v7;
	v55 =	vsel vm13, $0xFFFFFFFF, v6;
	v0 =	vsel vm0, $0xFFFFFFFF, v0  }
0x316: {  	v7 =	vadd.s32 v55, v7;
	v13 =	vadd.s32 v22, v13;
	v22 =	vsel vm15, $0xFFFFFFFF, v6;
	[tilespmem:$0x1FEF0] =	vst v0;
	v0 =	vld [tilespmem:$0x1F890]  }
0x317: {  	v7 =	vadd.s32 v22, v7;
	v13 =	vadd.s32 v17, v13;
	v17 =	vsel vm8, $0xFFFFFFFF, v6  }
0x318: {  	vm1 =	vle.f32 v38, v27;
	v17 =	vadd.s32 v17, v7;
	v5 =	vadd.s32 v5, v13  }
0x319: {  	v7 =	vsel vm6, $0x1, v6;
	v5 =	vadd.s32 v11, v5;
	v11 =	vsel vm0, $0xFFFFFFFF, v6  }
0x31a: {  	v13 =	vsel vm1, $0x1, v6;
	vm6 =	vle.f32 v37, v26;
	v11 =	vadd.s32 v11, v17  }
0x31b: {  	v12 =	vadd.s32 v13, v12;
	v5 =	vadd.s32 v53, v5;
	v11 =	vadd.s32 v0, v11;
	v0 =	vld [tilespmem:$0x1F8A0]  }
0x31c: {  	v13 =	vsel vm2, $0x1, v6;
	vm2 =	vle.f32 v37, v35;
	v5 =	vadd.s32 v52, v5  }
0x31d: {  	v5 =	vadd.s32 v13, v5;
	v13 =	vsel vm6, $0xFFFFFFFF, v6;
	vm0 =	vle.f32 v38, v36  }
0x31e: {  	v17 =	vadd.s32 v13, v5;
	v11 =	vadd.s32 v24, v11;
	v24 =	vsel vm2, $0xFFFFFFFF, v6  }
0x31f: {  	v17 =	vadd.s32 v24, v17;
	v24 =	vsel vm0, $0xFFFFFFFF, v6  }
0x320: {  	v24 =	vadd.s32 v24, v11;
	v11 =	vadd.s32 v0, v54;
	v0 =	vld [tilespmem:$0x1F8B0];
	_ =	sdelay $0x4  }
0x321: {  	v62 =	vadd.s32 v0, v11;
	v0 =	vld [tilespmem:$0x1F8C0];
	_ =	sdelay $0x1  }
0x322: {  	v13 =	vsel vm9, $0x1, v6;
	vm9 =	vle.f32 v37, v34  }
0x323: {  	v45 =	vsel vm3, $0x1, v6;
	vm3 =	vle.f32 v37, v33;
	v58 =	vsel vm9, $0xFFFFFFFF, v6  }
0x324: {  	v16 =	vsel vm3, $0xFFFFFFFF, v6;
	v17 =	vadd.s32 v58, v17  }
0x325: {  	v16 =	vadd.s32 v16, v17;
	v17 =	vadd.s32 v0, v62;
	v0 =	vld [tilespmem:$0x1F8D0];
	_ =	sdelay $0x4  }
0x326: {  	v17 =	vadd.s32 v0, v17;
	v0 =	vld [tilespmem:$0x1F8E0]  }
0x327: {  	v2 =	vld [tilespmem:$0x1F8F0];
	v18 =	vsel vm11, $0x1, v6;
	vm11 =	vle.f32 v37, v30  }
0x328: {  	v53 =	vsel vm12, $0x1, v6;
	v11 =	vsel vm7, $0x1, v6;
	vm7 =	vle.f32 v37, v31  }
0x329: {  	vm12 =	vle.f32 v38, v32;
	v52 =	vsel vm0, $0x1, v6;
	v58 =	vsel vm7, $0xFFFFFFFF, v6  }
0x32a: {  	vm0 =	vle.f32 v37, v28;
	v16 =	vadd.s32 v58, v16;
	v62 =	vsel vm12, $0xFFFFFFFF, v6  }
0x32b: {  	v24 =	vadd.s32 v62, v24;
	v17 =	vadd.s32 v0, v17;
	v0 =	vsel vm11, $0xFFFFFFFF, v6  }
0x32c: {  	v0 =	vadd.s32 v0, v16;
	v16 =	vadd.s32 v2, v17;
	v2 =	vimm.s32 $0x0  }
0x32d: {  	v16 =	vadd.s32 v19, v16;
	v19 =	vsel vm1, $0xFFFFFFFF, v6;
	v2 =	vsel vm0, $0xFFFFFFFF, v2  }
0x32e: {  	[tilespmem:$0x1FF10] =	vst v2;
	v2 =	vadd.s32 v19, v24  }
0x32f: {  	[tilespmem:$0x1F900] =	vst v2;
	v2 =	vld [tilespmem:$0x1F910];
	_ =	sdelay $0x1  }
0x330: {  	v22 =	vsel vm4, $0x1, v6;
	vm4 =	vle.f32 v37, v32  }
0x331: {  	v54 =	vsel vm14, $0x1, v6;
	v17 =	vsel vm10, $0x1, v6;
	vm10 =	vle.f32 v37, v29  }
0x332: {  	vm14 =	vle.f32 v37, v27;
	v58 =	vsel vm10, $0xFFFFFFFF, v6;
	vm1 =	vle.f32 v36, v35  }
0x333: {  	v8 =	vadd.s32 v8, v16;
	v16 =	vsel vm0, $0xFFFFFFFF, v6;
	vm0 =	vnez.u8 v2;
	v2 =	vld [tilespmem:$0x1F920]  }
0x334: {  	v0 =	vadd.s32 v58, v0;
	v19 =	vsel vm14, $0x1, v6;
	v1 =	vadd.s32 v1, v8  }
0x335: {  	v0 =	vadd.s32 v16, v0;
	v12 =	vadd.s32 v19, v12;
	v1 =	vadd.s32 v61, v1  }
0x336: {  	v1 =	vadd.s32 v63, v1;
	v24 =	vsel vm0, $0x1, v6;
	vm0 =	vle.f32 v37, v36  }
0x337: {  	v1 =	vadd.s32 v52, v1;
	v8 =	vsel vm0, $0xFFFFFFFF, v6;
	v16 =	vsel vm0, $0x1, v6  }
0x338: {  	vm0 =	vle.f32 v36, v26;
	v1 =	vadd.s32 v16, v1;
	v0 =	vadd.s32 v2, v0  }
0x339: {  	v16 =	vsel vm1, $0xFFFFFFFF, v6;
	v19 =	vsel vm0, $0xFFFFFFFF, v6;
	v0 =	vadd.s32 v3, v0  }
0x33a: {  	v1 =	vadd.s32 v16, v1;
	v16 =	vsel vm4, $0xFFFFFFFF, v6;
	v3 =	vadd.s32 v8, v0;
	v0 =	vld [tilespmem:$0x1F930]  }
0x33b: {  	v3 =	vadd.s32 v16, v3;
	v16 =	vadd.s32 v19, v1;
	v1 =	vld [tilespmem:$0x1F940];
	_ =	sdelay $0x4  }
0x33c: {  	v1 =	vadd.s32 v1, v0;
	v0 =	vld [tilespmem:$0x1F950];
	_ =	sdelay $0x4  }
0x33d: {  	v19 =	vadd.s32 v0, v1;
	v0 =	vld [tilespmem:$0x1F960];
	_ =	sdelay $0x3  }
0x33e: {  	v61 =	vsel vm14, $0xFFFFFFFF, v6  }
0x33f: {  	v19 =	vadd.s32 v0, v19;
	v0 =	vadd.s32 v61, v3  }
0x340: {  	[tilespmem:$0x1F970] =	vst v0;
	v0 =	vld [tilespmem:$0x1F980]  }
0x341: {  	v5 =	vsel vm15, $0x1, v6  }
0x342: {  	vm15 =	vle.f32 v36, v34;
	v63 =	vsel vm12, $0x1, v6;
	vm12 =	vle.f32 v36, v33  }
0x343: {  	v62 =	vsel vm15, $0xFFFFFFFF, v6;
	v58 =	vsel vm12, $0xFFFFFFFF, v6  }
0x344: {  	v8 =	vsel vm13, $0x1, v6;
	vm13 =	vle.f32 v36, v32;
	v16 =	vadd.s32 v62, v16  }
0x345: {  	v16 =	vadd.s32 v58, v16;
	v61 =	vsel vm13, $0xFFFFFFFF, v6;
	v3 =	vadd.s32 v0, v19  }
0x346: {  	vm14 =	vle.f32 v36, v31;
	v16 =	vadd.s32 v61, v16;
	v19 =	vadd.s32 v21, v3  }
0x347: {  	v61 =	vsel vm9, $0x1, v6;
	vm9 =	vle.f32 v26, v34;
	v19 =	vadd.s32 v25, v19  }
0x348: {  	v0 =	vimm.s32 $0x0;
	v25 =	vsel vm14, $0xFFFFFFFF, v6;
	v14 =	vadd.s32 v14, v19  }
0x349: {  	v16 =	vadd.s32 v25, v16;
	v25 =	vsel vm9, $0xFFFFFFFF, v6;
	v14 =	vadd.s32 v54, v14  }
0x34a: {  	v14 =	vadd.s32 v25, v14;
	v25 =	vsel vm3, $0x1, v6;
	vm3 =	vle.f32 v36, v29  }
0x34b: {  	v0 =	vsel vm3, $0xFFFFFFFF, v0  }
0x34c: {  	v55 =	vsel vm2, $0x1, v6;
	vm2 =	vle.f32 v36, v30;
	[tilespmem:$0x1FF30] =	vst v0;
	v0 =	vld [tilespmem:$0x1F990]  }
0x34d: {  	v19 =	vsel vm2, $0xFFFFFFFF, v6  }
0x34e: {  	v16 =	vadd.s32 v19, v16;
	v19 =	vsel vm4, $0x1, v6;
	vm4 =	vle.f32 v26, v35  }
0x34f: {  	v62 =	vsel vm4, $0xFFFFFFFF, v6  }
0x350: {  	v1 =	vld [tilespmem:$0x1F9B0];
	v14 =	vadd.s32 v62, v14  }
0x351: {  	v14 =	vadd.s32 v0, v14;
	v0 =	vld [tilespmem:$0x1F9A0];
	_ =	sdelay $0x3  }
0x352: {  	v21 =	vsel vm6, $0x1, v6;
	v14 =	vadd.s32 v10, v14  }
0x353: {  	v14 =	vadd.s32 v21, v14;
	v21 =	vadd.s32 v1, v0;
	v0 =	vld [tilespmem:$0x1F9C0];
	_ =	sdelay $0x2  }
0x354: {  	v52 =	vsel vm7, $0x1, v6;
	vm7 =	vle.f32 v36, v27  }
0x355: {  	v58 =	vsel vm7, $0x1, v6  }
0x356: {  	v12 =	vadd.s32 v58, v12;
	v58 =	vadd.s32 v0, v21;
	v0 =	vld [tilespmem:$0x1F9D0];
	_ =	sdelay $0x1  }
0x357: {  	vm6 =	vle.f32 v36, v28;
	v10 =	vsel vm11, $0x1, v6;
	vm11 =	vle.f32 v26, v33  }
0x358: {  	v54 =	vsel vm3, $0xFFFFFFFF, v6;
	vm3 =	vle.f32 v26, v31;
	v62 =	vsel vm11, $0xFFFFFFFF, v6  }
0x359: {  	v16 =	vadd.s32 v54, v16;
	v14 =	vadd.s32 v62, v14;
	v1 =	vsel vm3, $0xFFFFFFFF, v6  }
0x35a: {  	v1 =	vadd.s32 v1, v14;
	v14 =	vld [tilespmem:$0x1F9E0];
	v54 =	vadd.s32 v0, v58;
	v0 =	vsel vm6, $0xFFFFFFFF, v6  }
0x35b: {  	v0 =	vadd.s32 v0, v16;
	v16 =	vld [tilespmem:$0x1F9F0];
	_ =	sdelay $0x2  }
0x35c: {  	v2 =	vsel vm5, $0x1, v6;
	v21 =	vsel vm10, $0x1, v6;
	vm10 =	vle.f32 v26, v30  }
0x35d: {  	vm5 =	vle.f32 v26, v29;
	v58 =	vsel vm10, $0xFFFFFFFF, v6;
	v14 =	vadd.s32 v14, v54  }
0x35e: {  	v54 =	vsel vm7, $0xFFFFFFFF, v6;
	v1 =	vadd.s32 v58, v1;
	v14 =	vadd.s32 v16, v14  }
0x35f: {  	v0 =	vadd.s32 v54, v0;
	v4 =	vadd.s32 v4, v14;
	v14 =	vsel vm5, $0xFFFFFFFF, v6  }
0x360: {  	v62 =	vsel vm0, $0x1, v6;
	[tilespmem:$0x1FA00] =	vst v0;
	v0 =	vadd.s32 v14, v1;
	v1 =	vadd.s32 v45, v4  }
0x361: {  	vm0 =	vle.f32 v35, v34;
	v4 =	vsel vm4, $0x1, v6;
	v1 =	vadd.s32 v17, v1  }
0x362: {  	v1 =	vadd.s32 v4, v1;
	v4 =	vsel vm0, $0xFFFFFFFF, v6  }
0x363: {  	v1 =	vadd.s32 v4, v1;
	v4 =	vld [tilespmem:$0x1FA10];
	_ =	sdelay $0x1  }
0x364: {  	vm7 =	vle.f32 v26, v28  }
0x365: {  	v17 =	vsel vm7, $0xFFFFFFFF, v6  }
0x366: {  	v0 =	vadd.s32 v17, v0  }
0x367: {  	v0 =	vadd.s32 v4, v0;
	v4 =	vld [tilespmem:$0x1FA20]  }
0x368: {  	v0 =	vadd.s32 v9, v0;
	v9 =	vld [tilespmem:$0x1FA30];
	_ =	sdelay $0x2  }
0x369: {  	v3 =	vsel vm8, $0x1, v6  }
0x36a: {  	vm8 =	vle.f32 v26, v27;
	v14 =	vsel vm15, $0x1, v6;
	v1 =	vadd.s32 v4, v1  }
0x36b: {  	vm15 =	vle.f32 v35, v33;
	v4 =	vsel vm8, $0x1, v6;
	v1 =	vadd.s32 v9, v1  }
0x36c: {  	v58 =	vld [tilespmem:$0x1FA50];
	v4 =	vadd.s32 v4, v12;
	v12 =	vsel vm15, $0xFFFFFFFF, v6;
	v1 =	vadd.s32 v55, v1  }
0x36d: {  	v1 =	vadd.s32 v12, v1;
	v12 =	vld [tilespmem:$0x1FA40]  }
0x36e: {  	v0 =	vadd.s32 v62, v0;
	v62 =	vld [tilespmem:$0x1FA60];
	_ =	sdelay $0x2  }
0x36f: {  	v45 =	vsel vm12, $0x1, v6;
	vm4 =	vle.f32 v35, v31  }
0x370: {  	vm12 =	vle.f32 v35, v30;
	v12 =	vadd.s32 v58, v12;
	v58 =	vsel vm4, $0xFFFFFFFF, v6  }
0x371: {  	v1 =	vadd.s32 v58, v1;
	v12 =	vadd.s32 v62, v12;
	v58 =	vld [tilespmem:$0x1FA70];
	v62 =	vsel vm12, $0xFFFFFFFF, v6  }
0x372: {  	v1 =	vadd.s32 v62, v1;
	v62 =	vld [tilespmem:$0x1FA80];
	_ =	sdelay $0x3  }
0x373: {  	v55 =	vsel vm9, $0x1, v6;
	vm9 =	vle.f32 v35, v29;
	v54 =	vadd.s32 v58, v12  }
0x374: {  	v54 =	vadd.s32 v62, v54;
	v62 =	vsel vm9, $0xFFFFFFFF, v6  }
0x375: {  	v1 =	vadd.s32 v62, v1;
	v62 =	vld [tilespmem:$0x1FA90];
	_ =	sdelay $0x4  }
0x376: {  	v12 =	vsel vm2, $0x1, v6;
	vm2 =	vle.f32 v26, v32;
	v54 =	vadd.s32 v62, v54  }
0x377: {  	v15 =	vadd.s32 v15, v54;
	v54 =	vsel vm2, $0xFFFFFFFF, v6  }
0x378: {  	v62 =	vsel vm8, $0xFFFFFFFF, v6;
	v0 =	vadd.s32 v54, v0  }
0x379: {  	v0 =	vadd.s32 v62, v0  }
0x37a: {  	[tilespmem:$0x1FAB0] =	vst v0;
	v0 =	vld [tilespmem:$0x1FAC0];
	_ =	sdelay $0x1  }
0x37b: {  	vm8 =	vle.f32 v35, v28  }
0x37c: {  	[tilespmem:$0x1FAA0] =	vst v26;
	v26 =	vsel vm8, $0xFFFFFFFF, v6  }
0x37d: {  	v1 =	vadd.s32 v26, v1;
	v7 =	vadd.s32 v7, v15  }
0x37e: {  	v58 =	vsel vm11, $0x1, v6;
	v0 =	vadd.s32 v0, v1;
	v1 =	vadd.s32 v24, v7  }
0x37f: {  	vm11 =	vle.f32 v35, v27;
	v7 =	vsel vm0, $0x1, v6;
	v1 =	vadd.s32 v55, v1  }
0x380: {  	v1 =	vadd.s32 v7, v1;
	v7 =	vsel vm11, $0x1, v6  }
0x381: {  	v15 =	vadd.s32 v7, v4;
	v4 =	vld [tilespmem:$0x1FAD0];
	_ =	sdelay $0x3  }
0x382: {  	v7 =	vld [tilespmem:$0x1FAF0]  }
0x383: {  	v1 =	vadd.s32 v4, v1;
	v4 =	vld [tilespmem:$0x1FAE0];
	_ =	sdelay $0x4  }
0x384: {  	v4 =	vadd.s32 v7, v4;
	v7 =	vld [tilespmem:$0x1FB10];
	_ =	sdelay $0x4  }
0x385: {  	v1 =	vadd.s32 v7, v1;
	v7 =	vld [tilespmem:$0x1FB20];
	_ =	sdelay $0x3  }
0x386: {  	v16 =	vsel vm1, $0x1, v6;
	vm0 =	vle.f32 v35, v32;
	v0 =	vadd.s32 v20, v0  }
0x387: {  	v0 =	vadd.s32 v16, v0;
	v4 =	vadd.s32 v7, v4;
	v7 =	vsel vm0, $0xFFFFFFFF, v6  }
0x388: {  	v0 =	vadd.s32 v7, v0;
	v7 =	vld [tilespmem:$0x1FB30];
	_ =	sdelay $0x3  }
0x389: {  	vm1 =	vle.f32 v34, v33  }
0x38a: {  	v20 =	vsel vm1, $0xFFFFFFFF, v6;
	v1 =	vadd.s32 v61, v1;
	v4 =	vadd.s32 v7, v4;
	v7 =	vld [tilespmem:$0x1FB40]  }
0x38b: {  	v1 =	vadd.s32 v20, v1;
	v20 =	vld [tilespmem:$0x1FB50];
	_ =	sdelay $0x2  }
0x38c: {  	v17 =	vsel vm13, $0x1, v6  }
0x38d: {  	vm13 =	vle.f32 v34, v31;
	v4 =	vadd.s32 v7, v4;
	v7 =	vsel vm11, $0xFFFFFFFF, v6  }
0x38e: {  	v4 =	vadd.s32 v20, v4;
	v20 =	vsel vm13, $0xFFFFFFFF, v6;
	v0 =	vadd.s32 v7, v0  }
0x38f: {  	[tilespmem:$0x1FB60] =	vst v0;
	v0 =	vadd.s32 v20, v1;
	v1 =	vld [tilespmem:$0x1FB70];
	_ =	sdelay $0x4  }
0x390: {  	v1 =	vadd.s32 v1, v4;
	v4 =	vld [tilespmem:$0x1FB80];
	_ =	sdelay $0x3  }
0x391: {  	v9 =	vsel vm14, $0x1, v6;
	vm14 =	vle.f32 v34, v29;
	v16 =	vsel vm2, $0x1, v6  }
0x392: {  	vm2 =	vle.f32 v34, v30;
	v7 =	vsel vm10, $0x1, v6;
	v1 =	vadd.s32 v4, v1  }
0x393: {  	vm10 =	vle.f32 v34, v28;
	v20 =	vsel vm2, $0xFFFFFFFF, v6;
	v1 =	vadd.s32 v60, v1  }
0x394: {  	v0 =	vadd.s32 v20, v0;
	v20 =	vsel vm14, $0xFFFFFFFF, v6;
	v1 =	vadd.s32 v13, v1  }
0x395: {  	v0 =	vadd.s32 v20, v0;
	v1 =	vadd.s32 v2, v1;
	v2 =	vsel vm10, $0xFFFFFFFF, v6  }
0x396: {  	v0 =	vadd.s32 v2, v0;
	v2 =	vld [tilespmem:$0x1FB90];
	_ =	sdelay $0x1  }
0x397: {  	v24 =	vsel vm3, $0x1, v6;
	vm3 =	vle.f32 v34, v27  }
0x398: {  	v20 =	vsel vm3, $0x1, v6  }
0x399: {  	v15 =	vadd.s32 v20, v15;
	v20 =	vld [tilespmem:$0x1FBB0];
	v1 =	vadd.s32 v25, v1  }
0x39a: {  	v13 =	vsel vm15, $0x1, v6;
	v1 =	vadd.s32 v58, v1;
	v0 =	vadd.s32 v2, v0;
	v2 =	vld [tilespmem:$0x1FBA0]  }
0x39b: {  	v1 =	vadd.s32 v13, v1;
	v13 =	vld [tilespmem:$0x1FBD0];
	_ =	sdelay $0x3  }
0x39c: {  	v2 =	vadd.s32 v20, v2  }
0x39d: {  	v2 =	vadd.s32 v13, v2;
	v13 =	vld [tilespmem:$0x1FBE0];
	_ =	sdelay $0x4  }
0x39e: {  	v20 =	vld [tilespmem:$0x1FBC0];
	v2 =	vadd.s32 v13, v2;
	v13 =	vsel vm1, $0x1, v6  }
0x39f: {  	v1 =	vadd.s32 v13, v1;
	v13 =	vld [tilespmem:$0x1FBF0];
	_ =	sdelay $0x3  }
0x3a0: {  	v26 =	vsel vm0, $0x1, v6;
	vm0 =	vle.f32 v33, v31  }
0x3a1: {  	v0 =	vadd.s32 v20, v0;
	v2 =	vadd.s32 v13, v2;
	v13 =	vsel vm0, $0xFFFFFFFF, v6  }
0x3a2: {  	v14 =	vadd.s32 v14, v0;
	v0 =	vadd.s32 v13, v1;
	v1 =	vld [tilespmem:$0x1FC00];
	_ =	sdelay $0x3  }
0x3a3: {  	vm1 =	vle.f32 v33, v30  }
0x3a4: {  	v20 =	vsel vm1, $0xFFFFFFFF, v6;
	v1 =	vadd.s32 v1, v2;
	v2 =	vld [tilespmem:$0x1FC10]  }
0x3a5: {  	v0 =	vadd.s32 v20, v0;
	v20 =	vld [tilespmem:$0x1FC20];
	_ =	sdelay $0x3  }
0x3a6: {  	v13 =	vsel vm12, $0x1, v6;
	vm12 =	vle.f32 v33, v29;
	v1 =	vadd.s32 v2, v1  }
0x3a7: {  	v1 =	vadd.s32 v20, v1;
	v20 =	vsel vm12, $0xFFFFFFFF, v6  }
0x3a8: {  	v20 =	vadd.s32 v20, v0;
	v0 =	vld [tilespmem:$0x1FC30]  }
0x3a9: {  	v58 =	vld [tilespmem:$0x1FC50];
	_ =	sdelay $0x3  }
0x3aa: {  	vm11 =	vle.f32 v33, v28;
	v1 =	vadd.s32 v0, v1  }
0x3ab: {  	v2 =	vsel vm4, $0x1, v6;
	vm4 =	vle.f32 v34, v32;
	v1 =	vadd.s32 v58, v1  }
0x3ac: {  	v61 =	vsel vm11, $0xFFFFFFFF, v6;
	v60 =	vsel vm4, $0xFFFFFFFF, v6;
	v1 =	vadd.s32 v59, v1  }
0x3ad: {  	v25 =	vsel vm3, $0xFFFFFFFF, v6;
	v14 =	vadd.s32 v60, v14;
	v1 =	vadd.s32 v22, v1  }
0x3ae: {  	v62 =	vadd.s32 v61, v20;
	v20 =	vadd.s32 v25, v14;
	v14 =	vld [tilespmem:$0x1FC60];
	v1 =	vadd.s32 v63, v1  }
0x3af: {  	vm3 =	vle.f32 v33, v27;
	v25 =	vld [tilespmem:$0x1FC70];
	v1 =	vadd.s32 v19, v1  }
0x3b0: {  	v19 =	vsel vm3, $0x1, v6;
	v1 =	vadd.s32 v17, v1;
	v17 =	vld [tilespmem:$0x1FC80]  }
0x3b1: {  	v15 =	vadd.s32 v19, v15;
	v19 =	vld [tilespmem:$0x1FC90]  }
0x3b2: {  	v1 =	vadd.s32 v16, v1;
	v16 =	vld [tilespmem:$0x1FCB0];
	_ =	sdelay $0x1  }
0x3b3: {  	v14 =	vadd.s32 v14, v62  }
0x3b4: {  	v14 =	vadd.s32 v25, v14  }
0x3b5: {  	v17 =	vadd.s32 v19, v17;
	v19 =	vsel vm3, $0xFFFFFFFF, v6;
	vm3 =	vle.f32 v33, v32  }
0x3b6: {  	v14 =	vadd.s32 v45, v14;
	v16 =	vadd.s32 v16, v17;
	v17 =	vsel vm3, $0xFFFFFFFF, v6  }
0x3b7: {  	v14 =	vadd.s32 v17, v14;
	v17 =	vld [tilespmem:$0x1FCC0];
	_ =	sdelay $0x4  }
0x3b8: {  	v17 =	vadd.s32 v17, v16;
	v16 =	vadd.s32 v19, v14;
	v14 =	vld [tilespmem:$0x1FCD0];
	_ =	sdelay $0x4  }
0x3b9: {  	v14 =	vadd.s32 v14, v17;
	v17 =	vld [tilespmem:$0x1FCE0];
	_ =	sdelay $0x3  }
0x3ba: {  	v22 =	vsel vm4, $0x1, v6;
	v1 =	vadd.s32 v26, v1  }
0x3bb: {  	v1 =	vadd.s32 v22, v1;
	v14 =	vadd.s32 v17, v14;
	v17 =	vsel vm3, $0x1, v6  }
0x3bc: {  	v1 =	vadd.s32 v17, v1;
	v17 =	vld [tilespmem:$0x1FCF0];
	_ =	sdelay $0x3  }
0x3bd: {  	vm3 =	vle.f32 v32, v30  }
0x3be: {  	v14 =	vadd.s32 v17, v14;
	v17 =	vsel vm3, $0xFFFFFFFF, v6  }
0x3bf: {  	v1 =	vadd.s32 v17, v1;
	v17 =	vld [tilespmem:$0x1FD00];
	_ =	sdelay $0x3  }
0x3c0: {  	vm4 =	vle.f32 v32, v31  }
0x3c1: {  	v22 =	vsel vm4, $0xFFFFFFFF, v6;
	v14 =	vadd.s32 v17, v14  }
0x3c2: {  	v1 =	vadd.s32 v22, v1;
	v22 =	vld [tilespmem:$0x1FD20];
	v14 =	vadd.s32 v23, v14  }
0x3c3: {  	v14 =	vadd.s32 v18, v14;
	v18 =	vld [tilespmem:$0x1FD10]  }
0x3c4: {  	v8 =	vadd.s32 v8, v14;
	v14 =	vld [tilespmem:$0x1FD30];
	_ =	sdelay $0x3  }
0x3c5: {  	v17 =	vsel vm13, $0x1, v6;
	vm13 =	vle.f32 v32, v29;
	v18 =	vadd.s32 v22, v18  }
0x3c6: {  	v14 =	vadd.s32 v14, v18;
	v18 =	vsel vm13, $0xFFFFFFFF, v6  }
0x3c7: {  	v1 =	vadd.s32 v18, v1;
	v18 =	vld [tilespmem:$0x1FD40];
	_ =	sdelay $0x3  }
0x3c8: {  	v19 =	vsel vm2, $0x1, v6;
	vm2 =	vle.f32 v32, v27  }
0x3c9: {  	v23 =	vsel vm2, $0x1, v6;
	v14 =	vadd.s32 v18, v14;
	v18 =	vld [tilespmem:$0x1FD50]  }
0x3ca: {  	v15 =	vadd.s32 v23, v15;
	v23 =	vld [tilespmem:$0x1FD70];
	_ =	sdelay $0x2  }
0x3cb: {  	v0 =	vsel vm9, $0x1, v6  }
0x3cc: {  	vm9 =	vle.f32 v32, v28;
	v8 =	vadd.s32 v52, v8;
	v14 =	vadd.s32 v18, v14  }
0x3cd: {  	v8 =	vadd.s32 v24, v8;
	v14 =	vadd.s32 v23, v14;
	v23 =	vsel vm9, $0xFFFFFFFF, v6  }
0x3ce: {  	v2 =	vadd.s32 v2, v8;
	v8 =	vld [tilespmem:$0x1FD80];
	v18 =	vsel vm2, $0xFFFFFFFF, v6;
	v1 =	vadd.s32 v23, v1  }
0x3cf: {  	v52 =	vadd.s32 v18, v1;
	v1 =	vadd.s32 v17, v2;
	v2 =	vld [tilespmem:$0x1FD90];
	_ =	sdelay $0x3  }
0x3d0: {  	v8 =	vadd.s32 v8, v14  }
0x3d1: {  	v2 =	vadd.s32 v2, v8;
	v8 =	vld [tilespmem:$0x1FDA0];
	_ =	sdelay $0x4  }
0x3d2: {  	v2 =	vadd.s32 v8, v2  }
0x3d3: {  	v8 =	vsel vm0, $0x1, v6;
	vm0 =	vle.f32 v31, v29;
	v2 =	vadd.s32 v11, v2  }
0x3d4: {  	v1 =	vadd.s32 v8, v1;
	v8 =	vsel vm0, $0xFFFFFFFF, v6;
	v2 =	vadd.s32 v5, v2  }
0x3d5: {  	v5 =	vsel vm1, $0x1, v6;
	vm1 =	vle.f32 v31, v30;
	v2 =	vadd.s32 v10, v2  }
0x3d6: {  	v1 =	vadd.s32 v8, v1;
	v10 =	vsel vm1, $0xFFFFFFFF, v6;
	v2 =	vadd.s32 v7, v2;
	v7 =	vld [tilespmem:$0x1FDB0]  }
0x3d7: {  	v1 =	vadd.s32 v10, v1;
	v10 =	vld [tilespmem:$0x1FDC0]  }
0x3d8: {  	v2 =	vadd.s32 v13, v2;
	v13 =	vld [tilespmem:$0x1FDE0];
	_ =	sdelay $0x3  }
0x3d9: {  	v7 =	vadd.s32 v10, v7;
	v10 =	vsel vm1, $0x1, v6;
	vm1 =	vle.f32 v31, v28  }
0x3da: {  	v7 =	vadd.s32 v13, v7;
	v13 =	vsel vm1, $0xFFFFFFFF, v6  }
0x3db: {  	v2 =	vadd.s32 v19, v2;
	v1 =	vadd.s32 v13, v1;
	v13 =	vld [tilespmem:$0x1FDF0]  }
0x3dc: {  	v2 =	vadd.s32 v5, v2;
	v5 =	vld [tilespmem:$0x1FE10];
	_ =	sdelay $0x3  }
0x3dd: {  	v7 =	vadd.s32 v13, v7;
	v13 =	vld [tilespmem:$0x1FE00]  }
0x3de: {  	v5 =	vadd.s32 v5, v7;
	v7 =	vld [tilespmem:$0x1FE20];
	_ =	sdelay $0x3  }
0x3df: {  	v1 =	vadd.s32 v13, v1  }
0x3e0: {  	v1 =	vadd.s32 v7, v1;
	v7 =	vld [tilespmem:$0x1FE30];
	_ =	sdelay $0x2  }
0x3e1: {  	vm2 =	vle.f32 v31, v27  }
0x3e2: {  	v11 =	vsel vm2, $0x1, v6;
	v2 =	vadd.s32 v10, v2  }
0x3e3: {  	v10 =	vsel vm2, $0xFFFFFFFF, v6;
	vm2 =	vle.f32 v30, v28;
	v5 =	vadd.s32 v7, v5;
	v7 =	vld [tilespmem:$0x1FE40]  }
0x3e4: {  	v11 =	vadd.s32 v11, v15;
	v15 =	vsel vm2, $0xFFFFFFFF, v6  }
0x3e5: {  	v2 =	vadd.s32 v15, v2;
	v15 =	vld [tilespmem:$0x1FE60]  }
0x3e6: {  	v8 =	vsel vm4, $0x1, v6;
	v1 =	vadd.s32 v9, v1;
	v9 =	vld [tilespmem:$0x1FE70]  }
0x3e7: {  	v1 =	vadd.s32 v8, v1;
	v8 =	vld [tilespmem:$0x1FE80]  }
0x3e8: {  	v5 =	vadd.s32 v7, v5;
	v7 =	vsel vm3, $0x1, v6;
	vm3 =	vle.f32 v30, v27  }
0x3e9: {  	v13 =	vsel vm3, $0xFFFFFFFF, v6;
	v14 =	vsel vm3, $0x1, v6;
	vm3 =	vle.f32 v30, v29  }
0x3ea: {  	v5 =	vadd.s32 v15, v5;
	v15 =	vsel vm3, $0xFFFFFFFF, v6  }
0x3eb: {  	v5 =	vadd.s32 v9, v5;
	v2 =	vadd.s32 v15, v2  }
0x3ec: {  	v2 =	vadd.s32 v8, v2;
	v8 =	vadd.s32 v53, v5;
	v5 =	vadd.s32 v10, v1;
	v1 =	vld [tilespmem:$0x1FE90];
	_ =	sdelay $0x4  }
0x3ed: {  	v1 =	vadd.s32 v1, v2;
	v2 =	vadd.s32 v3, v8  }
0x3ee: {  	v4 =	vsel vm5, $0x1, v6;
	v2 =	vadd.s32 v21, v2  }
0x3ef: {  	v1 =	vadd.s32 v12, v1;
	v2 =	vadd.s32 v4, v2;
	v4 =	vld [tilespmem:$0x1FEA0]  }
0x3f0: {  	v1 =	vadd.s32 v7, v1;
	v7 =	vld [tilespmem:$0x1FEB0];
	_ =	sdelay $0x4  }
0x3f1: {  	v7 =	vadd.s32 v7, v4;
	v4 =	vadd.s32 v13, v1;
	v1 =	vld [tilespmem:$0x1FEC0];
	_ =	sdelay $0x4  }
0x3f2: {  	v1 =	vadd.s32 v1, v7;
	v7 =	vld [tilespmem:$0x1FEE0]  }
0x3f3: {  	v8 =	vld [tilespmem:$0x1FF00];
	_ =	sdelay $0x2  }
0x3f4: {  	v0 =	vadd.s32 v0, v2;
	v2 =	vld [tilespmem:$0x1FED0]  }
0x3f5: {  	v22 =	vsel vm14, $0x1, v6;
	v9 =	vld [tilespmem:$0x1FF20];
	v1 =	vadd.s32 v7, v1  }
0x3f6: {  	v0 =	vadd.s32 v22, v0;
	v7 =	vld [tilespmem:$0x1FEF0];
	v1 =	vadd.s32 v8, v1;
	v8 =	vsel vm12, $0x1, v6  }
0x3f7: {  	v0 =	vadd.s32 v8, v0;
	v8 =	vld [tilespmem:$0x1FF10];
	_ =	sdelay $0x1  }
0x3f8: {  	vm4 =	vnez.u8 v2  }
0x3f9: {  	v2 =	vsel vm4, $0x1, v6;
	v1 =	vadd.s32 v9, v1  }
0x3fa: {  	v1 =	vadd.s32 v2, v1;
	vm4 =	vnez.u8 v7  }
0x3fb: {  	v2 =	vsel vm0, $0x1, v6;
	v7 =	vsel vm4, $0x1, v6;
	vm4 =	vnez.u8 v8  }
0x3fc: {  	v0 =	vadd.s32 v2, v0;
	v1 =	vadd.s32 v7, v1;
	v8 =	vsel vm4, $0x1, v6  }
0x3fd: {  	v7 =	vsel vm7, $0x1, v6;
	v1 =	vadd.s32 v8, v1;
	v8 =	vsel vm3, $0x1, v6  }
0x3fe: {  	v10 =	vld [tilespmem:$0x1FF50];
	v0 =	vadd.s32 v8, v0;
	v8 =	vsel vm8, $0x1, v6;
	v1 =	vadd.s32 v7, v1  }
0x3ff: {  	vm0 =	vle.f32 v29, v28;
	v7 =	vsel vm10, $0x1, v6;
	v1 =	vadd.s32 v8, v1  }
0x400: {  	v8 =	vsel vm11, $0x1, v6;
	v1 =	vadd.s32 v7, v1;
	v7 =	vsel vm0, $0xFFFFFFFF, v6  }
0x401: {  	v0 =	vadd.s32 v7, v0;
	v7 =	vsel vm1, $0x1, v6;
	v1 =	vadd.s32 v8, v1  }
0x402: {  	v1 =	vadd.s32 v7, v1;
	v7 =	vsel vm2, $0x1, v6;
	vm2 =	vle.f32 v29, v27  }
0x403: {  	v3 =	vadd.s32 v14, v11;
	v0 =	vadd.s32 v10, v0;
	v10 =	vsel vm2, $0x1, v6  }
0x404: {  	v12 =	vadd.s32 v10, v3;
	v3 =	vld [tilespmem:$0x1FF60];
	_ =	sdelay $0x4  }
0x405: {  	v0 =	vadd.s32 v3, v0;
	v3 =	vld [tilespmem:$0x1FF70];
	_ =	sdelay $0x2  }
0x406: {  	v1 =	vadd.s32 v7, v1;
	v7 =	vsel vm0, $0x1, v6  }
0x407: {  	v1 =	vadd.s32 v7, v1  }
0x408: {  	v1 =	vadd.s32 v3, v1;
	v3 =	vld [tilespmem:$0x1FF80];
	_ =	sdelay $0x1  }
0x409: {  	v9 =	vld [tilespmem:$0x1FF30];
	_ =	sdelay $0x2  }
0x40a: {  	v1 =	vadd.s32 v3, v1;
	v3 =	vld [tilespmem:$0x1FF90]  }
0x40b: {  	[tilespmem:$0x1FDD0] =	vst v31;
	v31 =	vld [tilespmem:$0x1FFA0]  }
0x40c: {  	[tilespmem:$0x1FE50] =	vst v30;
	v30 =	vld [tilespmem:$0x1FFB0];
	vm4 =	vnez.u8 v9  }
0x40d: {  	[tilespmem:$0x1FF40] =	vst v29;
	v9 =	vsel vm4, $0x1, v6;
	v29 =	vld [tilespmem:$0x1FFC0]  }
0x40e: {  	v2 =	vsel vm6, $0x1, v6;
	v8 =	vsel vm13, $0x1, v6;
	v0 =	vadd.s32 v9, v0  }
0x40f: {  	v13 =	vadd.s32 v8, v0;
	v15 =	vadd.s32 v2, v1;
	v9 =	vshll.u32 v3, $0x7  }
0x410: {  	v0 =	vadd.s32 v9, v31;
	v1 =	vor.u32 v56, v9;
	v2 =	vadd.s32 v9, v51  }
0x411: {  	v3 =	vadd.s32 v9, v30;
	v7 =	vadd.s32 $0x80, v9;
	v0 =	vand.u32 $0x7F80, v0  }
0x412: {  	v8 =	vadd.s32 v9, v29;
	v2 =	vand.u32 $0x7F80, v2;
	v0 =	vor.u32 v31, v0  }
0x413: {  	v17 =	vadd.s32 $0x100, v9;
	v3 =	vand.u32 $0x7F80, v3;
	v2 =	vor.u32 v51, v2  }
0x414: {  	v10 =	vadd.s32 v31, v7;
	v8 =	vand.u32 $0x7F80, v8;
	v3 =	vor.u32 v30, v3  }
0x415: {  	v58 =	vld [tilespmem:$0x1FFE0];
	v11 =	vadd.s32 v51, v7;
	v10 =	vand.u32 $0xFF80, v10;
	v8 =	vor.u32 v29, v8  }
0x416: {  	v14 =	vor.u32 v56, v7;
	v11 =	vand.u32 $0xFF80, v11;
	v10 =	vor.u32 v31, v10;
	v25 =	vld.idx.msk [tilespmem:v1+s11+$0x0], $0xffff  }
0x417: {  	v1 =	vor.u32 v51, v11;
	v11 =	vadd.s32 v30, v7;
	v7 =	vadd.s32 v29, v7;
	v22 =	vld.idx.msk [tilespmem:v0+s11+$0x0], $0xffff  }
0x418: {  	v0 =	vand.u32 $0xFF80, v11;
	v19 =	vld.idx.msk [tilespmem:v2+s11+$0x0], $0xffff;
	v2 =	vand.u32 $0xFF80, v7;
	v7 =	vadd.s32 v31, v17  }
0x419: {  	v11 =	vld.idx.msk [tilespmem:v3+s11+$0x0], $0xffff;
	v0 =	vor.u32 v30, v0;
	v3 =	vand.u32 $0xFF80, v7;
	v7 =	vadd.s32 v51, v17  }
0x41a: {  	v24 =	vor.u32 v56, v17;
	v23 =	vld.idx.msk [tilespmem:v8+s11+$0x0], $0xffff;
	v8 =	vadd.s32 v30, v17;
	v7 =	vand.u32 $0xFF80, v7  }
0x41b: {  	v21 =	vld.idx.msk [tilespmem:v14+s11+$0x0], $0xffff;
	v2 =	vor.u32 v29, v2;
	v18 =	vor.u32 v51, v7;
	v7 =	vand.u32 $0xFF80, v8  }
0x41c: {  	v45 =	vld.idx.msk [tilespmem:v10+s11+$0x0], $0xffff;
	v10 =	vor.u32 v30, v7;
	v7 =	vadd.s32 v29, v17;
	v17 =	vadd.s32 $0x180, v9  }
0x41d: {  	v57 =	vmul.f32 v57, v58;
	v14 =	vld.idx.msk [tilespmem:v1+s11+$0x0], $0xffff;
	v1 =	vand.u32 $0xFF80, v7;
	v7 =	vadd.s32 v31, v17  }
0x41e: {  	[tilespmem:$0x1FD60] =	vst v32;
	v54 =	vadd.s32 $0x200, v9;
	v8 =	vadd.s32 v51, v17;
	v32 =	vld.idx.msk [tilespmem:v0+s11+$0x0], $0xffff;
	v0 =	vand.u32 $0xFF80, v7  }
0x41f: {  	v1 =	vor.u32 v29, v1;
	v7 =	vand.u32 $0xFF80, v8;
	v26 =	vor.u32 v31, v0  }
0x420: {  	v53 =	vor.u32 v51, v7;
	v0 =	vadd.s32 v30, v17;
	v7 =	vld.idx.msk [tilespmem:v24+s11+$0x0], $0xffff;
	v24 =	vor.u32 v56, v17  }
0x421: {  	[tilespmem:$0x1FB00] =	vst v35;
	v35 =	vor.u32 v56, v54;
	v8 =	vld.idx.msk [tilespmem:v2+s11+$0x0], $0xffff;
	v2 =	vand.u32 $0xFF80, v0;
	v0 =	vadd.s32 v29, v17  }
0x422: {  	[tilespmem:$0x1FC40] =	vst v34;
	v3 =	vor.u32 v31, v3;
	v56 =	vmul.f32 $5.000000000e-01, v57;
	v17 =	vand.u32 $0xFF80, v0;
	v0 =	vld.idx.msk [tilespmem:v18+s11+$0x0], $0xffff  }
0x423: {  	[tilespmem:$0x1FCA0] =	vst v33;
	v33 =	vor.u32 v30, v2;
	v2 =	vld.idx.msk [tilespmem:v10+s11+$0x0], $0xffff;
	v34 =	vor.u32 v29, v17;
	v17 =	vshra.s32 v57, $0x1  }
0x424: {  	v10 =	vadd.s32 v31, v54;
	v18 =	vadd.s32 v30, v54;
	v9 =	vld.idx.msk [tilespmem:v1+s11+$0x0], $0xffff;
	v61 =	vsub.s32 $0x5F3759DF, v17  }
0x425: {  	v1 =	vand.u32 $0xFF80, v10;
	v17 =	vadd.s32 v51, v54;
	v10 =	vld.idx.msk [tilespmem:v24+s11+$0x0], $0xffff;
	v24 =	vmul.f32 v61, v56  }
0x426: {  	v17 =	vand.u32 $0xFF80, v17;
	v62 =	vor.u32 v31, v1;
	v1 =	vld.idx.msk [tilespmem:v26+s11+$0x0], $0xffff;
	v26 =	vadd.s32 v29, v54  }
0x427: {  	v63 =	vor.u32 v51, v17;
	v31 =	vmul.f32 v61, v24;
	v24 =	vsel vm9, $0x1, v6  }
0x428: {  	v17 =	vand.u32 $0xFF80, v18;
	v18 =	vld.idx.msk [tilespmem:v53+s11+$0x0], $0xffff;
	v53 =	vadd.s32 v24, v15;
	v15 =	vand.u32 $0xFF80, v26  }
0x429: {  	v3 =	vld.idx.msk [tilespmem:v3+s11+$0x0], $0xffff;
	v54 =	vor.u32 v30, v17  }
0x42a: {  	vm5 =	vlt.u32 v4, $0x9;
	vm6 =	vlt.u32 v5, $0x9;
	v17 =	vld.idx.msk [tilespmem:v33+s11+$0x0], $0xffff  }
0x42b: {  	vm0 =	vle.f32 v28, v27;
	v26 =	vor.u32 v29, v15;
	v15 =	vmovc v27;
	v27 =	vmov v28;
	v28 =	vld.idx.msk [tilespmem:v35+s11+$0x0], $0xffff  }
.Ltmp4:
0x42c: {  	vm7 =	vlt.u32 v52, $0x9;
	vm8 =	vlt.u32 v16, $0x9;
	v33 =	vsel vm2, $0xFFFFFFFF, v6;
	v24 =	vld.idx.msk [tilespmem:v34+s11+$0x0], $0xffff;
	(pc) =	sbr.rel @!p0 .LBB2_4-.Ltmp4, $4  }
0x42d: {  	v55 =	vadd.s32 v33, v13;
	v51 =	vsub.f32 $1.500000000e+00, v31;
	v13 =	vld.idx.msk [tilespmem:v62+s11+$0x0], $0xffff;
	v35 =	vsel vm0, $0x1, v6  }
0x42e: {  	v16 =	vmul.f32 v50, v58;
	v34 =	vsel vm0, $0xFFFFFFFF, v6;
	v12 =	vadd.s32 v35, v12;
	v5 =	vld.idx.msk [tilespmem:v54+s11+$0x0], $0xffff  }
0x42f: {  	v53 =	vadd.s32 v34, v53;
	v51 =	vmul.f32 v61, v51;
	vm2 =	vlt.u32 v12, $0x9;
	v12 =	vld.idx.msk [tilespmem:v63+s11+$0x0], $0xffff  }
0x430: {  	vm9 =	vlt.u32 v20, $0x9;
	vm4 =	vlt.u32 v55, $0x9;
	vm3 =	vlt.u32 v53, $0x9;
	v4 =	vld.idx.msk [tilespmem:v26+s11+$0x0], $0xffff;
	[tilespmem:$0x1FFD0] =	vst v28  }
0x431: {  	v26 =	vmul.f32 $5.000000000e-01, v16;
	v50 =	vmul.f32 v51, v57  }
0x432: {  	v49 =	vmul.f32 v49, v58;
	v48 =	vmul.f32 v48, v58  }
0x433: {  	v47 =	vmul.f32 v47, v58;
	v46 =	vmul.f32 v46, v58  }
0x434: {  	v44 =	vmul.f32 v44, v58;
	v43 =	vmul.f32 v43, v58  }
0x435: {  	v20 =	vshra.s32 v16, $0x1;
	v42 =	vmul.f32 v42, v58;
	v41 =	vmul.f32 v41, v58  }
0x436: {  	v39 =	vmul.f32 v39, v58;
	v38 =	vmul.f32 v38, v58;
	v20 =	vsub.s32 $0x5F3759DF, v20  }
0x437: {  	v36 =	vmul.f32 v36, v58;
	v26 =	vmul.f32 v20, v26  }
0x438: {  	v50 =	vmul.f32 $1.500000000e+00, v50;
	v29 =	vshra.s32 v49, $0x1;
	v52 =	vmul.f32 $5.000000000e-01, v49  }
0x439: {  	v53 =	vshra.s32 v48, $0x1;
	v54 =	vmul.f32 $5.000000000e-01, v48;
	v55 =	vshra.s32 v47, $0x1  }
0x43a: {  	v56 =	vmul.f32 $5.000000000e-01, v47;
	v51 =	vsub.s32 $0x5F3759DF, v29;
	v53 =	vsub.s32 $0x5F3759DF, v53  }
0x43b: {  	v55 =	vsub.s32 $0x5F3759DF, v55;
	v26 =	vmul.f32 v20, v26;
	v52 =	vmul.f32 v51, v52  }
0x43c: {  	v54 =	vmul.f32 v53, v54;
	v56 =	vmul.f32 v55, v56  }
0x43d: {  	v27 =	vmul.f32 v27, v58;
	v26 =	vsub.f32 $1.500000000e+00, v26;
	v52 =	vmul.f32 v51, v52  }
0x43e: {  	v50 =	vadd.f32 $-2.500000000e+00, v50;
	v54 =	vmul.f32 v53, v54;
	v56 =	vmul.f32 v55, v56  }
0x43f: {  	v59 =	vmul.f32 $5.000000000e-01, v46;
	v20 =	vmul.f32 v20, v26;
	v30 =	vsub.f32 $1.500000000e+00, v52  }
0x440: {  	v50 =	vmul.f32 v50, v57;
	v31 =	vsub.f32 $1.500000000e+00, v54;
	v33 =	vsub.f32 $1.500000000e+00, v56  }
0x441: {  	v57 =	vshra.s32 v46, $0x1;
	v26 =	vmul.f32 v51, v30;
	v20 =	vmul.f32 v20, v16  }
0x442: {  	v34 =	vmul.f32 v53, v31;
	v35 =	vmul.f32 v55, v33;
	v53 =	vsub.s32 $0x5F3759DF, v57  }
0x443: {  	v31 =	vld [tilespmem:$0x1F7B0];
	v57 =	vmul.f32 $5.000000000e-01, v43;
	v54 =	vmul.f32 v53, v59  }
0x444: {  	v20 =	vmul.f32 $1.500000000e+00, v20;
	v26 =	vmul.f32 v26, v49  }
0x445: {  	v61 =	vadd.f32 $1.000000000e+00, v50;
	v51 =	vmul.f32 v34, v48;
	v52 =	vmul.f32 v35, v47  }
0x446: {  	v56 =	vshra.s32 v43, $0x1;
	v59 =	vld [tilespmem:$0x1F5A0];
	v28 =	vmul.f32 v53, v54;
	v26 =	vmul.f32 $1.500000000e+00, v26  }
0x447: {  	v20 =	vadd.f32 $-2.500000000e+00, v20;
	v51 =	vmul.f32 $1.500000000e+00, v51;
	v63 =	vmul.f32 $1.500000000e+00, v52  }
0x448: {  	v52 =	vshra.s32 v44, $0x1;
	v30 =	vsub.f32 $1.500000000e+00, v28;
	vm10 =	vlt.u32 v31, $0x9  }
0x449: {  	v60 =	vmul.f32 v20, v16;
	v26 =	vadd.f32 $-2.500000000e+00, v26;
	v62 =	vadd.f32 $-2.500000000e+00, v51  }
0x44a: {  	v20 =	vmul.f32 v61, v25;
	v29 =	vadd.f32 $-2.500000000e+00, v63;
	v61 =	vmul.f32 $5.000000000e-01, v42  }
0x44b: {  	vm1 =	vlt.u32 v59, $0x9;
	v35 =	vmul.f32 v53, v30;
	v53 =	vmul.f32 $5.000000000e-01, v44  }
0x44c: {  	v31 =	vld [tilespmem:$0x1F610];
	v26 =	vmul.f32 v26, v49;
	v16 =	vadd.f32 $1.000000000e+00, v60;
	v48 =	vmul.f32 v62, v48  }
0x44d: {  	v25 =	vld [tilespmem:$0x1F5C0];
	v34 =	vmul.f32 v29, v47;
	v47 =	vsub.s32 $0x5F3759DF, v56;
	v60 =	vshra.s32 v42, $0x1  }
0x44e: {  	v51 =	vmul.f32 v35, v46;
	v63 =	vsub.s32 $0x5F3759DF, v60;
	v33 =	vadd.f32 $1.000000000e+00, v26  }
0x44f: {  	v49 =	vld [tilespmem:$0x1F5F0];
	v16 =	vmul.f32 v16, v22;
	v48 =	vadd.f32 $1.000000000e+00, v48;
	v50 =	vadd.f32 $1.000000000e+00, v34  }
0x450: {  	v26 =	vsub.s32 $0x5F3759DF, v52;
	v34 =	vmul.f32 $5.000000000e-01, v41;
	v54 =	vmul.f32 $1.500000000e+00, v51  }
0x451: {  	vm14 =	vlt.u32 v31, $0x9;
	v55 =	vmul.f32 v26, v53;
	v22 =	vmul.f32 v33, v19  }
0x452: {  	v52 =	vld [tilespmem:$0x1F650];
	vm11 =	vlt.u32 v25, $0x9;
	v23 =	vmul.f32 v50, v23;
	v50 =	vmul.f32 v63, v61  }
0x453: {  	v56 =	vld [tilespmem:$0x1F680];
	v48 =	vmul.f32 v48, v11;
	v11 =	vadd.f32 $-2.500000000e+00, v54;
	v19 =	vmul.f32 v26, v55  }
0x454: {  	vm0 =	vlt.u32 v49, $0x9;
	v49 =	vmul.f32 v47, v57;
	v30 =	vmul.f32 v63, v50  }
0x455: {  	v33 =	vshra.s32 v41, $0x1;
	v50 =	vmul.f32 v37, v58;
	v46 =	vmul.f32 v11, v46  }
0x456: {  	v62 =	vsub.f32 $1.500000000e+00, v19;
	v49 =	vmul.f32 v47, v49;
	v11 =	vnsel vm1, $0x0, v20  }
0x457: {  	v19 =	vnsel vm11, $0x0, v16;
	v20 =	vnsel vm0, $0x0, v22;
	vm15 =	vlt.u32 v52, $0x9  }
0x458: {  	vm11 =	vlt.u32 v56, $0x9;
	v52 =	vshra.s32 v38, $0x1;
	v22 =	vsub.f32 $1.500000000e+00, v30  }
0x459: {  	v28 =	vmul.f32 v26, v62;
	v29 =	vsub.f32 $1.500000000e+00, v49;
	v46 =	vadd.f32 $1.000000000e+00, v46  }
0x45a: {  	v35 =	vmul.f32 v63, v22;
	v22 =	vnsel vm14, $0x0, v48;
	v48 =	vmul.f32 v40, v58  }
0x45b: {  	v11 =	vadd.f32 v19, v11;
	v16 =	vmul.f32 v28, v44;
	v26 =	vmul.f32 v47, v29  }
0x45c: {  	v63 =	vld [tilespmem:$0x1F6A0];
	v47 =	vsub.s32 $0x5F3759DF, v33;
	v46 =	vmul.f32 v46, v21;
	v33 =	vmul.f32 $5.000000000e-01, v39  }
0x45d: {  	v21 =	vnsel vm15, $0x0, v23;
	v49 =	vmul.f32 v47, v34;
	v54 =	vmul.f32 v35, v42  }
0x45e: {  	v60 =	vshra.s32 v48, $0x1;
	v61 =	vmul.f32 $5.000000000e-01, v48;
	v16 =	vmul.f32 $1.500000000e+00, v16  }
0x45f: {  	v26 =	vmul.f32 v26, v43;
	v62 =	vsub.s32 $0x5F3759DF, v60;
	v23 =	vnsel vm11, $0x0, v46  }
0x460: {  	v53 =	vmul.f32 v47, v49;
	v57 =	vmul.f32 $1.500000000e+00, v54;
	v54 =	vshra.s32 v50, $0x1  }
0x461: {  	v60 =	vld [tilespmem:$0x1F830];
	v16 =	vadd.f32 $-2.500000000e+00, v16;
	v26 =	vmul.f32 $1.500000000e+00, v26;
	vm12 =	vlt.u32 v63, $0x9  }
0x462: {  	v55 =	vsub.f32 $1.500000000e+00, v53;
	v40 =	vadd.f32 $-2.500000000e+00, v57;
	v53 =	vmul.f32 $5.000000000e-01, v38  }
0x463: {  	v16 =	vmul.f32 v16, v44;
	v26 =	vadd.f32 $-2.500000000e+00, v26;
	v44 =	vmul.f32 v62, v61  }
0x464: {  	v61 =	vshra.s32 v36, $0x1;
	v59 =	vmul.f32 v47, v55;
	v42 =	vmul.f32 v40, v42  }
0x465: {  	v55 =	vmul.f32 $5.000000000e-01, v50;
	v26 =	vmul.f32 v26, v43;
	v16 =	vadd.f32 $1.000000000e+00, v16  }
0x466: {  	vm15 =	vlt.u32 v60, $0x9;
	v44 =	vmul.f32 v62, v44;
	v43 =	vmul.f32 v59, v41  }
0x467: {  	v47 =	vld [tilespmem:$0x1F700];
	v28 =	vadd.f32 $1.000000000e+00, v42;
	v16 =	vmul.f32 v16, v45;
	v26 =	vadd.f32 $1.000000000e+00, v26  }
0x468: {  	v31 =	vsub.f32 $1.500000000e+00, v44;
	v45 =	vsub.s32 $0x5F3759DF, v54;
	v43 =	vmul.f32 $1.500000000e+00, v43  }
0x469: {  	v40 =	vnsel vm12, $0x0, v16;
	v16 =	vmul.f32 v28, v32;
	v32 =	vshra.s32 v39, $0x1  }
0x46a: {  	v46 =	vmul.f32 v45, v55;
	v29 =	vmul.f32 v26, v14;
	v35 =	vsub.s32 $0x5F3759DF, v32  }
0x46b: {  	v34 =	vmul.f32 v62, v31;
	v28 =	vld [tilespmem:$0x1F730];
	v30 =	vadd.f32 $-2.500000000e+00, v43;
	v43 =	vmul.f32 v35, v33  }
0x46c: {  	vm13 =	vlt.u32 v47, $0x9;
	v62 =	vmul.f32 $5.000000000e-01, v36;
	v46 =	vmul.f32 v45, v46  }
0x46d: {  	v63 =	vld [tilespmem:$0x1FAA0];
	v14 =	vnsel vm13, $0x0, v29;
	v49 =	vmul.f32 v34, v48;
	v51 =	vmul.f32 v35, v43  }
0x46e: {  	v26 =	vmul.f32 v30, v41;
	v59 =	vsub.f32 $1.500000000e+00, v46;
	v43 =	vsub.s32 $0x5F3759DF, v52  }
0x46f: {  	v25 =	vmul.f32 $1.500000000e+00, v49;
	v44 =	vmul.f32 v43, v53;
	v37 =	vsub.f32 $1.500000000e+00, v51  }
0x470: {  	v14 =	vadd.f32 v14, v40;
	v26 =	vadd.f32 $1.000000000e+00, v26;
	vm14 =	vlt.u32 v28, $0x9  }
0x471: {  	v25 =	vadd.f32 $-2.500000000e+00, v25;
	v44 =	vmul.f32 v43, v44;
	v42 =	vmul.f32 v35, v37  }
0x472: {  	v26 =	vmul.f32 v26, v8;
	v8 =	vnsel vm14, $0x0, v16;
	v35 =	vmul.f32 v63, v58  }
0x473: {  	v56 =	vsub.f32 $1.500000000e+00, v44;
	v57 =	vmul.f32 v42, v39;
	v42 =	vmul.f32 v45, v59  }
0x474: {  	v25 =	vmul.f32 v25, v48;
	v37 =	vnsel vm10, $0x0, v26;
	v29 =	vmul.f32 $5.000000000e-01, v35  }
0x475: {  	v16 =	vmul.f32 v43, v56;
	v43 =	vsub.s32 $0x5F3759DF, v61;
	v42 =	vmul.f32 v42, v50  }
0x476: {  	v28 =	vshra.s32 v35, $0x1;
	v26 =	vmul.f32 $1.500000000e+00, v57;
	v44 =	vmul.f32 v43, v62  }
0x477: {  	v63 =	vld [tilespmem:$0x1FA00];
	v45 =	vsub.s32 $0x5F3759DF, v28;
	v16 =	vmul.f32 v16, v38;
	v42 =	vmul.f32 $1.500000000e+00, v42  }
0x478: {  	v25 =	vadd.f32 $1.000000000e+00, v25;
	v31 =	vmul.f32 v45, v29;
	v26 =	vadd.f32 $-2.500000000e+00, v26  }
0x479: {  	v60 =	vld [tilespmem:$0x1FD60];
	v44 =	vmul.f32 v43, v44;
	v16 =	vmul.f32 $1.500000000e+00, v16;
	v30 =	vadd.f32 $-2.500000000e+00, v42  }
0x47a: {  	v8 =	vadd.f32 v37, v8;
	v7 =	vmul.f32 v25, v7;
	v26 =	vmul.f32 v26, v39;
	v42 =	vld [tilespmem:$0x1F860]  }
0x47b: {  	v32 =	vsub.f32 $1.500000000e+00, v44;
	v44 =	vld [tilespmem:$0x1FB00];
	v16 =	vadd.f32 $-2.500000000e+00, v16;
	v33 =	vmul.f32 v30, v50  }
0x47c: {  	vm13 =	vlt.u32 v63, $0x9;
	v63 =	vmul.f32 $5.000000000e-01, v27;
	v34 =	vmul.f32 v45, v31  }
0x47d: {  	v56 =	vld [tilespmem:$0x1F970];
	v26 =	vadd.f32 $1.000000000e+00, v26;
	v16 =	vmul.f32 v16, v38;
	v38 =	vadd.f32 $1.000000000e+00, v33  }
0x47e: {  	v7 =	vnsel vm15, $0x0, v7;
	v25 =	vmul.f32 v43, v32;
	v43 =	vsub.f32 $1.500000000e+00, v34;
	v50 =	vld [tilespmem:$0x1FCA0]  }
0x47f: {  	v3 =	vmul.f32 v26, v3;
	v16 =	vadd.f32 $1.000000000e+00, v16;
	v34 =	vmul.f32 v38, v2;
	v2 =	vld [tilespmem:$0x1FC40]  }
0x480: {  	v31 =	vmul.f32 v60, v58;
	vm10 =	vlt.u32 v42, $0x9;
	v26 =	vmul.f32 v44, v58  }
0x481: {  	v16 =	vmul.f32 v16, v0;
	v0 =	vnsel vm10, $0x0, v3;
	v3 =	vmul.f32 v45, v43  }
0x482: {  	vm12 =	vlt.u32 v56, $0x9;
	v25 =	vmul.f32 v25, v36;
	v47 =	vmul.f32 $5.000000000e-01, v26  }
0x483: {  	v46 =	vshra.s32 v26, $0x1;
	v51 =	vmul.f32 v50, v58;
	v3 =	vmul.f32 v3, v35  }
0x484: {  	v45 =	vld [tilespmem:$0x1F900];
	v33 =	vmul.f32 v2, v58;
	v2 =	vmul.f32 $1.500000000e+00, v25;
	v25 =	vsub.s32 $0x5F3759DF, v46  }
0x485: {  	v52 =	vshra.s32 v51, $0x1;
	v53 =	vmul.f32 $5.000000000e-01, v51;
	v38 =	vmul.f32 v25, v47  }
0x486: {  	v42 =	vsub.s32 $0x5F3759DF, v52;
	v48 =	vshra.s32 v33, $0x1;
	v49 =	vmul.f32 $5.000000000e-01, v33  }
0x487: {  	v3 =	vmul.f32 $1.500000000e+00, v3;
	v39 =	vsub.s32 $0x5F3759DF, v48;
	v38 =	vmul.f32 v25, v38  }
0x488: {  	v61 =	vshra.s32 v31, $0x1;
	v43 =	vmul.f32 v42, v53;
	v41 =	vmul.f32 v39, v49  }
0x489: {  	vm11 =	vlt.u32 v45, $0x9;
	v2 =	vadd.f32 $-2.500000000e+00, v2;
	v54 =	vsub.f32 $1.500000000e+00, v38  }
0x48a: {  	v3 =	vadd.f32 $-2.500000000e+00, v3;
	v57 =	vmul.f32 v42, v43;
	v41 =	vmul.f32 v39, v41  }
0x48b: {  	v36 =	vmul.f32 v2, v36;
	v2 =	vnsel vm11, $0x0, v16;
	v16 =	vmul.f32 v25, v54  }
0x48c: {  	v3 =	vmul.f32 v3, v35;
	v35 =	vsub.f32 $1.500000000e+00, v57;
	v55 =	vsub.f32 $1.500000000e+00, v41  }
0x48d: {  	v62 =	vmul.f32 $5.000000000e-01, v31;
	v38 =	vsub.s32 $0x5F3759DF, v61;
	v16 =	vmul.f32 v16, v26  }
0x48e: {  	v36 =	vadd.f32 $1.000000000e+00, v36;
	v35 =	vmul.f32 v42, v35;
	v41 =	vld [tilespmem:$0x1FDD0];
	v59 =	vmul.f32 v39, v55  }
0x48f: {  	v45 =	vld [tilespmem:$0x1FE50];
	v3 =	vadd.f32 $1.000000000e+00, v3;
	v39 =	vmul.f32 v38, v62;
	v16 =	vmul.f32 $1.500000000e+00, v16  }
0x490: {  	v25 =	vnsel vm12, $0x0, v34;
	v35 =	vmul.f32 v35, v51;
	v34 =	vmul.f32 v59, v33  }
0x491: {  	v9 =	vmul.f32 v36, v9;
	v39 =	vmul.f32 v38, v39;
	v29 =	vadd.f32 $-2.500000000e+00, v16  }
0x492: {  	v0 =	vadd.f32 v0, v7;
	v3 =	vmul.f32 v10, v3;
	v34 =	vmul.f32 $1.500000000e+00, v34  }
0x493: {  	v42 =	vsub.f32 $1.500000000e+00, v39;
	v10 =	vmul.f32 v29, v26;
	v26 =	vmul.f32 v41, v58  }
0x494: {  	v50 =	vld [tilespmem:$0x1FAB0];
	v36 =	vmul.f32 $1.500000000e+00, v35;
	v29 =	vmul.f32 v45, v58;
	v30 =	vadd.f32 $-2.500000000e+00, v34  }
0x495: {  	v46 =	vmul.f32 v38, v42;
	v43 =	vshra.s32 v26, $0x1;
	v44 =	vmul.f32 $5.000000000e-01, v26  }
0x496: {  	v48 =	vshra.s32 v29, $0x1;
	v49 =	vmul.f32 $5.000000000e-01, v29;
	v10 =	vadd.f32 $1.000000000e+00, v10  }
0x497: {  	v16 =	vmul.f32 v30, v33;
	v30 =	vadd.f32 $-2.500000000e+00, v36;
	v47 =	vsub.s32 $0x5F3759DF, v43  }
0x498: {  	v56 =	vld [tilespmem:$0x1FF40];
	v35 =	vsub.s32 $0x5F3759DF, v48;
	v53 =	vmul.f32 v46, v31;
	v34 =	vmul.f32 v47, v44  }
0x499: {  	vm14 =	vlt.u32 v50, $0x9;
	v36 =	vmul.f32 v35, v49;
	v30 =	vmul.f32 v30, v51  }
0x49a: {  	v1 =	vmul.f32 v1, v10;
	v44 =	vmul.f32 v15, v58;
	v16 =	vadd.f32 $1.000000000e+00, v16  }
0x49b: {  	v34 =	vmul.f32 v47, v34;
	v55 =	vmul.f32 v35, v36;
	v52 =	vadd.f32 $1.000000000e+00, v30  }
0x49c: {  	v2 =	vadd.f32 v25, v2;
	v48 =	vmul.f32 $5.000000000e-01, v44;
	v51 =	vmul.f32 v18, v16  }
0x49d: {  	v62 =	vshra.s32 v27, $0x1;
	v16 =	vmul.f32 v17, v52;
	v17 =	vmul.f32 v56, v58  }
0x49e: {  	v18 =	vmul.f32 $1.500000000e+00, v53;
	v54 =	vsub.f32 $1.500000000e+00, v34;
	v59 =	vsub.f32 $1.500000000e+00, v55  }
0x49f: {  	v34 =	vsub.s32 $0x5F3759DF, v62;
	v60 =	vshra.s32 v17, $0x1;
	v61 =	vmul.f32 $5.000000000e-01, v17  }
0x4a0: {  	v57 =	vmul.f32 v47, v54;
	v30 =	vmul.f32 v35, v59;
	v32 =	vsub.s32 $0x5F3759DF, v60  }
0x4a1: {  	v9 =	vnsel vm13, $0x0, v9;
	v35 =	vmul.f32 v34, v63;
	v33 =	vmul.f32 v32, v61  }
0x4a2: {  	v3 =	vnsel vm14, $0x0, v3;
	v28 =	vmul.f32 v57, v26;
	v30 =	vmul.f32 v30, v29  }
0x4a3: {  	v3 =	vadd.f32 v9, v3;
	v43 =	vmul.f32 v34, v35;
	v33 =	vmul.f32 v32, v33  }
0x4a4: {  	v18 =	vadd.f32 $-2.500000000e+00, v18;
	v28 =	vmul.f32 $1.500000000e+00, v28;
	v30 =	vmul.f32 $1.500000000e+00, v30  }
0x4a5: {  	v41 =	vld [tilespmem:$0x1FB60];
	v47 =	vshra.s32 v44, $0x1;
	v46 =	vsub.f32 $1.500000000e+00, v43;
	v42 =	vsub.f32 $1.500000000e+00, v33  }
0x4a6: {  	v18 =	vmul.f32 v18, v31;
	v28 =	vadd.f32 $-2.500000000e+00, v28;
	v30 =	vadd.f32 $-2.500000000e+00, v30  }
0x4a7: {  	v31 =	vmul.f32 v34, v46;
	v45 =	vmul.f32 v32, v42;
	v32 =	vsub.s32 $0x5F3759DF, v47  }
0x4a8: {  	v0 =	vadd.f32 v8, v0;
	v26 =	vmul.f32 v28, v26;
	v49 =	vmul.f32 v32, v48  }
0x4a9: {  	v2 =	vadd.f32 v3, v2;
	v52 =	vld [tilespmem:$0x1FFD0];
	v29 =	vmul.f32 v30, v29;
	v31 =	vmul.f32 v31, v27  }
0x4aa: {  	vm15 =	vlt.u32 v41, $0x9;
	v28 =	vmul.f32 v45, v17;
	v30 =	vmul.f32 v32, v49  }
0x4ab: {  	v55 =	vadd.f32 v20, v22;
	v10 =	vnsel vm9, $0x0, v51;
	v51 =	vmul.f32 $1.500000000e+00, v31  }
0x4ac: {  	v26 =	vadd.f32 $1.000000000e+00, v26;
	v28 =	vmul.f32 $1.500000000e+00, v28;
	v53 =	vsub.f32 $1.500000000e+00, v30  }
0x4ad: {  	v1 =	vnsel vm15, $0x0, v1;
	v18 =	vadd.f32 $1.000000000e+00, v18;
	v54 =	vadd.f32 $-2.500000000e+00, v51  }
0x4ae: {  	v15 =	vmul.f32 v52, v26;
	v50 =	vadd.f32 $-2.500000000e+00, v28;
	v26 =	vmul.f32 v32, v53  }
0x4af: {  	v56 =	vadd.f32 v21, v23;
	v18 =	vmul.f32 v24, v18;
	v24 =	vmul.f32 v54, v27  }
0x4b0: {  	v1 =	vadd.f32 v10, v1;
	v17 =	vmul.f32 v50, v17;
	v57 =	vmul.f32 v26, v44  }
0x4b1: {  	v62 =	vadd.f32 v55, v11;
	v29 =	vadd.f32 $1.000000000e+00, v29  }
0x4b2: {  	v58 =	vadd.f32 $1.000000000e+00, v24;
	v17 =	vadd.f32 $1.000000000e+00, v17;
	v7 =	vmul.f32 $1.500000000e+00, v57  }
0x4b3: {  	v16 =	vnsel vm8, $0x0, v16;
	v18 =	vnsel vm7, $0x0, v18;
	v13 =	vmul.f32 v13, v29  }
0x4b4: {  	v5 =	vmul.f32 v5, v58;
	v12 =	vmul.f32 v12, v17;
	v7 =	vadd.f32 $-2.500000000e+00, v7  }
0x4b5: {  	v60 =	vadd.f32 v18, v16;
	v15 =	vnsel vm6, $0x0, v15;
	v13 =	vnsel vm5, $0x0, v13  }
0x4b6: {  	v5 =	vnsel vm3, $0x0, v5;
	v59 =	vnsel vm4, $0x0, v12;
	v7 =	vmul.f32 v7, v44  }
0x4b7: {  	v61 =	vadd.f32 v13, v15;
	v5 =	vadd.f32 v5, v59  }
0x4b8: {  	v63 =	vadd.f32 v56, v14;
	v3 =	vadd.f32 $1.000000000e+00, v7  }
0x4b9: {  	v1 =	vadd.f32 v60, v1;
	v5 =	vadd.f32 v5, v61  }
0x4ba: {  	v0 =	vadd.f32 v2, v0;
	v3 =	vmul.f32 v4, v3  }
.Ltmp5:
0x4bb: {  	v4 =	vadd.f32 v62, v63;
	v1 =	vadd.f32 v5, v1;
	(pc) =	sbr.rel .LBB2_5-.Ltmp5, $3  }
0x4bc: {  	v2 =	vnsel vm2, $0x0, v3  }
0x4bd: {  	v0 =	vadd.f32 v4, v0;
	v1 =	vadd.f32 v1, v2;
	_ =	sdelay $0x1  }
0x4be: {  	v0 =	vadd.f32 v0, v1  }
.LBB2_7:
0x4bf: {  	_ =	sfence.sel $0x180000  }
0x4c0: {  	[bflag:$0x0] =	sbarrier.arrive $0xFFFF  }
0x4c1: {  	p0 =	sne.s32 s4, $0x0;
	_ =	strace $0x90000047  }
0x4c2: {  	s0 =	sadd.s32 @!p0 $0x100000, s0;
	[bflag:$0x2] =	sbarrier.arrive $0xFFFF  }
0x4c3: {  	[sflag:s0] =	ssyncadd.tile.s32 @!p0 $0x1;
	_ =	shalt  }
.Lfunc_end2:
_tile_overlayer_lowered:
.L_overlay_start_2:
0x4c4: {  	(tag) =	ssettag $0x2  }
0x4c5: {  	s0 =	rddreg [dreg:$0x0];
	s2 =	stileid.u32  }
0x4c6: {  	s1 =	rddreg [dreg:$0x1];
	p0 =	sne.s32 s2, $0x0  }
0x4c7: {  	s3 =	rddreg [dreg:$0x2];
	[bflag:$0x3] =	sbarrier.arrive $0xFFFF;
	s2 =	simm.s32 @!p0 $0x1C02  }
0x4c8: {  	[timem:s3], [sflag:s2] =	dma.local @!p0 [hbm:s0], s1  }
0x4c9: {  	s0 =	simm.s32 @!p0 $0x2  }
0x4ca: {  	_ =	swait.ge @!p0 [sflag:s0], s1  }
0x4cb: {  	s1 =	ssub.s32 @!p0 $0x0, s1;
	[sflag:s0] =	ssyncset.done @!p0 $0x0  }
0x4cc: {  	[sflag:s0] =	ssyncadd.s32 @!p0 s1  }
0x4cd: {  	[bflag:$0x3] =	sbarrier.arrive $0xFFFF  }
0x4ce: {  	_ =	shalt  }

</sc_bundles>
